<compile_context>
chip_gen: v7x
topology: tpu7x:2x2x1
jax: 0.10.2.dev20260603
libtpu: 0.0.44.dev20260713+nightly
codegen_flags: <defaults>
</compile_context>

<pallas_src>
import jax
import jax.numpy as jnp
from jax import lax
from jax.experimental import pallas as pl
from jax.experimental.pallas import tpu as pltpu
from jax.experimental.pallas import tpu_sc as plsc

B = 1024
L = 200
D = 768
N = B * L
NC = 2
NS = 16
NW = NC * NS
LANES = 16
ROWS_PER_W = N // NW
W = 32
BLK = 1600
NBLK = ROWS_PER_W // BLK
CHUNKS = BLK // W
DW = D // 2


def _pack_block(x):
    bits = lax.bitcast_convert_type(x, jnp.int32)
    rnd = bits + jnp.int32(0x7FFF) + lax.bitwise_and(
        lax.shift_right_logical(bits, 16), jnp.int32(1))
    lo = lax.shift_right_logical(rnd[:, :DW], 16)
    hi = lax.bitwise_and(rnd[:, DW:], jnp.int32(-65536))
    return lax.bitwise_or(lo, hi)


def _comb_tc_body(pe_ref, seg_ref, out_ref):
    pe = pe_ref[...]
    seg = seg_ref[...]
    out_ref[...] = (pe[:, None, :] + seg[None, :, :]).reshape(L * 3, D)


def _build_comb(pe_l, seg_w):
    comb = pl.pallas_call(
        _comb_tc_body,
        out_shape=jax.ShapeDtypeStruct((L * 3, D), jnp.float32),
    )(pe_l, seg_w)
    return _pack_block(comb)


def _sc_body(tok_hbm, comb_hbm, ti_hbm, sl_hbm, out_hbm,
             ti_all, ci_all,
             tok0, comb0, out0, tok1, comb1, out1,
             sem_t0, sem_c0, sem_w0, sem_t1, sem_c1, sem_w1):
    wid = lax.axis_index("s") * NC + lax.axis_index("c")
    base = wid * ROWS_PER_W

    sets = (
        (tok0, comb0, out0, sem_t0, sem_c0, sem_w0),
        (tok1, comb1, out1, sem_t1, sem_c1, sem_w1),
    )

    @pl.loop(0, NBLK)
    def _block(bk):
        blk_base = base + bk * BLK

        pltpu.sync_copy(ti_hbm.at[pl.ds(blk_base, BLK)], ti_all)
        pltpu.sync_copy(sl_hbm.at[pl.ds(blk_base, BLK)], ci_all)

        @plsc.parallel_loop(0, BLK, step=LANES, unroll=4)
        def _ci(v):
            flat = blk_base + v + lax.iota(jnp.int32, LANES)
            s = ci_all.at[pl.ds(v, LANES)][...]
            ci_all.at[pl.ds(v, LANES)][...] = lax.rem(flat, L) * 3 + s

        def issue(j, p):
            tok_v, comb_v, _, sem_t, sem_c, _ = sets[p]
            off = j * W
            pltpu.async_copy(
                tok_hbm.at[ti_all.at[pl.ds(off, W)]], tok_v, sem_t)
            pltpu.async_copy(
                comb_hbm.at[ci_all.at[pl.ds(off, W)]], comb_v, sem_c)

        def wait_gathers(j, p):
            tok_v, comb_v, _, sem_t, sem_c, _ = sets[p]
            off = j * W
            pltpu.make_async_copy(
                tok_hbm.at[ti_all.at[pl.ds(off, W)]], tok_v, sem_t).wait()
            pltpu.make_async_copy(
                comb_hbm.at[ci_all.at[pl.ds(off, W)]], comb_v, sem_c).wait()

        def add(p):
            tok_v, comb_v, out_v, _, _, _ = sets[p]
            hi_mask = jnp.int32(-65536)

            @plsc.parallel_loop(0, W, unroll=2)
            def _row(r):
                for j0 in range(0, DW, LANES):
                    wc = comb_v.at[r, pl.ds(j0, LANES)][...]
                    a = (tok_v.at[r, pl.ds(j0, LANES)][...]
                         + plsc.bitcast(lax.shift_left(wc, 16), jnp.float32))
                    b = (tok_v.at[r, pl.ds(DW + j0, LANES)][...]
                         + plsc.bitcast(lax.bitwise_and(wc, hi_mask),
                                        jnp.float32))
                    out_v.at[r, pl.ds(j0, LANES)][...] = a
                    out_v.at[r, pl.ds(DW + j0, LANES)][...] = b

        def start_write(j, p):
            _, _, out_v, _, _, sem_w = sets[p]
            pltpu.async_copy(
                out_v, out_hbm.at[pl.ds(blk_base + j * W, W)], sem_w)

        def wait_write(j, p):
            _, _, out_v, _, _, sem_w = sets[p]
            pltpu.make_async_copy(
                out_v, out_hbm.at[pl.ds(blk_base + j * W, W)], sem_w).wait()

        issue(0, 0)

        @pl.loop(0, CHUNKS, step=2)
        def _chunk(j):
            issue(j + 1, 1)
            wait_gathers(j, 0)

            @pl.when(j > 0)
            def _():
                wait_write(j - 2, 0)

            add(0)
            start_write(j, 0)

            @pl.when(j + 2 < CHUNKS)
            def _():
                issue(j + 2, 0)

            wait_gathers(j + 1, 1)

            @pl.when(j > 0)
            def _():
                wait_write(j - 1, 1)

            add(1)
            start_write(j + 1, 1)

        wait_write(CHUNKS - 2, 0)
        wait_write(CHUNKS - 1, 1)


def kernel(x, segment_label, token_weight, segment_weight, pe):
    ti = x.reshape(N).astype(jnp.int32)
    sl = segment_label.reshape(N).astype(jnp.int32)
    comb = _build_comb(pe[0, :L], segment_weight)

    mesh = plsc.VectorSubcoreMesh(core_axis_name="c", subcore_axis_name="s")
    sc = pl.kernel(
        _sc_body,
        out_type=jax.ShapeDtypeStruct((N, D), jnp.float32),
        mesh=mesh,
        compiler_params=pltpu.CompilerParams(needs_layout_passes=False),
        scratch_types=[
            pltpu.VMEM((BLK,), jnp.int32),
            pltpu.VMEM((BLK,), jnp.int32),
            pltpu.VMEM((W, D), jnp.float32),
            pltpu.VMEM((W, DW), jnp.int32),
            pltpu.VMEM((W, D), jnp.float32),
            pltpu.VMEM((W, D), jnp.float32),
            pltpu.VMEM((W, DW), jnp.int32),
            pltpu.VMEM((W, D), jnp.float32),
            pltpu.SemaphoreType.DMA,
            pltpu.SemaphoreType.DMA,
            pltpu.SemaphoreType.DMA,
            pltpu.SemaphoreType.DMA,
            pltpu.SemaphoreType.DMA,
            pltpu.SemaphoreType.DMA,
        ],
    )
    out = sc(token_weight, comb, ti, sl)
    return out.reshape(B, L, D)

# --- scband reference (transcript-rebuilt; emitter-appended) ---
"""Pipeline reference for scband-rb-embedding-47510928228838 (READ-ONLY COPY).

The authoritative reference and input builder live on the scoring server;
editing this copy changes nothing except your own understanding.
"""

import jax, jax.numpy as jnp
import numpy as np
import math

VOCAB = 100000
D = 768
MAXLEN = 512
B = 1024
L = 200


def _make_pe():
    pe = np.zeros((MAXLEN, D), dtype=np.float32)
    position = np.arange(0, MAXLEN, dtype=np.float32)[:, None]
    div_term = np.exp(np.arange(0, D, 2, dtype=np.float32) * -(math.log(10000.0) / D))
    pe[:, 0::2] = np.sin(position * div_term)
    pe[:, 1::2] = np.cos(position * div_term)
    return jnp.asarray(pe)[None]  # [1, MAXLEN, D]


def setup_inputs(seed: int = 0) -> dict:
    key = jax.random.key(seed)
    k1, k2, k3, k4 = jax.random.split(key, 4)
    x = jax.random.randint(k1, (B, L), 0, VOCAB)
    segment_label = jax.random.randint(k2, (B, L), 0, 3)
    token_weight = jax.random.normal(k3, (VOCAB, D), dtype=jnp.float32) * 0.02
    segment_weight = jax.random.normal(k4, (3, D), dtype=jnp.float32) * 0.02
    pe = _make_pe()
    return {
        "x": x,
        "segment_label": segment_label,
        "token_weight": token_weight,
        "segment_weight": segment_weight,
        "pe": pe,
    }


def reference(x, segment_label, token_weight, segment_weight, pe):
    # rbEmbedding.forward: token(x) + position(x) + segment(segment_label), dropout is identity in eval
    seq_len = x.shape[1]
    tok = jnp.take(token_weight, x, axis=0)          # [B, L, D] gather
    pos = pe[:, :seq_len]                            # [1, L, D] buffer slice
    seg = jnp.take(segment_weight, segment_label, axis=0)  # [B, L, D] gather
    emb_x = tok + pos + seg
    return emb_x

if __name__ == "__main__":
    import jax
    _d = setup_inputs()
    print(jax.jit(kernel)(*tuple(_d.values())))

</pallas_src>

<mosaic_0001>
#map = affine_map<(d0, d1) -> (0, 0)>
#map1 = affine_map<(d0, d1) -> (0)>
module attributes {stable_mosaic.version = 14 : i64} {
  func.func @_sc_body(%arg0: i32, %arg1: i32, %arg2: memref<100000x768xf32, #tpu.memory_space<hbm>>, %arg3: memref<600x384xi32, #tpu.memory_space<hbm>>, %arg4: memref<204800xi32, #tpu.memory_space<hbm>>, %arg5: memref<204800xi32, #tpu.memory_space<hbm>>, %arg6: memref<204800x768xf32, #tpu.memory_space<hbm>>, %arg7: memref<1600xi32, #tpu.memory_space<vmem>>, %arg8: memref<1600xi32, #tpu.memory_space<vmem>>, %arg9: memref<32x768xf32, #tpu.memory_space<vmem>>, %arg10: memref<32x384xi32, #tpu.memory_space<vmem>>, %arg11: memref<32x768xf32, #tpu.memory_space<vmem>>, %arg12: memref<32x768xf32, #tpu.memory_space<vmem>>, %arg13: memref<32x384xi32, #tpu.memory_space<vmem>>, %arg14: memref<32x768xf32, #tpu.memory_space<vmem>>, %arg15: memref<!tpu.dma_semaphore, #tpu.memory_space<semaphore_mem>>, %arg16: memref<!tpu.dma_semaphore, #tpu.memory_space<semaphore_mem>>, %arg17: memref<!tpu.dma_semaphore, #tpu.memory_space<semaphore_mem>>, %arg18: memref<!tpu.dma_semaphore, #tpu.memory_space<semaphore_mem>>, %arg19: memref<!tpu.dma_semaphore, #tpu.memory_space<semaphore_mem>>, %arg20: memref<!tpu.dma_semaphore, #tpu.memory_space<semaphore_mem>>) attributes {dimension_semantics = [#tpu.dimension_semantics<core_parallel>, #tpu.dimension_semantics<subcore_parallel>], iteration_bounds = array<i64: 2, 16>, scalar_prefetch = 0 : i64, scratch_operands = 14 : i64, tpu.core_type = #tpu.core_type<sc_vector_subcore>, window_params = [{transform_indices = #map}, {transform_indices = #map}, {transform_indices = #map1}, {transform_indices = #map1}, {transform_indices = #map}]} {
    %mul3A = arith.constant 2 : i32
    %mul3A_0 = arith.muli %arg1, %mul3A : i32
    %add3A = arith.addi %mul3A_0, %arg0 : i32
    %mul3A_1 = arith.constant 6400 : i32
    %mul3A_2 = arith.muli %add3A, %mul3A_1 : i32
    %scan3A = arith.constant 0 : i32
    %scan3A_3 = arith.constant 4 : i32
    %scan3A_4 = arith.addi %scan3A, %scan3A_3 : i32
    %scan3A_5 = arith.constant 1 : i32
    scf.for %scan3A_7 = %scan3A to %scan3A_4 step %scan3A_5  : i32 {
      %mul3A_8 = arith.constant 1 : i32
      %mul3A_9 = arith.muli %scan3A_7, %mul3A_8 : i32
      %add3A_10 = arith.constant 0 : i32
      %add3A_11 = arith.addi %add3A_10, %mul3A_9 : i32
      %mul3A_12 = arith.constant 1600 : i32
      %mul3A_13 = arith.muli %add3A_11, %mul3A_12 : i32
      %add3A_14 = arith.addi %mul3A_2, %mul3A_13 : i32
      "tpu.region"() ({
        %run_scoped3A = tpu.sem_alloc : memref<!tpu.dma_semaphore, #tpu.memory_space<semaphore_mem>>
        %dma_start3A_42 = tpu.memref_slice %arg4[%add3A_14] : memref<204800xi32, #tpu.memory_space<hbm>> -> memref<1600xi32, #tpu.memory_space<hbm>>
        %dma_start3A_43 = tpu.memref_slice %arg4[%add3A_14] : memref<204800xi32, #tpu.memory_space<hbm>> -> memref<1600xi32, #tpu.memory_space<hbm>>
        tpu.enqueue_dma source(%dma_start3A_43 : memref<1600xi32, #tpu.memory_space<hbm>>) target(%arg7 : memref<1600xi32, #tpu.memory_space<vmem>>) target_semaphore(%run_scoped3A : memref<!tpu.dma_semaphore, #tpu.memory_space<semaphore_mem>>)
        %dma_wait3A_44 = tpu.memref_slice %arg4[%add3A_14] : memref<204800xi32, #tpu.memory_space<hbm>> -> memref<1600xi32, #tpu.memory_space<hbm>>
        %dma_wait3A_45 = tpu.memref_slice %arg4[%add3A_14] : memref<204800xi32, #tpu.memory_space<hbm>> -> memref<1600xi32, #tpu.memory_space<hbm>>
        tpu.wait_dma2 semaphore(%run_scoped3A : memref<!tpu.dma_semaphore, #tpu.memory_space<semaphore_mem>>) src(%dma_wait3A_45 : memref<1600xi32, #tpu.memory_space<hbm>>) dst(%arg7 : memref<1600xi32, #tpu.memory_space<vmem>>)
        tpu.yield
      }) : () -> ()
      "tpu.region"() ({
        %run_scoped3A = tpu.sem_alloc : memref<!tpu.dma_semaphore, #tpu.memory_space<semaphore_mem>>
        %dma_start3A_42 = tpu.memref_slice %arg5[%add3A_14] : memref<204800xi32, #tpu.memory_space<hbm>> -> memref<1600xi32, #tpu.memory_space<hbm>>
        %dma_start3A_43 = tpu.memref_slice %arg5[%add3A_14] : memref<204800xi32, #tpu.memory_space<hbm>> -> memref<1600xi32, #tpu.memory_space<hbm>>
        tpu.enqueue_dma source(%dma_start3A_43 : memref<1600xi32, #tpu.memory_space<hbm>>) target(%arg8 : memref<1600xi32, #tpu.memory_space<vmem>>) target_semaphore(%run_scoped3A : memref<!tpu.dma_semaphore, #tpu.memory_space<semaphore_mem>>)
        %dma_wait3A_44 = tpu.memref_slice %arg5[%add3A_14] : memref<204800xi32, #tpu.memory_space<hbm>> -> memref<1600xi32, #tpu.memory_space<hbm>>
        %dma_wait3A_45 = tpu.memref_slice %arg5[%add3A_14] : memref<204800xi32, #tpu.memory_space<hbm>> -> memref<1600xi32, #tpu.memory_space<hbm>>
        tpu.wait_dma2 semaphore(%run_scoped3A : memref<!tpu.dma_semaphore, #tpu.memory_space<semaphore_mem>>) src(%dma_wait3A_45 : memref<1600xi32, #tpu.memory_space<hbm>>) dst(%arg8 : memref<1600xi32, #tpu.memory_space<vmem>>)
        tpu.yield
      }) : () -> ()
      %parallel_loop3A = arith.constant 0 : i32
      %parallel_loop3A_15 = arith.constant 1600 : i32
      %parallel_loop3A_16 = arith.constant 16 : i32
      scf.for %parallel_loop3A_42 = %parallel_loop3A to %parallel_loop3A_15 step %parallel_loop3A_16  : i32 {
        %parallel_loop3A_43 = arith.addi %add3A_14, %parallel_loop3A_42 : i32
        %parallel_loop3A_44 = tpu.iota {dimensions = array<i32: 0>} : vector<16xi32>
        %parallel_loop3A_45 = vector.broadcast %parallel_loop3A_43 : i32 to vector<16xi32>
        %parallel_loop3A_46 = arith.addi %parallel_loop3A_45, %parallel_loop3A_44 : vector<16xi32>
        %parallel_loop3A_47 = arith.index_cast %parallel_loop3A_42 : i32 to index
        %parallel_loop3A_48 = tpu.vector_load %arg8[%parallel_loop3A_47] {strides = array<i32>} : memref<1600xi32, #tpu.memory_space<vmem>>, vector<16xi32>,
        %parallel_loop3A_49 = arith.constant 200 : i32
        %parallel_loop3A_50 = vector.broadcast %parallel_loop3A_49 : i32 to vector<16xi32>
        %parallel_loop3A_51 = arith.remsi %parallel_loop3A_46, %parallel_loop3A_50 : vector<16xi32>
        %parallel_loop3A_52 = arith.constant 3 : i32
        %parallel_loop3A_53 = vector.broadcast %parallel_loop3A_52 : i32 to vector<16xi32>
        %parallel_loop3A_54 = arith.muli %parallel_loop3A_51, %parallel_loop3A_53 : vector<16xi32>
        %parallel_loop3A_55 = arith.addi %parallel_loop3A_54, %parallel_loop3A_48 : vector<16xi32>
        %parallel_loop3A_56 = arith.index_cast %parallel_loop3A_42 : i32 to index
        %parallel_loop3A_57 = tpu.vector_load %arg8[%parallel_loop3A_56] {strides = array<i32>} : memref<1600xi32, #tpu.memory_space<vmem>>, vector<16xi32>,
        tpu.vector_store %arg8[%parallel_loop3A_56], %parallel_loop3A_55 {strides = array<i32>} : memref<1600xi32, #tpu.memory_space<vmem>>, vector<16xi32>,
      } {sc.loop_unroll_factor = 4 : i64, sc.parallel_access}
      %dma_start3A = arith.constant 0 : i32
      %dma_start3A_17 = tpu.memref_slice %arg7[%dma_start3A] : memref<1600xi32, #tpu.memory_space<vmem>> -> memref<32xi32, #tpu.memory_space<vmem>>
      %dma_start3A_18 = arith.constant 0 : i32
      %dma_start3A_19 = arith.constant 0 : i32
      %dma_start3A_20 = tpu.memref_slice %arg2[%dma_start3A_18, %dma_start3A_19] : memref<100000x768xf32, #tpu.memory_space<hbm>> -> memref<100000x768xf32, #tpu.memory_space<hbm>>
      tpu.enqueue_indirect_dma source(%dma_start3A_20 : memref<100000x768xf32, #tpu.memory_space<hbm>>) target(%arg9 : memref<32x768xf32, #tpu.memory_space<vmem>>) offsets(%dma_start3A_17 : memref<32xi32, #tpu.memory_space<vmem>>) semaphore(%arg15 : memref<!tpu.dma_semaphore, #tpu.memory_space<semaphore_mem>>)
      %dma_start3A_21 = arith.constant 0 : i32
      %dma_start3A_22 = tpu.memref_slice %arg8[%dma_start3A_21] : memref<1600xi32, #tpu.memory_space<vmem>> -> memref<32xi32, #tpu.memory_space<vmem>>
      %dma_start3A_23 = arith.constant 0 : i32
      %dma_start3A_24 = arith.constant 0 : i32
      %dma_start3A_25 = tpu.memref_slice %arg3[%dma_start3A_23, %dma_start3A_24] : memref<600x384xi32, #tpu.memory_space<hbm>> -> memref<600x384xi32, #tpu.memory_space<hbm>>
      tpu.enqueue_indirect_dma source(%dma_start3A_25 : memref<600x384xi32, #tpu.memory_space<hbm>>) target(%arg10 : memref<32x384xi32, #tpu.memory_space<vmem>>) offsets(%dma_start3A_22 : memref<32xi32, #tpu.memory_space<vmem>>) semaphore(%arg16 : memref<!tpu.dma_semaphore, #tpu.memory_space<semaphore_mem>>)
      %scan3A_26 = arith.constant 0 : i32
      %scan3A_27 = arith.constant 25 : i32
      %scan3A_28 = arith.addi %scan3A_26, %scan3A_27 : i32
      %scan3A_29 = arith.constant 1 : i32
      scf.for %scan3A_42 = %scan3A_26 to %scan3A_28 step %scan3A_29  : i32 {
        %mul3A_43 = arith.constant 2 : i32
        %mul3A_44 = arith.muli %scan3A_42, %mul3A_43 : i32
        %add3A_45 = arith.constant 0 : i32
        %add3A_46 = arith.addi %add3A_45, %mul3A_44 : i32
        %add3A_47 = arith.constant 1 : i32
        %add3A_48 = arith.addi %add3A_46, %add3A_47 : i32
        %mul3A_49 = arith.constant 32 : i32
        %mul3A_50 = arith.muli %add3A_48, %mul3A_49 : i32
        %dma_start3A_51 = tpu.memref_slice %arg7[%mul3A_50] : memref<1600xi32, #tpu.memory_space<vmem>> -> memref<32xi32, #tpu.memory_space<vmem>>
        %dma_start3A_52 = arith.constant 0 : i32
        %dma_start3A_53 = arith.constant 0 : i32
        %dma_start3A_54 = tpu.memref_slice %arg2[%dma_start3A_52, %dma_start3A_53] : memref<100000x768xf32, #tpu.memory_space<hbm>> -> memref<100000x768xf32, #tpu.memory_space<hbm>>
        tpu.enqueue_indirect_dma source(%dma_start3A_54 : memref<100000x768xf32, #tpu.memory_space<hbm>>) target(%arg12 : memref<32x768xf32, #tpu.memory_space<vmem>>) offsets(%dma_start3A_51 : memref<32xi32, #tpu.memory_space<vmem>>) semaphore(%arg18 : memref<!tpu.dma_semaphore, #tpu.memory_space<semaphore_mem>>)
        %dma_start3A_55 = tpu.memref_slice %arg8[%mul3A_50] : memref<1600xi32, #tpu.memory_space<vmem>> -> memref<32xi32, #tpu.memory_space<vmem>>
        %dma_start3A_56 = arith.constant 0 : i32
        %dma_start3A_57 = arith.constant 0 : i32
        %dma_start3A_58 = tpu.memref_slice %arg3[%dma_start3A_56, %dma_start3A_57] : memref<600x384xi32, #tpu.memory_space<hbm>> -> memref<600x384xi32, #tpu.memory_space<hbm>>
        tpu.enqueue_indirect_dma source(%dma_start3A_58 : memref<600x384xi32, #tpu.memory_space<hbm>>) target(%arg13 : memref<32x384xi32, #tpu.memory_space<vmem>>) offsets(%dma_start3A_55 : memref<32xi32, #tpu.memory_space<vmem>>) semaphore(%arg19 : memref<!tpu.dma_semaphore, #tpu.memory_space<semaphore_mem>>)
        %mul3A_59 = arith.constant 32 : i32
        %mul3A_60 = arith.muli %add3A_46, %mul3A_59 : i32
        %dma_wait3A_61 = tpu.memref_slice %arg7[%mul3A_60] : memref<1600xi32, #tpu.memory_space<vmem>> -> memref<32xi32, #tpu.memory_space<vmem>>
        %dma_wait3A_62 = arith.constant 0 : i32
        %dma_wait3A_63 = arith.constant 0 : i32
        %dma_wait3A_64 = tpu.memref_slice %arg2[%dma_wait3A_62, %dma_wait3A_63] : memref<100000x768xf32, #tpu.memory_space<hbm>> -> memref<100000x768xf32, #tpu.memory_space<hbm>>
        tpu.wait_indirect_dma semaphore(%arg15 : memref<!tpu.dma_semaphore, #tpu.memory_space<semaphore_mem>>) src(%dma_wait3A_64 : memref<100000x768xf32, #tpu.memory_space<hbm>>) dst(%arg9 : memref<32x768xf32, #tpu.memory_space<vmem>>)
        %dma_wait3A_65 = tpu.memref_slice %arg8[%mul3A_60] : memref<1600xi32, #tpu.memory_space<vmem>> -> memref<32xi32, #tpu.memory_space<vmem>>
        %dma_wait3A_66 = arith.constant 0 : i32
        %dma_wait3A_67 = arith.constant 0 : i32
        %dma_wait3A_68 = tpu.memref_slice %arg3[%dma_wait3A_66, %dma_wait3A_67] : memref<600x384xi32, #tpu.memory_space<hbm>> -> memref<600x384xi32, #tpu.memory_space<hbm>>
        tpu.wait_indirect_dma semaphore(%arg16 : memref<!tpu.dma_semaphore, #tpu.memory_space<semaphore_mem>>) src(%dma_wait3A_68 : memref<600x384xi32, #tpu.memory_space<hbm>>) dst(%arg10 : memref<32x384xi32, #tpu.memory_space<vmem>>)
        %gt3A = arith.constant 0 : i32
        %gt3A_69 = arith.cmpi sgt, %add3A_46, %gt3A : i32
        %convert_element_type3A = arith.extui %gt3A_69 : i1 to i32
        %cond3A = arith.constant 0 : i32
        %cond3A_70 = arith.cmpi ne, %convert_element_type3A, %cond3A : i32
        scf.if %cond3A_70 {
          %sub3A = arith.constant 2 : i32
          %sub3A_118 = arith.subi %add3A_46, %sub3A : i32
          %mul3A_119 = arith.constant 32 : i32
          %mul3A_120 = arith.muli %sub3A_118, %mul3A_119 : i32
          %add3A_121 = arith.addi %add3A_14, %mul3A_120 : i32
          %dma_wait3A_122 = arith.constant 0 : i32
          %dma_wait3A_123 = tpu.memref_slice %arg6[%add3A_121, %dma_wait3A_122] : memref<204800x768xf32, #tpu.memory_space<hbm>> -> memref<32x768xf32, #tpu.memory_space<hbm>>
          %dma_wait3A_124 = arith.constant 0 : i32
          %dma_wait3A_125 = tpu.memref_slice %arg6[%add3A_121, %dma_wait3A_124] : memref<204800x768xf32, #tpu.memory_space<hbm>> -> memref<32x768xf32, #tpu.memory_space<hbm>>
          tpu.wait_dma2 semaphore(%arg17 : memref<!tpu.dma_semaphore, #tpu.memory_space<semaphore_mem>>) src(%arg11 : memref<32x768xf32, #tpu.memory_space<vmem>>) dst(%dma_wait3A_125 : memref<32x768xf32, #tpu.memory_space<hbm>>)
        } else {
        }
        %parallel_loop3A_71 = arith.constant 0 : i32
        %parallel_loop3A_72 = arith.constant 32 : i32
        %parallel_loop3A_73 = arith.constant 1 : i32
        %parallel_loop3A_74 = arith.constant -65536 : i32
        scf.for %parallel_loop3A_118 = %parallel_loop3A_71 to %parallel_loop3A_72 step %parallel_loop3A_73  : i32 {
          %parallel_loop3A_119 = arith.index_cast %parallel_loop3A_118 : i32 to index
          %parallel_loop3A_120 = arith.constant 0 : index
          %parallel_loop3A_121 = tpu.vector_load %arg10[%parallel_loop3A_119, %parallel_loop3A_120] {strides = array<i32>} : memref<32x384xi32, #tpu.memory_space<vmem>>, vector<16xi32>,
          %parallel_loop3A_122 = arith.index_cast %parallel_loop3A_118 : i32 to index
          %parallel_loop3A_123 = arith.constant 0 : index
          %parallel_loop3A_124 = tpu.vector_load %arg9[%parallel_loop3A_122, %parallel_loop3A_123] {strides = array<i32>} : memref<32x768xf32, #tpu.memory_space<vmem>>, vector<16xf32>,
          %parallel_loop3A_125 = arith.constant 16 : i32
          %parallel_loop3A_126 = vector.broadcast %parallel_loop3A_125 : i32 to vector<16xi32>
          %parallel_loop3A_127 = arith.shli %parallel_loop3A_121, %parallel_loop3A_126 : vector<16xi32>
          %parallel_loop3A_128 = vector.bitcast %parallel_loop3A_127 : vector<16xi32> to vector<16xf32>
          %parallel_loop3A_129 = arith.addf %parallel_loop3A_124, %parallel_loop3A_128 : vector<16xf32>
          %parallel_loop3A_130 = arith.index_cast %parallel_loop3A_118 : i32 to index
          %parallel_loop3A_131 = arith.constant 384 : index
          %parallel_loop3A_132 = tpu.vector_load %arg9[%parallel_loop3A_130, %parallel_loop3A_131] {strides = array<i32>} : memref<32x768xf32, #tpu.memory_space<vmem>>, vector<16xf32>,
          %parallel_loop3A_133 = vector.broadcast %parallel_loop3A_74 : i32 to vector<16xi32>
          %parallel_loop3A_134 = arith.andi %parallel_loop3A_121, %parallel_loop3A_133 : vector<16xi32>
          %parallel_loop3A_135 = vector.bitcast %parallel_loop3A_134 : vector<16xi32> to vector<16xf32>
          %parallel_loop3A_136 = arith.addf %parallel_loop3A_132, %parallel_loop3A_135 : vector<16xf32>
          %parallel_loop3A_137 = arith.index_cast %parallel_loop3A_118 : i32 to index
          %parallel_loop3A_138 = arith.constant 0 : index
          %parallel_loop3A_139 = tpu.vector_load %arg11[%parallel_loop3A_137, %parallel_loop3A_138] {strides = array<i32>} : memref<32x768xf32, #tpu.memory_space<vmem>>, vector<16xf32>,
          tpu.vector_store %arg11[%parallel_loop3A_137, %parallel_loop3A_138], %parallel_loop3A_129 {strides = array<i32>} : memref<32x768xf32, #tpu.memory_space<vmem>>, vector<16xf32>,
          %parallel_loop3A_140 = arith.index_cast %parallel_loop3A_118 : i32 to index
          %parallel_loop3A_141 = arith.constant 384 : index
          %parallel_loop3A_142 = tpu.vector_load %arg11[%parallel_loop3A_140, %parallel_loop3A_141] {strides = array<i32>} : memref<32x768xf32, #tpu.memory_space<vmem>>, vector<16xf32>,
          tpu.vector_store %arg11[%parallel_loop3A_140, %parallel_loop3A_141], %parallel_loop3A_136 {strides = array<i32>} : memref<32x768xf32, #tpu.memory_space<vmem>>, vector<16xf32>,
          %parallel_loop3A_143 = arith.index_cast %parallel_loop3A_118 : i32 to index
          %parallel_loop3A_144 = arith.constant 16 : index
          %parallel_loop3A_145 = tpu.vector_load %arg10[%parallel_loop3A_143, %parallel_loop3A_144] {strides = array<i32>} : memref<32x384xi32, #tpu.memory_space<vmem>>, vector<16xi32>,
          %parallel_loop3A_146 = arith.index_cast %parallel_loop3A_118 : i32 to index
          %parallel_loop3A_147 = arith.constant 16 : index
          %parallel_loop3A_148 = tpu.vector_load %arg9[%parallel_loop3A_146, %parallel_loop3A_147] {strides = array<i32>} : memref<32x768xf32, #tpu.memory_space<vmem>>, vector<16xf32>,
          %parallel_loop3A_149 = arith.constant 16 : i32
          %parallel_loop3A_150 = vector.broadcast %parallel_loop3A_149 : i32 to vector<16xi32>
          %parallel_loop3A_151 = arith.shli %parallel_loop3A_145, %parallel_loop3A_150 : vector<16xi32>
          %parallel_loop3A_152 = vector.bitcast %parallel_loop3A_151 : vector<16xi32> to vector<16xf32>
          %parallel_loop3A_153 = arith.addf %parallel_loop3A_148, %parallel_loop3A_152 : vector<16xf32>
          %parallel_loop3A_154 = arith.index_cast %parallel_loop3A_118 : i32 to index
          %parallel_loop3A_155 = arith.constant 400 : index
          %parallel_loop3A_156 = tpu.vector_load %arg9[%parallel_loop3A_154, %parallel_loop3A_155] {strides = array<i32>} : memref<32x768xf32, #tpu.memory_space<vmem>>, vector<16xf32>,
          %parallel_loop3A_157 = vector.broadcast %parallel_loop3A_74 : i32 to vector<16xi32>
          %parallel_loop3A_158 = arith.andi %parallel_loop3A_145, %parallel_loop3A_157 : vector<16xi32>
          %parallel_loop3A_159 = vector.bitcast %parallel_loop3A_158 : vector<16xi32> to vector<16xf32>
          %parallel_loop3A_160 = arith.addf %parallel_loop3A_156, %parallel_loop3A_159 : vector<16xf32>
          %parallel_loop3A_161 = arith.index_cast %parallel_loop3A_118 : i32 to index
          %parallel_loop3A_162 = arith.constant 16 : index
          %parallel_loop3A_163 = tpu.vector_load %arg11[%parallel_loop3A_161, %parallel_loop3A_162] {strides = array<i32>} : memref<32x768xf32, #tpu.memory_space<vmem>>, vector<16xf32>,
          tpu.vector_store %arg11[%parallel_loop3A_161, %parallel_loop3A_162], %parallel_loop3A_153 {strides = array<i32>} : memref<32x768xf32, #tpu.memory_space<vmem>>, vector<16xf32>,
          %parallel_loop3A_164 = arith.index_cast %parallel_loop3A_118 : i32 to index
          %parallel_loop3A_165 = arith.constant 400 : index
          %parallel_loop3A_166 = tpu.vector_load %arg11[%parallel_loop3A_164, %parallel_loop3A_165] {strides = array<i32>} : memref<32x768xf32, #tpu.memory_space<vmem>>, vector<16xf32>,
          tpu.vector_store %arg11[%parallel_loop3A_164, %parallel_loop3A_165], %parallel_loop3A_160 {strides = array<i32>} : memref<32x768xf32, #tpu.memory_space<vmem>>, vector<16xf32>,
          %parallel_loop3A_167 = arith.index_cast %parallel_loop3A_118 : i32 to index
          %parallel_loop3A_168 = arith.constant 32 : index
          %parallel_loop3A_169 = tpu.vector_load %arg10[%parallel_loop3A_167, %parallel_loop3A_168] {strides = array<i32>} : memref<32x384xi32, #tpu.memory_space<vmem>>, vector<16xi32>,
          %parallel_loop3A_170 = arith.index_cast %parallel_loop3A_118 : i32 to index
          %parallel_loop3A_171 = arith.constant 32 : index
          %parallel_loop3A_172 = tpu.vector_load %arg9[%parallel_loop3A_170, %parallel_loop3A_171] {strides = array<i32>} : memref<32x768xf32, #tpu.memory_space<vmem>>, vector<16xf32>,
          %parallel_loop3A_173 = arith.constant 16 : i32
          %parallel_loop3A_174 = vector.broadcast %parallel_loop3A_173 : i32 to vector<16xi32>
          %parallel_loop3A_175 = arith.shli %parallel_loop3A_169, %parallel_loop3A_174 : vector<16xi32>
          %parallel_loop3A_176 = vector.bitcast %parallel_loop3A_175 : vector<16xi32> to vector<16xf32>
          %parallel_loop3A_177 = arith.addf %parallel_loop3A_172, %parallel_loop3A_176 : vector<16xf32>
          %parallel_loop3A_178 = arith.index_cast %parallel_loop3A_118 : i32 to index
          %parallel_loop3A_179 = arith.constant 416 : index
          %parallel_loop3A_180 = tpu.vector_load %arg9[%parallel_loop3A_178, %parallel_loop3A_179] {strides = array<i32>} : memref<32x768xf32, #tpu.memory_space<vmem>>, vector<16xf32>,
          %parallel_loop3A_181 = vector.broadcast %parallel_loop3A_74 : i32 to vector<16xi32>
          %parallel_loop3A_182 = arith.andi %parallel_loop3A_169, %parallel_loop3A_181 : vector<16xi32>
          %parallel_loop3A_183 = vector.bitcast %parallel_loop3A_182 : vector<16xi32> to vector<16xf32>
          %parallel_loop3A_184 = arith.addf %parallel_loop3A_180, %parallel_loop3A_183 : vector<16xf32>
          %parallel_loop3A_185 = arith.index_cast %parallel_loop3A_118 : i32 to index
          %parallel_loop3A_186 = arith.constant 32 : index
          %parallel_loop3A_187 = tpu.vector_load %arg11[%parallel_loop3A_185, %parallel_loop3A_186] {strides = array<i32>} : memref<32x768xf32, #tpu.memory_space<vmem>>, vector<16xf32>,
          tpu.vector_store %arg11[%parallel_loop3A_185, %parallel_loop3A_186], %parallel_loop3A_177 {strides = array<i32>} : memref<32x768xf32, #tpu.memory_space<vmem>>, vector<16xf32>,
          %parallel_loop3A_188 = arith.index_cast %parallel_loop3A_118 : i32 to index
          %parallel_loop3A_189 = arith.constant 416 : index
          %parallel_loop3A_190 = tpu.vector_load %arg11[%parallel_loop3A_188, %parallel_loop3A_189] {strides = array<i32>} : memref<32x768xf32, #tpu.memory_space<vmem>>, vector<16xf32>,
          tpu.vector_store %arg11[%parallel_loop3A_188, %parallel_loop3A_189], %parallel_loop3A_184 {strides = array<i32>} : memref<32x768xf32, #tpu.memory_space<vmem>>, vector<16xf32>,
          %parallel_loop3A_191 = arith.index_cast %parallel_loop3A_118 : i32 to index
          %parallel_loop3A_192 = arith.constant 48 : index
          %parallel_loop3A_193 = tpu.vector_load %arg10[%parallel_loop3A_191, %parallel_loop3A_192] {strides = array<i32>} : memref<32x384xi32, #tpu.memory_space<vmem>>, vector<16xi32>,
          %parallel_loop3A_194 = arith.index_cast %parallel_loop3A_118 : i32 to index
          %parallel_loop3A_195 = arith.constant 48 : index
          %parallel_loop3A_196 = tpu.vector_load %arg9[%parallel_loop3A_194, %parallel_loop3A_195] {strides = array<i32>} : memref<32x768xf32, #tpu.memory_space<vmem>>, vector<16xf32>,
          %parallel_loop3A_197 = arith.constant 16 : i32
          %parallel_loop3A_198 = vector.broadcast %parallel_loop3A_197 : i32 to vector<16xi32>
          %parallel_loop3A_199 = arith.shli %parallel_loop3A_193, %parallel_loop3A_198 : vector<16xi32>
          %parallel_loop3A_200 = vector.bitcast %parallel_loop3A_199 : vector<16xi32> to vector<16xf32>
          %parallel_loop3A_201 = arith.addf %parallel_loop3A_196, %parallel_loop3A_200 : vector<16xf32>
          %parallel_loop3A_202 = arith.index_cast %parallel_loop3A_118 : i32 to index
          %parallel_loop3A_203 = arith.constant 432 : index
          %parallel_loop3A_204 = tpu.vector_load %arg9[%parallel_loop3A_202, %parallel_loop3A_203] {strides = array<i32>} : memref<32x768xf32, #tpu.memory_space<vmem>>, vector<16xf32>,
          %parallel_loop3A_205 = vector.broadcast %parallel_loop3A_74 : i32 to vector<16xi32>
          %parallel_loop3A_206 = arith.andi %parallel_loop3A_193, %parallel_loop3A_205 : vector<16xi32>
          %parallel_loop3A_207 = vector.bitcast %parallel_loop3A_206 : vector<16xi32> to vector<16xf32>
          %parallel_loop3A_208 = arith.addf %parallel_loop3A_204, %parallel_loop3A_207 : vector<16xf32>
          %parallel_loop3A_209 = arith.index_cast %parallel_loop3A_118 : i32 to index
          %parallel_loop3A_210 = arith.constant 48 : index
          %parallel_loop3A_211 = tpu.vector_load %arg11[%parallel_loop3A_209, %parallel_loop3A_210] {strides = array<i32>} : memref<32x768xf32, #tpu.memory_space<vmem>>, vector<16xf32>,
          tpu.vector_store %arg11[%parallel_loop3A_209, %parallel_loop3A_210], %parallel_loop3A_201 {strides = array<i32>} : memref<32x768xf32, #tpu.memory_space<vmem>>, vector<16xf32>,
          %parallel_loop3A_212 = arith.index_cast %parallel_loop3A_118 : i32 to index
          %parallel_loop3A_213 = arith.constant 432 : index
          %parallel_loop3A_214 = tpu.vector_load %arg11[%parallel_loop3A_212, %parallel_loop3A_213] {strides = array<i32>} : memref<32x768xf32, #tpu.memory_space<vmem>>, vector<16xf32>,
          tpu.vector_store %arg11[%parallel_loop3A_212, %parallel_loop3A_213], %parallel_loop3A_208 {strides = array<i32>} : memref<32x768xf32, #tpu.memory_space<vmem>>, vector<16xf32>,
          %parallel_loop3A_215 = arith.index_cast %parallel_loop3A_118 : i32 to index
          %parallel_loop3A_216 = arith.constant 64 : index
          %parallel_loop3A_217 = tpu.vector_load %arg10[%parallel_loop3A_215, %parallel_loop3A_216] {strides = array<i32>} : memref<32x384xi32, #tpu.memory_space<vmem>>, vector<16xi32>,
          %parallel_loop3A_218 = arith.index_cast %parallel_loop3A_118 : i32 to index
          %parallel_loop3A_219 = arith.constant 64 : index
          %parallel_loop3A_220 = tpu.vector_load %arg9[%parallel_loop3A_218, %parallel_loop3A_219] {strides = array<i32>} : memref<32x768xf32, #tpu.memory_space<vmem>>, vector<16xf32>,
          %parallel_loop3A_221 = arith.constant 16 : i32
          %parallel_loop3A_222 = vector.broadcast %parallel_loop3A_221 : i32 to vector<16xi32>
          %parallel_loop3A_223 = arith.shli %parallel_loop3A_217, %parallel_loop3A_222 : vector<16xi32>
          %parallel_loop3A_224 = vector.bitcast %parallel_loop3A_223 : vector<16xi32> to vector<16xf32>
          %parallel_loop3A_225 = arith.addf %parallel_loop3A_220, %parallel_loop3A_224 : vector<16xf32>
          %parallel_loop3A_226 = arith.index_cast %parallel_loop3A_118 : i32 to index
          %parallel_loop3A_227 = arith.constant 448 : index
          %parallel_loop3A_228 = tpu.vector_load %arg9[%parallel_loop3A_226, %parallel_loop3A_227] {strides = array<i32>} : memref<32x768xf32, #tpu.memory_space<vmem>>, vector<16xf32>,
          %parallel_loop3A_229 = vector.broadcast %parallel_loop3A_74 : i32 to vector<16xi32>
          %parallel_loop3A_230 = arith.andi %parallel_loop3A_217, %parallel_loop3A_229 : vector<16xi32>
          %parallel_loop3A_231 = vector.bitcast %parallel_loop3A_230 : vector<16xi32> to vector<16xf32>
          %parallel_loop3A_232 = arith.addf %parallel_loop3A_228, %parallel_loop3A_231 : vector<16xf32>
          %parallel_loop3A_233 = arith.index_cast %parallel_loop3A_118 : i32 to index
          %parallel_loop3A_234 = arith.constant 64 : index
          %parallel_loop3A_235 = tpu.vector_load %arg11[%parallel_loop3A_233, %parallel_loop3A_234] {strides = array<i32>} : memref<32x768xf32, #tpu.memory_space<vmem>>, vector<16xf32>,
          tpu.vector_store %arg11[%parallel_loop3A_233, %parallel_loop3A_234], %parallel_loop3A_225 {strides = array<i32>} : memref<32x768xf32, #tpu.memory_space<vmem>>, vector<16xf32>,
          %parallel_loop3A_236 = arith.index_cast %parallel_loop3A_118 : i32 to index
          %parallel_loop3A_237 = arith.constant 448 : index
          %parallel_loop3A_238 = tpu.vector_load %arg11[%parallel_loop3A_236, %parallel_loop3A_237] {strides = array<i32>} : memref<32x768xf32, #tpu.memory_space<vmem>>, vector<16xf32>,
          tpu.vector_store %arg11[%parallel_loop3A_236, %parallel_loop3A_237], %parallel_loop3A_232 {strides = array<i32>} : memref<32x768xf32, #tpu.memory_space<vmem>>, vector<16xf32>,
          %parallel_loop3A_239 = arith.index_cast %parallel_loop3A_118 : i32 to index
          %parallel_loop3A_240 = arith.constant 80 : index
          %parallel_loop3A_241 = tpu.vector_load %arg10[%parallel_loop3A_239, %parallel_loop3A_240] {strides = array<i32>} : memref<32x384xi32, #tpu.memory_space<vmem>>, vector<16xi32>,
          %parallel_loop3A_242 = arith.index_cast %parallel_loop3A_118 : i32 to index
          %parallel_loop3A_243 = arith.constant 80 : index
          %parallel_loop3A_244 = tpu.vector_load %arg9[%parallel_loop3A_242, %parallel_loop3A_243] {strides = array<i32>} : memref<32x768xf32, #tpu.memory_space<vmem>>, vector<16xf32>,
          %parallel_loop3A_245 = arith.constant 16 : i32
          %parallel_loop3A_246 = vector.broadcast %parallel_loop3A_245 : i32 to vector<16xi32>
          %parallel_loop3A_247 = arith.shli %parallel_loop3A_241, %parallel_loop3A_246 : vector<16xi32>
          %parallel_loop3A_248 = vector.bitcast %parallel_loop3A_247 : vector<16xi32> to vector<16xf32>
          %parallel_loop3A_249 = arith.addf %parallel_loop3A_244, %parallel_loop3A_248 : vector<16xf32>
          %parallel_loop3A_250 = arith.index_cast %parallel_loop3A_118 : i32 to index
          %parallel_loop3A_251 = arith.constant 464 : index
          %parallel_loop3A_252 = tpu.vector_load %arg9[%parallel_loop3A_250, %parallel_loop3A_251] {strides = array<i32>} : memref<32x768xf32, #tpu.memory_space<vmem>>, vector<16xf32>,
          %parallel_loop3A_253 = vector.broadcast %parallel_loop3A_74 : i32 to vector<16xi32>
          %parallel_loop3A_254 = arith.andi %parallel_loop3A_241, %parallel_loop3A_253 : vector<16xi32>
          %parallel_loop3A_255 = vector.bitcast %parallel_loop3A_254 : vector<16xi32> to vector<16xf32>
          %parallel_loop3A_256 = arith.addf %parallel_loop3A_252, %parallel_loop3A_255 : vector<16xf32>
          %parallel_loop3A_257 = arith.index_cast %parallel_loop3A_118 : i32 to index
          %parallel_loop3A_258 = arith.constant 80 : index
          %parallel_loop3A_259 = tpu.vector_load %arg11[%parallel_loop3A_257, %parallel_loop3A_258] {strides = array<i32>} : memref<32x768xf32, #tpu.memory_space<vmem>>, vector<16xf32>,
          tpu.vector_store %arg11[%parallel_loop3A_257, %parallel_loop3A_258], %parallel_loop3A_249 {strides = array<i32>} : memref<32x768xf32, #tpu.memory_space<vmem>>, vector<16xf32>,
          %parallel_loop3A_260 = arith.index_cast %parallel_loop3A_118 : i32 to index
          %parallel_loop3A_261 = arith.constant 464 : index
          %parallel_loop3A_262 = tpu.vector_load %arg11[%parallel_loop3A_260, %parallel_loop3A_261] {strides = array<i32>} : memref<32x768xf32, #tpu.memory_space<vmem>>, vector<16xf32>,
          tpu.vector_store %arg11[%parallel_loop3A_260, %parallel_loop3A_261], %parallel_loop3A_256 {strides = array<i32>} : memref<32x768xf32, #tpu.memory_space<vmem>>, vector<16xf32>,
          %parallel_loop3A_263 = arith.index_cast %parallel_loop3A_118 : i32 to index
          %parallel_loop3A_264 = arith.constant 96 : index
          %parallel_loop3A_265 = tpu.vector_load %arg10[%parallel_loop3A_263, %parallel_loop3A_264] {strides = array<i32>} : memref<32x384xi32, #tpu.memory_space<vmem>>, vector<16xi32>,
          %parallel_loop3A_266 = arith.index_cast %parallel_loop3A_118 : i32 to index
          %parallel_loop3A_267 = arith.constant 96 : index
          %parallel_loop3A_268 = tpu.vector_load %arg9[%parallel_loop3A_266, %parallel_loop3A_267] {strides = array<i32>} : memref<32x768xf32, #tpu.memory_space<vmem>>, vector<16xf32>,
          %parallel_loop3A_269 = arith.constant 16 : i32
          %parallel_loop3A_270 = vector.broadcast %parallel_loop3A_269 : i32 to vector<16xi32>
          %parallel_loop3A_271 = arith.shli %parallel_loop3A_265, %parallel_loop3A_270 : vector<16xi32>
          %parallel_loop3A_272 = vector.bitcast %parallel_loop3A_271 : vector<16xi32> to vector<16xf32>
          %parallel_loop3A_273 = arith.addf %parallel_loop3A_268, %parallel_loop3A_272 : vector<16xf32>
          %parallel_loop3A_274 = arith.index_cast %parallel_loop3A_118 : i32 to index
          %parallel_loop3A_275 = arith.constant 480 : index
          %parallel_loop3A_276 = tpu.vector_load %arg9[%parallel_loop3A_274, %parallel_loop3A_275] {strides = array<i32>} : memref<32x768xf32, #tpu.memory_space<vmem>>, vector<16xf32>,
          %parallel_loop3A_277 = vector.broadcast %parallel_loop3A_74 : i32 to vector<16xi32>
          %parallel_loop3A_278 = arith.andi %parallel_loop3A_265, %parallel_loop3A_277 : vector<16xi32>
          %parallel_loop3A_279 = vector.bitcast %parallel_loop3A_278 : vector<16xi32> to vector<16xf32>
          %parallel_loop3A_280 = arith.addf %parallel_loop3A_276, %parallel_loop3A_279 : vector<16xf32>
          %parallel_loop3A_281 = arith.index_cast %parallel_loop3A_118 : i32 to index
          %parallel_loop3A_282 = arith.constant 96 : index
          %parallel_loop3A_283 = tpu.vector_load %arg11[%parallel_loop3A_281, %parallel_loop3A_282] {strides = array<i32>} : memref<32x768xf32, #tpu.memory_space<vmem>>, vector<16xf32>,
          tpu.vector_store %arg11[%parallel_loop3A_281, %parallel_loop3A_282], %parallel_loop3A_273 {strides = array<i32>} : memref<32x768xf32, #tpu.memory_space<vmem>>, vector<16xf32>,
          %parallel_loop3A_284 = arith.index_cast %parallel_loop3A_118 : i32 to index
          %parallel_loop3A_285 = arith.constant 480 : index
          %parallel_loop3A_286 = tpu.vector_load %arg11[%parallel_loop3A_284, %parallel_loop3A_285] {strides = array<i32>} : memref<32x768xf32, #tpu.memory_space<vmem>>, vector<16xf32>,
          tpu.vector_store %arg11[%parallel_loop3A_284, %parallel_loop3A_285], %parallel_loop3A_280 {strides = array<i32>} : memref<32x768xf32, #tpu.memory_space<vmem>>, vector<16xf32>,
          %parallel_loop3A_287 = arith.index_cast %parallel_loop3A_118 : i32 to index
          %parallel_loop3A_288 = arith.constant 112 : index
          %parallel_loop3A_289 = tpu.vector_load %arg10[%parallel_loop3A_287, %parallel_loop3A_288] {strides = array<i32>} : memref<32x384xi32, #tpu.memory_space<vmem>>, vector<16xi32>,
          %parallel_loop3A_290 = arith.index_cast %parallel_loop3A_118 : i32 to index
          %parallel_loop3A_291 = arith.constant 112 : index
          %parallel_loop3A_292 = tpu.vector_load %arg9[%parallel_loop3A_290, %parallel_loop3A_291] {strides = array<i32>} : memref<32x768xf32, #tpu.memory_space<vmem>>, vector<16xf32>,
          %parallel_loop3A_293 = arith.constant 16 : i32
          %parallel_loop3A_294 = vector.broadcast %parallel_loop3A_293 : i32 to vector<16xi32>
          %parallel_loop3A_295 = arith.shli %parallel_loop3A_289, %parallel_loop3A_294 : vector<16xi32>
          %parallel_loop3A_296 = vector.bitcast %parallel_loop3A_295 : vector<16xi32> to vector<16xf32>
          %parallel_loop3A_297 = arith.addf %parallel_loop3A_292, %parallel_loop3A_296 : vector<16xf32>
          %parallel_loop3A_298 = arith.index_cast %parallel_loop3A_118 : i32 to index
          %parallel_loop3A_299 = arith.constant 496 : index
          %parallel_loop3A_300 = tpu.vector_load %arg9[%parallel_loop3A_298, %parallel_loop3A_299] {strides = array<i32>} : memref<32x768xf32, #tpu.memory_space<vmem>>, vector<16xf32>,
          %parallel_loop3A_301 = vector.broadcast %parallel_loop3A_74 : i32 to vector<16xi32>
          %parallel_loop3A_302 = arith.andi %parallel_loop3A_289, %parallel_loop3A_301 : vector<16xi32>
          %parallel_loop3A_303 = vector.bitcast %parallel_loop3A_302 : vector<16xi32> to vector<16xf32>
          %parallel_loop3A_304 = arith.addf %parallel_loop3A_300, %parallel_loop3A_303 : vector<16xf32>
          %parallel_loop3A_305 = arith.index_cast %parallel_loop3A_118 : i32 to index
          %parallel_loop3A_306 = arith.constant 112 : index
          %parallel_loop3A_307 = tpu.vector_load %arg11[%parallel_loop3A_305, %parallel_loop3A_306] {strides = array<i32>} : memref<32x768xf32, #tpu.memory_space<vmem>>, vector<16xf32>,
          tpu.vector_store %arg11[%parallel_loop3A_305, %parallel_loop3A_306], %parallel_loop3A_297 {strides = array<i32>} : memref<32x768xf32, #tpu.memory_space<vmem>>, vector<16xf32>,
          %parallel_loop3A_308 = arith.index_cast %parallel_loop3A_118 : i32 to index
          %parallel_loop3A_309 = arith.constant 496 : index
          %parallel_loop3A_310 = tpu.vector_load %arg11[%parallel_loop3A_308, %parallel_loop3A_309] {strides = array<i32>} : memref<32x768xf32, #tpu.memory_space<vmem>>, vector<16xf32>,
          tpu.vector_store %arg11[%parallel_loop3A_308, %parallel_loop3A_309], %parallel_loop3A_304 {strides = array<i32>} : memref<32x768xf32, #tpu.memory_space<vmem>>, vector<16xf32>,
          %parallel_loop3A_311 = arith.index_cast %parallel_loop3A_118 : i32 to index
          %parallel_loop3A_312 = arith.constant 128 : index
          %parallel_loop3A_313 = tpu.vector_load %arg10[%parallel_loop3A_311, %parallel_loop3A_312] {strides = array<i32>} : memref<32x384xi32, #tpu.memory_space<vmem>>, vector<16xi32>,
          %parallel_loop3A_314 = arith.index_cast %parallel_loop3A_118 : i32 to index
          %parallel_loop3A_315 = arith.constant 128 : index
          %parallel_loop3A_316 = tpu.vector_load %arg9[%parallel_loop3A_314, %parallel_loop3A_315] {strides = array<i32>} : memref<32x768xf32, #tpu.memory_space<vmem>>, vector<16xf32>,
          %parallel_loop3A_317 = arith.constant 16 : i32
          %parallel_loop3A_318 = vector.broadcast %parallel_loop3A_317 : i32 to vector<16xi32>
          %parallel_loop3A_319 = arith.shli %parallel_loop3A_313, %parallel_loop3A_318 : vector<16xi32>
          %parallel_loop3A_320 = vector.bitcast %parallel_loop3A_319 : vector<16xi32> to vector<16xf32>
          %parallel_loop3A_321 = arith.addf %parallel_loop3A_316, %parallel_loop3A_320 : vector<16xf32>
          %parallel_loop3A_322 = arith.index_cast %parallel_loop3A_118 : i32 to index
          %parallel_loop3A_323 = arith.constant 512 : index
          %parallel_loop3A_324 = tpu.vector_load %arg9[%parallel_loop3A_322, %parallel_loop3A_323] {strides = array<i32>} : memref<32x768xf32, #tpu.memory_space<vmem>>, vector<16xf32>,
          %parallel_loop3A_325 = vector.broadcast %parallel_loop3A_74 : i32 to vector<16xi32>
          %parallel_loop3A_326 = arith.andi %parallel_loop3A_313, %parallel_loop3A_325 : vector<16xi32>
          %parallel_loop3A_327 = vector.bitcast %parallel_loop3A_326 : vector<16xi32> to vector<16xf32>
          %parallel_loop3A_328 = arith.addf %parallel_loop3A_324, %parallel_loop3A_327 : vector<16xf32>
          %parallel_loop3A_329 = arith.index_cast %parallel_loop3A_118 : i32 to index
          %parallel_loop3A_330 = arith.constant 128 : index
          %parallel_loop3A_331 = tpu.vector_load %arg11[%parallel_loop3A_329, %parallel_loop3A_330] {strides = array<i32>} : memref<32x768xf32, #tpu.memory_space<vmem>>, vector<16xf32>,
          tpu.vector_store %arg11[%parallel_loop3A_329, %parallel_loop3A_330], %parallel_loop3A_321 {strides = array<i32>} : memref<32x768xf32, #tpu.memory_space<vmem>>, vector<16xf32>,
          %parallel_loop3A_332 = arith.index_cast %parallel_loop3A_118 : i32 to index
          %parallel_loop3A_333 = arith.constant 512 : index
          %parallel_loop3A_334 = tpu.vector_load %arg11[%parallel_loop3A_332, %parallel_loop3A_333] {strides = array<i32>} : memref<32x768xf32, #tpu.memory_space<vmem>>, vector<16xf32>,
          tpu.vector_store %arg11[%parallel_loop3A_332, %parallel_loop3A_333], %parallel_loop3A_328 {strides = array<i32>} : memref<32x768xf32, #tpu.memory_space<vmem>>, vector<16xf32>,
          %parallel_loop3A_335 = arith.index_cast %parallel_loop3A_118 : i32 to index
          %parallel_loop3A_336 = arith.constant 144 : index
          %parallel_loop3A_337 = tpu.vector_load %arg10[%parallel_loop3A_335, %parallel_loop3A_336] {strides = array<i32>} : memref<32x384xi32, #tpu.memory_space<vmem>>, vector<16xi32>,
          %parallel_loop3A_338 = arith.index_cast %parallel_loop3A_118 : i32 to index
          %parallel_loop3A_339 = arith.constant 144 : index
          %parallel_loop3A_340 = tpu.vector_load %arg9[%parallel_loop3A_338, %parallel_loop3A_339] {strides = array<i32>} : memref<32x768xf32, #tpu.memory_space<vmem>>, vector<16xf32>,
          %parallel_loop3A_341 = arith.constant 16 : i32
          %parallel_loop3A_342 = vector.broadcast %parallel_loop3A_341 : i32 to vector<16xi32>
          %parallel_loop3A_343 = arith.shli %parallel_loop3A_337, %parallel_loop3A_342 : vector<16xi32>
          %parallel_loop3A_344 = vector.bitcast %parallel_loop3A_343 : vector<16xi32> to vector<16xf32>
          %parallel_loop3A_345 = arith.addf %parallel_loop3A_340, %parallel_loop3A_344 : vector<16xf32>
          %parallel_loop3A_346 = arith.index_cast %parallel_loop3A_118 : i32 to index
          %parallel_loop3A_347 = arith.constant 528 : index
          %parallel_loop3A_348 = tpu.vector_load %arg9[%parallel_loop3A_346, %parallel_loop3A_347] {strides = array<i32>} : memref<32x768xf32, #tpu.memory_space<vmem>>, vector<16xf32>,
          %parallel_loop3A_349 = vector.broadcast %parallel_loop3A_74 : i32 to vector<16xi32>
          %parallel_loop3A_350 = arith.andi %parallel_loop3A_337, %parallel_loop3A_349 : vector<16xi32>
          %parallel_loop3A_351 = vector.bitcast %parallel_loop3A_350 : vector<16xi32> to vector<16xf32>
          %parallel_loop3A_352 = arith.addf %parallel_loop3A_348, %parallel_loop3A_351 : vector<16xf32>
          %parallel_loop3A_353 = arith.index_cast %parallel_loop3A_118 : i32 to index
          %parallel_loop3A_354 = arith.constant 144 : index
          %parallel_loop3A_355 = tpu.vector_load %arg11[%parallel_loop3A_353, %parallel_loop3A_354] {strides = array<i32>} : memref<32x768xf32, #tpu.memory_space<vmem>>, vector<16xf32>,
          tpu.vector_store %arg11[%parallel_loop3A_353, %parallel_loop3A_354], %parallel_loop3A_345 {strides = array<i32>} : memref<32x768xf32, #tpu.memory_space<vmem>>, vector<16xf32>,
          %parallel_loop3A_356 = arith.index_cast %parallel_loop3A_118 : i32 to index
          %parallel_loop3A_357 = arith.constant 528 : index
          %parallel_loop3A_358 = tpu.vector_load %arg11[%parallel_loop3A_356, %parallel_loop3A_357] {strides = array<i32>} : memref<32x768xf32, #tpu.memory_space<vmem>>, vector<16xf32>,
          tpu.vector_store %arg11[%parallel_loop3A_356, %parallel_loop3A_357], %parallel_loop3A_352 {strides = array<i32>} : memref<32x768xf32, #tpu.memory_space<vmem>>, vector<16xf32>,
          %parallel_loop3A_359 = arith.index_cast %parallel_loop3A_118 : i32 to index
          %parallel_loop3A_360 = arith.constant 160 : index
          %parallel_loop3A_361 = tpu.vector_load %arg10[%parallel_loop3A_359, %parallel_loop3A_360] {strides = array<i32>} : memref<32x384xi32, #tpu.memory_space<vmem>>, vector<16xi32>,
          %parallel_loop3A_362 = arith.index_cast %parallel_loop3A_118 : i32 to index
          %parallel_loop3A_363 = arith.constant 160 : index
          %parallel_loop3A_364 = tpu.vector_load %arg9[%parallel_loop3A_362, %parallel_loop3A_363] {strides = array<i32>} : memref<32x768xf32, #tpu.memory_space<vmem>>, vector<16xf32>,
          %parallel_loop3A_365 = arith.constant 16 : i32
          %parallel_loop3A_366 = vector.broadcast %parallel_loop3A_365 : i32 to vector<16xi32>
          %parallel_loop3A_367 = arith.shli %parallel_loop3A_361, %parallel_loop3A_366 : vector<16xi32>
          %parallel_loop3A_368 = vector.bitcast %parallel_loop3A_367 : vector<16xi32> to vector<16xf32>
          %parallel_loop3A_369 = arith.addf %parallel_loop3A_364, %parallel_loop3A_368 : vector<16xf32>
          %parallel_loop3A_370 = arith.index_cast %parallel_loop3A_118 : i32 to index
          %parallel_loop3A_371 = arith.constant 544 : index
          %parallel_loop3A_372 = tpu.vector_load %arg9[%parallel_loop3A_370, %parallel_loop3A_371] {strides = array<i32>} : memref<32x768xf32, #tpu.memory_space<vmem>>, vector<16xf32>,
          %parallel_loop3A_373 = vector.broadcast %parallel_loop3A_74 : i32 to vector<16xi32>
          %parallel_loop3A_374 = arith.andi %parallel_loop3A_361, %parallel_loop3A_373 : vector<16xi32>
          %parallel_loop3A_375 = vector.bitcast %parallel_loop3A_374 : vector<16xi32> to vector<16xf32>
          %parallel_loop3A_376 = arith.addf %parallel_loop3A_372, %parallel_loop3A_375 : vector<16xf32>
          %parallel_loop3A_377 = arith.index_cast %parallel_loop3A_118 : i32 to index
          %parallel_loop3A_378 = arith.constant 160 : index
          %parallel_loop3A_379 = tpu.vector_load %arg11[%parallel_loop3A_377, %parallel_loop3A_378] {strides = array<i32>} : memref<32x768xf32, #tpu.memory_space<vmem>>, vector<16xf32>,
          tpu.vector_store %arg11[%parallel_loop3A_377, %parallel_loop3A_378], %parallel_loop3A_369 {strides = array<i32>} : memref<32x768xf32, #tpu.memory_space<vmem>>, vector<16xf32>,
          %parallel_loop3A_380 = arith.index_cast %parallel_loop3A_118 : i32 to index
          %parallel_loop3A_381 = arith.constant 544 : index
          %parallel_loop3A_382 = tpu.vector_load %arg11[%parallel_loop3A_380, %parallel_loop3A_381] {strides = array<i32>} : memref<32x768xf32, #tpu.memory_space<vmem>>, vector<16xf32>,
          tpu.vector_store %arg11[%parallel_loop3A_380, %parallel_loop3A_381], %parallel_loop3A_376 {strides = array<i32>} : memref<32x768xf32, #tpu.memory_space<vmem>>, vector<16xf32>,
          %parallel_loop3A_383 = arith.index_cast %parallel_loop3A_118 : i32 to index
          %parallel_loop3A_384 = arith.constant 176 : index
          %parallel_loop3A_385 = tpu.vector_load %arg10[%parallel_loop3A_383, %parallel_loop3A_384] {strides = array<i32>} : memref<32x384xi32, #tpu.memory_space<vmem>>, vector<16xi32>,
          %parallel_loop3A_386 = arith.index_cast %parallel_loop3A_118 : i32 to index
          %parallel_loop3A_387 = arith.constant 176 : index
          %parallel_loop3A_388 = tpu.vector_load %arg9[%parallel_loop3A_386, %parallel_loop3A_387] {strides = array<i32>} : memref<32x768xf32, #tpu.memory_space<vmem>>, vector<16xf32>,
          %parallel_loop3A_389 = arith.constant 16 : i32
          %parallel_loop3A_390 = vector.broadcast %parallel_loop3A_389 : i32 to vector<16xi32>
          %parallel_loop3A_391 = arith.shli %parallel_loop3A_385, %parallel_loop3A_390 : vector<16xi32>
          %parallel_loop3A_392 = vector.bitcast %parallel_loop3A_391 : vector<16xi32> to vector<16xf32>
          %parallel_loop3A_393 = arith.addf %parallel_loop3A_388, %parallel_loop3A_392 : vector<16xf32>
          %parallel_loop3A_394 = arith.index_cast %parallel_loop3A_118 : i32 to index
          %parallel_loop3A_395 = arith.constant 560 : index
          %parallel_loop3A_396 = tpu.vector_load %arg9[%parallel_loop3A_394, %parallel_loop3A_395] {strides = array<i32>} : memref<32x768xf32, #tpu.memory_space<vmem>>, vector<16xf32>,
          %parallel_loop3A_397 = vector.broadcast %parallel_loop3A_74 : i32 to vector<16xi32>
          %parallel_loop3A_398 = arith.andi %parallel_loop3A_385, %parallel_loop3A_397 : vector<16xi32>
          %parallel_loop3A_399 = vector.bitcast %parallel_loop3A_398 : vector<16xi32> to vector<16xf32>
          %parallel_loop3A_400 = arith.addf %parallel_loop3A_396, %parallel_loop3A_399 : vector<16xf32>
          %parallel_loop3A_401 = arith.index_cast %parallel_loop3A_118 : i32 to index
          %parallel_loop3A_402 = arith.constant 176 : index
          %parallel_loop3A_403 = tpu.vector_load %arg11[%parallel_loop3A_401, %parallel_loop3A_402] {strides = array<i32>} : memref<32x768xf32, #tpu.memory_space<vmem>>, vector<16xf32>,
          tpu.vector_store %arg11[%parallel_loop3A_401, %parallel_loop3A_402], %parallel_loop3A_393 {strides = array<i32>} : memref<32x768xf32, #tpu.memory_space<vmem>>, vector<16xf32>,
          %parallel_loop3A_404 = arith.index_cast %parallel_loop3A_118 : i32 to index
          %parallel_loop3A_405 = arith.constant 560 : index
          %parallel_loop3A_406 = tpu.vector_load %arg11[%parallel_loop3A_404, %parallel_loop3A_405] {strides = array<i32>} : memref<32x768xf32, #tpu.memory_space<vmem>>, vector<16xf32>,
          tpu.vector_store %arg11[%parallel_loop3A_404, %parallel_loop3A_405], %parallel_loop3A_400 {strides = array<i32>} : memref<32x768xf32, #tpu.memory_space<vmem>>, vector<16xf32>,
          %parallel_loop3A_407 = arith.index_cast %parallel_loop3A_118 : i32 to index
          %parallel_loop3A_408 = arith.constant 192 : index
          %parallel_loop3A_409 = tpu.vector_load %arg10[%parallel_loop3A_407, %parallel_loop3A_408] {strides = array<i32>} : memref<32x384xi32, #tpu.memory_space<vmem>>, vector<16xi32>,
          %parallel_loop3A_410 = arith.index_cast %parallel_loop3A_118 : i32 to index
          %parallel_loop3A_411 = arith.constant 192 : index
          %parallel_loop3A_412 = tpu.vector_load %arg9[%parallel_loop3A_410, %parallel_loop3A_411] {strides = array<i32>} : memref<32x768xf32, #tpu.memory_space<vmem>>, vector<16xf32>,
          %parallel_loop3A_413 = arith.constant 16 : i32
          %parallel_loop3A_414 = vector.broadcast %parallel_loop3A_413 : i32 to vector<16xi32>
          %parallel_loop3A_415 = arith.shli %parallel_loop3A_409, %parallel_loop3A_414 : vector<16xi32>
          %parallel_loop3A_416 = vector.bitcast %parallel_loop3A_415 : vector<16xi32> to vector<16xf32>
          %parallel_loop3A_417 = arith.addf %parallel_loop3A_412, %parallel_loop3A_416 : vector<16xf32>
          %parallel_loop3A_418 = arith.index_cast %parallel_loop3A_118 : i32 to index
          %parallel_loop3A_419 = arith.constant 576 : index
          %parallel_loop3A_420 = tpu.vector_load %arg9[%parallel_loop3A_418, %parallel_loop3A_419] {strides = array<i32>} : memref<32x768xf32, #tpu.memory_space<vmem>>, vector<16xf32>,
          %parallel_loop3A_421 = vector.broadcast %parallel_loop3A_74 : i32 to vector<16xi32>
          %parallel_loop3A_422 = arith.andi %parallel_loop3A_409, %parallel_loop3A_421 : vector<16xi32>
          %parallel_loop3A_423 = vector.bitcast %parallel_loop3A_422 : vector<16xi32> to vector<16xf32>
          %parallel_loop3A_424 = arith.addf %parallel_loop3A_420, %parallel_loop3A_423 : vector<16xf32>
          %parallel_loop3A_425 = arith.index_cast %parallel_loop3A_118 : i32 to index
          %parallel_loop3A_426 = arith.constant 192 : index
          %parallel_loop3A_427 = tpu.vector_load %arg11[%parallel_loop3A_425, %parallel_loop3A_426] {strides = array<i32>} : memref<32x768xf32, #tpu.memory_space<vmem>>, vector<16xf32>,
          tpu.vector_store %arg11[%parallel_loop3A_425, %parallel_loop3A_426], %parallel_loop3A_417 {strides = array<i32>} : memref<32x768xf32, #tpu.memory_space<vmem>>, vector<16xf32>,
          %parallel_loop3A_428 = arith.index_cast %parallel_loop3A_118 : i32 to index
          %parallel_loop3A_429 = arith.constant 576 : index
          %parallel_loop3A_430 = tpu.vector_load %arg11[%parallel_loop3A_428, %parallel_loop3A_429] {strides = array<i32>} : memref<32x768xf32, #tpu.memory_space<vmem>>, vector<16xf32>,
          tpu.vector_store %arg11[%parallel_loop3A_428, %parallel_loop3A_429], %parallel_loop3A_424 {strides = array<i32>} : memref<32x768xf32, #tpu.memory_space<vmem>>, vector<16xf32>,
          %parallel_loop3A_431 = arith.index_cast %parallel_loop3A_118 : i32 to index
          %parallel_loop3A_432 = arith.constant 208 : index
          %parallel_loop3A_433 = tpu.vector_load %arg10[%parallel_loop3A_431, %parallel_loop3A_432] {strides = array<i32>} : memref<32x384xi32, #tpu.memory_space<vmem>>, vector<16xi32>,
          %parallel_loop3A_434 = arith.index_cast %parallel_loop3A_118 : i32 to index
          %parallel_loop3A_435 = arith.constant 208 : index
          %parallel_loop3A_436 = tpu.vector_load %arg9[%parallel_loop3A_434, %parallel_loop3A_435] {strides = array<i32>} : memref<32x768xf32, #tpu.memory_space<vmem>>, vector<16xf32>,
          %parallel_loop3A_437 = arith.constant 16 : i32
          %parallel_loop3A_438 = vector.broadcast %parallel_loop3A_437 : i32 to vector<16xi32>
          %parallel_loop3A_439 = arith.shli %parallel_loop3A_433, %parallel_loop3A_438 : vector<16xi32>
          %parallel_loop3A_440 = vector.bitcast %parallel_loop3A_439 : vector<16xi32> to vector<16xf32>
          %parallel_loop3A_441 = arith.addf %parallel_loop3A_436, %parallel_loop3A_440 : vector<16xf32>
          %parallel_loop3A_442 = arith.index_cast %parallel_loop3A_118 : i32 to index
          %parallel_loop3A_443 = arith.constant 592 : index
          %parallel_loop3A_444 = tpu.vector_load %arg9[%parallel_loop3A_442, %parallel_loop3A_443] {strides = array<i32>} : memref<32x768xf32, #tpu.memory_space<vmem>>, vector<16xf32>,
          %parallel_loop3A_445 = vector.broadcast %parallel_loop3A_74 : i32 to vector<16xi32>
          %parallel_loop3A_446 = arith.andi %parallel_loop3A_433, %parallel_loop3A_445 : vector<16xi32>
          %parallel_loop3A_447 = vector.bitcast %parallel_loop3A_446 : vector<16xi32> to vector<16xf32>
          %parallel_loop3A_448 = arith.addf %parallel_loop3A_444, %parallel_loop3A_447 : vector<16xf32>
          %parallel_loop3A_449 = arith.index_cast %parallel_loop3A_118 : i32 to index
          %parallel_loop3A_450 = arith.constant 208 : index
          %parallel_loop3A_451 = tpu.vector_load %arg11[%parallel_loop3A_449, %parallel_loop3A_450] {strides = array<i32>} : memref<32x768xf32, #tpu.memory_space<vmem>>, vector<16xf32>,
          tpu.vector_store %arg11[%parallel_loop3A_449, %parallel_loop3A_450], %parallel_loop3A_441 {strides = array<i32>} : memref<32x768xf32, #tpu.memory_space<vmem>>, vector<16xf32>,
          %parallel_loop3A_452 = arith.index_cast %parallel_loop3A_118 : i32 to index
          %parallel_loop3A_453 = arith.constant 592 : index
          %parallel_loop3A_454 = tpu.vector_load %arg11[%parallel_loop3A_452, %parallel_loop3A_453] {strides = array<i32>} : memref<32x768xf32, #tpu.memory_space<vmem>>, vector<16xf32>,
          tpu.vector_store %arg11[%parallel_loop3A_452, %parallel_loop3A_453], %parallel_loop3A_448 {strides = array<i32>} : memref<32x768xf32, #tpu.memory_space<vmem>>, vector<16xf32>,
          %parallel_loop3A_455 = arith.index_cast %parallel_loop3A_118 : i32 to index
          %parallel_loop3A_456 = arith.constant 224 : index
          %parallel_loop3A_457 = tpu.vector_load %arg10[%parallel_loop3A_455, %parallel_loop3A_456] {strides = array<i32>} : memref<32x384xi32, #tpu.memory_space<vmem>>, vector<16xi32>,
          %parallel_loop3A_458 = arith.index_cast %parallel_loop3A_118 : i32 to index
          %parallel_loop3A_459 = arith.constant 224 : index
          %parallel_loop3A_460 = tpu.vector_load %arg9[%parallel_loop3A_458, %parallel_loop3A_459] {strides = array<i32>} : memref<32x768xf32, #tpu.memory_space<vmem>>, vector<16xf32>,
          %parallel_loop3A_461 = arith.constant 16 : i32
          %parallel_loop3A_462 = vector.broadcast %parallel_loop3A_461 : i32 to vector<16xi32>
          %parallel_loop3A_463 = arith.shli %parallel_loop3A_457, %parallel_loop3A_462 : vector<16xi32>
          %parallel_loop3A_464 = vector.bitcast %parallel_loop3A_463 : vector<16xi32> to vector<16xf32>
          %parallel_loop3A_465 = arith.addf %parallel_loop3A_460, %parallel_loop3A_464 : vector<16xf32>
          %parallel_loop3A_466 = arith.index_cast %parallel_loop3A_118 : i32 to index
          %parallel_loop3A_467 = arith.constant 608 : index
          %parallel_loop3A_468 = tpu.vector_load %arg9[%parallel_loop3A_466, %parallel_loop3A_467] {strides = array<i32>} : memref<32x768xf32, #tpu.memory_space<vmem>>, vector<16xf32>,
          %parallel_loop3A_469 = vector.broadcast %parallel_loop3A_74 : i32 to vector<16xi32>
          %parallel_loop3A_470 = arith.andi %parallel_loop3A_457, %parallel_loop3A_469 : vector<16xi32>
          %parallel_loop3A_471 = vector.bitcast %parallel_loop3A_470 : vector<16xi32> to vector<16xf32>
          %parallel_loop3A_472 = arith.addf %parallel_loop3A_468, %parallel_loop3A_471 : vector<16xf32>
          %parallel_loop3A_473 = arith.index_cast %parallel_loop3A_118 : i32 to index
          %parallel_loop3A_474 = arith.constant 224 : index
          %parallel_loop3A_475 = tpu.vector_load %arg11[%parallel_loop3A_473, %parallel_loop3A_474] {strides = array<i32>} : memref<32x768xf32, #tpu.memory_space<vmem>>, vector<16xf32>,
          tpu.vector_store %arg11[%parallel_loop3A_473, %parallel_loop3A_474], %parallel_loop3A_465 {strides = array<i32>} : memref<32x768xf32, #tpu.memory_space<vmem>>, vector<16xf32>,
          %parallel_loop3A_476 = arith.index_cast %parallel_loop3A_118 : i32 to index
          %parallel_loop3A_477 = arith.constant 608 : index
          %parallel_loop3A_478 = tpu.vector_load %arg11[%parallel_loop3A_476, %parallel_loop3A_477] {strides = array<i32>} : memref<32x768xf32, #tpu.memory_space<vmem>>, vector<16xf32>,
          tpu.vector_store %arg11[%parallel_loop3A_476, %parallel_loop3A_477], %parallel_loop3A_472 {strides = array<i32>} : memref<32x768xf32, #tpu.memory_space<vmem>>, vector<16xf32>,
          %parallel_loop3A_479 = arith.index_cast %parallel_loop3A_118 : i32 to index
          %parallel_loop3A_480 = arith.constant 240 : index
          %parallel_loop3A_481 = tpu.vector_load %arg10[%parallel_loop3A_479, %parallel_loop3A_480] {strides = array<i32>} : memref<32x384xi32, #tpu.memory_space<vmem>>, vector<16xi32>,
          %parallel_loop3A_482 = arith.index_cast %parallel_loop3A_118 : i32 to index
          %parallel_loop3A_483 = arith.constant 240 : index
          %parallel_loop3A_484 = tpu.vector_load %arg9[%parallel_loop3A_482, %parallel_loop3A_483] {strides = array<i32>} : memref<32x768xf32, #tpu.memory_space<vmem>>, vector<16xf32>,
          %parallel_loop3A_485 = arith.constant 16 : i32
          %parallel_loop3A_486 = vector.broadcast %parallel_loop3A_485 : i32 to vector<16xi32>
          %parallel_loop3A_487 = arith.shli %parallel_loop3A_481, %parallel_loop3A_486 : vector<16xi32>
          %parallel_loop3A_488 = vector.bitcast %parallel_loop3A_487 : vector<16xi32> to vector<16xf32>
          %parallel_loop3A_489 = arith.addf %parallel_loop3A_484, %parallel_loop3A_488 : vector<16xf32>
          %parallel_loop3A_490 = arith.index_cast %parallel_loop3A_118 : i32 to index
          %parallel_loop3A_491 = arith.constant 624 : index
          %parallel_loop3A_492 = tpu.vector_load %arg9[%parallel_loop3A_490, %parallel_loop3A_491] {strides = array<i32>} : memref<32x768xf32, #tpu.memory_space<vmem>>, vector<16xf32>,
          %parallel_loop3A_493 = vector.broadcast %parallel_loop3A_74 : i32 to vector<16xi32>
          %parallel_loop3A_494 = arith.andi %parallel_loop3A_481, %parallel_loop3A_493 : vector<16xi32>
          %parallel_loop3A_495 = vector.bitcast %parallel_loop3A_494 : vector<16xi32> to vector<16xf32>
          %parallel_loop3A_496 = arith.addf %parallel_loop3A_492, %parallel_loop3A_495 : vector<16xf32>
          %parallel_loop3A_497 = arith.index_cast %parallel_loop3A_118 : i32 to index
          %parallel_loop3A_498 = arith.constant 240 : index
          %parallel_loop3A_499 = tpu.vector_load %arg11[%parallel_loop3A_497, %parallel_loop3A_498] {strides = array<i32>} : memref<32x768xf32, #tpu.memory_space<vmem>>, vector<16xf32>,
          tpu.vector_store %arg11[%parallel_loop3A_497, %parallel_loop3A_498], %parallel_loop3A_489 {strides = array<i32>} : memref<32x768xf32, #tpu.memory_space<vmem>>, vector<16xf32>,
          %parallel_loop3A_500 = arith.index_cast %parallel_loop3A_118 : i32 to index
          %parallel_loop3A_501 = arith.constant 624 : index
          %parallel_loop3A_502 = tpu.vector_load %arg11[%parallel_loop3A_500, %parallel_loop3A_501] {strides = array<i32>} : memref<32x768xf32, #tpu.memory_space<vmem>>, vector<16xf32>,
          tpu.vector_store %arg11[%parallel_loop3A_500, %parallel_loop3A_501], %parallel_loop3A_496 {strides = array<i32>} : memref<32x768xf32, #tpu.memory_space<vmem>>, vector<16xf32>,
          %parallel_loop3A_503 = arith.index_cast %parallel_loop3A_118 : i32 to index
          %parallel_loop3A_504 = arith.constant 256 : index
          %parallel_loop3A_505 = tpu.vector_load %arg10[%parallel_loop3A_503, %parallel_loop3A_504] {strides = array<i32>} : memref<32x384xi32, #tpu.memory_space<vmem>>, vector<16xi32>,
          %parallel_loop3A_506 = arith.index_cast %parallel_loop3A_118 : i32 to index
          %parallel_loop3A_507 = arith.constant 256 : index
          %parallel_loop3A_508 = tpu.vector_load %arg9[%parallel_loop3A_506, %parallel_loop3A_507] {strides = array<i32>} : memref<32x768xf32, #tpu.memory_space<vmem>>, vector<16xf32>,
          %parallel_loop3A_509 = arith.constant 16 : i32
          %parallel_loop3A_510 = vector.broadcast %parallel_loop3A_509 : i32 to vector<16xi32>
          %parallel_loop3A_511 = arith.shli %parallel_loop3A_505, %parallel_loop3A_510 : vector<16xi32>
          %parallel_loop3A_512 = vector.bitcast %parallel_loop3A_511 : vector<16xi32> to vector<16xf32>
          %parallel_loop3A_513 = arith.addf %parallel_loop3A_508, %parallel_loop3A_512 : vector<16xf32>
          %parallel_loop3A_514 = arith.index_cast %parallel_loop3A_118 : i32 to index
          %parallel_loop3A_515 = arith.constant 640 : index
          %parallel_loop3A_516 = tpu.vector_load %arg9[%parallel_loop3A_514, %parallel_loop3A_515] {strides = array<i32>} : memref<32x768xf32, #tpu.memory_space<vmem>>, vector<16xf32>,
          %parallel_loop3A_517 = vector.broadcast %parallel_loop3A_74 : i32 to vector<16xi32>
          %parallel_loop3A_518 = arith.andi %parallel_loop3A_505, %parallel_loop3A_517 : vector<16xi32>
          %parallel_loop3A_519 = vector.bitcast %parallel_loop3A_518 : vector<16xi32> to vector<16xf32>
          %parallel_loop3A_520 = arith.addf %parallel_loop3A_516, %parallel_loop3A_519 : vector<16xf32>
          %parallel_loop3A_521 = arith.index_cast %parallel_loop3A_118 : i32 to index
          %parallel_loop3A_522 = arith.constant 256 : index
          %parallel_loop3A_523 = tpu.vector_load %arg11[%parallel_loop3A_521, %parallel_loop3A_522] {strides = array<i32>} : memref<32x768xf32, #tpu.memory_space<vmem>>, vector<16xf32>,
          tpu.vector_store %arg11[%parallel_loop3A_521, %parallel_loop3A_522], %parallel_loop3A_513 {strides = array<i32>} : memref<32x768xf32, #tpu.memory_space<vmem>>, vector<16xf32>,
          %parallel_loop3A_524 = arith.index_cast %parallel_loop3A_118 : i32 to index
          %parallel_loop3A_525 = arith.constant 640 : index
          %parallel_loop3A_526 = tpu.vector_load %arg11[%parallel_loop3A_524, %parallel_loop3A_525] {strides = array<i32>} : memref<32x768xf32, #tpu.memory_space<vmem>>, vector<16xf32>,
          tpu.vector_store %arg11[%parallel_loop3A_524, %parallel_loop3A_525], %parallel_loop3A_520 {strides = array<i32>} : memref<32x768xf32, #tpu.memory_space<vmem>>, vector<16xf32>,
          %parallel_loop3A_527 = arith.index_cast %parallel_loop3A_118 : i32 to index
          %parallel_loop3A_528 = arith.constant 272 : index
          %parallel_loop3A_529 = tpu.vector_load %arg10[%parallel_loop3A_527, %parallel_loop3A_528] {strides = array<i32>} : memref<32x384xi32, #tpu.memory_space<vmem>>, vector<16xi32>,
          %parallel_loop3A_530 = arith.index_cast %parallel_loop3A_118 : i32 to index
          %parallel_loop3A_531 = arith.constant 272 : index
          %parallel_loop3A_532 = tpu.vector_load %arg9[%parallel_loop3A_530, %parallel_loop3A_531] {strides = array<i32>} : memref<32x768xf32, #tpu.memory_space<vmem>>, vector<16xf32>,
          %parallel_loop3A_533 = arith.constant 16 : i32
          %parallel_loop3A_534 = vector.broadcast %parallel_loop3A_533 : i32 to vector<16xi32>
          %parallel_loop3A_535 = arith.shli %parallel_loop3A_529, %parallel_loop3A_534 : vector<16xi32>
          %parallel_loop3A_536 = vector.bitcast %parallel_loop3A_535 : vector<16xi32> to vector<16xf32>
          %parallel_loop3A_537 = arith.addf %parallel_loop3A_532, %parallel_loop3A_536 : vector<16xf32>
          %parallel_loop3A_538 = arith.index_cast %parallel_loop3A_118 : i32 to index
          %parallel_loop3A_539 = arith.constant 656 : index
          %parallel_loop3A_540 = tpu.vector_load %arg9[%parallel_loop3A_538, %parallel_loop3A_539] {strides = array<i32>} : memref<32x768xf32, #tpu.memory_space<vmem>>, vector<16xf32>,
          %parallel_loop3A_541 = vector.broadcast %parallel_loop3A_74 : i32 to vector<16xi32>
          %parallel_loop3A_542 = arith.andi %parallel_loop3A_529, %parallel_loop3A_541 : vector<16xi32>
          %parallel_loop3A_543 = vector.bitcast %parallel_loop3A_542 : vector<16xi32> to vector<16xf32>
          %parallel_loop3A_544 = arith.addf %parallel_loop3A_540, %parallel_loop3A_543 : vector<16xf32>
          %parallel_loop3A_545 = arith.index_cast %parallel_loop3A_118 : i32 to index
          %parallel_loop3A_546 = arith.constant 272 : index
          %parallel_loop3A_547 = tpu.vector_load %arg11[%parallel_loop3A_545, %parallel_loop3A_546] {strides = array<i32>} : memref<32x768xf32, #tpu.memory_space<vmem>>, vector<16xf32>,
          tpu.vector_store %arg11[%parallel_loop3A_545, %parallel_loop3A_546], %parallel_loop3A_537 {strides = array<i32>} : memref<32x768xf32, #tpu.memory_space<vmem>>, vector<16xf32>,
          %parallel_loop3A_548 = arith.index_cast %parallel_loop3A_118 : i32 to index
          %parallel_loop3A_549 = arith.constant 656 : index
          %parallel_loop3A_550 = tpu.vector_load %arg11[%parallel_loop3A_548, %parallel_loop3A_549] {strides = array<i32>} : memref<32x768xf32, #tpu.memory_space<vmem>>, vector<16xf32>,
          tpu.vector_store %arg11[%parallel_loop3A_548, %parallel_loop3A_549], %parallel_loop3A_544 {strides = array<i32>} : memref<32x768xf32, #tpu.memory_space<vmem>>, vector<16xf32>,
          %parallel_loop3A_551 = arith.index_cast %parallel_loop3A_118 : i32 to index
          %parallel_loop3A_552 = arith.constant 288 : index
          %parallel_loop3A_553 = tpu.vector_load %arg10[%parallel_loop3A_551, %parallel_loop3A_552] {strides = array<i32>} : memref<32x384xi32, #tpu.memory_space<vmem>>, vector<16xi32>,
          %parallel_loop3A_554 = arith.index_cast %parallel_loop3A_118 : i32 to index
          %parallel_loop3A_555 = arith.constant 288 : index
          %parallel_loop3A_556 = tpu.vector_load %arg9[%parallel_loop3A_554, %parallel_loop3A_555] {strides = array<i32>} : memref<32x768xf32, #tpu.memory_space<vmem>>, vector<16xf32>,
          %parallel_loop3A_557 = arith.constant 16 : i32
          %parallel_loop3A_558 = vector.broadcast %parallel_loop3A_557 : i32 to vector<16xi32>
          %parallel_loop3A_559 = arith.shli %parallel_loop3A_553, %parallel_loop3A_558 : vector<16xi32>
          %parallel_loop3A_560 = vector.bitcast %parallel_loop3A_559 : vector<16xi32> to vector<16xf32>
          %parallel_loop3A_561 = arith.addf %parallel_loop3A_556, %parallel_loop3A_560 : vector<16xf32>
          %parallel_loop3A_562 = arith.index_cast %parallel_loop3A_118 : i32 to index
          %parallel_loop3A_563 = arith.constant 672 : index
          %parallel_loop3A_564 = tpu.vector_load %arg9[%parallel_loop3A_562, %parallel_loop3A_563] {strides = array<i32>} : memref<32x768xf32, #tpu.memory_space<vmem>>, vector<16xf32>,
          %parallel_loop3A_565 = vector.broadcast %parallel_loop3A_74 : i32 to vector<16xi32>
          %parallel_loop3A_566 = arith.andi %parallel_loop3A_553, %parallel_loop3A_565 : vector<16xi32>
          %parallel_loop3A_567 = vector.bitcast %parallel_loop3A_566 : vector<16xi32> to vector<16xf32>
          %parallel_loop3A_568 = arith.addf %parallel_loop3A_564, %parallel_loop3A_567 : vector<16xf32>
          %parallel_loop3A_569 = arith.index_cast %parallel_loop3A_118 : i32 to index
          %parallel_loop3A_570 = arith.constant 288 : index
          %parallel_loop3A_571 = tpu.vector_load %arg11[%parallel_loop3A_569, %parallel_loop3A_570] {strides = array<i32>} : memref<32x768xf32, #tpu.memory_space<vmem>>, vector<16xf32>,
          tpu.vector_store %arg11[%parallel_loop3A_569, %parallel_loop3A_570], %parallel_loop3A_561 {strides = array<i32>} : memref<32x768xf32, #tpu.memory_space<vmem>>, vector<16xf32>,
          %parallel_loop3A_572 = arith.index_cast %parallel_loop3A_118 : i32 to index
          %parallel_loop3A_573 = arith.constant 672 : index
          %parallel_loop3A_574 = tpu.vector_load %arg11[%parallel_loop3A_572, %parallel_loop3A_573] {strides = array<i32>} : memref<32x768xf32, #tpu.memory_space<vmem>>, vector<16xf32>,
          tpu.vector_store %arg11[%parallel_loop3A_572, %parallel_loop3A_573], %parallel_loop3A_568 {strides = array<i32>} : memref<32x768xf32, #tpu.memory_space<vmem>>, vector<16xf32>,
          %parallel_loop3A_575 = arith.index_cast %parallel_loop3A_118 : i32 to index
          %parallel_loop3A_576 = arith.constant 304 : index
          %parallel_loop3A_577 = tpu.vector_load %arg10[%parallel_loop3A_575, %parallel_loop3A_576] {strides = array<i32>} : memref<32x384xi32, #tpu.memory_space<vmem>>, vector<16xi32>,
          %parallel_loop3A_578 = arith.index_cast %parallel_loop3A_118 : i32 to index
          %parallel_loop3A_579 = arith.constant 304 : index
          %parallel_loop3A_580 = tpu.vector_load %arg9[%parallel_loop3A_578, %parallel_loop3A_579] {strides = array<i32>} : memref<32x768xf32, #tpu.memory_space<vmem>>, vector<16xf32>,
          %parallel_loop3A_581 = arith.constant 16 : i32
          %parallel_loop3A_582 = vector.broadcast %parallel_loop3A_581 : i32 to vector<16xi32>
          %parallel_loop3A_583 = arith.shli %parallel_loop3A_577, %parallel_loop3A_582 : vector<16xi32>
          %parallel_loop3A_584 = vector.bitcast %parallel_loop3A_583 : vector<16xi32> to vector<16xf32>
          %parallel_loop3A_585 = arith.addf %parallel_loop3A_580, %parallel_loop3A_584 : vector<16xf32>
          %parallel_loop3A_586 = arith.index_cast %parallel_loop3A_118 : i32 to index
          %parallel_loop3A_587 = arith.constant 688 : index
          %parallel_loop3A_588 = tpu.vector_load %arg9[%parallel_loop3A_586, %parallel_loop3A_587] {strides = array<i32>} : memref<32x768xf32, #tpu.memory_space<vmem>>, vector<16xf32>,
          %parallel_loop3A_589 = vector.broadcast %parallel_loop3A_74 : i32 to vector<16xi32>
          %parallel_loop3A_590 = arith.andi %parallel_loop3A_577, %parallel_loop3A_589 : vector<16xi32>
          %parallel_loop3A_591 = vector.bitcast %parallel_loop3A_590 : vector<16xi32> to vector<16xf32>
          %parallel_loop3A_592 = arith.addf %parallel_loop3A_588, %parallel_loop3A_591 : vector<16xf32>
          %parallel_loop3A_593 = arith.index_cast %parallel_loop3A_118 : i32 to index
          %parallel_loop3A_594 = arith.constant 304 : index
          %parallel_loop3A_595 = tpu.vector_load %arg11[%parallel_loop3A_593, %parallel_loop3A_594] {strides = array<i32>} : memref<32x768xf32, #tpu.memory_space<vmem>>, vector<16xf32>,
          tpu.vector_store %arg11[%parallel_loop3A_593, %parallel_loop3A_594], %parallel_loop3A_585 {strides = array<i32>} : memref<32x768xf32, #tpu.memory_space<vmem>>, vector<16xf32>,
          %parallel_loop3A_596 = arith.index_cast %parallel_loop3A_118 : i32 to index
          %parallel_loop3A_597 = arith.constant 688 : index
          %parallel_loop3A_598 = tpu.vector_load %arg11[%parallel_loop3A_596, %parallel_loop3A_597] {strides = array<i32>} : memref<32x768xf32, #tpu.memory_space<vmem>>, vector<16xf32>,
          tpu.vector_store %arg11[%parallel_loop3A_596, %parallel_loop3A_597], %parallel_loop3A_592 {strides = array<i32>} : memref<32x768xf32, #tpu.memory_space<vmem>>, vector<16xf32>,
          %parallel_loop3A_599 = arith.index_cast %parallel_loop3A_118 : i32 to index
          %parallel_loop3A_600 = arith.constant 320 : index
          %parallel_loop3A_601 = tpu.vector_load %arg10[%parallel_loop3A_599, %parallel_loop3A_600] {strides = array<i32>} : memref<32x384xi32, #tpu.memory_space<vmem>>, vector<16xi32>,
          %parallel_loop3A_602 = arith.index_cast %parallel_loop3A_118 : i32 to index
          %parallel_loop3A_603 = arith.constant 320 : index
          %parallel_loop3A_604 = tpu.vector_load %arg9[%parallel_loop3A_602, %parallel_loop3A_603] {strides = array<i32>} : memref<32x768xf32, #tpu.memory_space<vmem>>, vector<16xf32>,
          %parallel_loop3A_605 = arith.constant 16 : i32
          %parallel_loop3A_606 = vector.broadcast %parallel_loop3A_605 : i32 to vector<16xi32>
          %parallel_loop3A_607 = arith.shli %parallel_loop3A_601, %parallel_loop3A_606 : vector<16xi32>
          %parallel_loop3A_608 = vector.bitcast %parallel_loop3A_607 : vector<16xi32> to vector<16xf32>
          %parallel_loop3A_609 = arith.addf %parallel_loop3A_604, %parallel_loop3A_608 : vector<16xf32>
          %parallel_loop3A_610 = arith.index_cast %parallel_loop3A_118 : i32 to index
          %parallel_loop3A_611 = arith.constant 704 : index
          %parallel_loop3A_612 = tpu.vector_load %arg9[%parallel_loop3A_610, %parallel_loop3A_611] {strides = array<i32>} : memref<32x768xf32, #tpu.memory_space<vmem>>, vector<16xf32>,
          %parallel_loop3A_613 = vector.broadcast %parallel_loop3A_74 : i32 to vector<16xi32>
          %parallel_loop3A_614 = arith.andi %parallel_loop3A_601, %parallel_loop3A_613 : vector<16xi32>
          %parallel_loop3A_615 = vector.bitcast %parallel_loop3A_614 : vector<16xi32> to vector<16xf32>
          %parallel_loop3A_616 = arith.addf %parallel_loop3A_612, %parallel_loop3A_615 : vector<16xf32>
          %parallel_loop3A_617 = arith.index_cast %parallel_loop3A_118 : i32 to index
          %parallel_loop3A_618 = arith.constant 320 : index
          %parallel_loop3A_619 = tpu.vector_load %arg11[%parallel_loop3A_617, %parallel_loop3A_618] {strides = array<i32>} : memref<32x768xf32, #tpu.memory_space<vmem>>, vector<16xf32>,
          tpu.vector_store %arg11[%parallel_loop3A_617, %parallel_loop3A_618], %parallel_loop3A_609 {strides = array<i32>} : memref<32x768xf32, #tpu.memory_space<vmem>>, vector<16xf32>,
          %parallel_loop3A_620 = arith.index_cast %parallel_loop3A_118 : i32 to index
          %parallel_loop3A_621 = arith.constant 704 : index
          %parallel_loop3A_622 = tpu.vector_load %arg11[%parallel_loop3A_620, %parallel_loop3A_621] {strides = array<i32>} : memref<32x768xf32, #tpu.memory_space<vmem>>, vector<16xf32>,
          tpu.vector_store %arg11[%parallel_loop3A_620, %parallel_loop3A_621], %parallel_loop3A_616 {strides = array<i32>} : memref<32x768xf32, #tpu.memory_space<vmem>>, vector<16xf32>,
          %parallel_loop3A_623 = arith.index_cast %parallel_loop3A_118 : i32 to index
          %parallel_loop3A_624 = arith.constant 336 : index
          %parallel_loop3A_625 = tpu.vector_load %arg10[%parallel_loop3A_623, %parallel_loop3A_624] {strides = array<i32>} : memref<32x384xi32, #tpu.memory_space<vmem>>, vector<16xi32>,
          %parallel_loop3A_626 = arith.index_cast %parallel_loop3A_118 : i32 to index
          %parallel_loop3A_627 = arith.constant 336 : index
          %parallel_loop3A_628 = tpu.vector_load %arg9[%parallel_loop3A_626, %parallel_loop3A_627] {strides = array<i32>} : memref<32x768xf32, #tpu.memory_space<vmem>>, vector<16xf32>,
          %parallel_loop3A_629 = arith.constant 16 : i32
          %parallel_loop3A_630 = vector.broadcast %parallel_loop3A_629 : i32 to vector<16xi32>
          %parallel_loop3A_631 = arith.shli %parallel_loop3A_625, %parallel_loop3A_630 : vector<16xi32>
          %parallel_loop3A_632 = vector.bitcast %parallel_loop3A_631 : vector<16xi32> to vector<16xf32>
          %parallel_loop3A_633 = arith.addf %parallel_loop3A_628, %parallel_loop3A_632 : vector<16xf32>
          %parallel_loop3A_634 = arith.index_cast %parallel_loop3A_118 : i32 to index
          %parallel_loop3A_635 = arith.constant 720 : index
          %parallel_loop3A_636 = tpu.vector_load %arg9[%parallel_loop3A_634, %parallel_loop3A_635] {strides = array<i32>} : memref<32x768xf32, #tpu.memory_space<vmem>>, vector<16xf32>,
          %parallel_loop3A_637 = vector.broadcast %parallel_loop3A_74 : i32 to vector<16xi32>
          %parallel_loop3A_638 = arith.andi %parallel_loop3A_625, %parallel_loop3A_637 : vector<16xi32>
          %parallel_loop3A_639 = vector.bitcast %parallel_loop3A_638 : vector<16xi32> to vector<16xf32>
          %parallel_loop3A_640 = arith.addf %parallel_loop3A_636, %parallel_loop3A_639 : vector<16xf32>
          %parallel_loop3A_641 = arith.index_cast %parallel_loop3A_118 : i32 to index
          %parallel_loop3A_642 = arith.constant 336 : index
          %parallel_loop3A_643 = tpu.vector_load %arg11[%parallel_loop3A_641, %parallel_loop3A_642] {strides = array<i32>} : memref<32x768xf32, #tpu.memory_space<vmem>>, vector<16xf32>,
          tpu.vector_store %arg11[%parallel_loop3A_641, %parallel_loop3A_642], %parallel_loop3A_633 {strides = array<i32>} : memref<32x768xf32, #tpu.memory_space<vmem>>, vector<16xf32>,
          %parallel_loop3A_644 = arith.index_cast %parallel_loop3A_118 : i32 to index
          %parallel_loop3A_645 = arith.constant 720 : index
          %parallel_loop3A_646 = tpu.vector_load %arg11[%parallel_loop3A_644, %parallel_loop3A_645] {strides = array<i32>} : memref<32x768xf32, #tpu.memory_space<vmem>>, vector<16xf32>,
          tpu.vector_store %arg11[%parallel_loop3A_644, %parallel_loop3A_645], %parallel_loop3A_640 {strides = array<i32>} : memref<32x768xf32, #tpu.memory_space<vmem>>, vector<16xf32>,
          %parallel_loop3A_647 = arith.index_cast %parallel_loop3A_118 : i32 to index
          %parallel_loop3A_648 = arith.constant 352 : index
          %parallel_loop3A_649 = tpu.vector_load %arg10[%parallel_loop3A_647, %parallel_loop3A_648] {strides = array<i32>} : memref<32x384xi32, #tpu.memory_space<vmem>>, vector<16xi32>,
          %parallel_loop3A_650 = arith.index_cast %parallel_loop3A_118 : i32 to index
          %parallel_loop3A_651 = arith.constant 352 : index
          %parallel_loop3A_652 = tpu.vector_load %arg9[%parallel_loop3A_650, %parallel_loop3A_651] {strides = array<i32>} : memref<32x768xf32, #tpu.memory_space<vmem>>, vector<16xf32>,
          %parallel_loop3A_653 = arith.constant 16 : i32
          %parallel_loop3A_654 = vector.broadcast %parallel_loop3A_653 : i32 to vector<16xi32>
          %parallel_loop3A_655 = arith.shli %parallel_loop3A_649, %parallel_loop3A_654 : vector<16xi32>
          %parallel_loop3A_656 = vector.bitcast %parallel_loop3A_655 : vector<16xi32> to vector<16xf32>
          %parallel_loop3A_657 = arith.addf %parallel_loop3A_652, %parallel_loop3A_656 : vector<16xf32>
          %parallel_loop3A_658 = arith.index_cast %parallel_loop3A_118 : i32 to index
          %parallel_loop3A_659 = arith.constant 736 : index
          %parallel_loop3A_660 = tpu.vector_load %arg9[%parallel_loop3A_658, %parallel_loop3A_659] {strides = array<i32>} : memref<32x768xf32, #tpu.memory_space<vmem>>, vector<16xf32>,
          %parallel_loop3A_661 = vector.broadcast %parallel_loop3A_74 : i32 to vector<16xi32>
          %parallel_loop3A_662 = arith.andi %parallel_loop3A_649, %parallel_loop3A_661 : vector<16xi32>
          %parallel_loop3A_663 = vector.bitcast %parallel_loop3A_662 : vector<16xi32> to vector<16xf32>
          %parallel_loop3A_664 = arith.addf %parallel_loop3A_660, %parallel_loop3A_663 : vector<16xf32>
          %parallel_loop3A_665 = arith.index_cast %parallel_loop3A_118 : i32 to index
          %parallel_loop3A_666 = arith.constant 352 : index
          %parallel_loop3A_667 = tpu.vector_load %arg11[%parallel_loop3A_665, %parallel_loop3A_666] {strides = array<i32>} : memref<32x768xf32, #tpu.memory_space<vmem>>, vector<16xf32>,
          tpu.vector_store %arg11[%parallel_loop3A_665, %parallel_loop3A_666], %parallel_loop3A_657 {strides = array<i32>} : memref<32x768xf32, #tpu.memory_space<vmem>>, vector<16xf32>,
          %parallel_loop3A_668 = arith.index_cast %parallel_loop3A_118 : i32 to index
          %parallel_loop3A_669 = arith.constant 736 : index
          %parallel_loop3A_670 = tpu.vector_load %arg11[%parallel_loop3A_668, %parallel_loop3A_669] {strides = array<i32>} : memref<32x768xf32, #tpu.memory_space<vmem>>, vector<16xf32>,
          tpu.vector_store %arg11[%parallel_loop3A_668, %parallel_loop3A_669], %parallel_loop3A_664 {strides = array<i32>} : memref<32x768xf32, #tpu.memory_space<vmem>>, vector<16xf32>,
          %parallel_loop3A_671 = arith.index_cast %parallel_loop3A_118 : i32 to index
          %parallel_loop3A_672 = arith.constant 368 : index
          %parallel_loop3A_673 = tpu.vector_load %arg10[%parallel_loop3A_671, %parallel_loop3A_672] {strides = array<i32>} : memref<32x384xi32, #tpu.memory_space<vmem>>, vector<16xi32>,
          %parallel_loop3A_674 = arith.index_cast %parallel_loop3A_118 : i32 to index
          %parallel_loop3A_675 = arith.constant 368 : index
          %parallel_loop3A_676 = tpu.vector_load %arg9[%parallel_loop3A_674, %parallel_loop3A_675] {strides = array<i32>} : memref<32x768xf32, #tpu.memory_space<vmem>>, vector<16xf32>,
          %parallel_loop3A_677 = arith.constant 16 : i32
          %parallel_loop3A_678 = vector.broadcast %parallel_loop3A_677 : i32 to vector<16xi32>
          %parallel_loop3A_679 = arith.shli %parallel_loop3A_673, %parallel_loop3A_678 : vector<16xi32>
          %parallel_loop3A_680 = vector.bitcast %parallel_loop3A_679 : vector<16xi32> to vector<16xf32>
          %parallel_loop3A_681 = arith.addf %parallel_loop3A_676, %parallel_loop3A_680 : vector<16xf32>
          %parallel_loop3A_682 = arith.index_cast %parallel_loop3A_118 : i32 to index
          %parallel_loop3A_683 = arith.constant 752 : index
          %parallel_loop3A_684 = tpu.vector_load %arg9[%parallel_loop3A_682, %parallel_loop3A_683] {strides = array<i32>} : memref<32x768xf32, #tpu.memory_space<vmem>>, vector<16xf32>,
          %parallel_loop3A_685 = vector.broadcast %parallel_loop3A_74 : i32 to vector<16xi32>
          %parallel_loop3A_686 = arith.andi %parallel_loop3A_673, %parallel_loop3A_685 : vector<16xi32>
          %parallel_loop3A_687 = vector.bitcast %parallel_loop3A_686 : vector<16xi32> to vector<16xf32>
          %parallel_loop3A_688 = arith.addf %parallel_loop3A_684, %parallel_loop3A_687 : vector<16xf32>
          %parallel_loop3A_689 = arith.index_cast %parallel_loop3A_118 : i32 to index
          %parallel_loop3A_690 = arith.constant 368 : index
          %parallel_loop3A_691 = tpu.vector_load %arg11[%parallel_loop3A_689, %parallel_loop3A_690] {strides = array<i32>} : memref<32x768xf32, #tpu.memory_space<vmem>>, vector<16xf32>,
          tpu.vector_store %arg11[%parallel_loop3A_689, %parallel_loop3A_690], %parallel_loop3A_681 {strides = array<i32>} : memref<32x768xf32, #tpu.memory_space<vmem>>, vector<16xf32>,
          %parallel_loop3A_692 = arith.index_cast %parallel_loop3A_118 : i32 to index
          %parallel_loop3A_693 = arith.constant 752 : index
          %parallel_loop3A_694 = tpu.vector_load %arg11[%parallel_loop3A_692, %parallel_loop3A_693] {strides = array<i32>} : memref<32x768xf32, #tpu.memory_space<vmem>>, vector<16xf32>,
          tpu.vector_store %arg11[%parallel_loop3A_692, %parallel_loop3A_693], %parallel_loop3A_688 {strides = array<i32>} : memref<32x768xf32, #tpu.memory_space<vmem>>, vector<16xf32>,
        } {sc.loop_unroll_factor = 2 : i64, sc.parallel_access}
        %mul3A_75 = arith.constant 32 : i32
        %mul3A_76 = arith.muli %add3A_46, %mul3A_75 : i32
        %add3A_77 = arith.addi %add3A_14, %mul3A_76 : i32
        %dma_start3A_78 = arith.constant 0 : i32
        %dma_start3A_79 = tpu.memref_slice %arg6[%add3A_77, %dma_start3A_78] : memref<204800x768xf32, #tpu.memory_space<hbm>> -> memref<32x768xf32, #tpu.memory_space<hbm>>
        %dma_start3A_80 = arith.constant 0 : i32
        %dma_start3A_81 = tpu.memref_slice %arg6[%add3A_77, %dma_start3A_80] : memref<204800x768xf32, #tpu.memory_space<hbm>> -> memref<32x768xf32, #tpu.memory_space<hbm>>
        tpu.enqueue_dma source(%arg11 : memref<32x768xf32, #tpu.memory_space<vmem>>) target(%dma_start3A_81 : memref<32x768xf32, #tpu.memory_space<hbm>>) target_semaphore(%arg17 : memref<!tpu.dma_semaphore, #tpu.memory_space<semaphore_mem>>)
        %add3A_82 = arith.constant 2 : i32
        %add3A_83 = arith.addi %add3A_46, %add3A_82 : i32
        %lt3A = arith.constant 50 : i32
        %lt3A_84 = arith.cmpi slt, %add3A_83, %lt3A : i32
        %convert_element_type3A_85 = arith.extui %lt3A_84 : i1 to i32
        %cond3A_86 = arith.constant 0 : i32
        %cond3A_87 = arith.cmpi ne, %convert_element_type3A_85, %cond3A_86 : i32
        scf.if %cond3A_87 {
          %add3A_118 = arith.constant 2 : i32
          %add3A_119 = arith.addi %add3A_46, %add3A_118 : i32
          %mul3A_120 = arith.constant 32 : i32
          %mul3A_121 = arith.muli %add3A_119, %mul3A_120 : i32
          %dma_start3A_122 = tpu.memref_slice %arg7[%mul3A_121] : memref<1600xi32, #tpu.memory_space<vmem>> -> memref<32xi32, #tpu.memory_space<vmem>>
          %dma_start3A_123 = arith.constant 0 : i32
          %dma_start3A_124 = arith.constant 0 : i32
          %dma_start3A_125 = tpu.memref_slice %arg2[%dma_start3A_123, %dma_start3A_124] : memref<100000x768xf32, #tpu.memory_space<hbm>> -> memref<100000x768xf32, #tpu.memory_space<hbm>>
          tpu.enqueue_indirect_dma source(%dma_start3A_125 : memref<100000x768xf32, #tpu.memory_space<hbm>>) target(%arg9 : memref<32x768xf32, #tpu.memory_space<vmem>>) offsets(%dma_start3A_122 : memref<32xi32, #tpu.memory_space<vmem>>) semaphore(%arg15 : memref<!tpu.dma_semaphore, #tpu.memory_space<semaphore_mem>>)
          %dma_start3A_126 = tpu.memref_slice %arg8[%mul3A_121] : memref<1600xi32, #tpu.memory_space<vmem>> -> memref<32xi32, #tpu.memory_space<vmem>>
          %dma_start3A_127 = arith.constant 0 : i32
          %dma_start3A_128 = arith.constant 0 : i32
          %dma_start3A_129 = tpu.memref_slice %arg3[%dma_start3A_127, %dma_start3A_128] : memref<600x384xi32, #tpu.memory_space<hbm>> -> memref<600x384xi32, #tpu.memory_space<hbm>>
          tpu.enqueue_indirect_dma source(%dma_start3A_129 : memref<600x384xi32, #tpu.memory_space<hbm>>) target(%arg10 : memref<32x384xi32, #tpu.memory_space<vmem>>) offsets(%dma_start3A_126 : memref<32xi32, #tpu.memory_space<vmem>>) semaphore(%arg16 : memref<!tpu.dma_semaphore, #tpu.memory_space<semaphore_mem>>)
        } else {
        }
        %add3A_88 = arith.constant 1 : i32
        %add3A_89 = arith.addi %add3A_46, %add3A_88 : i32
        %mul3A_90 = arith.constant 32 : i32
        %mul3A_91 = arith.muli %add3A_89, %mul3A_90 : i32
        %dma_wait3A_92 = tpu.memref_slice %arg7[%mul3A_91] : memref<1600xi32, #tpu.memory_space<vmem>> -> memref<32xi32, #tpu.memory_space<vmem>>
        %dma_wait3A_93 = arith.constant 0 : i32
        %dma_wait3A_94 = arith.constant 0 : i32
        %dma_wait3A_95 = tpu.memref_slice %arg2[%dma_wait3A_93, %dma_wait3A_94] : memref<100000x768xf32, #tpu.memory_space<hbm>> -> memref<100000x768xf32, #tpu.memory_space<hbm>>
        tpu.wait_indirect_dma semaphore(%arg18 : memref<!tpu.dma_semaphore, #tpu.memory_space<semaphore_mem>>) src(%dma_wait3A_95 : memref<100000x768xf32, #tpu.memory_space<hbm>>) dst(%arg12 : memref<32x768xf32, #tpu.memory_space<vmem>>)
        %dma_wait3A_96 = tpu.memref_slice %arg8[%mul3A_91] : memref<1600xi32, #tpu.memory_space<vmem>> -> memref<32xi32, #tpu.memory_space<vmem>>
        %dma_wait3A_97 = arith.constant 0 : i32
        %dma_wait3A_98 = arith.constant 0 : i32
        %dma_wait3A_99 = tpu.memref_slice %arg3[%dma_wait3A_97, %dma_wait3A_98] : memref<600x384xi32, #tpu.memory_space<hbm>> -> memref<600x384xi32, #tpu.memory_space<hbm>>
        tpu.wait_indirect_dma semaphore(%arg19 : memref<!tpu.dma_semaphore, #tpu.memory_space<semaphore_mem>>) src(%dma_wait3A_99 : memref<600x384xi32, #tpu.memory_space<hbm>>) dst(%arg13 : memref<32x384xi32, #tpu.memory_space<vmem>>)
        %gt3A_100 = arith.constant 0 : i32
        %gt3A_101 = arith.cmpi sgt, %add3A_46, %gt3A_100 : i32
        %convert_element_type3A_102 = arith.extui %gt3A_101 : i1 to i32
        %cond3A_103 = arith.constant 0 : i32
        %cond3A_104 = arith.cmpi ne, %convert_element_type3A_102, %cond3A_103 : i32
        scf.if %cond3A_104 {
          %sub3A = arith.constant 1 : i32
          %sub3A_118 = arith.subi %add3A_46, %sub3A : i32
          %mul3A_119 = arith.constant 32 : i32
          %mul3A_120 = arith.muli %sub3A_118, %mul3A_119 : i32
          %add3A_121 = arith.addi %add3A_14, %mul3A_120 : i32
          %dma_wait3A_122 = arith.constant 0 : i32
          %dma_wait3A_123 = tpu.memref_slice %arg6[%add3A_121, %dma_wait3A_122] : memref<204800x768xf32, #tpu.memory_space<hbm>> -> memref<32x768xf32, #tpu.memory_space<hbm>>
          %dma_wait3A_124 = arith.constant 0 : i32
          %dma_wait3A_125 = tpu.memref_slice %arg6[%add3A_121, %dma_wait3A_124] : memref<204800x768xf32, #tpu.memory_space<hbm>> -> memref<32x768xf32, #tpu.memory_space<hbm>>
          tpu.wait_dma2 semaphore(%arg20 : memref<!tpu.dma_semaphore, #tpu.memory_space<semaphore_mem>>) src(%arg14 : memref<32x768xf32, #tpu.memory_space<vmem>>) dst(%dma_wait3A_125 : memref<32x768xf32, #tpu.memory_space<hbm>>)
        } else {
        }
        %parallel_loop3A_105 = arith.constant 0 : i32
        %parallel_loop3A_106 = arith.constant 32 : i32
        %parallel_loop3A_107 = arith.constant 1 : i32
        %parallel_loop3A_108 = arith.constant -65536 : i32
        scf.for %parallel_loop3A_118 = %parallel_loop3A_105 to %parallel_loop3A_106 step %parallel_loop3A_107  : i32 {
          %parallel_loop3A_119 = arith.index_cast %parallel_loop3A_118 : i32 to index
          %parallel_loop3A_120 = arith.constant 0 : index
          %parallel_loop3A_121 = tpu.vector_load %arg13[%parallel_loop3A_119, %parallel_loop3A_120] {strides = array<i32>} : memref<32x384xi32, #tpu.memory_space<vmem>>, vector<16xi32>,
          %parallel_loop3A_122 = arith.index_cast %parallel_loop3A_118 : i32 to index
          %parallel_loop3A_123 = arith.constant 0 : index
          %parallel_loop3A_124 = tpu.vector_load %arg12[%parallel_loop3A_122, %parallel_loop3A_123] {strides = array<i32>} : memref<32x768xf32, #tpu.memory_space<vmem>>, vector<16xf32>,
          %parallel_loop3A_125 = arith.constant 16 : i32
          %parallel_loop3A_126 = vector.broadcast %parallel_loop3A_125 : i32 to vector<16xi32>
          %parallel_loop3A_127 = arith.shli %parallel_loop3A_121, %parallel_loop3A_126 : vector<16xi32>
          %parallel_loop3A_128 = vector.bitcast %parallel_loop3A_127 : vector<16xi32> to vector<16xf32>
          %parallel_loop3A_129 = arith.addf %parallel_loop3A_124, %parallel_loop3A_128 : vector<16xf32>
          %parallel_loop3A_130 = arith.index_cast %parallel_loop3A_118 : i32 to index
          %parallel_loop3A_131 = arith.constant 384 : index
          %parallel_loop3A_132 = tpu.vector_load %arg12[%parallel_loop3A_130, %parallel_loop3A_131] {strides = array<i32>} : memref<32x768xf32, #tpu.memory_space<vmem>>, vector<16xf32>,
          %parallel_loop3A_133 = vector.broadcast %parallel_loop3A_108 : i32 to vector<16xi32>
          %parallel_loop3A_134 = arith.andi %parallel_loop3A_121, %parallel_loop3A_133 : vector<16xi32>
          %parallel_loop3A_135 = vector.bitcast %parallel_loop3A_134 : vector<16xi32> to vector<16xf32>
          %parallel_loop3A_136 = arith.addf %parallel_loop3A_132, %parallel_loop3A_135 : vector<16xf32>
          %parallel_loop3A_137 = arith.index_cast %parallel_loop3A_118 : i32 to index
          %parallel_loop3A_138 = arith.constant 0 : index
          %parallel_loop3A_139 = tpu.vector_load %arg14[%parallel_loop3A_137, %parallel_loop3A_138] {strides = array<i32>} : memref<32x768xf32, #tpu.memory_space<vmem>>, vector<16xf32>,
          tpu.vector_store %arg14[%parallel_loop3A_137, %parallel_loop3A_138], %parallel_loop3A_129 {strides = array<i32>} : memref<32x768xf32, #tpu.memory_space<vmem>>, vector<16xf32>,
          %parallel_loop3A_140 = arith.index_cast %parallel_loop3A_118 : i32 to index
          %parallel_loop3A_141 = arith.constant 384 : index
          %parallel_loop3A_142 = tpu.vector_load %arg14[%parallel_loop3A_140, %parallel_loop3A_141] {strides = array<i32>} : memref<32x768xf32, #tpu.memory_space<vmem>>, vector<16xf32>,
          tpu.vector_store %arg14[%parallel_loop3A_140, %parallel_loop3A_141], %parallel_loop3A_136 {strides = array<i32>} : memref<32x768xf32, #tpu.memory_space<vmem>>, vector<16xf32>,
          %parallel_loop3A_143 = arith.index_cast %parallel_loop3A_118 : i32 to index
          %parallel_loop3A_144 = arith.constant 16 : index
          %parallel_loop3A_145 = tpu.vector_load %arg13[%parallel_loop3A_143, %parallel_loop3A_144] {strides = array<i32>} : memref<32x384xi32, #tpu.memory_space<vmem>>, vector<16xi32>,
          %parallel_loop3A_146 = arith.index_cast %parallel_loop3A_118 : i32 to index
          %parallel_loop3A_147 = arith.constant 16 : index
          %parallel_loop3A_148 = tpu.vector_load %arg12[%parallel_loop3A_146, %parallel_loop3A_147] {strides = array<i32>} : memref<32x768xf32, #tpu.memory_space<vmem>>, vector<16xf32>,
          %parallel_loop3A_149 = arith.constant 16 : i32
          %parallel_loop3A_150 = vector.broadcast %parallel_loop3A_149 : i32 to vector<16xi32>
          %parallel_loop3A_151 = arith.shli %parallel_loop3A_145, %parallel_loop3A_150 : vector<16xi32>
          %parallel_loop3A_152 = vector.bitcast %parallel_loop3A_151 : vector<16xi32> to vector<16xf32>
          %parallel_loop3A_153 = arith.addf %parallel_loop3A_148, %parallel_loop3A_152 : vector<16xf32>
          %parallel_loop3A_154 = arith.index_cast %parallel_loop3A_118 : i32 to index
          %parallel_loop3A_155 = arith.constant 400 : index
          %parallel_loop3A_156 = tpu.vector_load %arg12[%parallel_loop3A_154, %parallel_loop3A_155] {strides = array<i32>} : memref<32x768xf32, #tpu.memory_space<vmem>>, vector<16xf32>,
          %parallel_loop3A_157 = vector.broadcast %parallel_loop3A_108 : i32 to vector<16xi32>
          %parallel_loop3A_158 = arith.andi %parallel_loop3A_145, %parallel_loop3A_157 : vector<16xi32>
          %parallel_loop3A_159 = vector.bitcast %parallel_loop3A_158 : vector<16xi32> to vector<16xf32>
          %parallel_loop3A_160 = arith.addf %parallel_loop3A_156, %parallel_loop3A_159 : vector<16xf32>
          %parallel_loop3A_161 = arith.index_cast %parallel_loop3A_118 : i32 to index
          %parallel_loop3A_162 = arith.constant 16 : index
          %parallel_loop3A_163 = tpu.vector_load %arg14[%parallel_loop3A_161, %parallel_loop3A_162] {strides = array<i32>} : memref<32x768xf32, #tpu.memory_space<vmem>>, vector<16xf32>,
          tpu.vector_store %arg14[%parallel_loop3A_161, %parallel_loop3A_162], %parallel_loop3A_153 {strides = array<i32>} : memref<32x768xf32, #tpu.memory_space<vmem>>, vector<16xf32>,
          %parallel_loop3A_164 = arith.index_cast %parallel_loop3A_118 : i32 to index
          %parallel_loop3A_165 = arith.constant 400 : index
          %parallel_loop3A_166 = tpu.vector_load %arg14[%parallel_loop3A_164, %parallel_loop3A_165] {strides = array<i32>} : memref<32x768xf32, #tpu.memory_space<vmem>>, vector<16xf32>,
          tpu.vector_store %arg14[%parallel_loop3A_164, %parallel_loop3A_165], %parallel_loop3A_160 {strides = array<i32>} : memref<32x768xf32, #tpu.memory_space<vmem>>, vector<16xf32>,
          %parallel_loop3A_167 = arith.index_cast %parallel_loop3A_118 : i32 to index
          %parallel_loop3A_168 = arith.constant 32 : index
          %parallel_loop3A_169 = tpu.vector_load %arg13[%parallel_loop3A_167, %parallel_loop3A_168] {strides = array<i32>} : memref<32x384xi32, #tpu.memory_space<vmem>>, vector<16xi32>,
          %parallel_loop3A_170 = arith.index_cast %parallel_loop3A_118 : i32 to index
          %parallel_loop3A_171 = arith.constant 32 : index
          %parallel_loop3A_172 = tpu.vector_load %arg12[%parallel_loop3A_170, %parallel_loop3A_171] {strides = array<i32>} : memref<32x768xf32, #tpu.memory_space<vmem>>, vector<16xf32>,
          %parallel_loop3A_173 = arith.constant 16 : i32
          %parallel_loop3A_174 = vector.broadcast %parallel_loop3A_173 : i32 to vector<16xi32>
          %parallel_loop3A_175 = arith.shli %parallel_loop3A_169, %parallel_loop3A_174 : vector<16xi32>
          %parallel_loop3A_176 = vector.bitcast %parallel_loop3A_175 : vector<16xi32> to vector<16xf32>
          %parallel_loop3A_177 = arith.addf %parallel_loop3A_172, %parallel_loop3A_176 : vector<16xf32>
          %parallel_loop3A_178 = arith.index_cast %parallel_loop3A_118 : i32 to index
          %parallel_loop3A_179 = arith.constant 416 : index
          %parallel_loop3A_180 = tpu.vector_load %arg12[%parallel_loop3A_178, %parallel_loop3A_179] {strides = array<i32>} : memref<32x768xf32, #tpu.memory_space<vmem>>, vector<16xf32>,
          %parallel_loop3A_181 = vector.broadcast %parallel_loop3A_108 : i32 to vector<16xi32>
          %parallel_loop3A_182 = arith.andi %parallel_loop3A_169, %parallel_loop3A_181 : vector<16xi32>
          %parallel_loop3A_183 = vector.bitcast %parallel_loop3A_182 : vector<16xi32> to vector<16xf32>
          %parallel_loop3A_184 = arith.addf %parallel_loop3A_180, %parallel_loop3A_183 : vector<16xf32>
          %parallel_loop3A_185 = arith.index_cast %parallel_loop3A_118 : i32 to index
          %parallel_loop3A_186 = arith.constant 32 : index
          %parallel_loop3A_187 = tpu.vector_load %arg14[%parallel_loop3A_185, %parallel_loop3A_186] {strides = array<i32>} : memref<32x768xf32, #tpu.memory_space<vmem>>, vector<16xf32>,
          tpu.vector_store %arg14[%parallel_loop3A_185, %parallel_loop3A_186], %parallel_loop3A_177 {strides = array<i32>} : memref<32x768xf32, #tpu.memory_space<vmem>>, vector<16xf32>,
          %parallel_loop3A_188 = arith.index_cast %parallel_loop3A_118 : i32 to index
          %parallel_loop3A_189 = arith.constant 416 : index
          %parallel_loop3A_190 = tpu.vector_load %arg14[%parallel_loop3A_188, %parallel_loop3A_189] {strides = array<i32>} : memref<32x768xf32, #tpu.memory_space<vmem>>, vector<16xf32>,
          tpu.vector_store %arg14[%parallel_loop3A_188, %parallel_loop3A_189], %parallel_loop3A_184 {strides = array<i32>} : memref<32x768xf32, #tpu.memory_space<vmem>>, vector<16xf32>,
          %parallel_loop3A_191 = arith.index_cast %parallel_loop3A_118 : i32 to index
          %parallel_loop3A_192 = arith.constant 48 : index
          %parallel_loop3A_193 = tpu.vector_load %arg13[%parallel_loop3A_191, %parallel_loop3A_192] {strides = array<i32>} : memref<32x384xi32, #tpu.memory_space<vmem>>, vector<16xi32>,
          %parallel_loop3A_194 = arith.index_cast %parallel_loop3A_118 : i32 to index
          %parallel_loop3A_195 = arith.constant 48 : index
          %parallel_loop3A_196 = tpu.vector_load %arg12[%parallel_loop3A_194, %parallel_loop3A_195] {strides = array<i32>} : memref<32x768xf32, #tpu.memory_space<vmem>>, vector<16xf32>,
          %parallel_loop3A_197 = arith.constant 16 : i32
          %parallel_loop3A_198 = vector.broadcast %parallel_loop3A_197 : i32 to vector<16xi32>
          %parallel_loop3A_199 = arith.shli %parallel_loop3A_193, %parallel_loop3A_198 : vector<16xi32>
          %parallel_loop3A_200 = vector.bitcast %parallel_loop3A_199 : vector<16xi32> to vector<16xf32>
          %parallel_loop3A_201 = arith.addf %parallel_loop3A_196, %parallel_loop3A_200 : vector<16xf32>
          %parallel_loop3A_202 = arith.index_cast %parallel_loop3A_118 : i32 to index
          %parallel_loop3A_203 = arith.constant 432 : index
          %parallel_loop3A_204 = tpu.vector_load %arg12[%parallel_loop3A_202, %parallel_loop3A_203] {strides = array<i32>} : memref<32x768xf32, #tpu.memory_space<vmem>>, vector<16xf32>,
          %parallel_loop3A_205 = vector.broadcast %parallel_loop3A_108 : i32 to vector<16xi32>
          %parallel_loop3A_206 = arith.andi %parallel_loop3A_193, %parallel_loop3A_205 : vector<16xi32>
          %parallel_loop3A_207 = vector.bitcast %parallel_loop3A_206 : vector<16xi32> to vector<16xf32>
          %parallel_loop3A_208 = arith.addf %parallel_loop3A_204, %parallel_loop3A_207 : vector<16xf32>
          %parallel_loop3A_209 = arith.index_cast %parallel_loop3A_118 : i32 to index
          %parallel_loop3A_210 = arith.constant 48 : index
          %parallel_loop3A_211 = tpu.vector_load %arg14[%parallel_loop3A_209, %parallel_loop3A_210] {strides = array<i32>} : memref<32x768xf32, #tpu.memory_space<vmem>>, vector<16xf32>,
          tpu.vector_store %arg14[%parallel_loop3A_209, %parallel_loop3A_210], %parallel_loop3A_201 {strides = array<i32>} : memref<32x768xf32, #tpu.memory_space<vmem>>, vector<16xf32>,
          %parallel_loop3A_212 = arith.index_cast %parallel_loop3A_118 : i32 to index
          %parallel_loop3A_213 = arith.constant 432 : index
          %parallel_loop3A_214 = tpu.vector_load %arg14[%parallel_loop3A_212, %parallel_loop3A_213] {strides = array<i32>} : memref<32x768xf32, #tpu.memory_space<vmem>>, vector<16xf32>,
          tpu.vector_store %arg14[%parallel_loop3A_212, %parallel_loop3A_213], %parallel_loop3A_208 {strides = array<i32>} : memref<32x768xf32, #tpu.memory_space<vmem>>, vector<16xf32>,
          %parallel_loop3A_215 = arith.index_cast %parallel_loop3A_118 : i32 to index
          %parallel_loop3A_216 = arith.constant 64 : index
          %parallel_loop3A_217 = tpu.vector_load %arg13[%parallel_loop3A_215, %parallel_loop3A_216] {strides = array<i32>} : memref<32x384xi32, #tpu.memory_space<vmem>>, vector<16xi32>,
          %parallel_loop3A_218 = arith.index_cast %parallel_loop3A_118 : i32 to index
          %parallel_loop3A_219 = arith.constant 64 : index
          %parallel_loop3A_220 = tpu.vector_load %arg12[%parallel_loop3A_218, %parallel_loop3A_219] {strides = array<i32>} : memref<32x768xf32, #tpu.memory_space<vmem>>, vector<16xf32>,
          %parallel_loop3A_221 = arith.constant 16 : i32
          %parallel_loop3A_222 = vector.broadcast %parallel_loop3A_221 : i32 to vector<16xi32>
          %parallel_loop3A_223 = arith.shli %parallel_loop3A_217, %parallel_loop3A_222 : vector<16xi32>
          %parallel_loop3A_224 = vector.bitcast %parallel_loop3A_223 : vector<16xi32> to vector<16xf32>
          %parallel_loop3A_225 = arith.addf %parallel_loop3A_220, %parallel_loop3A_224 : vector<16xf32>
          %parallel_loop3A_226 = arith.index_cast %parallel_loop3A_118 : i32 to index
          %parallel_loop3A_227 = arith.constant 448 : index
          %parallel_loop3A_228 = tpu.vector_load %arg12[%parallel_loop3A_226, %parallel_loop3A_227] {strides = array<i32>} : memref<32x768xf32, #tpu.memory_space<vmem>>, vector<16xf32>,
          %parallel_loop3A_229 = vector.broadcast %parallel_loop3A_108 : i32 to vector<16xi32>
          %parallel_loop3A_230 = arith.andi %parallel_loop3A_217, %parallel_loop3A_229 : vector<16xi32>
          %parallel_loop3A_231 = vector.bitcast %parallel_loop3A_230 : vector<16xi32> to vector<16xf32>
          %parallel_loop3A_232 = arith.addf %parallel_loop3A_228, %parallel_loop3A_231 : vector<16xf32>
          %parallel_loop3A_233 = arith.index_cast %parallel_loop3A_118 : i32 to index
          %parallel_loop3A_234 = arith.constant 64 : index
          %parallel_loop3A_235 = tpu.vector_load %arg14[%parallel_loop3A_233, %parallel_loop3A_234] {strides = array<i32>} : memref<32x768xf32, #tpu.memory_space<vmem>>, vector<16xf32>,
          tpu.vector_store %arg14[%parallel_loop3A_233, %parallel_loop3A_234], %parallel_loop3A_225 {strides = array<i32>} : memref<32x768xf32, #tpu.memory_space<vmem>>, vector<16xf32>,
          %parallel_loop3A_236 = arith.index_cast %parallel_loop3A_118 : i32 to index
          %parallel_loop3A_237 = arith.constant 448 : index
          %parallel_loop3A_238 = tpu.vector_load %arg14[%parallel_loop3A_236, %parallel_loop3A_237] {strides = array<i32>} : memref<32x768xf32, #tpu.memory_space<vmem>>, vector<16xf32>,
          tpu.vector_store %arg14[%parallel_loop3A_236, %parallel_loop3A_237], %parallel_loop3A_232 {strides = array<i32>} : memref<32x768xf32, #tpu.memory_space<vmem>>, vector<16xf32>,
          %parallel_loop3A_239 = arith.index_cast %parallel_loop3A_118 : i32 to index
          %parallel_loop3A_240 = arith.constant 80 : index
          %parallel_loop3A_241 = tpu.vector_load %arg13[%parallel_loop3A_239, %parallel_loop3A_240] {strides = array<i32>} : memref<32x384xi32, #tpu.memory_space<vmem>>, vector<16xi32>,
          %parallel_loop3A_242 = arith.index_cast %parallel_loop3A_118 : i32 to index
          %parallel_loop3A_243 = arith.constant 80 : index
          %parallel_loop3A_244 = tpu.vector_load %arg12[%parallel_loop3A_242, %parallel_loop3A_243] {strides = array<i32>} : memref<32x768xf32, #tpu.memory_space<vmem>>, vector<16xf32>,
          %parallel_loop3A_245 = arith.constant 16 : i32
          %parallel_loop3A_246 = vector.broadcast %parallel_loop3A_245 : i32 to vector<16xi32>
          %parallel_loop3A_247 = arith.shli %parallel_loop3A_241, %parallel_loop3A_246 : vector<16xi32>
          %parallel_loop3A_248 = vector.bitcast %parallel_loop3A_247 : vector<16xi32> to vector<16xf32>
          %parallel_loop3A_249 = arith.addf %parallel_loop3A_244, %parallel_loop3A_248 : vector<16xf32>
          %parallel_loop3A_250 = arith.index_cast %parallel_loop3A_118 : i32 to index
          %parallel_loop3A_251 = arith.constant 464 : index
          %parallel_loop3A_252 = tpu.vector_load %arg12[%parallel_loop3A_250, %parallel_loop3A_251] {strides = array<i32>} : memref<32x768xf32, #tpu.memory_space<vmem>>, vector<16xf32>,
          %parallel_loop3A_253 = vector.broadcast %parallel_loop3A_108 : i32 to vector<16xi32>
          %parallel_loop3A_254 = arith.andi %parallel_loop3A_241, %parallel_loop3A_253 : vector<16xi32>
          %parallel_loop3A_255 = vector.bitcast %parallel_loop3A_254 : vector<16xi32> to vector<16xf32>
          %parallel_loop3A_256 = arith.addf %parallel_loop3A_252, %parallel_loop3A_255 : vector<16xf32>
          %parallel_loop3A_257 = arith.index_cast %parallel_loop3A_118 : i32 to index
          %parallel_loop3A_258 = arith.constant 80 : index
          %parallel_loop3A_259 = tpu.vector_load %arg14[%parallel_loop3A_257, %parallel_loop3A_258] {strides = array<i32>} : memref<32x768xf32, #tpu.memory_space<vmem>>, vector<16xf32>,
          tpu.vector_store %arg14[%parallel_loop3A_257, %parallel_loop3A_258], %parallel_loop3A_249 {strides = array<i32>} : memref<32x768xf32, #tpu.memory_space<vmem>>, vector<16xf32>,
          %parallel_loop3A_260 = arith.index_cast %parallel_loop3A_118 : i32 to index
          %parallel_loop3A_261 = arith.constant 464 : index
          %parallel_loop3A_262 = tpu.vector_load %arg14[%parallel_loop3A_260, %parallel_loop3A_261] {strides = array<i32>} : memref<32x768xf32, #tpu.memory_space<vmem>>, vector<16xf32>,
          tpu.vector_store %arg14[%parallel_loop3A_260, %parallel_loop3A_261], %parallel_loop3A_256 {strides = array<i32>} : memref<32x768xf32, #tpu.memory_space<vmem>>, vector<16xf32>,
          %parallel_loop3A_263 = arith.index_cast %parallel_loop3A_118 : i32 to index
          %parallel_loop3A_264 = arith.constant 96 : index
          %parallel_loop3A_265 = tpu.vector_load %arg13[%parallel_loop3A_263, %parallel_loop3A_264] {strides = array<i32>} : memref<32x384xi32, #tpu.memory_space<vmem>>, vector<16xi32>,
          %parallel_loop3A_266 = arith.index_cast %parallel_loop3A_118 : i32 to index
          %parallel_loop3A_267 = arith.constant 96 : index
          %parallel_loop3A_268 = tpu.vector_load %arg12[%parallel_loop3A_266, %parallel_loop3A_267] {strides = array<i32>} : memref<32x768xf32, #tpu.memory_space<vmem>>, vector<16xf32>,
          %parallel_loop3A_269 = arith.constant 16 : i32
          %parallel_loop3A_270 = vector.broadcast %parallel_loop3A_269 : i32 to vector<16xi32>
          %parallel_loop3A_271 = arith.shli %parallel_loop3A_265, %parallel_loop3A_270 : vector<16xi32>
          %parallel_loop3A_272 = vector.bitcast %parallel_loop3A_271 : vector<16xi32> to vector<16xf32>
          %parallel_loop3A_273 = arith.addf %parallel_loop3A_268, %parallel_loop3A_272 : vector<16xf32>
          %parallel_loop3A_274 = arith.index_cast %parallel_loop3A_118 : i32 to index
          %parallel_loop3A_275 = arith.constant 480 : index
          %parallel_loop3A_276 = tpu.vector_load %arg12[%parallel_loop3A_274, %parallel_loop3A_275] {strides = array<i32>} : memref<32x768xf32, #tpu.memory_space<vmem>>, vector<16xf32>,
          %parallel_loop3A_277 = vector.broadcast %parallel_loop3A_108 : i32 to vector<16xi32>
          %parallel_loop3A_278 = arith.andi %parallel_loop3A_265, %parallel_loop3A_277 : vector<16xi32>
          %parallel_loop3A_279 = vector.bitcast %parallel_loop3A_278 : vector<16xi32> to vector<16xf32>
          %parallel_loop3A_280 = arith.addf %parallel_loop3A_276, %parallel_loop3A_279 : vector<16xf32>
          %parallel_loop3A_281 = arith.index_cast %parallel_loop3A_118 : i32 to index
          %parallel_loop3A_282 = arith.constant 96 : index
          %parallel_loop3A_283 = tpu.vector_load %arg14[%parallel_loop3A_281, %parallel_loop3A_282] {strides = array<i32>} : memref<32x768xf32, #tpu.memory_space<vmem>>, vector<16xf32>,
          tpu.vector_store %arg14[%parallel_loop3A_281, %parallel_loop3A_282], %parallel_loop3A_273 {strides = array<i32>} : memref<32x768xf32, #tpu.memory_space<vmem>>, vector<16xf32>,
          %parallel_loop3A_284 = arith.index_cast %parallel_loop3A_118 : i32 to index
          %parallel_loop3A_285 = arith.constant 480 : index
          %parallel_loop3A_286 = tpu.vector_load %arg14[%parallel_loop3A_284, %parallel_loop3A_285] {strides = array<i32>} : memref<32x768xf32, #tpu.memory_space<vmem>>, vector<16xf32>,
          tpu.vector_store %arg14[%parallel_loop3A_284, %parallel_loop3A_285], %parallel_loop3A_280 {strides = array<i32>} : memref<32x768xf32, #tpu.memory_space<vmem>>, vector<16xf32>,
          %parallel_loop3A_287 = arith.index_cast %parallel_loop3A_118 : i32 to index
          %parallel_loop3A_288 = arith.constant 112 : index
          %parallel_loop3A_289 = tpu.vector_load %arg13[%parallel_loop3A_287, %parallel_loop3A_288] {strides = array<i32>} : memref<32x384xi32, #tpu.memory_space<vmem>>, vector<16xi32>,
          %parallel_loop3A_290 = arith.index_cast %parallel_loop3A_118 : i32 to index
          %parallel_loop3A_291 = arith.constant 112 : index
          %parallel_loop3A_292 = tpu.vector_load %arg12[%parallel_loop3A_290, %parallel_loop3A_291] {strides = array<i32>} : memref<32x768xf32, #tpu.memory_space<vmem>>, vector<16xf32>,
          %parallel_loop3A_293 = arith.constant 16 : i32
          %parallel_loop3A_294 = vector.broadcast %parallel_loop3A_293 : i32 to vector<16xi32>
          %parallel_loop3A_295 = arith.shli %parallel_loop3A_289, %parallel_loop3A_294 : vector<16xi32>
          %parallel_loop3A_296 = vector.bitcast %parallel_loop3A_295 : vector<16xi32> to vector<16xf32>
          %parallel_loop3A_297 = arith.addf %parallel_loop3A_292, %parallel_loop3A_296 : vector<16xf32>
          %parallel_loop3A_298 = arith.index_cast %parallel_loop3A_118 : i32 to index
          %parallel_loop3A_299 = arith.constant 496 : index
          %parallel_loop3A_300 = tpu.vector_load %arg12[%parallel_loop3A_298, %parallel_loop3A_299] {strides = array<i32>} : memref<32x768xf32, #tpu.memory_space<vmem>>, vector<16xf32>,
          %parallel_loop3A_301 = vector.broadcast %parallel_loop3A_108 : i32 to vector<16xi32>
          %parallel_loop3A_302 = arith.andi %parallel_loop3A_289, %parallel_loop3A_301 : vector<16xi32>
          %parallel_loop3A_303 = vector.bitcast %parallel_loop3A_302 : vector<16xi32> to vector<16xf32>
          %parallel_loop3A_304 = arith.addf %parallel_loop3A_300, %parallel_loop3A_303 : vector<16xf32>
          %parallel_loop3A_305 = arith.index_cast %parallel_loop3A_118 : i32 to index
          %parallel_loop3A_306 = arith.constant 112 : index
          %parallel_loop3A_307 = tpu.vector_load %arg14[%parallel_loop3A_305, %parallel_loop3A_306] {strides = array<i32>} : memref<32x768xf32, #tpu.memory_space<vmem>>, vector<16xf32>,
          tpu.vector_store %arg14[%parallel_loop3A_305, %parallel_loop3A_306], %parallel_loop3A_297 {strides = array<i32>} : memref<32x768xf32, #tpu.memory_space<vmem>>, vector<16xf32>,
          %parallel_loop3A_308 = arith.index_cast %parallel_loop3A_118 : i32 to index
          %parallel_loop3A_309 = arith.constant 496 : index
          %parallel_loop3A_310 = tpu.vector_load %arg14[%parallel_loop3A_308, %parallel_loop3A_309] {strides = array<i32>} : memref<32x768xf32, #tpu.memory_space<vmem>>, vector<16xf32>,
          tpu.vector_store %arg14[%parallel_loop3A_308, %parallel_loop3A_309], %parallel_loop3A_304 {strides = array<i32>} : memref<32x768xf32, #tpu.memory_space<vmem>>, vector<16xf32>,
          %parallel_loop3A_311 = arith.index_cast %parallel_loop3A_118 : i32 to index
          %parallel_loop3A_312 = arith.constant 128 : index
          %parallel_loop3A_313 = tpu.vector_load %arg13[%parallel_loop3A_311, %parallel_loop3A_312] {strides = array<i32>} : memref<32x384xi32, #tpu.memory_space<vmem>>, vector<16xi32>,
          %parallel_loop3A_314 = arith.index_cast %parallel_loop3A_118 : i32 to index
          %parallel_loop3A_315 = arith.constant 128 : index
          %parallel_loop3A_316 = tpu.vector_load %arg12[%parallel_loop3A_314, %parallel_loop3A_315] {strides = array<i32>} : memref<32x768xf32, #tpu.memory_space<vmem>>, vector<16xf32>,
          %parallel_loop3A_317 = arith.constant 16 : i32
          %parallel_loop3A_318 = vector.broadcast %parallel_loop3A_317 : i32 to vector<16xi32>
          %parallel_loop3A_319 = arith.shli %parallel_loop3A_313, %parallel_loop3A_318 : vector<16xi32>
          %parallel_loop3A_320 = vector.bitcast %parallel_loop3A_319 : vector<16xi32> to vector<16xf32>
          %parallel_loop3A_321 = arith.addf %parallel_loop3A_316, %parallel_loop3A_320 : vector<16xf32>
          %parallel_loop3A_322 = arith.index_cast %parallel_loop3A_118 : i32 to index
          %parallel_loop3A_323 = arith.constant 512 : index
          %parallel_loop3A_324 = tpu.vector_load %arg12[%parallel_loop3A_322, %parallel_loop3A_323] {strides = array<i32>} : memref<32x768xf32, #tpu.memory_space<vmem>>, vector<16xf32>,
          %parallel_loop3A_325 = vector.broadcast %parallel_loop3A_108 : i32 to vector<16xi32>
          %parallel_loop3A_326 = arith.andi %parallel_loop3A_313, %parallel_loop3A_325 : vector<16xi32>
          %parallel_loop3A_327 = vector.bitcast %parallel_loop3A_326 : vector<16xi32> to vector<16xf32>
          %parallel_loop3A_328 = arith.addf %parallel_loop3A_324, %parallel_loop3A_327 : vector<16xf32>
          %parallel_loop3A_329 = arith.index_cast %parallel_loop3A_118 : i32 to index
          %parallel_loop3A_330 = arith.constant 128 : index
          %parallel_loop3A_331 = tpu.vector_load %arg14[%parallel_loop3A_329, %parallel_loop3A_330] {strides = array<i32>} : memref<32x768xf32, #tpu.memory_space<vmem>>, vector<16xf32>,
          tpu.vector_store %arg14[%parallel_loop3A_329, %parallel_loop3A_330], %parallel_loop3A_321 {strides = array<i32>} : memref<32x768xf32, #tpu.memory_space<vmem>>, vector<16xf32>,
          %parallel_loop3A_332 = arith.index_cast %parallel_loop3A_118 : i32 to index
          %parallel_loop3A_333 = arith.constant 512 : index
          %parallel_loop3A_334 = tpu.vector_load %arg14[%parallel_loop3A_332, %parallel_loop3A_333] {strides = array<i32>} : memref<32x768xf32, #tpu.memory_space<vmem>>, vector<16xf32>,
          tpu.vector_store %arg14[%parallel_loop3A_332, %parallel_loop3A_333], %parallel_loop3A_328 {strides = array<i32>} : memref<32x768xf32, #tpu.memory_space<vmem>>, vector<16xf32>,
          %parallel_loop3A_335 = arith.index_cast %parallel_loop3A_118 : i32 to index
          %parallel_loop3A_336 = arith.constant 144 : index
          %parallel_loop3A_337 = tpu.vector_load %arg13[%parallel_loop3A_335, %parallel_loop3A_336] {strides = array<i32>} : memref<32x384xi32, #tpu.memory_space<vmem>>, vector<16xi32>,
          %parallel_loop3A_338 = arith.index_cast %parallel_loop3A_118 : i32 to index
          %parallel_loop3A_339 = arith.constant 144 : index
          %parallel_loop3A_340 = tpu.vector_load %arg12[%parallel_loop3A_338, %parallel_loop3A_339] {strides = array<i32>} : memref<32x768xf32, #tpu.memory_space<vmem>>, vector<16xf32>,
          %parallel_loop3A_341 = arith.constant 16 : i32
          %parallel_loop3A_342 = vector.broadcast %parallel_loop3A_341 : i32 to vector<16xi32>
          %parallel_loop3A_343 = arith.shli %parallel_loop3A_337, %parallel_loop3A_342 : vector<16xi32>
          %parallel_loop3A_344 = vector.bitcast %parallel_loop3A_343 : vector<16xi32> to vector<16xf32>
          %parallel_loop3A_345 = arith.addf %parallel_loop3A_340, %parallel_loop3A_344 : vector<16xf32>
          %parallel_loop3A_346 = arith.index_cast %parallel_loop3A_118 : i32 to index
          %parallel_loop3A_347 = arith.constant 528 : index
          %parallel_loop3A_348 = tpu.vector_load %arg12[%parallel_loop3A_346, %parallel_loop3A_347] {strides = array<i32>} : memref<32x768xf32, #tpu.memory_space<vmem>>, vector<16xf32>,
          %parallel_loop3A_349 = vector.broadcast %parallel_loop3A_108 : i32 to vector<16xi32>
          %parallel_loop3A_350 = arith.andi %parallel_loop3A_337, %parallel_loop3A_349 : vector<16xi32>
          %parallel_loop3A_351 = vector.bitcast %parallel_loop3A_350 : vector<16xi32> to vector<16xf32>
          %parallel_loop3A_352 = arith.addf %parallel_loop3A_348, %parallel_loop3A_351 : vector<16xf32>
          %parallel_loop3A_353 = arith.index_cast %parallel_loop3A_118 : i32 to index
          %parallel_loop3A_354 = arith.constant 144 : index
          %parallel_loop3A_355 = tpu.vector_load %arg14[%parallel_loop3A_353, %parallel_loop3A_354] {strides = array<i32>} : memref<32x768xf32, #tpu.memory_space<vmem>>, vector<16xf32>,
          tpu.vector_store %arg14[%parallel_loop3A_353, %parallel_loop3A_354], %parallel_loop3A_345 {strides = array<i32>} : memref<32x768xf32, #tpu.memory_space<vmem>>, vector<16xf32>,
          %parallel_loop3A_356 = arith.index_cast %parallel_loop3A_118 : i32 to index
          %parallel_loop3A_357 = arith.constant 528 : index
          %parallel_loop3A_358 = tpu.vector_load %arg14[%parallel_loop3A_356, %parallel_loop3A_357] {strides = array<i32>} : memref<32x768xf32, #tpu.memory_space<vmem>>, vector<16xf32>,
          tpu.vector_store %arg14[%parallel_loop3A_356, %parallel_loop3A_357], %parallel_loop3A_352 {strides = array<i32>} : memref<32x768xf32, #tpu.memory_space<vmem>>, vector<16xf32>,
          %parallel_loop3A_359 = arith.index_cast %parallel_loop3A_118 : i32 to index
          %parallel_loop3A_360 = arith.constant 160 : index
          %parallel_loop3A_361 = tpu.vector_load %arg13[%parallel_loop3A_359, %parallel_loop3A_360] {strides = array<i32>} : memref<32x384xi32, #tpu.memory_space<vmem>>, vector<16xi32>,
          %parallel_loop3A_362 = arith.index_cast %parallel_loop3A_118 : i32 to index
          %parallel_loop3A_363 = arith.constant 160 : index
          %parallel_loop3A_364 = tpu.vector_load %arg12[%parallel_loop3A_362, %parallel_loop3A_363] {strides = array<i32>} : memref<32x768xf32, #tpu.memory_space<vmem>>, vector<16xf32>,
          %parallel_loop3A_365 = arith.constant 16 : i32
          %parallel_loop3A_366 = vector.broadcast %parallel_loop3A_365 : i32 to vector<16xi32>
          %parallel_loop3A_367 = arith.shli %parallel_loop3A_361, %parallel_loop3A_366 : vector<16xi32>
          %parallel_loop3A_368 = vector.bitcast %parallel_loop3A_367 : vector<16xi32> to vector<16xf32>
          %parallel_loop3A_369 = arith.addf %parallel_loop3A_364, %parallel_loop3A_368 : vector<16xf32>
          %parallel_loop3A_370 = arith.index_cast %parallel_loop3A_118 : i32 to index
          %parallel_loop3A_371 = arith.constant 544 : index
          %parallel_loop3A_372 = tpu.vector_load %arg12[%parallel_loop3A_370, %parallel_loop3A_371] {strides = array<i32>} : memref<32x768xf32, #tpu.memory_space<vmem>>, vector<16xf32>,
          %parallel_loop3A_373 = vector.broadcast %parallel_loop3A_108 : i32 to vector<16xi32>
          %parallel_loop3A_374 = arith.andi %parallel_loop3A_361, %parallel_loop3A_373 : vector<16xi32>
          %parallel_loop3A_375 = vector.bitcast %parallel_loop3A_374 : vector<16xi32> to vector<16xf32>
          %parallel_loop3A_376 = arith.addf %parallel_loop3A_372, %parallel_loop3A_375 : vector<16xf32>
          %parallel_loop3A_377 = arith.index_cast %parallel_loop3A_118 : i32 to index
          %parallel_loop3A_378 = arith.constant 160 : index
          %parallel_loop3A_379 = tpu.vector_load %arg14[%parallel_loop3A_377, %parallel_loop3A_378] {strides = array<i32>} : memref<32x768xf32, #tpu.memory_space<vmem>>, vector<16xf32>,
          tpu.vector_store %arg14[%parallel_loop3A_377, %parallel_loop3A_378], %parallel_loop3A_369 {strides = array<i32>} : memref<32x768xf32, #tpu.memory_space<vmem>>, vector<16xf32>,
          %parallel_loop3A_380 = arith.index_cast %parallel_loop3A_118 : i32 to index
          %parallel_loop3A_381 = arith.constant 544 : index
          %parallel_loop3A_382 = tpu.vector_load %arg14[%parallel_loop3A_380, %parallel_loop3A_381] {strides = array<i32>} : memref<32x768xf32, #tpu.memory_space<vmem>>, vector<16xf32>,
          tpu.vector_store %arg14[%parallel_loop3A_380, %parallel_loop3A_381], %parallel_loop3A_376 {strides = array<i32>} : memref<32x768xf32, #tpu.memory_space<vmem>>, vector<16xf32>,
          %parallel_loop3A_383 = arith.index_cast %parallel_loop3A_118 : i32 to index
          %parallel_loop3A_384 = arith.constant 176 : index
          %parallel_loop3A_385 = tpu.vector_load %arg13[%parallel_loop3A_383, %parallel_loop3A_384] {strides = array<i32>} : memref<32x384xi32, #tpu.memory_space<vmem>>, vector<16xi32>,
          %parallel_loop3A_386 = arith.index_cast %parallel_loop3A_118 : i32 to index
          %parallel_loop3A_387 = arith.constant 176 : index
          %parallel_loop3A_388 = tpu.vector_load %arg12[%parallel_loop3A_386, %parallel_loop3A_387] {strides = array<i32>} : memref<32x768xf32, #tpu.memory_space<vmem>>, vector<16xf32>,
          %parallel_loop3A_389 = arith.constant 16 : i32
          %parallel_loop3A_390 = vector.broadcast %parallel_loop3A_389 : i32 to vector<16xi32>
          %parallel_loop3A_391 = arith.shli %parallel_loop3A_385, %parallel_loop3A_390 : vector<16xi32>
          %parallel_loop3A_392 = vector.bitcast %parallel_loop3A_391 : vector<16xi32> to vector<16xf32>
          %parallel_loop3A_393 = arith.addf %parallel_loop3A_388, %parallel_loop3A_392 : vector<16xf32>
          %parallel_loop3A_394 = arith.index_cast %parallel_loop3A_118 : i32 to index
          %parallel_loop3A_395 = arith.constant 560 : index
          %parallel_loop3A_396 = tpu.vector_load %arg12[%parallel_loop3A_394, %parallel_loop3A_395] {strides = array<i32>} : memref<32x768xf32, #tpu.memory_space<vmem>>, vector<16xf32>,
          %parallel_loop3A_397 = vector.broadcast %parallel_loop3A_108 : i32 to vector<16xi32>
          %parallel_loop3A_398 = arith.andi %parallel_loop3A_385, %parallel_loop3A_397 : vector<16xi32>
          %parallel_loop3A_399 = vector.bitcast %parallel_loop3A_398 : vector<16xi32> to vector<16xf32>
          %parallel_loop3A_400 = arith.addf %parallel_loop3A_396, %parallel_loop3A_399 : vector<16xf32>
          %parallel_loop3A_401 = arith.index_cast %parallel_loop3A_118 : i32 to index
          %parallel_loop3A_402 = arith.constant 176 : index
          %parallel_loop3A_403 = tpu.vector_load %arg14[%parallel_loop3A_401, %parallel_loop3A_402] {strides = array<i32>} : memref<32x768xf32, #tpu.memory_space<vmem>>, vector<16xf32>,
          tpu.vector_store %arg14[%parallel_loop3A_401, %parallel_loop3A_402], %parallel_loop3A_393 {strides = array<i32>} : memref<32x768xf32, #tpu.memory_space<vmem>>, vector<16xf32>,
          %parallel_loop3A_404 = arith.index_cast %parallel_loop3A_118 : i32 to index
          %parallel_loop3A_405 = arith.constant 560 : index
          %parallel_loop3A_406 = tpu.vector_load %arg14[%parallel_loop3A_404, %parallel_loop3A_405] {strides = array<i32>} : memref<32x768xf32, #tpu.memory_space<vmem>>, vector<16xf32>,
          tpu.vector_store %arg14[%parallel_loop3A_404, %parallel_loop3A_405], %parallel_loop3A_400 {strides = array<i32>} : memref<32x768xf32, #tpu.memory_space<vmem>>, vector<16xf32>,
          %parallel_loop3A_407 = arith.index_cast %parallel_loop3A_118 : i32 to index
          %parallel_loop3A_408 = arith.constant 192 : index
          %parallel_loop3A_409 = tpu.vector_load %arg13[%parallel_loop3A_407, %parallel_loop3A_408] {strides = array<i32>} : memref<32x384xi32, #tpu.memory_space<vmem>>, vector<16xi32>,
          %parallel_loop3A_410 = arith.index_cast %parallel_loop3A_118 : i32 to index
          %parallel_loop3A_411 = arith.constant 192 : index
          %parallel_loop3A_412 = tpu.vector_load %arg12[%parallel_loop3A_410, %parallel_loop3A_411] {strides = array<i32>} : memref<32x768xf32, #tpu.memory_space<vmem>>, vector<16xf32>,
          %parallel_loop3A_413 = arith.constant 16 : i32
          %parallel_loop3A_414 = vector.broadcast %parallel_loop3A_413 : i32 to vector<16xi32>
          %parallel_loop3A_415 = arith.shli %parallel_loop3A_409, %parallel_loop3A_414 : vector<16xi32>
          %parallel_loop3A_416 = vector.bitcast %parallel_loop3A_415 : vector<16xi32> to vector<16xf32>
          %parallel_loop3A_417 = arith.addf %parallel_loop3A_412, %parallel_loop3A_416 : vector<16xf32>
          %parallel_loop3A_418 = arith.index_cast %parallel_loop3A_118 : i32 to index
          %parallel_loop3A_419 = arith.constant 576 : index
          %parallel_loop3A_420 = tpu.vector_load %arg12[%parallel_loop3A_418, %parallel_loop3A_419] {strides = array<i32>} : memref<32x768xf32, #tpu.memory_space<vmem>>, vector<16xf32>,
          %parallel_loop3A_421 = vector.broadcast %parallel_loop3A_108 : i32 to vector<16xi32>
          %parallel_loop3A_422 = arith.andi %parallel_loop3A_409, %parallel_loop3A_421 : vector<16xi32>
          %parallel_loop3A_423 = vector.bitcast %parallel_loop3A_422 : vector<16xi32> to vector<16xf32>
          %parallel_loop3A_424 = arith.addf %parallel_loop3A_420, %parallel_loop3A_423 : vector<16xf32>
          %parallel_loop3A_425 = arith.index_cast %parallel_loop3A_118 : i32 to index
          %parallel_loop3A_426 = arith.constant 192 : index
          %parallel_loop3A_427 = tpu.vector_load %arg14[%parallel_loop3A_425, %parallel_loop3A_426] {strides = array<i32>} : memref<32x768xf32, #tpu.memory_space<vmem>>, vector<16xf32>,
          tpu.vector_store %arg14[%parallel_loop3A_425, %parallel_loop3A_426], %parallel_loop3A_417 {strides = array<i32>} : memref<32x768xf32, #tpu.memory_space<vmem>>, vector<16xf32>,
          %parallel_loop3A_428 = arith.index_cast %parallel_loop3A_118 : i32 to index
          %parallel_loop3A_429 = arith.constant 576 : index
          %parallel_loop3A_430 = tpu.vector_load %arg14[%parallel_loop3A_428, %parallel_loop3A_429] {strides = array<i32>} : memref<32x768xf32, #tpu.memory_space<vmem>>, vector<16xf32>,
          tpu.vector_store %arg14[%parallel_loop3A_428, %parallel_loop3A_429], %parallel_loop3A_424 {strides = array<i32>} : memref<32x768xf32, #tpu.memory_space<vmem>>, vector<16xf32>,
          %parallel_loop3A_431 = arith.index_cast %parallel_loop3A_118 : i32 to index
          %parallel_loop3A_432 = arith.constant 208 : index
          %parallel_loop3A_433 = tpu.vector_load %arg13[%parallel_loop3A_431, %parallel_loop3A_432] {strides = array<i32>} : memref<32x384xi32, #tpu.memory_space<vmem>>, vector<16xi32>,
          %parallel_loop3A_434 = arith.index_cast %parallel_loop3A_118 : i32 to index
          %parallel_loop3A_435 = arith.constant 208 : index
          %parallel_loop3A_436 = tpu.vector_load %arg12[%parallel_loop3A_434, %parallel_loop3A_435] {strides = array<i32>} : memref<32x768xf32, #tpu.memory_space<vmem>>, vector<16xf32>,
          %parallel_loop3A_437 = arith.constant 16 : i32
          %parallel_loop3A_438 = vector.broadcast %parallel_loop3A_437 : i32 to vector<16xi32>
          %parallel_loop3A_439 = arith.shli %parallel_loop3A_433, %parallel_loop3A_438 : vector<16xi32>
          %parallel_loop3A_440 = vector.bitcast %parallel_loop3A_439 : vector<16xi32> to vector<16xf32>
          %parallel_loop3A_441 = arith.addf %parallel_loop3A_436, %parallel_loop3A_440 : vector<16xf32>
          %parallel_loop3A_442 = arith.index_cast %parallel_loop3A_118 : i32 to index
          %parallel_loop3A_443 = arith.constant 592 : index
          %parallel_loop3A_444 = tpu.vector_load %arg12[%parallel_loop3A_442, %parallel_loop3A_443] {strides = array<i32>} : memref<32x768xf32, #tpu.memory_space<vmem>>, vector<16xf32>,
          %parallel_loop3A_445 = vector.broadcast %parallel_loop3A_108 : i32 to vector<16xi32>
          %parallel_loop3A_446 = arith.andi %parallel_loop3A_433, %parallel_loop3A_445 : vector<16xi32>
          %parallel_loop3A_447 = vector.bitcast %parallel_loop3A_446 : vector<16xi32> to vector<16xf32>
          %parallel_loop3A_448 = arith.addf %parallel_loop3A_444, %parallel_loop3A_447 : vector<16xf32>
          %parallel_loop3A_449 = arith.index_cast %parallel_loop3A_118 : i32 to index
          %parallel_loop3A_450 = arith.constant 208 : index
          %parallel_loop3A_451 = tpu.vector_load %arg14[%parallel_loop3A_449, %parallel_loop3A_450] {strides = array<i32>} : memref<32x768xf32, #tpu.memory_space<vmem>>, vector<16xf32>,
          tpu.vector_store %arg14[%parallel_loop3A_449, %parallel_loop3A_450], %parallel_loop3A_441 {strides = array<i32>} : memref<32x768xf32, #tpu.memory_space<vmem>>, vector<16xf32>,
          %parallel_loop3A_452 = arith.index_cast %parallel_loop3A_118 : i32 to index
          %parallel_loop3A_453 = arith.constant 592 : index
          %parallel_loop3A_454 = tpu.vector_load %arg14[%parallel_loop3A_452, %parallel_loop3A_453] {strides = array<i32>} : memref<32x768xf32, #tpu.memory_space<vmem>>, vector<16xf32>,
          tpu.vector_store %arg14[%parallel_loop3A_452, %parallel_loop3A_453], %parallel_loop3A_448 {strides = array<i32>} : memref<32x768xf32, #tpu.memory_space<vmem>>, vector<16xf32>,
          %parallel_loop3A_455 = arith.index_cast %parallel_loop3A_118 : i32 to index
          %parallel_loop3A_456 = arith.constant 224 : index
          %parallel_loop3A_457 = tpu.vector_load %arg13[%parallel_loop3A_455, %parallel_loop3A_456] {strides = array<i32>} : memref<32x384xi32, #tpu.memory_space<vmem>>, vector<16xi32>,
          %parallel_loop3A_458 = arith.index_cast %parallel_loop3A_118 : i32 to index
          %parallel_loop3A_459 = arith.constant 224 : index
          %parallel_loop3A_460 = tpu.vector_load %arg12[%parallel_loop3A_458, %parallel_loop3A_459] {strides = array<i32>} : memref<32x768xf32, #tpu.memory_space<vmem>>, vector<16xf32>,
          %parallel_loop3A_461 = arith.constant 16 : i32
          %parallel_loop3A_462 = vector.broadcast %parallel_loop3A_461 : i32 to vector<16xi32>
          %parallel_loop3A_463 = arith.shli %parallel_loop3A_457, %parallel_loop3A_462 : vector<16xi32>
          %parallel_loop3A_464 = vector.bitcast %parallel_loop3A_463 : vector<16xi32> to vector<16xf32>
          %parallel_loop3A_465 = arith.addf %parallel_loop3A_460, %parallel_loop3A_464 : vector<16xf32>
          %parallel_loop3A_466 = arith.index_cast %parallel_loop3A_118 : i32 to index
          %parallel_loop3A_467 = arith.constant 608 : index
          %parallel_loop3A_468 = tpu.vector_load %arg12[%parallel_loop3A_466, %parallel_loop3A_467] {strides = array<i32>} : memref<32x768xf32, #tpu.memory_space<vmem>>, vector<16xf32>,
          %parallel_loop3A_469 = vector.broadcast %parallel_loop3A_108 : i32 to vector<16xi32>
          %parallel_loop3A_470 = arith.andi %parallel_loop3A_457, %parallel_loop3A_469 : vector<16xi32>
          %parallel_loop3A_471 = vector.bitcast %parallel_loop3A_470 : vector<16xi32> to vector<16xf32>
          %parallel_loop3A_472 = arith.addf %parallel_loop3A_468, %parallel_loop3A_471 : vector<16xf32>
          %parallel_loop3A_473 = arith.index_cast %parallel_loop3A_118 : i32 to index
          %parallel_loop3A_474 = arith.constant 224 : index
          %parallel_loop3A_475 = tpu.vector_load %arg14[%parallel_loop3A_473, %parallel_loop3A_474] {strides = array<i32>} : memref<32x768xf32, #tpu.memory_space<vmem>>, vector<16xf32>,
          tpu.vector_store %arg14[%parallel_loop3A_473, %parallel_loop3A_474], %parallel_loop3A_465 {strides = array<i32>} : memref<32x768xf32, #tpu.memory_space<vmem>>, vector<16xf32>,
          %parallel_loop3A_476 = arith.index_cast %parallel_loop3A_118 : i32 to index
          %parallel_loop3A_477 = arith.constant 608 : index
          %parallel_loop3A_478 = tpu.vector_load %arg14[%parallel_loop3A_476, %parallel_loop3A_477] {strides = array<i32>} : memref<32x768xf32, #tpu.memory_space<vmem>>, vector<16xf32>,
          tpu.vector_store %arg14[%parallel_loop3A_476, %parallel_loop3A_477], %parallel_loop3A_472 {strides = array<i32>} : memref<32x768xf32, #tpu.memory_space<vmem>>, vector<16xf32>,
          %parallel_loop3A_479 = arith.index_cast %parallel_loop3A_118 : i32 to index
          %parallel_loop3A_480 = arith.constant 240 : index
          %parallel_loop3A_481 = tpu.vector_load %arg13[%parallel_loop3A_479, %parallel_loop3A_480] {strides = array<i32>} : memref<32x384xi32, #tpu.memory_space<vmem>>, vector<16xi32>,
          %parallel_loop3A_482 = arith.index_cast %parallel_loop3A_118 : i32 to index
          %parallel_loop3A_483 = arith.constant 240 : index
          %parallel_loop3A_484 = tpu.vector_load %arg12[%parallel_loop3A_482, %parallel_loop3A_483] {strides = array<i32>} : memref<32x768xf32, #tpu.memory_space<vmem>>, vector<16xf32>,
          %parallel_loop3A_485 = arith.constant 16 : i32
          %parallel_loop3A_486 = vector.broadcast %parallel_loop3A_485 : i32 to vector<16xi32>
          %parallel_loop3A_487 = arith.shli %parallel_loop3A_481, %parallel_loop3A_486 : vector<16xi32>
          %parallel_loop3A_488 = vector.bitcast %parallel_loop3A_487 : vector<16xi32> to vector<16xf32>
          %parallel_loop3A_489 = arith.addf %parallel_loop3A_484, %parallel_loop3A_488 : vector<16xf32>
          %parallel_loop3A_490 = arith.index_cast %parallel_loop3A_118 : i32 to index
          %parallel_loop3A_491 = arith.constant 624 : index
          %parallel_loop3A_492 = tpu.vector_load %arg12[%parallel_loop3A_490, %parallel_loop3A_491] {strides = array<i32>} : memref<32x768xf32, #tpu.memory_space<vmem>>, vector<16xf32>,
          %parallel_loop3A_493 = vector.broadcast %parallel_loop3A_108 : i32 to vector<16xi32>
          %parallel_loop3A_494 = arith.andi %parallel_loop3A_481, %parallel_loop3A_493 : vector<16xi32>
          %parallel_loop3A_495 = vector.bitcast %parallel_loop3A_494 : vector<16xi32> to vector<16xf32>
          %parallel_loop3A_496 = arith.addf %parallel_loop3A_492, %parallel_loop3A_495 : vector<16xf32>
          %parallel_loop3A_497 = arith.index_cast %parallel_loop3A_118 : i32 to index
          %parallel_loop3A_498 = arith.constant 240 : index
          %parallel_loop3A_499 = tpu.vector_load %arg14[%parallel_loop3A_497, %parallel_loop3A_498] {strides = array<i32>} : memref<32x768xf32, #tpu.memory_space<vmem>>, vector<16xf32>,
          tpu.vector_store %arg14[%parallel_loop3A_497, %parallel_loop3A_498], %parallel_loop3A_489 {strides = array<i32>} : memref<32x768xf32, #tpu.memory_space<vmem>>, vector<16xf32>,
          %parallel_loop3A_500 = arith.index_cast %parallel_loop3A_118 : i32 to index
          %parallel_loop3A_501 = arith.constant 624 : index
          %parallel_loop3A_502 = tpu.vector_load %arg14[%parallel_loop3A_500, %parallel_loop3A_501] {strides = array<i32>} : memref<32x768xf32, #tpu.memory_space<vmem>>, vector<16xf32>,
          tpu.vector_store %arg14[%parallel_loop3A_500, %parallel_loop3A_501], %parallel_loop3A_496 {strides = array<i32>} : memref<32x768xf32, #tpu.memory_space<vmem>>, vector<16xf32>,
          %parallel_loop3A_503 = arith.index_cast %parallel_loop3A_118 : i32 to index
          %parallel_loop3A_504 = arith.constant 256 : index
          %parallel_loop3A_505 = tpu.vector_load %arg13[%parallel_loop3A_503, %parallel_loop3A_504] {strides = array<i32>} : memref<32x384xi32, #tpu.memory_space<vmem>>, vector<16xi32>,
          %parallel_loop3A_506 = arith.index_cast %parallel_loop3A_118 : i32 to index
          %parallel_loop3A_507 = arith.constant 256 : index
          %parallel_loop3A_508 = tpu.vector_load %arg12[%parallel_loop3A_506, %parallel_loop3A_507] {strides = array<i32>} : memref<32x768xf32, #tpu.memory_space<vmem>>, vector<16xf32>,
          %parallel_loop3A_509 = arith.constant 16 : i32
          %parallel_loop3A_510 = vector.broadcast %parallel_loop3A_509 : i32 to vector<16xi32>
          %parallel_loop3A_511 = arith.shli %parallel_loop3A_505, %parallel_loop3A_510 : vector<16xi32>
          %parallel_loop3A_512 = vector.bitcast %parallel_loop3A_511 : vector<16xi32> to vector<16xf32>
          %parallel_loop3A_513 = arith.addf %parallel_loop3A_508, %parallel_loop3A_512 : vector<16xf32>
          %parallel_loop3A_514 = arith.index_cast %parallel_loop3A_118 : i32 to index
          %parallel_loop3A_515 = arith.constant 640 : index
          %parallel_loop3A_516 = tpu.vector_load %arg12[%parallel_loop3A_514, %parallel_loop3A_515] {strides = array<i32>} : memref<32x768xf32, #tpu.memory_space<vmem>>, vector<16xf32>,
          %parallel_loop3A_517 = vector.broadcast %parallel_loop3A_108 : i32 to vector<16xi32>
          %parallel_loop3A_518 = arith.andi %parallel_loop3A_505, %parallel_loop3A_517 : vector<16xi32>
          %parallel_loop3A_519 = vector.bitcast %parallel_loop3A_518 : vector<16xi32> to vector<16xf32>
          %parallel_loop3A_520 = arith.addf %parallel_loop3A_516, %parallel_loop3A_519 : vector<16xf32>
          %parallel_loop3A_521 = arith.index_cast %parallel_loop3A_118 : i32 to index
          %parallel_loop3A_522 = arith.constant 256 : index
          %parallel_loop3A_523 = tpu.vector_load %arg14[%parallel_loop3A_521, %parallel_loop3A_522] {strides = array<i32>} : memref<32x768xf32, #tpu.memory_space<vmem>>, vector<16xf32>,
          tpu.vector_store %arg14[%parallel_loop3A_521, %parallel_loop3A_522], %parallel_loop3A_513 {strides = array<i32>} : memref<32x768xf32, #tpu.memory_space<vmem>>, vector<16xf32>,
          %parallel_loop3A_524 = arith.index_cast %parallel_loop3A_118 : i32 to index
          %parallel_loop3A_525 = arith.constant 640 : index
          %parallel_loop3A_526 = tpu.vector_load %arg14[%parallel_loop3A_524, %parallel_loop3A_525] {strides = array<i32>} : memref<32x768xf32, #tpu.memory_space<vmem>>, vector<16xf32>,
          tpu.vector_store %arg14[%parallel_loop3A_524, %parallel_loop3A_525], %parallel_loop3A_520 {strides = array<i32>} : memref<32x768xf32, #tpu.memory_space<vmem>>, vector<16xf32>,
          %parallel_loop3A_527 = arith.index_cast %parallel_loop3A_118 : i32 to index
          %parallel_loop3A_528 = arith.constant 272 : index
          %parallel_loop3A_529 = tpu.vector_load %arg13[%parallel_loop3A_527, %parallel_loop3A_528] {strides = array<i32>} : memref<32x384xi32, #tpu.memory_space<vmem>>, vector<16xi32>,
          %parallel_loop3A_530 = arith.index_cast %parallel_loop3A_118 : i32 to index
          %parallel_loop3A_531 = arith.constant 272 : index
          %parallel_loop3A_532 = tpu.vector_load %arg12[%parallel_loop3A_530, %parallel_loop3A_531] {strides = array<i32>} : memref<32x768xf32, #tpu.memory_space<vmem>>, vector<16xf32>,
          %parallel_loop3A_533 = arith.constant 16 : i32
          %parallel_loop3A_534 = vector.broadcast %parallel_loop3A_533 : i32 to vector<16xi32>
          %parallel_loop3A_535 = arith.shli %parallel_loop3A_529, %parallel_loop3A_534 : vector<16xi32>
          %parallel_loop3A_536 = vector.bitcast %parallel_loop3A_535 : vector<16xi32> to vector<16xf32>
          %parallel_loop3A_537 = arith.addf %parallel_loop3A_532, %parallel_loop3A_536 : vector<16xf32>
          %parallel_loop3A_538 = arith.index_cast %parallel_loop3A_118 : i32 to index
          %parallel_loop3A_539 = arith.constant 656 : index
          %parallel_loop3A_540 = tpu.vector_load %arg12[%parallel_loop3A_538, %parallel_loop3A_539] {strides = array<i32>} : memref<32x768xf32, #tpu.memory_space<vmem>>, vector<16xf32>,
          %parallel_loop3A_541 = vector.broadcast %parallel_loop3A_108 : i32 to vector<16xi32>
          %parallel_loop3A_542 = arith.andi %parallel_loop3A_529, %parallel_loop3A_541 : vector<16xi32>
          %parallel_loop3A_543 = vector.bitcast %parallel_loop3A_542 : vector<16xi32> to vector<16xf32>
          %parallel_loop3A_544 = arith.addf %parallel_loop3A_540, %parallel_loop3A_543 : vector<16xf32>
          %parallel_loop3A_545 = arith.index_cast %parallel_loop3A_118 : i32 to index
          %parallel_loop3A_546 = arith.constant 272 : index
          %parallel_loop3A_547 = tpu.vector_load %arg14[%parallel_loop3A_545, %parallel_loop3A_546] {strides = array<i32>} : memref<32x768xf32, #tpu.memory_space<vmem>>, vector<16xf32>,
          tpu.vector_store %arg14[%parallel_loop3A_545, %parallel_loop3A_546], %parallel_loop3A_537 {strides = array<i32>} : memref<32x768xf32, #tpu.memory_space<vmem>>, vector<16xf32>,
          %parallel_loop3A_548 = arith.index_cast %parallel_loop3A_118 : i32 to index
          %parallel_loop3A_549 = arith.constant 656 : index
          %parallel_loop3A_550 = tpu.vector_load %arg14[%parallel_loop3A_548, %parallel_loop3A_549] {strides = array<i32>} : memref<32x768xf32, #tpu.memory_space<vmem>>, vector<16xf32>,
          tpu.vector_store %arg14[%parallel_loop3A_548, %parallel_loop3A_549], %parallel_loop3A_544 {strides = array<i32>} : memref<32x768xf32, #tpu.memory_space<vmem>>, vector<16xf32>,
          %parallel_loop3A_551 = arith.index_cast %parallel_loop3A_118 : i32 to index
          %parallel_loop3A_552 = arith.constant 288 : index
          %parallel_loop3A_553 = tpu.vector_load %arg13[%parallel_loop3A_551, %parallel_loop3A_552] {strides = array<i32>} : memref<32x384xi32, #tpu.memory_space<vmem>>, vector<16xi32>,
          %parallel_loop3A_554 = arith.index_cast %parallel_loop3A_118 : i32 to index
          %parallel_loop3A_555 = arith.constant 288 : index
          %parallel_loop3A_556 = tpu.vector_load %arg12[%parallel_loop3A_554, %parallel_loop3A_555] {strides = array<i32>} : memref<32x768xf32, #tpu.memory_space<vmem>>, vector<16xf32>,
          %parallel_loop3A_557 = arith.constant 16 : i32
          %parallel_loop3A_558 = vector.broadcast %parallel_loop3A_557 : i32 to vector<16xi32>
          %parallel_loop3A_559 = arith.shli %parallel_loop3A_553, %parallel_loop3A_558 : vector<16xi32>
          %parallel_loop3A_560 = vector.bitcast %parallel_loop3A_559 : vector<16xi32> to vector<16xf32>
          %parallel_loop3A_561 = arith.addf %parallel_loop3A_556, %parallel_loop3A_560 : vector<16xf32>
          %parallel_loop3A_562 = arith.index_cast %parallel_loop3A_118 : i32 to index
          %parallel_loop3A_563 = arith.constant 672 : index
          %parallel_loop3A_564 = tpu.vector_load %arg12[%parallel_loop3A_562, %parallel_loop3A_563] {strides = array<i32>} : memref<32x768xf32, #tpu.memory_space<vmem>>, vector<16xf32>,
          %parallel_loop3A_565 = vector.broadcast %parallel_loop3A_108 : i32 to vector<16xi32>
          %parallel_loop3A_566 = arith.andi %parallel_loop3A_553, %parallel_loop3A_565 : vector<16xi32>
          %parallel_loop3A_567 = vector.bitcast %parallel_loop3A_566 : vector<16xi32> to vector<16xf32>
          %parallel_loop3A_568 = arith.addf %parallel_loop3A_564, %parallel_loop3A_567 : vector<16xf32>
          %parallel_loop3A_569 = arith.index_cast %parallel_loop3A_118 : i32 to index
          %parallel_loop3A_570 = arith.constant 288 : index
          %parallel_loop3A_571 = tpu.vector_load %arg14[%parallel_loop3A_569, %parallel_loop3A_570] {strides = array<i32>} : memref<32x768xf32, #tpu.memory_space<vmem>>, vector<16xf32>,
          tpu.vector_store %arg14[%parallel_loop3A_569, %parallel_loop3A_570], %parallel_loop3A_561 {strides = array<i32>} : memref<32x768xf32, #tpu.memory_space<vmem>>, vector<16xf32>,
          %parallel_loop3A_572 = arith.index_cast %parallel_loop3A_118 : i32 to index
          %parallel_loop3A_573 = arith.constant 672 : index
          %parallel_loop3A_574 = tpu.vector_load %arg14[%parallel_loop3A_572, %parallel_loop3A_573] {strides = array<i32>} : memref<32x768xf32, #tpu.memory_space<vmem>>, vector<16xf32>,
          tpu.vector_store %arg14[%parallel_loop3A_572, %parallel_loop3A_573], %parallel_loop3A_568 {strides = array<i32>} : memref<32x768xf32, #tpu.memory_space<vmem>>, vector<16xf32>,
          %parallel_loop3A_575 = arith.index_cast %parallel_loop3A_118 : i32 to index
          %parallel_loop3A_576 = arith.constant 304 : index
          %parallel_loop3A_577 = tpu.vector_load %arg13[%parallel_loop3A_575, %parallel_loop3A_576] {strides = array<i32>} : memref<32x384xi32, #tpu.memory_space<vmem>>, vector<16xi32>,
          %parallel_loop3A_578 = arith.index_cast %parallel_loop3A_118 : i32 to index
          %parallel_loop3A_579 = arith.constant 304 : index
          %parallel_loop3A_580 = tpu.vector_load %arg12[%parallel_loop3A_578, %parallel_loop3A_579] {strides = array<i32>} : memref<32x768xf32, #tpu.memory_space<vmem>>, vector<16xf32>,
          %parallel_loop3A_581 = arith.constant 16 : i32
          %parallel_loop3A_582 = vector.broadcast %parallel_loop3A_581 : i32 to vector<16xi32>
          %parallel_loop3A_583 = arith.shli %parallel_loop3A_577, %parallel_loop3A_582 : vector<16xi32>
          %parallel_loop3A_584 = vector.bitcast %parallel_loop3A_583 : vector<16xi32> to vector<16xf32>
          %parallel_loop3A_585 = arith.addf %parallel_loop3A_580, %parallel_loop3A_584 : vector<16xf32>
          %parallel_loop3A_586 = arith.index_cast %parallel_loop3A_118 : i32 to index
          %parallel_loop3A_587 = arith.constant 688 : index
          %parallel_loop3A_588 = tpu.vector_load %arg12[%parallel_loop3A_586, %parallel_loop3A_587] {strides = array<i32>} : memref<32x768xf32, #tpu.memory_space<vmem>>, vector<16xf32>,
          %parallel_loop3A_589 = vector.broadcast %parallel_loop3A_108 : i32 to vector<16xi32>
          %parallel_loop3A_590 = arith.andi %parallel_loop3A_577, %parallel_loop3A_589 : vector<16xi32>
          %parallel_loop3A_591 = vector.bitcast %parallel_loop3A_590 : vector<16xi32> to vector<16xf32>
          %parallel_loop3A_592 = arith.addf %parallel_loop3A_588, %parallel_loop3A_591 : vector<16xf32>
          %parallel_loop3A_593 = arith.index_cast %parallel_loop3A_118 : i32 to index
          %parallel_loop3A_594 = arith.constant 304 : index
          %parallel_loop3A_595 = tpu.vector_load %arg14[%parallel_loop3A_593, %parallel_loop3A_594] {strides = array<i32>} : memref<32x768xf32, #tpu.memory_space<vmem>>, vector<16xf32>,
          tpu.vector_store %arg14[%parallel_loop3A_593, %parallel_loop3A_594], %parallel_loop3A_585 {strides = array<i32>} : memref<32x768xf32, #tpu.memory_space<vmem>>, vector<16xf32>,
          %parallel_loop3A_596 = arith.index_cast %parallel_loop3A_118 : i32 to index
          %parallel_loop3A_597 = arith.constant 688 : index
          %parallel_loop3A_598 = tpu.vector_load %arg14[%parallel_loop3A_596, %parallel_loop3A_597] {strides = array<i32>} : memref<32x768xf32, #tpu.memory_space<vmem>>, vector<16xf32>,
          tpu.vector_store %arg14[%parallel_loop3A_596, %parallel_loop3A_597], %parallel_loop3A_592 {strides = array<i32>} : memref<32x768xf32, #tpu.memory_space<vmem>>, vector<16xf32>,
          %parallel_loop3A_599 = arith.index_cast %parallel_loop3A_118 : i32 to index
          %parallel_loop3A_600 = arith.constant 320 : index
          %parallel_loop3A_601 = tpu.vector_load %arg13[%parallel_loop3A_599, %parallel_loop3A_600] {strides = array<i32>} : memref<32x384xi32, #tpu.memory_space<vmem>>, vector<16xi32>,
          %parallel_loop3A_602 = arith.index_cast %parallel_loop3A_118 : i32 to index
          %parallel_loop3A_603 = arith.constant 320 : index
          %parallel_loop3A_604 = tpu.vector_load %arg12[%parallel_loop3A_602, %parallel_loop3A_603] {strides = array<i32>} : memref<32x768xf32, #tpu.memory_space<vmem>>, vector<16xf32>,
          %parallel_loop3A_605 = arith.constant 16 : i32
          %parallel_loop3A_606 = vector.broadcast %parallel_loop3A_605 : i32 to vector<16xi32>
          %parallel_loop3A_607 = arith.shli %parallel_loop3A_601, %parallel_loop3A_606 : vector<16xi32>
          %parallel_loop3A_608 = vector.bitcast %parallel_loop3A_607 : vector<16xi32> to vector<16xf32>
          %parallel_loop3A_609 = arith.addf %parallel_loop3A_604, %parallel_loop3A_608 : vector<16xf32>
          %parallel_loop3A_610 = arith.index_cast %parallel_loop3A_118 : i32 to index
          %parallel_loop3A_611 = arith.constant 704 : index
          %parallel_loop3A_612 = tpu.vector_load %arg12[%parallel_loop3A_610, %parallel_loop3A_611] {strides = array<i32>} : memref<32x768xf32, #tpu.memory_space<vmem>>, vector<16xf32>,
          %parallel_loop3A_613 = vector.broadcast %parallel_loop3A_108 : i32 to vector<16xi32>
          %parallel_loop3A_614 = arith.andi %parallel_loop3A_601, %parallel_loop3A_613 : vector<16xi32>
          %parallel_loop3A_615 = vector.bitcast %parallel_loop3A_614 : vector<16xi32> to vector<16xf32>
          %parallel_loop3A_616 = arith.addf %parallel_loop3A_612, %parallel_loop3A_615 : vector<16xf32>
          %parallel_loop3A_617 = arith.index_cast %parallel_loop3A_118 : i32 to index
          %parallel_loop3A_618 = arith.constant 320 : index
          %parallel_loop3A_619 = tpu.vector_load %arg14[%parallel_loop3A_617, %parallel_loop3A_618] {strides = array<i32>} : memref<32x768xf32, #tpu.memory_space<vmem>>, vector<16xf32>,
          tpu.vector_store %arg14[%parallel_loop3A_617, %parallel_loop3A_618], %parallel_loop3A_609 {strides = array<i32>} : memref<32x768xf32, #tpu.memory_space<vmem>>, vector<16xf32>,
          %parallel_loop3A_620 = arith.index_cast %parallel_loop3A_118 : i32 to index
          %parallel_loop3A_621 = arith.constant 704 : index
          %parallel_loop3A_622 = tpu.vector_load %arg14[%parallel_loop3A_620, %parallel_loop3A_621] {strides = array<i32>} : memref<32x768xf32, #tpu.memory_space<vmem>>, vector<16xf32>,
          tpu.vector_store %arg14[%parallel_loop3A_620, %parallel_loop3A_621], %parallel_loop3A_616 {strides = array<i32>} : memref<32x768xf32, #tpu.memory_space<vmem>>, vector<16xf32>,
          %parallel_loop3A_623 = arith.index_cast %parallel_loop3A_118 : i32 to index
          %parallel_loop3A_624 = arith.constant 336 : index
          %parallel_loop3A_625 = tpu.vector_load %arg13[%parallel_loop3A_623, %parallel_loop3A_624] {strides = array<i32>} : memref<32x384xi32, #tpu.memory_space<vmem>>, vector<16xi32>,
          %parallel_loop3A_626 = arith.index_cast %parallel_loop3A_118 : i32 to index
          %parallel_loop3A_627 = arith.constant 336 : index
          %parallel_loop3A_628 = tpu.vector_load %arg12[%parallel_loop3A_626, %parallel_loop3A_627] {strides = array<i32>} : memref<32x768xf32, #tpu.memory_space<vmem>>, vector<16xf32>,
          %parallel_loop3A_629 = arith.constant 16 : i32
          %parallel_loop3A_630 = vector.broadcast %parallel_loop3A_629 : i32 to vector<16xi32>
          %parallel_loop3A_631 = arith.shli %parallel_loop3A_625, %parallel_loop3A_630 : vector<16xi32>
          %parallel_loop3A_632 = vector.bitcast %parallel_loop3A_631 : vector<16xi32> to vector<16xf32>
          %parallel_loop3A_633 = arith.addf %parallel_loop3A_628, %parallel_loop3A_632 : vector<16xf32>
          %parallel_loop3A_634 = arith.index_cast %parallel_loop3A_118 : i32 to index
          %parallel_loop3A_635 = arith.constant 720 : index
          %parallel_loop3A_636 = tpu.vector_load %arg12[%parallel_loop3A_634, %parallel_loop3A_635] {strides = array<i32>} : memref<32x768xf32, #tpu.memory_space<vmem>>, vector<16xf32>,
          %parallel_loop3A_637 = vector.broadcast %parallel_loop3A_108 : i32 to vector<16xi32>
          %parallel_loop3A_638 = arith.andi %parallel_loop3A_625, %parallel_loop3A_637 : vector<16xi32>
          %parallel_loop3A_639 = vector.bitcast %parallel_loop3A_638 : vector<16xi32> to vector<16xf32>
          %parallel_loop3A_640 = arith.addf %parallel_loop3A_636, %parallel_loop3A_639 : vector<16xf32>
          %parallel_loop3A_641 = arith.index_cast %parallel_loop3A_118 : i32 to index
          %parallel_loop3A_642 = arith.constant 336 : index
          %parallel_loop3A_643 = tpu.vector_load %arg14[%parallel_loop3A_641, %parallel_loop3A_642] {strides = array<i32>} : memref<32x768xf32, #tpu.memory_space<vmem>>, vector<16xf32>,
          tpu.vector_store %arg14[%parallel_loop3A_641, %parallel_loop3A_642], %parallel_loop3A_633 {strides = array<i32>} : memref<32x768xf32, #tpu.memory_space<vmem>>, vector<16xf32>,
          %parallel_loop3A_644 = arith.index_cast %parallel_loop3A_118 : i32 to index
          %parallel_loop3A_645 = arith.constant 720 : index
          %parallel_loop3A_646 = tpu.vector_load %arg14[%parallel_loop3A_644, %parallel_loop3A_645] {strides = array<i32>} : memref<32x768xf32, #tpu.memory_space<vmem>>, vector<16xf32>,
          tpu.vector_store %arg14[%parallel_loop3A_644, %parallel_loop3A_645], %parallel_loop3A_640 {strides = array<i32>} : memref<32x768xf32, #tpu.memory_space<vmem>>, vector<16xf32>,
          %parallel_loop3A_647 = arith.index_cast %parallel_loop3A_118 : i32 to index
          %parallel_loop3A_648 = arith.constant 352 : index
          %parallel_loop3A_649 = tpu.vector_load %arg13[%parallel_loop3A_647, %parallel_loop3A_648] {strides = array<i32>} : memref<32x384xi32, #tpu.memory_space<vmem>>, vector<16xi32>,
          %parallel_loop3A_650 = arith.index_cast %parallel_loop3A_118 : i32 to index
          %parallel_loop3A_651 = arith.constant 352 : index
          %parallel_loop3A_652 = tpu.vector_load %arg12[%parallel_loop3A_650, %parallel_loop3A_651] {strides = array<i32>} : memref<32x768xf32, #tpu.memory_space<vmem>>, vector<16xf32>,
          %parallel_loop3A_653 = arith.constant 16 : i32
          %parallel_loop3A_654 = vector.broadcast %parallel_loop3A_653 : i32 to vector<16xi32>
          %parallel_loop3A_655 = arith.shli %parallel_loop3A_649, %parallel_loop3A_654 : vector<16xi32>
          %parallel_loop3A_656 = vector.bitcast %parallel_loop3A_655 : vector<16xi32> to vector<16xf32>
          %parallel_loop3A_657 = arith.addf %parallel_loop3A_652, %parallel_loop3A_656 : vector<16xf32>
          %parallel_loop3A_658 = arith.index_cast %parallel_loop3A_118 : i32 to index
          %parallel_loop3A_659 = arith.constant 736 : index
          %parallel_loop3A_660 = tpu.vector_load %arg12[%parallel_loop3A_658, %parallel_loop3A_659] {strides = array<i32>} : memref<32x768xf32, #tpu.memory_space<vmem>>, vector<16xf32>,
          %parallel_loop3A_661 = vector.broadcast %parallel_loop3A_108 : i32 to vector<16xi32>
          %parallel_loop3A_662 = arith.andi %parallel_loop3A_649, %parallel_loop3A_661 : vector<16xi32>
          %parallel_loop3A_663 = vector.bitcast %parallel_loop3A_662 : vector<16xi32> to vector<16xf32>
          %parallel_loop3A_664 = arith.addf %parallel_loop3A_660, %parallel_loop3A_663 : vector<16xf32>
          %parallel_loop3A_665 = arith.index_cast %parallel_loop3A_118 : i32 to index
          %parallel_loop3A_666 = arith.constant 352 : index
          %parallel_loop3A_667 = tpu.vector_load %arg14[%parallel_loop3A_665, %parallel_loop3A_666] {strides = array<i32>} : memref<32x768xf32, #tpu.memory_space<vmem>>, vector<16xf32>,
          tpu.vector_store %arg14[%parallel_loop3A_665, %parallel_loop3A_666], %parallel_loop3A_657 {strides = array<i32>} : memref<32x768xf32, #tpu.memory_space<vmem>>, vector<16xf32>,
          %parallel_loop3A_668 = arith.index_cast %parallel_loop3A_118 : i32 to index
          %parallel_loop3A_669 = arith.constant 736 : index
          %parallel_loop3A_670 = tpu.vector_load %arg14[%parallel_loop3A_668, %parallel_loop3A_669] {strides = array<i32>} : memref<32x768xf32, #tpu.memory_space<vmem>>, vector<16xf32>,
          tpu.vector_store %arg14[%parallel_loop3A_668, %parallel_loop3A_669], %parallel_loop3A_664 {strides = array<i32>} : memref<32x768xf32, #tpu.memory_space<vmem>>, vector<16xf32>,
          %parallel_loop3A_671 = arith.index_cast %parallel_loop3A_118 : i32 to index
          %parallel_loop3A_672 = arith.constant 368 : index
          %parallel_loop3A_673 = tpu.vector_load %arg13[%parallel_loop3A_671, %parallel_loop3A_672] {strides = array<i32>} : memref<32x384xi32, #tpu.memory_space<vmem>>, vector<16xi32>,
          %parallel_loop3A_674 = arith.index_cast %parallel_loop3A_118 : i32 to index
          %parallel_loop3A_675 = arith.constant 368 : index
          %parallel_loop3A_676 = tpu.vector_load %arg12[%parallel_loop3A_674, %parallel_loop3A_675] {strides = array<i32>} : memref<32x768xf32, #tpu.memory_space<vmem>>, vector<16xf32>,
          %parallel_loop3A_677 = arith.constant 16 : i32
          %parallel_loop3A_678 = vector.broadcast %parallel_loop3A_677 : i32 to vector<16xi32>
          %parallel_loop3A_679 = arith.shli %parallel_loop3A_673, %parallel_loop3A_678 : vector<16xi32>
          %parallel_loop3A_680 = vector.bitcast %parallel_loop3A_679 : vector<16xi32> to vector<16xf32>
          %parallel_loop3A_681 = arith.addf %parallel_loop3A_676, %parallel_loop3A_680 : vector<16xf32>
          %parallel_loop3A_682 = arith.index_cast %parallel_loop3A_118 : i32 to index
          %parallel_loop3A_683 = arith.constant 752 : index
          %parallel_loop3A_684 = tpu.vector_load %arg12[%parallel_loop3A_682, %parallel_loop3A_683] {strides = array<i32>} : memref<32x768xf32, #tpu.memory_space<vmem>>, vector<16xf32>,
          %parallel_loop3A_685 = vector.broadcast %parallel_loop3A_108 : i32 to vector<16xi32>
          %parallel_loop3A_686 = arith.andi %parallel_loop3A_673, %parallel_loop3A_685 : vector<16xi32>
          %parallel_loop3A_687 = vector.bitcast %parallel_loop3A_686 : vector<16xi32> to vector<16xf32>
          %parallel_loop3A_688 = arith.addf %parallel_loop3A_684, %parallel_loop3A_687 : vector<16xf32>
          %parallel_loop3A_689 = arith.index_cast %parallel_loop3A_118 : i32 to index
          %parallel_loop3A_690 = arith.constant 368 : index
          %parallel_loop3A_691 = tpu.vector_load %arg14[%parallel_loop3A_689, %parallel_loop3A_690] {strides = array<i32>} : memref<32x768xf32, #tpu.memory_space<vmem>>, vector<16xf32>,
          tpu.vector_store %arg14[%parallel_loop3A_689, %parallel_loop3A_690], %parallel_loop3A_681 {strides = array<i32>} : memref<32x768xf32, #tpu.memory_space<vmem>>, vector<16xf32>,
          %parallel_loop3A_692 = arith.index_cast %parallel_loop3A_118 : i32 to index
          %parallel_loop3A_693 = arith.constant 752 : index
          %parallel_loop3A_694 = tpu.vector_load %arg14[%parallel_loop3A_692, %parallel_loop3A_693] {strides = array<i32>} : memref<32x768xf32, #tpu.memory_space<vmem>>, vector<16xf32>,
          tpu.vector_store %arg14[%parallel_loop3A_692, %parallel_loop3A_693], %parallel_loop3A_688 {strides = array<i32>} : memref<32x768xf32, #tpu.memory_space<vmem>>, vector<16xf32>,
        } {sc.loop_unroll_factor = 2 : i64, sc.parallel_access}
        %add3A_109 = arith.constant 1 : i32
        %add3A_110 = arith.addi %add3A_46, %add3A_109 : i32
        %mul3A_111 = arith.constant 32 : i32
        %mul3A_112 = arith.muli %add3A_110, %mul3A_111 : i32
        %add3A_113 = arith.addi %add3A_14, %mul3A_112 : i32
        %dma_start3A_114 = arith.constant 0 : i32
        %dma_start3A_115 = tpu.memref_slice %arg6[%add3A_113, %dma_start3A_114] : memref<204800x768xf32, #tpu.memory_space<hbm>> -> memref<32x768xf32, #tpu.memory_space<hbm>>
        %dma_start3A_116 = arith.constant 0 : i32
        %dma_start3A_117 = tpu.memref_slice %arg6[%add3A_113, %dma_start3A_116] : memref<204800x768xf32, #tpu.memory_space<hbm>> -> memref<32x768xf32, #tpu.memory_space<hbm>>
        tpu.enqueue_dma source(%arg14 : memref<32x768xf32, #tpu.memory_space<vmem>>) target(%dma_start3A_117 : memref<32x768xf32, #tpu.memory_space<hbm>>) target_semaphore(%arg20 : memref<!tpu.dma_semaphore, #tpu.memory_space<semaphore_mem>>)
      }
      %scan3A_30 = arith.constant 25 : i32
      %add3A_31 = arith.constant 1536 : i32
      %add3A_32 = arith.addi %add3A_14, %add3A_31 : i32
      %dma_wait3A = arith.constant 0 : i32
      %dma_wait3A_33 = tpu.memref_slice %arg6[%add3A_32, %dma_wait3A] : memref<204800x768xf32, #tpu.memory_space<hbm>> -> memref<32x768xf32, #tpu.memory_space<hbm>>
      %dma_wait3A_34 = arith.constant 0 : i32
      %dma_wait3A_35 = tpu.memref_slice %arg6[%add3A_32, %dma_wait3A_34] : memref<204800x768xf32, #tpu.memory_space<hbm>> -> memref<32x768xf32, #tpu.memory_space<hbm>>
      tpu.wait_dma2 semaphore(%arg17 : memref<!tpu.dma_semaphore, #tpu.memory_space<semaphore_mem>>) src(%arg11 : memref<32x768xf32, #tpu.memory_space<vmem>>) dst(%dma_wait3A_35 : memref<32x768xf32, #tpu.memory_space<hbm>>)
      %add3A_36 = arith.constant 1568 : i32
      %add3A_37 = arith.addi %add3A_14, %add3A_36 : i32
      %dma_wait3A_38 = arith.constant 0 : i32
      %dma_wait3A_39 = tpu.memref_slice %arg6[%add3A_37, %dma_wait3A_38] : memref<204800x768xf32, #tpu.memory_space<hbm>> -> memref<32x768xf32, #tpu.memory_space<hbm>>
      %dma_wait3A_40 = arith.constant 0 : i32
      %dma_wait3A_41 = tpu.memref_slice %arg6[%add3A_37, %dma_wait3A_40] : memref<204800x768xf32, #tpu.memory_space<hbm>> -> memref<32x768xf32, #tpu.memory_space<hbm>>
      tpu.wait_dma2 semaphore(%arg20 : memref<!tpu.dma_semaphore, #tpu.memory_space<semaphore_mem>>) src(%arg14 : memref<32x768xf32, #tpu.memory_space<vmem>>) dst(%dma_wait3A_41 : memref<32x768xf32, #tpu.memory_space<hbm>>)
    }
    %scan3A_6 = arith.constant 4 : i32
    return
  }
}

module attributes {stable_mosaic.version = 14 : i64} {
  func.func @_comb_tc_body(%arg0: memref<200x768xf32, #tpu.memory_space<vmem>>, %arg1: memref<3x768xf32, #tpu.memory_space<vmem>>, %arg2: memref<600x768xf32, #tpu.memory_space<vmem>>) attributes {dimension_semantics = [], scalar_prefetch = 0 : i64, scratch_operands = 0 : i64, tpu.core_type = #tpu.core_type<tc>} {
    %get3A = arith.constant 0 : index
    %get3A_0 = arith.constant 0 : index
    %get3A_1 = vector.load %arg0[%get3A, %get3A_0] : memref<200x768xf32, #tpu.memory_space<vmem>>, vector<200x768xf32>
    %get3A_2 = arith.constant 0 : index
    %get3A_3 = arith.constant 0 : index
    %get3A_4 = vector.load %arg1[%get3A_2, %get3A_3] : memref<3x768xf32, #tpu.memory_space<vmem>>, vector<3x768xf32>
    %broadcast_in_dim3A = vector.shape_cast %get3A_1 : vector<200x768xf32> to vector<200x1x768xf32>
    %broadcast_in_dim3A_5 = vector.shape_cast %get3A_4 : vector<3x768xf32> to vector<1x3x768xf32>
    %add3A = vector.broadcast %broadcast_in_dim3A : vector<200x1x768xf32> to vector<200x3x768xf32>
    %add3A_6 = vector.broadcast %broadcast_in_dim3A_5 : vector<1x3x768xf32> to vector<200x3x768xf32>
    %add3A_7 = arith.addf %add3A, %add3A_6 : vector<200x3x768xf32>
    %reshape3A = vector.shape_cast %add3A_7 : vector<200x3x768xf32> to vector<600x768xf32>
    %swap3A = arith.constant 0 : index
    %swap3A_8 = arith.constant 0 : index
    %swap3A_9 = vector.load %arg2[%swap3A, %swap3A_8] : memref<600x768xf32, #tpu.memory_space<vmem>>, vector<600x768xf32>
    tpu.vector_store %arg2[%swap3A, %swap3A_8], %reshape3A {strides = array<i32>} : memref<600x768xf32, #tpu.memory_space<vmem>>, vector<600x768xf32>,
    return
  }
}

</mosaic_0001>

<sc_bundles>
// kernel: kernel.4.cloned.1.call-start
scs
__scs_entry_jumppad:
0x0: {  	(pc) =	sbr.rel $0x88, $3  }
0x1: {  	(tag) =	ssettag $0x0;
	lr =	simm.s32 $0x1  }
0x2: {  	[smem:$0x3F9C] =	sst lr;
	_ =	strace $0xD0000000  }
0x3: {  	_ = 	snop  }
0x4: {  	_ = 	snop  }
0x5: {  	_ = 	snop  }
0x6: {  	_ = 	snop  }
0x7: {  	_ = 	snop  }
__scs_overlays_trampoline_lowered:
0x8: {  	[smem:$0x3FAB] =	sst s0  }
0x9: {  	[smem:$0x3FAC] =	sst s1  }
0xa: {  	[smem:$0x3FAD] =	sst s2  }
0xb: {  	[smem:$0x3FAE] =	sst s3  }
0xc: {  	[smem:$0x3FAF] =	sst s4  }
0xd: {  	[smem:$0x3FB0] =	sst s5  }
0xe: {  	[smem:$0x3FB1] =	sst s6  }
0xf: {  	[smem:$0x3FB2] =	sst s7  }
0x10: {  	[smem:$0x3FB3] =	sst s8  }
0x11: {  	[smem:$0x3FB4] =	sst s9;
	s0 =	simm.s32 @!p0 $0x0  }
0x12: {  	s1 =	sld [smem:$0x3F9A];
	s0 =	simm.s32 @p0 $0x1  }
0x13: {  	[smem:$0x3FB5] =	sst s0;
	s0 =	simm.s32 @!p1 $0x0  }
0x14: {  	s2 =	sld [smem:$0x3F99];
	s0 =	simm.s32 @p1 $0x1  }
0x15: {  	[smem:$0x3FB6] =	sst s0;
	s0 =	simm.s32 @!p2 $0x0  }
0x16: {  	s3 =	sld [smem:$0x3FDB];
	s0 =	simm.s32 @p2 $0x1  }
0x17: {  	s4 =	simm.s32 $0x1BF5;
	[smem:$0x3FB8] =	sst s0  }
0x18: {  	s0 =	sld [smem:$0x3F9B];
	_ =	swait.ge [sflag:s4], $0x0  }
0x19: {  	s7 =	sld [smem:$0x3F9C]  }
0x1a: {  	s8 =	sadd.s32 $0xFFFFE003, lr  }
0x1b: {  	s9 =	sadd.s32 $0xFFFFFEF7, lr;
	s5 =	simm.s32 $0xFFFFFFFF;
	p2 =	slt.u32 s8, $0xFFFFF086  }
0x1c: {  	p1 =	slt.u32 s9, $0xF7A;
	s5 =	simm.s32 @!p2 $0x0  }
0x1d: {  	s5 =	simm.s32 @p1 $0x1;
	p0 =	seq.s32 s7, s2  }
0x1e: {  	s7 =	smul.u32 @!p0 $0xF7A, s2;
	p2 =	seq.s32 @!p0 s5, $0x0  }
0x1f: {  	s9 =	smul.u32 $0xF7A, s1;
	s8 =	simm.s32 @!p0 $0x1BF5;
	p2 =	por !p2, p0  }
0x20: {  	[sflag:s8] =	ssyncset.s32 @!p0 $0xFFFFF086;
	s6 =	sadd.s32 @!p0 s3, s7;
	s7 =	simm.s32 @!p0 $0x108  }
0x21: {  	s3 =	sadd.s32 s3, s9;
	s6 =	sadd.s32 @!p0 $0x88, s6;
	s7 =	simm.s32 @p2 $0x1082  }
0x22: {  	[simem:s7], [sflag:s8] =	dma.local @!p0 [hbm:s6], $0xF7A  }
0x23: {  	s9 =	sor.u32 $0xD0000000, s2;
	s6 =	simm.s32 $0x108;
	_ =	swait.ge @!p0 [sflag:s8], $0x0  }
0x24: {  	s3 =	sadd.s32 $0x88, s3;
	s6 =	simm.s32 @!p1 $0x1082;
	[sflag:s4] =	ssyncset.s32 $0xFFFFF086  }
0x25: {  	[simem:s6], [sflag:s4] =	dma.local [hbm:s3], $0xF7A  }
0x26: {  	[smem:$0x3F9C] =	sst s1;
	(tag) =	ssettag s2;
	_ =	strace s9  }
0x27: {  	s1 =	sld [smem:$0x3FAC]  }
0x28: {  	s2 =	sld [smem:$0x3FAD]  }
0x29: {  	s4 =	sld [smem:$0x3FAF]  }
0x2a: {  	p0 =	seq.s32 s5, $0x0;
	s5 =	sld [smem:$0x3FB0]  }
0x2b: {  	s6 =	sld [smem:$0x3FB1]  }
0x2c: {  	s7 =	sld [smem:$0x3FB2]  }
0x2d: {  	s3 =	simm.s32 $0x108;
	s8 =	sld [smem:$0x3FB3]  }
0x2e: {  	s3 =	simm.s32 @!p0 $0x1082;
	s9 =	sld [smem:$0x3FB4]  }
0x2f: {  	lr =	sadd.s32 s0, s3;
	s0 =	sld [smem:$0x3FAB]  }
0x30: {  	s3 =	sld [smem:$0x3FAE]  }
0x31: {  	[smem:$0x3FB7] =	sst s10  }
0x32: {  	s10 =	sld [smem:$0x3FB5];
	_ =	sdelay $0x3  }
0x33: {  	p0 =	seq.s32 s10, $0x1;
	s10 =	sld [smem:$0x3FB7];
	_ =	sdelay $0x3  }
0x34: {  	[smem:$0x3FB7] =	sst s10  }
0x35: {  	s10 =	sld [smem:$0x3FB6];
	_ =	sdelay $0x3  }
0x36: {  	p1 =	seq.s32 s10, $0x1;
	s10 =	sld [smem:$0x3FB7];
	_ =	sdelay $0x3  }
0x37: {  	[smem:$0x3FB7] =	sst s10  }
0x38: {  	s10 =	sld [smem:$0x3FB8]  }
0x39: {  	_ = 	snop;
	(pc) =	sbr.ind lr, $3  }
0x3a: {  	_ = 	snop  }
0x3b: {  	_ = 	snop  }
0x3c: {  	p2 =	seq.s32 s10, $0x1;
	s10 =	sld [smem:$0x3FB7]  }
0x3d: {  	_ =	shalt  }
0x3e: {  	_ =	shalt  }
0x3f: {  	_ =	shalt  }
0x40: {  	_ =	shalt  }
0x41: {  	_ =	shalt  }
0x42: {  	_ =	shalt  }
0x43: {  	_ =	shalt  }
0x44: {  	_ =	shalt  }
0x45: {  	_ =	shalt  }
0x46: {  	_ =	shalt  }
0x47: {  	_ =	shalt  }
0x48: {  	_ =	shalt  }
0x49: {  	_ =	shalt  }
0x4a: {  	_ =	shalt  }
0x4b: {  	_ =	shalt  }
0x4c: {  	_ =	shalt  }
0x4d: {  	_ =	shalt  }
0x4e: {  	_ =	shalt  }
0x4f: {  	_ =	shalt  }
0x50: {  	_ =	shalt  }
0x51: {  	_ =	shalt  }
0x52: {  	_ =	shalt  }
0x53: {  	_ =	shalt  }
0x54: {  	_ =	shalt  }
0x55: {  	_ =	shalt  }
0x56: {  	_ =	shalt  }
0x57: {  	_ =	shalt  }
0x58: {  	_ =	shalt  }
0x59: {  	_ =	shalt  }
0x5a: {  	_ =	shalt  }
0x5b: {  	_ =	shalt  }
0x5c: {  	_ =	shalt  }
0x5d: {  	_ =	shalt  }
0x5e: {  	_ =	shalt  }
0x5f: {  	_ =	shalt  }
0x60: {  	_ =	shalt  }
0x61: {  	_ =	shalt  }
0x62: {  	_ =	shalt  }
0x63: {  	_ =	shalt  }
0x64: {  	_ =	shalt  }
0x65: {  	_ =	shalt  }
0x66: {  	_ =	shalt  }
0x67: {  	_ =	shalt  }
0x68: {  	_ =	shalt  }
0x69: {  	_ =	shalt  }
0x6a: {  	_ =	shalt  }
0x6b: {  	_ =	shalt  }
0x6c: {  	_ =	shalt  }
0x6d: {  	_ =	shalt  }
0x6e: {  	_ =	shalt  }
0x6f: {  	_ =	shalt  }
0x70: {  	_ =	shalt  }
0x71: {  	_ =	shalt  }
0x72: {  	_ =	shalt  }
0x73: {  	_ =	shalt  }
0x74: {  	_ =	shalt  }
0x75: {  	_ =	shalt  }
0x76: {  	_ =	shalt  }
0x77: {  	_ =	shalt  }
0x78: {  	_ =	shalt  }
0x79: {  	_ =	shalt  }
0x7a: {  	_ =	shalt  }
0x7b: {  	_ =	shalt  }
0x7c: {  	_ =	shalt  }
0x7d: {  	_ =	shalt  }
0x7e: {  	_ =	shalt  }
0x7f: {  	_ =	shalt  }
0x80: {  	_ =	shalt  }
0x81: {  	_ =	shalt  }
0x82: {  	_ =	shalt  }
0x83: {  	_ =	shalt  }
0x84: {  	_ =	shalt  }
0x85: {  	_ =	shalt  }
0x86: {  	_ =	shalt  }
0x87: {  	_ =	shalt  }
.Lfunc_end0:
.L_simem_size_0:
called_computation_lowered:
.L_overlay_start_0:
0x88: {  	s2 =	sld [smem:$0x3FD9]  }
0x89: {  	s3 =	sld [smem:$0x3FFE];
	_ =	sdelay $0x1  }
0x8a: {  	s1 =	srdreg.scid  }
0x8b: {  	s0 =	sand.u32 $0x1, s1  }
0x8c: {  	s17 =	sshll.u32 s0, $0xA;
	s2 =	sadd.s32 s3, s2  }
0x8d: {  	s2 =	sadd.s32 s2, s17  }
0x8e: {  	[smem:$0x3FC3] =	sst s2  }
0x8f: {  	_ = 	snop  }
0x90: {  	s2 =	sld [smem:$0x3FC7]  }
0x91: {  	s18 =	sld [smem:$0x3FD0];
	(tm) =	ssettm $0x1  }
0x92: {  	s4 =	sld [smem:$0x3FFB];
	_ =	sdelay $0x3  }
0x93: {  	_ =	strace s4  }
0x94: {  	s4 =	sld [smem:$0x3FFC];
	_ =	sdelay $0x3  }
0x95: {  	_ =	strace s4  }
0x96: {  	s4 =	sld [smem:$0x3FFD];
	_ =	sdelay $0x3  }
0x97: {  	_ =	strace s4  }
0x98: {  	_ =	strace $0x8FFFFFFF  }
0x99: {  	s19 =	sld [smem:$0x3FDB];
	_ =	sdelay $0x1  }
0x9a: {  	s5 =	simm.s32 $_scs_section_size  }
0x9b: {  	s6 =	simm.s32 $_size__tile_overlayer_lowered;
	s7 =	simm.s32 $_tile_overlayer_lowered  }
0x9c: {  	s22 =	simm.s32 $0x1BFF;
	s21 =	sshll.u32 s7, $0x1;
	s4 =	sadd.s32 s5, s19  }
0x9d: {  	s8 =	simm.s32 $0x0;
	s20 =	sshll.u32 s6, $0x1;
	s6 =	sadd.s32 s21, s4  }
0x9e: {  	[timem:s8], [sflag:s22] =	dma.local [hbm:s6], s20  }
0x9f: {  	_ =	swait.ge [sflag:s22], s20  }
0xa0: {  	s5 =	ssub.s32 $0x0, s20;
	[sflag:s22] =	ssyncset.done $0x0  }
0xa1: {  	[sflag:s22] =	ssyncadd.s32 s5;
	_ =	sdelay $0x1  }
0xa2: {  	s23 =	simm.s32 $0x1B8B  }
0xa3: {  	_ =	swait.ge [sflag:s23], $0x1  }
0xa4: {  	[sflag:s23] =	ssyncset.done $0x0  }
0xa5: {  	s25 =	simm.s32 $0x1B8E;
	s24 =	sld [smem:$0x3FFE];
	[sflag:s23] =	ssyncadd.s32 $0xFFFFFFFF  }
0xa6: {  	s26 =	simm.s32 $execute0_lowered;
	[smem:$0x3FD2] =	sst s25  }
0xa7: {  	s6 =	sshll.u32 s26, $0x1;
	_ =	strace $0x80000046;
	[dreg:$0x1] =	wrdreg $0xFFFFFFFF  }
0xa8: {  	s28 =	simm.s32 $_size_execute0_lowered;
	s4 =	sadd.s32 s4, s6;
	[dreg:$0x0] =	wrdreg $0x0  }
0xa9: {  	s6 =	sshll.u32 s28, $0x1;
	[dreg:$0x2] =	wrdreg s4  }
0xaa: {  	[dreg:$0x3] =	wrdreg s6  }
0xab: {  	[dreg:$0x4] =	wrdreg $0xC0  }
0xac: {  	_ =	task [dreg:s8], $0x5FFFF  }
0xad: {  	[dreg:$0x1] =	wrdreg $0xFFFFFFFF  }
0xae: {  	[dreg:$0x0] =	wrdreg $0x60  }
0xaf: {  	[dreg:$0x2] =	wrdreg s2  }
0xb0: {  	[dreg:$0x3] =	wrdreg s24  }
0xb1: {  	[dreg:$0x4] =	wrdreg s18  }
0xb2: {  	[dreg:$0x5] =	wrdreg $0x9  }
0xb3: {  	_ =	task.clear_ibuf [dreg:s8], $0x6FFFF;
	_ =	strace $0x90000046  }
0xb4: {  	s29 =	simm.s32 $0x9;
	_ =	strace $0x80000048  }
0xb5: {  	_ =	swait.ge [sflag:s29], $0x1  }
0xb6: {  	[sflag:s29] =	ssyncadd.s32 $0xFFFFFFFF  }
0xb7: {  	_ =	strace $0x90000048  }
0xb8: {  	_ =	sfence  }
0xb9: {  	s30 =	sld [smem:$0x0];
	_ =	sdelay $0x2  }
0xba: {  	s31 =	sshll.u32 s1, $0xD;
	s1 =	sshrl.u32 s1, $0x2  }
0xbb: {  	s3 =	sand.u32 $0x4000, s31;
	s1 =	sadd.s32 s1, s30  }
0xbc: {  	s0 =	sor.u32 s3, s0;
	s1 =	sshll.u32 s1, $0x11  }
0xbd: {  	s0 =	sor.u32 s1, s0  }
0xbe: {  	s0 =	sadd.s32 $0x8F2B, s0  }
0xbf: {  	[sflag:s0] =	ssyncadd.remote.s32 $0x1  }
0xc0: {  	_ =	sfence.sel $0xFFFF  }
0xc1: {  	[dreg:$0x0] =	wrdreg $0xFFFFFFFF;
	(pc) =	sbr.abs _section_cstart, $3  }
0xc2: {  	[dreg:$0x1] =	wrdreg $0xFFFFFFFF  }
0xc3: {  	_ =	task.clear_ibuf [dreg:s8], $0x2FFFF;
	_ =	strace $0x9FFFFFFF  }
0xc4: {  	(tm) =	ssettm $0x7FFFFFFF  }
0xc5: {  	_ =	shalt  }
tec
execute0_lowered:
.L_overlay_start_1:
0x0: {  	(tag) =	ssettag $0x1  }
0x1: {  	s6 =	rddreg [dreg:$0x0]  }
0x2: {  	s0 =	rddreg [dreg:$0x1];
	s7 =	simm.s32 $0x0;
	s1 =	srdreg.scid  }
0x3: {  	s5 =	stileid.u32;
	[smem:$0x7FF] =	sst s7  }
0x4: {  	s2 =	sadd.s32 $0xD000, s0;
	s23 =	sadd.s32 $0x800, s0;
	s1 =	sand.u32 $0x1, s1  }
0x5: {  	s24 =	sadd.s32 $0x6C00, s0;
	_ =	strace $0x80000047;
	[dreg:$0x4] =	wrdreg s2  }
0x6: {  	s4 =	sshll.u32 s5, $0x1;
	s5 =	smul.u32 $0x3200, s5;
	[dreg:$0x5] =	wrdreg s23  }
0x7: {  	s28 =	sadd.s32 $0x100, s6;
	s29 =	sadd.s32 $0x200, s6;
	[dreg:$0x6] =	wrdreg s24  }
0x8: {  	s0 =	sadd.s32 $0xD100, s0;
	s25 =	ssub.s32 $0x2, s1;
	[dreg:$0x8] =	wrdreg s28  }
0x9: {  	s26 =	sor.u32 s1, s4;
	s1 =	smul.u32 $0x1900, s1;
	[dreg:$0x9] =	wrdreg s29  }
0xa: {  	[dreg:$0xa] =	wrdreg s0;
	s3 =	sshrl.u32 s25, $0x1  }
0xb: {  	s2 =	ssub.s32 s25, s3;
	s3 =	smul.u32 $0x1900, s26;
	s31 =	sadd.s32 s1, s5  }
0xc: {  	v0 =	vlaneseq.u32;
	[dreg:$0xc] =	wrdreg s31  }
0xd: {  	vm0 =	vmmov $0xffff;
	vm1 =	vmmov $0xff;
	v2 =	vshrl.u32 v0, $0x3;
	s30 =	smax.u32 s2, $0x1;
	[dreg:$0x7] =	wrdreg s3  }
0xe: {  	v1 =	vand.u32 $0x7, v0;
	v3 =	vor.u32 $0x8, v0;
	v2 =	vmul.u32 $0x8, v2;
	s1 =	simm.s32 $0x0;
	[dreg:$0xb] =	wrdreg s30  }
.LBB2_1:
0xf: {  	[dreg:$0xd] =	wrdreg s1  }
0x10: {  	s8 =	rddreg [dreg:$0xc];
	s1 =	simm.s32 $0x0  }
.LBB2_2:
0x11: {  	s0 =	smul.u32 $0x640, s1  }
0x12: {  	s23 =	rddreg [dreg:$0x7]  }
0x13: {  	s24 =	rddreg [dreg:$0x5];
	s0 =	sadd.s32 s23, s0  }
0x14: {  	[dreg:$0xf] =	wrdreg s0;
	s0 =	sshrl.u32 s0, $0x3  }
0x15: {  	[dreg:$0xe] =	wrdreg s1;
	s3 =	simm.s32 $0x7;
	s1 =	sadd.s32 s24, s0  }
0x16: {  	[tilespmem:s7], [sflag:$0x7] =	stream.linear.gather [hbm4b:s1+s7], $0x640, $0x38;
	[tilespmem:$0x1ED00] =	vst v63  }
0x17: {  	s26 =	simm.s32 $0x680;
	s28 =	sadd.s32 $0xFFFFFFC0, s8;
	_ =	swait.ge [sflag:s3], $0x640  }
0x18: {  	s29 =	sadd.s32 $0x70, s28;
	[sflag:s3] =	ssyncset.done $0x0;
	s25 =	rddreg [dreg:$0x6]  }
0x19: {  	s2 =	sadd.s32 $0x40, s28;
	[sflag:s3] =	ssyncadd.s32 $0xFFFFF9C0;
	s0 =	sadd.s32 s25, s0  }
0x1a: {  	v9 =	vor.u32 s29, v0;
	[tilespmem:s26], [sflag:$0x7] =	stream.linear.gather [hbm4b:s0+s7], $0x640, $0x38;
	[tilespmem:$0x1ED00] =	vst v63  }
0x1b: {  	s30 =	sadd.s32 $0x50, s28;
	v11 =	vor.u32 s2, v0;
	v6 =	vmulhi.u32 $0x51EB851F, v9;
	_ =	swait.ge [sflag:s3], $0x640  }
0x1c: {  	s31 =	sadd.s32 $0x60, s28;
	v5 =	vor.u32 s30, v0;
	v7 =	vmulhi.u32 $0x51EB851F, v11;
	[sflag:s3] =	ssyncset.done $0x0  }
0x1d: {  	v4 =	vor.u32 s31, v0;
	v10 =	vmulhi.u32 $0x51EB851F, v5;
	v6 =	vshrl.u32 v6, $0x6;
	s0 =	simm.s32 $0x6A0;
	[sflag:s3] =	ssyncadd.s32 $0xFFFFF9C0  }
0x1e: {  	v12 =	vmulhi.u32 $0x51EB851F, v4;
	v7 =	vshrl.u32 v7, $0x6;
	v13 =	vmul.u32 $0xC8, v6;
	v8 =	vld [tilespmem:s0+$0x10]  }
0x1f: {  	v10 =	vshrl.u32 v10, $0x6;
	v14 =	vmul.u32 $0xC8, v7;
	v6 =	vld [tilespmem:s0+$0xFFFFFFE0]  }
0x20: {  	v12 =	vshrl.u32 v12, $0x6;
	v10 =	vmul.u32 $0xC8, v10;
	v15 =	vsub.s32 v9, v13;
	v7 =	vld [tilespmem:s0+$0xFFFFFFF0]  }
0x21: {  	s2 =	simm.s32 $0x0;
	s1 =	simm.s32 $0x6A0;
	v13 =	vsub.s32 v11, v14;
	v11 =	vmul.u32 $0xC8, v12;
	v12 =	vmul.u32 $0x3, v15;
	v9 =	vld [tilespmem:s0+$0x0]  }
.LBB2_3:
0x22: {  	s3 =	sadd.s32 s2, s8;
	s2 =	sadd.s32 $0x40, s2;
	v13 =	vmul.u32 $0x3, v13;
	v5 =	vsub.s32 v5, v10  }
0x23: {  	s4 =	sadd.s32 $0x40, s3;
	s5 =	sadd.s32 $0x70, s3;
	p0 =	slt.u32 s2, $0x600;
	v10 =	vmul.u32 $0x3, v5;
	v4 =	vsub.s32 v4, v11;
	v5 =	vadd.s32 v12, v8  }
0x24: {  	v11 =	vor.u32 s4, v0;
	s4 =	sadd.s32 $0x50, s3;
	s3 =	sadd.s32 $0x60, s3;
	v12 =	vor.u32 s5, v0;
	v8 =	vmul.u32 $0x3, v4;
	[tilespmem:s0+$0x10] =	vst v5  }
0x25: {  	v5 =	vor.u32 s4, v0;
	v4 =	vor.u32 s3, v0;
	v14 =	vmulhi.u32 $0x51EB851F, v12  }
0x26: {  	v6 =	vadd.s32 v13, v6;
	v15 =	vmulhi.u32 $0x51EB851F, v11;
	v7 =	vadd.s32 v10, v7  }
.Ltmp0:
0x27: {  	s0 =	sadd.s32 $0x40, s0;
	v10 =	vmulhi.u32 $0x51EB851F, v5;
	v9 =	vadd.s32 v8, v9;
	v13 =	vshrl.u32 v14, $0x6;
	[tilespmem:s1+$0xFFFFFFE0] =	vst v6;
	(pc) =	sbr.rel @p0 .LBB2_3-.Ltmp0, $4  }
0x28: {  	v14 =	vshrl.u32 v15, $0x6;
	v15 =	vmulhi.u32 $0x51EB851F, v4;
	v8 =	vld [tilespmem:s0+$0x10];
	v13 =	vmul.u32 $0xC8, v13;
	[tilespmem:s1+$0xFFFFFFF0] =	vst v7  }
0x29: {  	v14 =	vmul.u32 $0xC8, v14;
	v10 =	vshrl.u32 v10, $0x6;
	v6 =	vld [tilespmem:s0+$0xFFFFFFE0];
	[tilespmem:s1+$0x0] =	vst v9;
	s1 =	smov.u32 s0  }
0x2a: {  	v10 =	vmul.u32 $0xC8, v10;
	v15 =	vshrl.u32 v15, $0x6;
	v7 =	vld [tilespmem:s0+$0xFFFFFFF0];
	v12 =	vsub.s32 v12, v13  }
0x2b: {  	v13 =	vsub.s32 v11, v14;
	v11 =	vmul.u32 $0xC8, v15;
	v9 =	vld [tilespmem:s0+$0x0];
	v12 =	vmul.u32 $0x3, v12  }
0x2c: {  	v13 =	vmul.u32 $0x3, v13;
	v5 =	vsub.s32 v5, v10  }
0x2d: {  	v5 =	vmul.u32 $0x3, v5;
	v4 =	vsub.s32 v4, v11;
	v8 =	vadd.s32 v12, v8  }
0x2e: {  	v4 =	vmul.u32 $0x3, v4;
	[tilespmem:s0+$0x10] =	vst v8;
	v6 =	vadd.s32 v13, v6  }
0x2f: {  	v5 =	vadd.s32 v5, v7;
	[tilespmem:s1+$0xFFFFFFE0] =	vst v6  }
0x30: {  	v4 =	vadd.s32 v4, v9;
	[tilespmem:s1+$0xFFFFFFF0] =	vst v5  }
0x31: {  	[tilespmem:s1+$0x0] =	vst v4  }
0x32: {  	v4 =	vld [tilespmem:$0x0];
	_ =	sdelay $0x4  }
0x33: {  	v5 =	vshrl.u32 v4, $0x3  }
0x34: {  	v5 =	vmul.u32 $0x30, v5  }
0x35: {  	v4 =	vand.u32 $0x7, v4  }
0x36: {  	v4 =	vor.u32 v4, v5  }
0x37: {  	v5 =	vperm.xlane v4, v1;
	_ =	sdelay $0x1  }
0x38: {  	v5 =	vadd.s32 v2, v5;
	_ =	sdelay $0x3  }
0x39: {  	s4 =	simm.s32 $0x0;
	s6 =	rddreg [dreg:$0x0];
	s9 =	simm.s32 $0xD00;
	v4 =	vperm.xlane v4, v3  }
0x3a: {  	[tilespmem:s9], [sflag:$0x1] =	stream.indirect_vreg.gather [hbm4b:s6+s4], $0x80, v5, vm0, $0xb8;
	[tilespmem:$0x1ED00] =	vst v63  }
0x3b: {  	s2 =	simm.s32 $0x1500;
	s10 =	rddreg [dreg:$0x8];
	v4 =	vadd.s32 v2, v4  }
0x3c: {  	[tilespmem:s2], [sflag:$0x1] =	stream.indirect_vreg.gather [hbm4b:s10+s4], $0x80, v5, vm0, $0xb8;
	[tilespmem:$0x1ED00] =	vst v63  }
0x3d: {  	s3 =	simm.s32 $0x1D00;
	s11 =	rddreg [dreg:$0x9]  }
0x3e: {  	[tilespmem:s3], [sflag:$0x1] =	stream.indirect_vreg.gather [hbm4b:s11+s4], $0x80, v5, vm0, $0xb8;
	[tilespmem:$0x1ED00] =	vst v63  }
0x3f: {  	s12 =	simm.s32 $0x2500  }
0x40: {  	[tilespmem:s12], [sflag:$0x1] =	stream.indirect_vreg.gather [hbm4b:s6+s4], $0x80, v4, vm0, $0xb8;
	[tilespmem:$0x1ED00] =	vst v63  }
0x41: {  	s13 =	simm.s32 $0x2D00  }
0x42: {  	[tilespmem:s13], [sflag:$0x1] =	stream.indirect_vreg.gather [hbm4b:s10+s4], $0x80, v4, vm0, $0xb8;
	[tilespmem:$0x1ED00] =	vst v63  }
0x43: {  	s14 =	simm.s32 $0x3500  }
0x44: {  	[tilespmem:s14], [sflag:$0x1] =	stream.indirect_vreg.gather [hbm4b:s11+s4], $0x80, v4, vm0, $0xb8;
	[tilespmem:$0x1ED00] =	vst v63  }
0x45: {  	v4 =	vld [tilespmem:$0x10];
	_ =	sdelay $0x4  }
0x46: {  	v5 =	vshrl.u32 v4, $0x3  }
0x47: {  	v5 =	vmul.u32 $0x30, v5  }
0x48: {  	v4 =	vand.u32 $0x7, v4  }
0x49: {  	v4 =	vor.u32 v4, v5  }
0x4a: {  	v5 =	vperm.xlane v4, v1;
	_ =	sdelay $0x1  }
0x4b: {  	v5 =	vadd.s32 v2, v5;
	_ =	sdelay $0x3  }
0x4c: {  	s15 =	simm.s32 $0x3D00;
	v4 =	vperm.xlane v4, v3  }
0x4d: {  	[tilespmem:s15], [sflag:$0x1] =	stream.indirect_vreg.gather [hbm4b:s6+s4], $0x80, v5, vm0, $0xb8;
	[tilespmem:$0x1ED00] =	vst v63  }
0x4e: {  	s16 =	simm.s32 $0x4500;
	v4 =	vadd.s32 v2, v4  }
0x4f: {  	[tilespmem:s16], [sflag:$0x1] =	stream.indirect_vreg.gather [hbm4b:s10+s4], $0x80, v5, vm0, $0xb8;
	[tilespmem:$0x1ED00] =	vst v63  }
0x50: {  	s17 =	simm.s32 $0x4D00  }
0x51: {  	[tilespmem:s17], [sflag:$0x1] =	stream.indirect_vreg.gather [hbm4b:s11+s4], $0x80, v5, vm0, $0xb8;
	[tilespmem:$0x1ED00] =	vst v63  }
0x52: {  	s18 =	simm.s32 $0x5500  }
0x53: {  	[tilespmem:s18], [sflag:$0x1] =	stream.indirect_vreg.gather [hbm4b:s6+s4], $0x80, v4, vm0, $0xb8;
	[tilespmem:$0x1ED00] =	vst v63  }
0x54: {  	s19 =	simm.s32 $0x5D00  }
0x55: {  	[tilespmem:s19], [sflag:$0x1] =	stream.indirect_vreg.gather [hbm4b:s10+s4], $0x80, v4, vm0, $0xb8;
	[tilespmem:$0x1ED00] =	vst v63  }
0x56: {  	s20 =	simm.s32 $0x6500  }
0x57: {  	[tilespmem:s20], [sflag:$0x1] =	stream.indirect_vreg.gather [hbm4b:s11+s4], $0x80, v4, vm0, $0xb8;
	[tilespmem:$0x1ED00] =	vst v63  }
0x58: {  	v4 =	vld [tilespmem:$0x680];
	_ =	sdelay $0x4  }
0x59: {  	v5 =	vshrl.u32 v4, $0x3  }
0x5a: {  	v5 =	vmul.u32 $0x18, v5  }
0x5b: {  	v4 =	vand.u32 $0x7, v4  }
0x5c: {  	v4 =	vor.u32 v4, v5  }
0x5d: {  	v5 =	vperm.xlane v4, v1;
	_ =	sdelay $0x1  }
0x5e: {  	v5 =	vadd.s32 v2, v5;
	_ =	sdelay $0x1  }
0x5f: {  	v4 =	vperm.xlane v4, v3;
	_ =	sdelay $0x1  }
0x60: {  	s22 =	simm.s32 $0x6D00;
	s21 =	rddreg [dreg:$0x4];
	v4 =	vadd.s32 v2, v4  }
0x61: {  	[tilespmem:s22], [sflag:$0x2] =	stream.indirect_vreg.gather [hbm4b:s21+s4], $0x80, v5, vm0, $0xb8;
	[tilespmem:$0x1ED00] =	vst v63  }
0x62: {  	s24 =	simm.s32 $0x7500;
	s23 =	rddreg [dreg:$0xa]  }
0x63: {  	[tilespmem:s24], [sflag:$0x2] =	stream.indirect_vreg.gather [hbm4b:s23+s4], $0x80, v5, vm1, $0xb8;
	[tilespmem:$0x1ED00] =	vst v63  }
0x64: {  	s25 =	simm.s32 $0x7900  }
0x65: {  	[tilespmem:s25], [sflag:$0x2] =	stream.indirect_vreg.gather [hbm4b:s21+s4], $0x80, v4, vm0, $0xb8;
	[tilespmem:$0x1ED00] =	vst v63  }
0x66: {  	s26 =	simm.s32 $0x8100  }
0x67: {  	[tilespmem:s26], [sflag:$0x2] =	stream.indirect_vreg.gather [hbm4b:s23+s4], $0x80, v4, vm1, $0xb8;
	[tilespmem:$0x1ED00] =	vst v63  }
0x68: {  	v4 =	vld [tilespmem:$0x690];
	_ =	sdelay $0x4  }
0x69: {  	v5 =	vshrl.u32 v4, $0x3  }
0x6a: {  	v5 =	vmul.u32 $0x18, v5  }
0x6b: {  	v4 =	vand.u32 $0x7, v4  }
0x6c: {  	v4 =	vor.u32 v4, v5  }
0x6d: {  	v5 =	vperm.xlane v4, v1;
	_ =	sdelay $0x1  }
0x6e: {  	v5 =	vadd.s32 v2, v5;
	_ =	sdelay $0x1  }
0x6f: {  	v4 =	vperm.xlane v4, v3;
	_ =	sdelay $0x1  }
0x70: {  	s28 =	simm.s32 $0x8500;
	v4 =	vadd.s32 v2, v4  }
0x71: {  	[tilespmem:s28], [sflag:$0x2] =	stream.indirect_vreg.gather [hbm4b:s21+s4], $0x80, v5, vm0, $0xb8;
	[tilespmem:$0x1ED00] =	vst v63  }
0x72: {  	s29 =	simm.s32 $0x8D00  }
0x73: {  	[tilespmem:s29], [sflag:$0x2] =	stream.indirect_vreg.gather [hbm4b:s23+s4], $0x80, v5, vm1, $0xb8;
	[tilespmem:$0x1ED00] =	vst v63  }
0x74: {  	s30 =	simm.s32 $0x9100  }
0x75: {  	[tilespmem:s30], [sflag:$0x2] =	stream.indirect_vreg.gather [hbm4b:s21+s4], $0x80, v4, vm0, $0xb8;
	[tilespmem:$0x1ED00] =	vst v63  }
0x76: {  	s31 =	simm.s32 $0x9900  }
0x77: {  	[tilespmem:s31], [sflag:$0x2] =	stream.indirect_vreg.gather [hbm4b:s23+s4], $0x80, v4, vm1, $0xb8;
	[tilespmem:$0x1ED00] =	vst v63  }
0x78: {  	s4 =	simm.s32 $0x0  }
.LBB2_5:
0x79: {  	s19 =	sshll.u32 s4, $0x6  }
0x7a: {  	v4 =	vld [tilespmem:s19+$0x20];
	_ =	sdelay $0x4  }
0x7b: {  	v5 =	vshrl.u32 v4, $0x3  }
0x7c: {  	v5 =	vmul.u32 $0x30, v5  }
0x7d: {  	v4 =	vand.u32 $0x7, v4  }
0x7e: {  	v4 =	vor.u32 v4, v5  }
0x7f: {  	v5 =	vperm.xlane v4, v1;
	_ =	sdelay $0x1  }
0x80: {  	v5 =	vadd.s32 v2, v5;
	_ =	sdelay $0x3  }
0x81: {  	s0 =	rddreg [dreg:$0x0];
	s1 =	simm.s32 $0xFD00;
	v4 =	vperm.xlane v4, v3  }
0x82: {  	[tilespmem:s1], [sflag:$0x4] =	stream.indirect_vreg.gather [hbm4b:s0+s7], $0x80, v5, vm0, $0xb8;
	[tilespmem:$0x1ED00] =	vst v63  }
0x83: {  	s17 =	rddreg [dreg:$0x8];
	s2 =	simm.s32 $0x10500;
	v4 =	vadd.s32 v2, v4  }
0x84: {  	[tilespmem:s2], [sflag:$0x4] =	stream.indirect_vreg.gather [hbm4b:s17+s7], $0x80, v5, vm0, $0xb8;
	[tilespmem:$0x1ED00] =	vst v63  }
0x85: {  	s18 =	rddreg [dreg:$0x9];
	s3 =	simm.s32 $0x10D00  }
0x86: {  	[tilespmem:s3], [sflag:$0x4] =	stream.indirect_vreg.gather [hbm4b:s18+s7], $0x80, v5, vm0, $0xb8;
	[tilespmem:$0x1ED00] =	vst v63  }
0x87: {  	s20 =	simm.s32 $0x11500  }
0x88: {  	[tilespmem:s20], [sflag:$0x4] =	stream.indirect_vreg.gather [hbm4b:s0+s7], $0x80, v4, vm0, $0xb8;
	[tilespmem:$0x1ED00] =	vst v63  }
0x89: {  	s21 =	simm.s32 $0x11D00  }
0x8a: {  	[tilespmem:s21], [sflag:$0x4] =	stream.indirect_vreg.gather [hbm4b:s17+s7], $0x80, v4, vm0, $0xb8;
	[tilespmem:$0x1ED00] =	vst v63  }
0x8b: {  	s22 =	simm.s32 $0x12500  }
0x8c: {  	[tilespmem:s22], [sflag:$0x4] =	stream.indirect_vreg.gather [hbm4b:s18+s7], $0x80, v4, vm0, $0xb8;
	[tilespmem:$0x1ED00] =	vst v63  }
0x8d: {  	v4 =	vld [tilespmem:s19+$0x30];
	_ =	sdelay $0x4  }
0x8e: {  	v5 =	vshrl.u32 v4, $0x3  }
0x8f: {  	v5 =	vmul.u32 $0x30, v5  }
0x90: {  	v4 =	vand.u32 $0x7, v4  }
0x91: {  	v4 =	vor.u32 v4, v5  }
0x92: {  	v5 =	vperm.xlane v4, v1;
	_ =	sdelay $0x1  }
0x93: {  	v5 =	vadd.s32 v2, v5;
	_ =	sdelay $0x3  }
0x94: {  	s23 =	simm.s32 $0x12D00;
	v4 =	vperm.xlane v4, v3  }
0x95: {  	[tilespmem:s23], [sflag:$0x4] =	stream.indirect_vreg.gather [hbm4b:s0+s7], $0x80, v5, vm0, $0xb8;
	[tilespmem:$0x1ED00] =	vst v63  }
0x96: {  	s24 =	simm.s32 $0x13500;
	v4 =	vadd.s32 v2, v4  }
0x97: {  	[tilespmem:s24], [sflag:$0x4] =	stream.indirect_vreg.gather [hbm4b:s17+s7], $0x80, v5, vm0, $0xb8;
	[tilespmem:$0x1ED00] =	vst v63  }
0x98: {  	s25 =	simm.s32 $0x13D00  }
0x99: {  	[tilespmem:s25], [sflag:$0x4] =	stream.indirect_vreg.gather [hbm4b:s18+s7], $0x80, v5, vm0, $0xb8;
	[tilespmem:$0x1ED00] =	vst v63  }
0x9a: {  	s26 =	simm.s32 $0x14500  }
0x9b: {  	[tilespmem:s26], [sflag:$0x4] =	stream.indirect_vreg.gather [hbm4b:s0+s7], $0x80, v4, vm0, $0xb8;
	[tilespmem:$0x1ED00] =	vst v63  }
0x9c: {  	s3 =	simm.s32 $0x14D00  }
0x9d: {  	[tilespmem:s3], [sflag:$0x4] =	stream.indirect_vreg.gather [hbm4b:s17+s7], $0x80, v4, vm0, $0xb8;
	[tilespmem:$0x1ED00] =	vst v63  }
0x9e: {  	s5 =	simm.s32 $0x15500  }
0x9f: {  	[tilespmem:s5], [sflag:$0x4] =	stream.indirect_vreg.gather [hbm4b:s18+s7], $0x80, v4, vm0, $0xb8;
	[tilespmem:$0x1ED00] =	vst v63  }
0xa0: {  	v4 =	vld [tilespmem:s19+$0x6A0];
	_ =	sdelay $0x4  }
0xa1: {  	v5 =	vshrl.u32 v4, $0x3  }
0xa2: {  	v5 =	vmul.u32 $0x18, v5  }
0xa3: {  	v4 =	vand.u32 $0x7, v4  }
0xa4: {  	v4 =	vor.u32 v4, v5  }
0xa5: {  	v5 =	vperm.xlane v4, v1;
	_ =	sdelay $0x1  }
0xa6: {  	v5 =	vadd.s32 v2, v5;
	_ =	sdelay $0x1  }
0xa7: {  	v4 =	vperm.xlane v4, v3;
	_ =	sdelay $0x1  }
0xa8: {  	s6 =	rddreg [dreg:$0x4];
	s9 =	simm.s32 $0x15D00;
	v4 =	vadd.s32 v2, v4  }
0xa9: {  	[tilespmem:s9], [sflag:$0x5] =	stream.indirect_vreg.gather [hbm4b:s6+s7], $0x80, v5, vm0, $0xb8;
	[tilespmem:$0x1ED00] =	vst v63  }
0xaa: {  	s10 =	rddreg [dreg:$0xa];
	s11 =	simm.s32 $0x16500  }
0xab: {  	[tilespmem:s11], [sflag:$0x5] =	stream.indirect_vreg.gather [hbm4b:s10+s7], $0x80, v5, vm1, $0xb8;
	[tilespmem:$0x1ED00] =	vst v63  }
0xac: {  	s12 =	simm.s32 $0x16900  }
0xad: {  	[tilespmem:s12], [sflag:$0x5] =	stream.indirect_vreg.gather [hbm4b:s6+s7], $0x80, v4, vm0, $0xb8;
	[tilespmem:$0x1ED00] =	vst v63  }
0xae: {  	s13 =	simm.s32 $0x17100  }
0xaf: {  	[tilespmem:s13], [sflag:$0x5] =	stream.indirect_vreg.gather [hbm4b:s10+s7], $0x80, v4, vm1, $0xb8;
	[tilespmem:$0x1ED00] =	vst v63  }
0xb0: {  	v4 =	vld [tilespmem:s19+$0x6B0];
	_ =	sdelay $0x4  }
0xb1: {  	v5 =	vshrl.u32 v4, $0x3  }
0xb2: {  	v5 =	vmul.u32 $0x18, v5  }
0xb3: {  	v4 =	vand.u32 $0x7, v4  }
0xb4: {  	v4 =	vor.u32 v4, v5  }
0xb5: {  	v5 =	vperm.xlane v4, v1;
	_ =	sdelay $0x1  }
0xb6: {  	v5 =	vadd.s32 v2, v5;
	_ =	sdelay $0x1  }
0xb7: {  	v4 =	vperm.xlane v4, v3;
	_ =	sdelay $0x1  }
0xb8: {  	s14 =	simm.s32 $0x17500;
	v4 =	vadd.s32 v2, v4  }
0xb9: {  	[tilespmem:s14], [sflag:$0x5] =	stream.indirect_vreg.gather [hbm4b:s6+s7], $0x80, v5, vm0, $0xb8;
	[tilespmem:$0x1ED00] =	vst v63  }
0xba: {  	s15 =	simm.s32 $0x17D00  }
0xbb: {  	[tilespmem:s15], [sflag:$0x5] =	stream.indirect_vreg.gather [hbm4b:s10+s7], $0x80, v5, vm1, $0xb8;
	[tilespmem:$0x1ED00] =	vst v63  }
0xbc: {  	s16 =	simm.s32 $0x18100  }
0xbd: {  	[tilespmem:s16], [sflag:$0x5] =	stream.indirect_vreg.gather [hbm4b:s6+s7], $0x80, v4, vm0, $0xb8;
	[tilespmem:$0x1ED00] =	vst v63  }
0xbe: {  	s17 =	simm.s32 $0x18900;
	s18 =	simm.s32 $0x1  }
0xbf: {  	[tilespmem:s17], [sflag:$0x5] =	stream.indirect_vreg.gather [hbm4b:s10+s7], $0x80, v4, vm1, $0xb8;
	[tilespmem:$0x1ED00] =	vst v63  }
0xc0: {  	_ =	swait.ge [sflag:s18], $0x6000  }
0xc1: {  	[sflag:s18] =	ssyncset.done $0x0  }
0xc2: {  	p0 =	seq.s32 s4, $0x0;
	s20 =	simm.s32 $0x2;
	[sflag:s18] =	ssyncadd.s32 $0xFFFFA000  }
0xc3: {  	s1 =	simm.s32 @!p0 $0x3;
	s21 =	simm.s32 $0x0;
	_ =	swait.ge [sflag:s20], $0x3000  }
0xc4: {  	s22 =	smul.u32 $0x3000, s21;
	s23 =	simm.s32 $0x0;
	[sflag:s20] =	ssyncset.done $0x0  }
0xc5: {  	s2 =	sand.u32 $0x300, s23;
	[dreg:$0x10] =	wrdreg s4;
	[sflag:s20] =	ssyncadd.s32 $0xFFFFD000  }
0xc6: {  	s24 =	sshra.s32 s22, $0x2;
	s25 =	sor.u32 $0x80, s2;
	_ =	swait.ge @!p0 [sflag:s1], $0x6000  }
0xc7: {  	s3 =	sadd.s32 $0x6D00, s24;
	s14 =	smul.u32 $0x1800, s21;
	[sflag:s1] =	ssyncset.done @!p0 $0x0  }
0xc8: {  	s5 =	sadd.s32 s25, s3;
	[sflag:s1] =	ssyncadd.s32 @!p0 $0xFFFFA000  }
0xc9: {  	s0 =	sadd.s32 $0xC00, s14;
	s16 =	sor.u32 s14, s25;
	v4 =	vld [tilespmem:s5+$0x0]  }
0xca: {  	s26 =	sor.u32 s25, s0;
	v5 =	vld [tilespmem:s16+$0xD00]  }
0xcb: {  	v6 =	vld [tilespmem:s26+$0xD00];
	_ =	sdelay $0x2  }
0xcc: {  	v7 =	vshll.u32 v4, $0x10  }
0xcd: {  	s3 =	sadd.s32 s2, s3;
	v4 =	vand.u32 $0xFFFF0000, v4;
	v5 =	vadd.f32 v7, v5  }
0xce: {  	s13 =	sor.u32 s2, s14;
	v7 =	vld [tilespmem:s3+$0x0];
	v4 =	vadd.f32 v4, v6  }
0xcf: {  	s0 =	sor.u32 s2, s0;
	v6 =	vld [tilespmem:s13+$0xD00];
	[tilespmem:s16+$0x9D00] =	vst v5  }
0xd0: {  	v5 =	vld [tilespmem:s0+$0xD00];
	[tilespmem:s26+$0x9D00] =	vst v4  }
0xd1: {  	v4 =	vld [tilespmem:s5+$0x10]  }
0xd2: {  	v8 =	vld [tilespmem:s16+$0xD10]  }
0xd3: {  	v10 =	vld [tilespmem:s26+$0xD10];
	v9 =	vshll.u32 v7, $0x10  }
0xd4: {  	v7 =	vand.u32 $0xFFFF0000, v7;
	v6 =	vadd.f32 v9, v6  }
0xd5: {  	v5 =	vadd.f32 v7, v5  }
0xd6: {  	[tilespmem:s13+$0x9D00] =	vst v6;
	v6 =	vshll.u32 v4, $0x10  }
0xd7: {  	[tilespmem:s0+$0x9D00] =	vst v5;
	v4 =	vand.u32 $0xFFFF0000, v4;
	v5 =	vadd.f32 v6, v8  }
0xd8: {  	v6 =	vld [tilespmem:s3+$0x10];
	v4 =	vadd.f32 v4, v10  }
0xd9: {  	v7 =	vld [tilespmem:s13+$0xD10];
	[tilespmem:s16+$0x9D10] =	vst v5  }
0xda: {  	v5 =	vld [tilespmem:s0+$0xD10];
	[tilespmem:s26+$0x9D10] =	vst v4  }
0xdb: {  	v4 =	vld [tilespmem:s5+$0x20]  }
0xdc: {  	v8 =	vld [tilespmem:s16+$0xD20]  }
0xdd: {  	v10 =	vld [tilespmem:s26+$0xD20];
	v9 =	vshll.u32 v6, $0x10  }
0xde: {  	v6 =	vand.u32 $0xFFFF0000, v6;
	v7 =	vadd.f32 v9, v7  }
0xdf: {  	v5 =	vadd.f32 v6, v5  }
0xe0: {  	[tilespmem:s13+$0x9D10] =	vst v7;
	v6 =	vshll.u32 v4, $0x10  }
0xe1: {  	[tilespmem:s0+$0x9D10] =	vst v5;
	v4 =	vand.u32 $0xFFFF0000, v4;
	v5 =	vadd.f32 v6, v8  }
0xe2: {  	v6 =	vld [tilespmem:s3+$0x20];
	v4 =	vadd.f32 v4, v10  }
0xe3: {  	v7 =	vld [tilespmem:s13+$0xD20];
	[tilespmem:s16+$0x9D20] =	vst v5  }
0xe4: {  	v5 =	vld [tilespmem:s0+$0xD20];
	[tilespmem:s26+$0x9D20] =	vst v4  }
0xe5: {  	v4 =	vld [tilespmem:s5+$0x30]  }
0xe6: {  	v8 =	vld [tilespmem:s16+$0xD30]  }
0xe7: {  	v10 =	vld [tilespmem:s26+$0xD30];
	v9 =	vshll.u32 v6, $0x10  }
0xe8: {  	v6 =	vand.u32 $0xFFFF0000, v6;
	v7 =	vadd.f32 v9, v7  }
0xe9: {  	v5 =	vadd.f32 v6, v5  }
0xea: {  	[tilespmem:s13+$0x9D20] =	vst v7;
	v6 =	vshll.u32 v4, $0x10  }
0xeb: {  	[tilespmem:s0+$0x9D20] =	vst v5;
	v4 =	vand.u32 $0xFFFF0000, v4;
	v5 =	vadd.f32 v6, v8  }
0xec: {  	v6 =	vld [tilespmem:s3+$0x30];
	v4 =	vadd.f32 v4, v10  }
0xed: {  	v7 =	vld [tilespmem:s13+$0xD30];
	[tilespmem:s16+$0x9D30] =	vst v5  }
0xee: {  	v5 =	vld [tilespmem:s0+$0xD30];
	[tilespmem:s26+$0x9D30] =	vst v4  }
0xef: {  	v4 =	vld [tilespmem:s5+$0x40]  }
0xf0: {  	v8 =	vld [tilespmem:s16+$0xD40]  }
0xf1: {  	v10 =	vld [tilespmem:s26+$0xD40];
	v9 =	vshll.u32 v6, $0x10  }
0xf2: {  	v6 =	vand.u32 $0xFFFF0000, v6;
	v7 =	vadd.f32 v9, v7  }
0xf3: {  	v5 =	vadd.f32 v6, v5  }
0xf4: {  	[tilespmem:s13+$0x9D30] =	vst v7;
	v6 =	vshll.u32 v4, $0x10  }
0xf5: {  	[tilespmem:s0+$0x9D30] =	vst v5;
	v4 =	vand.u32 $0xFFFF0000, v4;
	v5 =	vadd.f32 v6, v8  }
0xf6: {  	v6 =	vld [tilespmem:s3+$0x40];
	v4 =	vadd.f32 v4, v10  }
0xf7: {  	v7 =	vld [tilespmem:s13+$0xD40];
	[tilespmem:s16+$0x9D40] =	vst v5  }
0xf8: {  	v5 =	vld [tilespmem:s0+$0xD40];
	[tilespmem:s26+$0x9D40] =	vst v4  }
0xf9: {  	v4 =	vld [tilespmem:s5+$0x50]  }
0xfa: {  	v8 =	vld [tilespmem:s16+$0xD50]  }
0xfb: {  	v10 =	vld [tilespmem:s26+$0xD50];
	v9 =	vshll.u32 v6, $0x10  }
0xfc: {  	v6 =	vand.u32 $0xFFFF0000, v6;
	v7 =	vadd.f32 v9, v7  }
0xfd: {  	v5 =	vadd.f32 v6, v5  }
0xfe: {  	[tilespmem:s13+$0x9D40] =	vst v7;
	v6 =	vshll.u32 v4, $0x10  }
0xff: {  	[tilespmem:s0+$0x9D40] =	vst v5;
	v4 =	vand.u32 $0xFFFF0000, v4;
	v5 =	vadd.f32 v6, v8  }
0x100: {  	v6 =	vld [tilespmem:s3+$0x50];
	v4 =	vadd.f32 v4, v10  }
0x101: {  	v7 =	vld [tilespmem:s13+$0xD50];
	[tilespmem:s16+$0x9D50] =	vst v5  }
0x102: {  	v5 =	vld [tilespmem:s0+$0xD50];
	[tilespmem:s26+$0x9D50] =	vst v4  }
0x103: {  	v4 =	vld [tilespmem:s5+$0x60]  }
0x104: {  	v8 =	vld [tilespmem:s16+$0xD60]  }
0x105: {  	v10 =	vld [tilespmem:s26+$0xD60];
	v9 =	vshll.u32 v6, $0x10  }
0x106: {  	v6 =	vand.u32 $0xFFFF0000, v6;
	v7 =	vadd.f32 v9, v7  }
0x107: {  	v5 =	vadd.f32 v6, v5  }
0x108: {  	[tilespmem:s13+$0x9D50] =	vst v7;
	v6 =	vshll.u32 v4, $0x10  }
0x109: {  	[tilespmem:s0+$0x9D50] =	vst v5;
	v4 =	vand.u32 $0xFFFF0000, v4;
	v5 =	vadd.f32 v6, v8  }
0x10a: {  	v6 =	vld [tilespmem:s3+$0x60];
	v4 =	vadd.f32 v4, v10  }
0x10b: {  	v7 =	vld [tilespmem:s13+$0xD60];
	[tilespmem:s16+$0x9D60] =	vst v5  }
0x10c: {  	v5 =	vld [tilespmem:s0+$0xD60];
	[tilespmem:s26+$0x9D60] =	vst v4  }
0x10d: {  	v4 =	vld [tilespmem:s5+$0x70]  }
0x10e: {  	v8 =	vld [tilespmem:s16+$0xD70]  }
0x10f: {  	v10 =	vld [tilespmem:s26+$0xD70];
	v9 =	vshll.u32 v6, $0x10  }
0x110: {  	v6 =	vand.u32 $0xFFFF0000, v6;
	v7 =	vadd.f32 v9, v7  }
0x111: {  	v5 =	vadd.f32 v6, v5  }
0x112: {  	[tilespmem:s13+$0x9D60] =	vst v7;
	v6 =	vshll.u32 v4, $0x10  }
0x113: {  	[tilespmem:s0+$0x9D60] =	vst v5;
	v4 =	vand.u32 $0xFFFF0000, v4;
	v5 =	vadd.f32 v6, v8  }
0x114: {  	v6 =	vld [tilespmem:s3+$0x70];
	v4 =	vadd.f32 v4, v10  }
0x115: {  	s6 =	sadd.s32 $0x7100, s24;
	v7 =	vld [tilespmem:s13+$0xD70];
	[tilespmem:s16+$0x9D70] =	vst v5  }
0x116: {  	s11 =	sadd.s32 s25, s6;
	v5 =	vld [tilespmem:s0+$0xD70];
	[tilespmem:s26+$0x9D70] =	vst v4  }
0x117: {  	s9 =	sadd.s32 $0x1000, s14;
	v4 =	vld [tilespmem:s11+$0x0]  }
0x118: {  	s10 =	sor.u32 s25, s9;
	v8 =	vld [tilespmem:s16+$0x1100]  }
0x119: {  	v10 =	vld [tilespmem:s10+$0xD00];
	v9 =	vshll.u32 v6, $0x10  }
0x11a: {  	v6 =	vand.u32 $0xFFFF0000, v6;
	v7 =	vadd.f32 v9, v7  }
0x11b: {  	v5 =	vadd.f32 v6, v5  }
0x11c: {  	[tilespmem:s13+$0x9D70] =	vst v7;
	v6 =	vshll.u32 v4, $0x10  }
0x11d: {  	s15 =	sadd.s32 s2, s6;
	[tilespmem:s0+$0x9D70] =	vst v5;
	v4 =	vand.u32 $0xFFFF0000, v4;
	v5 =	vadd.f32 v6, v8  }
0x11e: {  	v6 =	vld [tilespmem:s15+$0x0];
	v4 =	vadd.f32 v4, v10  }
0x11f: {  	s6 =	sor.u32 s2, s9;
	v7 =	vld [tilespmem:s13+$0x1100];
	[tilespmem:s16+$0xA100] =	vst v5  }
0x120: {  	v5 =	vld [tilespmem:s6+$0xD00];
	[tilespmem:s10+$0x9D00] =	vst v4  }
0x121: {  	v4 =	vld [tilespmem:s11+$0x10]  }
0x122: {  	v8 =	vld [tilespmem:s16+$0x1110]  }
0x123: {  	v9 =	vld [tilespmem:s10+$0xD10]  }
0x124: {  	v10 =	vshll.u32 v6, $0x10  }
0x125: {  	v6 =	vand.u32 $0xFFFF0000, v6;
	v7 =	vadd.f32 v10, v7  }
0x126: {  	v5 =	vadd.f32 v6, v5;
	v6 =	vshll.u32 v4, $0x10  }
0x127: {  	[tilespmem:s13+$0xA100] =	vst v7;
	v4 =	vand.u32 $0xFFFF0000, v4;
	v6 =	vadd.f32 v6, v8  }
0x128: {  	v7 =	vld [tilespmem:s6+$0xD10];
	[tilespmem:s6+$0x9D00] =	vst v5;
	v4 =	vadd.f32 v4, v9  }
0x129: {  	v5 =	vld [tilespmem:s15+$0x10];
	[tilespmem:s16+$0xA110] =	vst v6  }
0x12a: {  	v6 =	vld [tilespmem:s13+$0x1110];
	[tilespmem:s10+$0x9D10] =	vst v4  }
0x12b: {  	v4 =	vld [tilespmem:s11+$0x20]  }
0x12c: {  	v8 =	vld [tilespmem:s16+$0x1120]  }
0x12d: {  	v9 =	vld [tilespmem:s10+$0xD20];
	_ =	sdelay $0x2  }
0x12e: {  	v10 =	vshll.u32 v4, $0x10  }
0x12f: {  	v4 =	vand.u32 $0xFFFF0000, v4;
	v8 =	vadd.f32 v10, v8  }
0x130: {  	s12 =	simm.s32 $0x0;
	v4 =	vadd.f32 v4, v9  }
0x131: {  	s17 =	smul.u32 $0x3000, s12;
	[tilespmem:s16+$0xA120] =	vst v8  }
0x132: {  	s20 =	simm.s32 $0x100;
	[tilespmem:s10+$0x9D20] =	vst v4  }
0x133: {  	s31 =	sshra.s32 s17, $0x2;
	s18 =	sand.u32 $0x300, s20;
	v4 =	vld [tilespmem:s11+$0x30]  }
0x134: {  	s30 =	smul.u32 $0x1800, s12;
	s12 =	sor.u32 $0x80, s18;
	s0 =	sadd.s32 $0x6D00, s31;
	v8 =	vld [tilespmem:s16+$0x1130]  }
0x135: {  	s9 =	sadd.s32 s12, s0;
	v9 =	vld [tilespmem:s10+$0xD30]  }
0x136: {  	s1 =	sadd.s32 $0xC00, s30;
	s29 =	sor.u32 s30, s12;
	v11 =	vld [tilespmem:s9+$0x0];
	v10 =	vshll.u32 v5, $0x10  }
0x137: {  	s21 =	sor.u32 s12, s1;
	v5 =	vand.u32 $0xFFFF0000, v5;
	v6 =	vadd.f32 v10, v6;
	v10 =	vld [tilespmem:s29+$0xD00]  }
0x138: {  	v12 =	vld [tilespmem:s21+$0xD00];
	v5 =	vadd.f32 v5, v7;
	v7 =	vshll.u32 v4, $0x10  }
0x139: {  	[tilespmem:s13+$0xA110] =	vst v6;
	v4 =	vand.u32 $0xFFFF0000, v4;
	v6 =	vadd.f32 v7, v8  }
0x13a: {  	[tilespmem:s6+$0x9D10] =	vst v5;
	v5 =	vld [tilespmem:s6+$0xD20];
	v4 =	vadd.f32 v4, v9  }
0x13b: {  	v7 =	vld [tilespmem:s15+$0x20];
	[tilespmem:s16+$0xA130] =	vst v6;
	v6 =	vshll.u32 v11, $0x10  }
0x13c: {  	v8 =	vld [tilespmem:s13+$0x1120];
	[tilespmem:s10+$0x9D30] =	vst v4;
	v4 =	vadd.f32 v6, v10;
	v6 =	vand.u32 $0xFFFF0000, v11  }
0x13d: {  	v9 =	vld [tilespmem:s11+$0x40];
	v6 =	vadd.f32 v6, v12  }
0x13e: {  	v10 =	vld [tilespmem:s16+$0x1140];
	[tilespmem:s29+$0x9D00] =	vst v4  }
0x13f: {  	v4 =	vld [tilespmem:s10+$0xD40];
	[tilespmem:s21+$0x9D00] =	vst v6  }
0x140: {  	v6 =	vshll.u32 v7, $0x10;
	v11 =	vld [tilespmem:s9+$0x10]  }
0x141: {  	v7 =	vand.u32 $0xFFFF0000, v7;
	v6 =	vadd.f32 v6, v8;
	v8 =	vld [tilespmem:s29+$0xD10]  }
0x142: {  	v12 =	vld [tilespmem:s21+$0xD10];
	v5 =	vadd.f32 v7, v5;
	v7 =	vshll.u32 v9, $0x10  }
0x143: {  	[tilespmem:s13+$0xA120] =	vst v6;
	v6 =	vadd.f32 v7, v10;
	v7 =	vand.u32 $0xFFFF0000, v9  }
0x144: {  	[tilespmem:s6+$0x9D20] =	vst v5;
	v5 =	vld [tilespmem:s6+$0xD30];
	v4 =	vadd.f32 v7, v4  }
0x145: {  	v7 =	vld [tilespmem:s15+$0x30];
	[tilespmem:s16+$0xA140] =	vst v6;
	v6 =	vshll.u32 v11, $0x10  }
0x146: {  	v9 =	vld [tilespmem:s13+$0x1130];
	[tilespmem:s10+$0x9D40] =	vst v4;
	v4 =	vadd.f32 v6, v8;
	v6 =	vand.u32 $0xFFFF0000, v11  }
0x147: {  	v8 =	vld [tilespmem:s11+$0x50];
	v6 =	vadd.f32 v6, v12  }
0x148: {  	v10 =	vld [tilespmem:s16+$0x1150];
	[tilespmem:s29+$0x9D10] =	vst v4  }
0x149: {  	v4 =	vld [tilespmem:s10+$0xD50];
	[tilespmem:s21+$0x9D10] =	vst v6  }
0x14a: {  	v6 =	vshll.u32 v7, $0x10;
	v11 =	vld [tilespmem:s9+$0x20]  }
0x14b: {  	v7 =	vand.u32 $0xFFFF0000, v7;
	v6 =	vadd.f32 v6, v9;
	v9 =	vld [tilespmem:s29+$0xD20]  }
0x14c: {  	v12 =	vld [tilespmem:s21+$0xD20];
	v5 =	vadd.f32 v7, v5;
	v7 =	vshll.u32 v8, $0x10  }
0x14d: {  	[tilespmem:s13+$0xA130] =	vst v6;
	v6 =	vadd.f32 v7, v10;
	v7 =	vand.u32 $0xFFFF0000, v8  }
0x14e: {  	s1 =	sor.u32 s18, s1;
	[tilespmem:s6+$0x9D30] =	vst v5;
	v4 =	vadd.f32 v7, v4  }
0x14f: {  	v14 =	vld [tilespmem:s1+$0xD00];
	[tilespmem:s16+$0xA150] =	vst v6;
	v6 =	vshll.u32 v11, $0x10  }
0x150: {  	v7 =	vld [tilespmem:s15+$0x40];
	[tilespmem:s10+$0x9D50] =	vst v4;
	v4 =	vadd.f32 v6, v9;
	v6 =	vand.u32 $0xFFFF0000, v11  }
0x151: {  	v8 =	vld [tilespmem:s11+$0x60];
	v6 =	vadd.f32 v6, v12  }
0x152: {  	v9 =	vld [tilespmem:s16+$0x1160];
	[tilespmem:s29+$0x9D20] =	vst v4  }
0x153: {  	v4 =	vld [tilespmem:s10+$0xD60];
	[tilespmem:s21+$0x9D20] =	vst v6  }
0x154: {  	v6 =	vld [tilespmem:s9+$0x30]  }
0x155: {  	v10 =	vld [tilespmem:s29+$0xD30]  }
0x156: {  	v12 =	vld [tilespmem:s21+$0xD30];
	v11 =	vshll.u32 v8, $0x10  }
0x157: {  	s23 =	sadd.s32 s18, s0;
	v13 =	vld [tilespmem:s13+$0x1140];
	v8 =	vand.u32 $0xFFFF0000, v8;
	v9 =	vadd.f32 v11, v9  }
0x158: {  	s0 =	sor.u32 s18, s30;
	v11 =	vld [tilespmem:s23+$0x0];
	v4 =	vadd.f32 v8, v4  }
0x159: {  	v8 =	vld [tilespmem:s0+$0xD00];
	[tilespmem:s16+$0xA160] =	vst v9;
	v9 =	vshll.u32 v6, $0x10  }
0x15a: {  	v5 =	vld [tilespmem:s6+$0xD40];
	v6 =	vand.u32 $0xFFFF0000, v6;
	[tilespmem:s10+$0x9D60] =	vst v4;
	v4 =	vadd.f32 v9, v10  }
0x15b: {  	v6 =	vadd.f32 v6, v12;
	v9 =	vld [tilespmem:s11+$0x70]  }
0x15c: {  	v10 =	vshll.u32 v7, $0x10;
	v12 =	vld [tilespmem:s16+$0x1170];
	[tilespmem:s29+$0x9D30] =	vst v4  }
0x15d: {  	v4 =	vadd.f32 v10, v13;
	v10 =	vshll.u32 v11, $0x10;
	v13 =	vld [tilespmem:s10+$0xD70];
	[tilespmem:s21+$0x9D30] =	vst v6  }
0x15e: {  	v6 =	vand.u32 $0xFFFF0000, v11;
	v8 =	vadd.f32 v10, v8;
	v10 =	vld [tilespmem:s9+$0x40]  }
0x15f: {  	[tilespmem:s13+$0xA140] =	vst v4;
	v4 =	vadd.f32 v6, v14;
	v6 =	vld [tilespmem:s29+$0xD40]  }
0x160: {  	[tilespmem:s0+$0x9D00] =	vst v8;
	v8 =	vld [tilespmem:s21+$0xD40];
	v11 =	vshll.u32 v9, $0x10  }
0x161: {  	v14 =	vld [tilespmem:s6+$0xD50];
	v9 =	vand.u32 $0xFFFF0000, v9;
	[tilespmem:s1+$0x9D00] =	vst v4;
	v11 =	vadd.f32 v11, v12  }
0x162: {  	v4 =	vadd.f32 v9, v13;
	v9 =	vld [tilespmem:s23+$0x10]  }
0x163: {  	s24 =	sadd.s32 $0x7500, s24;
	[tilespmem:s16+$0xA170] =	vst v11;
	v11 =	vld [tilespmem:s0+$0xD10];
	v12 =	vshll.u32 v10, $0x10  }
0x164: {  	s17 =	sadd.s32 $0x800, s14;
	s4 =	sadd.s32 s25, s24;
	v13 =	vld [tilespmem:s1+$0xD10];
	[tilespmem:s10+$0x9D70] =	vst v4;
	v4 =	vadd.f32 v12, v6;
	v6 =	vand.u32 $0xFFFF0000, v10  }
0x165: {  	s14 =	sadd.s32 $0x1400, s14;
	s16 =	sor.u32 s25, s17;
	v10 =	vld [tilespmem:s4+$0x0];
	v6 =	vadd.f32 v6, v8  }
0x166: {  	s7 =	sor.u32 s25, s14;
	v7 =	vand.u32 $0xFFFF0000, v7;
	v8 =	vld [tilespmem:s16+$0xD00];
	[tilespmem:s29+$0x9D40] =	vst v4  }
0x167: {  	v4 =	vadd.f32 v7, v5;
	v5 =	vld [tilespmem:s7+$0xD00];
	v7 =	vshll.u32 v9, $0x10;
	[tilespmem:s21+$0x9D40] =	vst v6  }
0x168: {  	v6 =	vand.u32 $0xFFFF0000, v9;
	v7 =	vadd.f32 v7, v11;
	v9 =	vld [tilespmem:s9+$0x50]  }
0x169: {  	[tilespmem:s6+$0x9D40] =	vst v4;
	v4 =	vadd.f32 v6, v13;
	v6 =	vld [tilespmem:s29+$0xD50]  }
0x16a: {  	v11 =	vshll.u32 v10, $0x10;
	[tilespmem:s0+$0x9D10] =	vst v7;
	v7 =	vld [tilespmem:s21+$0xD50]  }
0x16b: {  	v12 =	vld [tilespmem:s15+$0x50];
	v10 =	vand.u32 $0xFFFF0000, v10;
	v8 =	vadd.f32 v11, v8;
	[tilespmem:s1+$0x9D10] =	vst v4  }
0x16c: {  	v4 =	vadd.f32 v10, v5;
	v5 =	vld [tilespmem:s23+$0x20]  }
0x16d: {  	[tilespmem:s16+$0x9D00] =	vst v8;
	v8 =	vld [tilespmem:s0+$0xD20];
	v10 =	vshll.u32 v9, $0x10  }
0x16e: {  	v11 =	vld [tilespmem:s1+$0xD20];
	[tilespmem:s7+$0x9D00] =	vst v4;
	v4 =	vadd.f32 v10, v6;
	v6 =	vand.u32 $0xFFFF0000, v9  }
0x16f: {  	v9 =	vld [tilespmem:s4+$0x10];
	v6 =	vadd.f32 v6, v7  }
0x170: {  	v7 =	vld [tilespmem:s16+$0xD10];
	[tilespmem:s29+$0x9D50] =	vst v4  }
0x171: {  	v4 =	vld [tilespmem:s7+$0xD10];
	v10 =	vshll.u32 v5, $0x10;
	[tilespmem:s21+$0x9D50] =	vst v6  }
0x172: {  	v5 =	vand.u32 $0xFFFF0000, v5;
	v6 =	vadd.f32 v10, v8;
	v8 =	vld [tilespmem:s9+$0x60]  }
0x173: {  	v5 =	vadd.f32 v5, v11;
	v10 =	vld [tilespmem:s29+$0xD60]  }
0x174: {  	v11 =	vshll.u32 v9, $0x10;
	[tilespmem:s0+$0x9D20] =	vst v6;
	v6 =	vld [tilespmem:s21+$0xD60]  }
0x175: {  	v13 =	vld [tilespmem:s13+$0x1150];
	v9 =	vand.u32 $0xFFFF0000, v9;
	v7 =	vadd.f32 v11, v7;
	[tilespmem:s1+$0x9D20] =	vst v5  }
0x176: {  	v4 =	vadd.f32 v9, v4;
	v5 =	vld [tilespmem:s23+$0x30]  }
0x177: {  	[tilespmem:s16+$0x9D10] =	vst v7;
	v7 =	vld [tilespmem:s0+$0xD30];
	v9 =	vshll.u32 v8, $0x10  }
0x178: {  	v11 =	vld [tilespmem:s1+$0xD30];
	v8 =	vand.u32 $0xFFFF0000, v8;
	[tilespmem:s7+$0x9D10] =	vst v4;
	v4 =	vadd.f32 v9, v10  }
0x179: {  	v9 =	vshll.u32 v12, $0x10;
	v10 =	vld [tilespmem:s4+$0x20];
	v6 =	vadd.f32 v8, v6  }
0x17a: {  	v8 =	vand.u32 $0xFFFF0000, v12;
	v9 =	vadd.f32 v9, v13;
	v12 =	vld [tilespmem:s16+$0xD20];
	[tilespmem:s29+$0x9D60] =	vst v4  }
0x17b: {  	v4 =	vadd.f32 v8, v14;
	v8 =	vld [tilespmem:s7+$0xD20];
	v13 =	vshll.u32 v5, $0x10;
	[tilespmem:s21+$0x9D60] =	vst v6  }
0x17c: {  	[tilespmem:s13+$0xA150] =	vst v9;
	v5 =	vand.u32 $0xFFFF0000, v5;
	v6 =	vadd.f32 v13, v7;
	v7 =	vld [tilespmem:s9+$0x70]  }
0x17d: {  	[tilespmem:s6+$0x9D50] =	vst v4;
	v4 =	vadd.f32 v5, v11;
	v5 =	vld [tilespmem:s29+$0xD70]  }
0x17e: {  	v9 =	vshll.u32 v10, $0x10;
	[tilespmem:s0+$0x9D30] =	vst v6;
	v6 =	vld [tilespmem:s21+$0xD70]  }
0x17f: {  	v11 =	vld [tilespmem:s15+$0x60];
	v10 =	vand.u32 $0xFFFF0000, v10;
	v9 =	vadd.f32 v9, v12;
	[tilespmem:s1+$0x9D30] =	vst v4  }
0x180: {  	v4 =	vadd.f32 v10, v8;
	v8 =	vld [tilespmem:s23+$0x40]  }
0x181: {  	[tilespmem:s16+$0x9D20] =	vst v9;
	v9 =	vld [tilespmem:s0+$0xD40];
	v10 =	vshll.u32 v7, $0x10  }
0x182: {  	v12 =	vld [tilespmem:s1+$0xD40];
	[tilespmem:s7+$0x9D20] =	vst v4;
	v4 =	vadd.f32 v10, v5;
	v5 =	vand.u32 $0xFFFF0000, v7  }
0x183: {  	v7 =	vld [tilespmem:s4+$0x30];
	v5 =	vadd.f32 v5, v6  }
0x184: {  	s22 =	sadd.s32 $0x7100, s31;
	v6 =	vld [tilespmem:s16+$0xD30];
	[tilespmem:s29+$0x9D70] =	vst v4  }
0x185: {  	s10 =	sadd.s32 s12, s22;
	v4 =	vld [tilespmem:s7+$0xD30];
	v10 =	vshll.u32 v8, $0x10;
	[tilespmem:s21+$0x9D70] =	vst v5  }
0x186: {  	v5 =	vand.u32 $0xFFFF0000, v8;
	v8 =	vadd.f32 v10, v9;
	v9 =	vld [tilespmem:s10+$0x0]  }
0x187: {  	s25 =	sadd.s32 $0x1000, s30;
	v5 =	vadd.f32 v5, v12;
	v10 =	vld [tilespmem:s29+$0x1100]  }
0x188: {  	s9 =	sor.u32 s12, s25;
	v12 =	vld [tilespmem:s13+$0x1160];
	[tilespmem:s0+$0x9D40] =	vst v8  }
0x189: {  	v8 =	vld [tilespmem:s9+$0xD00];
	v13 =	vshll.u32 v7, $0x10;
	[tilespmem:s1+$0x9D40] =	vst v5  }
0x18a: {  	v5 =	vadd.f32 v13, v6;
	v6 =	vand.u32 $0xFFFF0000, v7;
	v7 =	vld [tilespmem:s23+$0x50]  }
0x18b: {  	v4 =	vadd.f32 v6, v4;
	v6 =	vld [tilespmem:s0+$0xD50]  }
0x18c: {  	v14 =	vld [tilespmem:s1+$0xD50];
	v13 =	vshll.u32 v9, $0x10;
	[tilespmem:s16+$0x9D30] =	vst v5  }
0x18d: {  	v9 =	vand.u32 $0xFFFF0000, v9;
	v5 =	vadd.f32 v13, v10;
	v10 =	vld [tilespmem:s6+$0xD60];
	[tilespmem:s7+$0x9D30] =	vst v4  }
0x18e: {  	v13 =	vshll.u32 v11, $0x10;
	v4 =	vadd.f32 v9, v8;
	v8 =	vld [tilespmem:s4+$0x40]  }
0x18f: {  	v12 =	vadd.f32 v13, v12;
	v13 =	vld [tilespmem:s7+$0xD40];
	[tilespmem:s29+$0xA100] =	vst v5;
	v9 =	vshll.u32 v7, $0x10  }
0x190: {  	v5 =	vld [tilespmem:s16+$0xD40];
	[tilespmem:s9+$0x9D00] =	vst v4;
	v4 =	vand.u32 $0xFFFF0000, v7;
	v6 =	vadd.f32 v9, v6  }
0x191: {  	v7 =	vld [tilespmem:s10+$0x10];
	v4 =	vadd.f32 v4, v14  }
0x192: {  	v9 =	vld [tilespmem:s29+$0x1110];
	[tilespmem:s0+$0x9D50] =	vst v6  }
0x193: {  	v11 =	vand.u32 $0xFFFF0000, v11;
	v6 =	vld [tilespmem:s9+$0xD10];
	[tilespmem:s1+$0x9D50] =	vst v4  }
0x194: {  	v14 =	vshll.u32 v8, $0x10;
	v4 =	vadd.f32 v11, v10;
	v10 =	vld [tilespmem:s23+$0x60]  }
0x195: {  	[tilespmem:s13+$0xA160] =	vst v12;
	v5 =	vadd.f32 v14, v5;
	v11 =	vld [tilespmem:s0+$0xD60]  }
0x196: {  	v12 =	vshll.u32 v7, $0x10;
	[tilespmem:s6+$0x9D60] =	vst v4;
	v4 =	vld [tilespmem:s1+$0xD60]  }
0x197: {  	v7 =	vand.u32 $0xFFFF0000, v7;
	[tilespmem:s16+$0x9D40] =	vst v5;
	v9 =	vadd.f32 v12, v9;
	v12 =	vld [tilespmem:s15+$0x70]  }
0x198: {  	v15 =	vld [tilespmem:s7+$0xD50];
	v6 =	vadd.f32 v7, v6  }
0x199: {  	v8 =	vand.u32 $0xFFFF0000, v8;
	v7 =	vld [tilespmem:s13+$0x1170];
	[tilespmem:s29+$0xA110] =	vst v9  }
0x19a: {  	v8 =	vadd.f32 v8, v13;
	v9 =	vld [tilespmem:s6+$0xD70];
	v13 =	vshll.u32 v10, $0x10;
	[tilespmem:s9+$0x9D10] =	vst v6  }
0x19b: {  	v5 =	vand.u32 $0xFFFF0000, v10;
	v6 =	vadd.f32 v13, v11;
	v10 =	vld [tilespmem:s10+$0x20]  }
0x19c: {  	[tilespmem:s7+$0x9D40] =	vst v8;
	v4 =	vadd.f32 v5, v4;
	v5 =	vld [tilespmem:s29+$0x1120]  }
0x19d: {  	v8 =	vshll.u32 v12, $0x10;
	[tilespmem:s0+$0x9D60] =	vst v6;
	v6 =	vld [tilespmem:s9+$0xD20]  }
0x19e: {  	v13 =	vld [tilespmem:s16+$0xD50];
	v11 =	vand.u32 $0xFFFF0000, v12;
	v7 =	vadd.f32 v8, v7;
	[tilespmem:s1+$0x9D60] =	vst v4  }
0x19f: {  	v4 =	vadd.f32 v11, v9;
	v9 =	vld [tilespmem:s23+$0x70]  }
0x1a0: {  	[tilespmem:s13+$0xA170] =	vst v7;
	v7 =	vld [tilespmem:s0+$0xD70];
	v11 =	vshll.u32 v10, $0x10  }
0x1a1: {  	s15 =	sadd.s32 s2, s24;
	[tilespmem:s6+$0x9D70] =	vst v4;
	v4 =	vld [tilespmem:s1+$0xD70];
	v10 =	vand.u32 $0xFFFF0000, v10;
	v5 =	vadd.f32 v11, v5  }
0x1a2: {  	s21 =	sor.u32 s2, s17;
	v11 =	vld [tilespmem:s15+$0x0];
	v6 =	vadd.f32 v10, v6  }
0x1a3: {  	s20 =	sor.u32 s2, s14;
	v10 =	vld [tilespmem:s21+$0xD00];
	[tilespmem:s29+$0xA120] =	vst v5  }
0x1a4: {  	v12 =	vld [tilespmem:s20+$0xD00];
	v5 =	vshll.u32 v9, $0x10;
	[tilespmem:s9+$0x9D20] =	vst v6  }
0x1a5: {  	v6 =	vand.u32 $0xFFFF0000, v9;
	v5 =	vadd.f32 v5, v7;
	v7 =	vld [tilespmem:s10+$0x30]  }
0x1a6: {  	v4 =	vadd.f32 v6, v4;
	v6 =	vld [tilespmem:s29+$0x1130]  }
0x1a7: {  	v9 =	vshll.u32 v11, $0x10;
	[tilespmem:s0+$0x9D70] =	vst v5;
	v5 =	vld [tilespmem:s9+$0xD30]  }
0x1a8: {  	v8 =	vld [tilespmem:s4+$0x50];
	s13 =	sadd.s32 s18, s22;
	v11 =	vand.u32 $0xFFFF0000, v11;
	[tilespmem:s1+$0x9D70] =	vst v4;
	v4 =	vadd.f32 v9, v10  }
0x1a9: {  	v10 =	vadd.f32 v11, v12;
	v9 =	vld [tilespmem:s13+$0x0]  }
0x1aa: {  	s2 =	sor.u32 s18, s25;
	v11 =	vld [tilespmem:s0+$0x1100];
	[tilespmem:s21+$0x9D00] =	vst v4;
	v4 =	vshll.u32 v7, $0x10  }
0x1ab: {  	v12 =	vld [tilespmem:s2+$0xD00];
	[tilespmem:s20+$0x9D00] =	vst v10;
	v4 =	vadd.f32 v4, v6;
	v6 =	vand.u32 $0xFFFF0000, v7  }
0x1ac: {  	s26 =	simm.s32 $0x0;
	v7 =	vld [tilespmem:s15+$0x10];
	v5 =	vadd.f32 v6, v5  }
0x1ad: {  	s5 =	smul.u32 $0x3000, s26;
	v6 =	vld [tilespmem:s21+$0xD10];
	[tilespmem:s29+$0xA130] =	vst v4  }
0x1ae: {  	v4 =	vld [tilespmem:s20+$0xD10];
	[tilespmem:s9+$0x9D30] =	vst v5  }
0x1af: {  	s28 =	simm.s32 $0x200;
	s24 =	sshra.s32 s5, $0x2;
	v5 =	vshll.u32 v9, $0x10;
	v10 =	vld [tilespmem:s10+$0x40]  }
0x1b0: {  	s22 =	sand.u32 $0x300, s28;
	s6 =	sadd.s32 $0x6D00, s24;
	v9 =	vand.u32 $0xFFFF0000, v9;
	v5 =	vadd.f32 v5, v11;
	v11 =	vld [tilespmem:s29+$0x1140]  }
0x1b1: {  	s17 =	sadd.s32 s22, s6;
	v14 =	vld [tilespmem:s9+$0xD40];
	v9 =	vadd.f32 v9, v12;
	v12 =	vshll.u32 v7, $0x10  }
0x1b2: {  	v62 =	vld [tilespmem:s17+$0x0];
	[tilespmem:s0+$0xA100] =	vst v5;
	v5 =	vand.u32 $0xFFFF0000, v7;
	v6 =	vadd.f32 v12, v6  }
0x1b3: {  	v7 =	vld [tilespmem:s2+$0xD10];
	[tilespmem:s2+$0x9D00] =	vst v9;
	v4 =	vadd.f32 v5, v4  }
0x1b4: {  	v5 =	vld [tilespmem:s13+$0x10];
	[tilespmem:s21+$0x9D10] =	vst v6;
	v6 =	vshll.u32 v10, $0x10  }
0x1b5: {  	v9 =	vld [tilespmem:s0+$0x1110];
	[tilespmem:s20+$0x9D10] =	vst v4;
	v4 =	vadd.f32 v6, v11;
	v6 =	vand.u32 $0xFFFF0000, v10  }
0x1b6: {  	v10 =	vld [tilespmem:s20+$0xD20];
	v11 =	vshll.u32 v8, $0x10;
	v6 =	vadd.f32 v6, v14  }
0x1b7: {  	v8 =	vand.u32 $0xFFFF0000, v8;
	v12 =	vld [tilespmem:s15+$0x20];
	[tilespmem:s29+$0xA140] =	vst v4;
	v4 =	vadd.f32 v11, v13  }
0x1b8: {  	v11 =	vld [tilespmem:s21+$0xD20];
	[tilespmem:s9+$0x9D40] =	vst v6;
	v6 =	vadd.f32 v8, v15  }
0x1b9: {  	v8 =	vld [tilespmem:s10+$0x50];
	[tilespmem:s16+$0x9D50] =	vst v4;
	v4 =	vshll.u32 v5, $0x10  }
0x1ba: {  	v13 =	vld [tilespmem:s29+$0x1150];
	v5 =	vand.u32 $0xFFFF0000, v5;
	[tilespmem:s7+$0x9D50] =	vst v6;
	v6 =	vadd.f32 v4, v9  }
0x1bb: {  	v9 =	vld [tilespmem:s9+$0xD50];
	v7 =	vadd.f32 v5, v7  }
0x1bc: {  	v4 =	vld [tilespmem:s4+$0x60];
	v14 =	vshll.u32 v12, $0x10;
	[tilespmem:s0+$0xA110] =	vst v6  }
0x1bd: {  	v5 =	vld [tilespmem:s16+$0xD60];
	v12 =	vand.u32 $0xFFFF0000, v12;
	v11 =	vadd.f32 v14, v11;
	[tilespmem:s2+$0x9D10] =	vst v7  }
0x1be: {  	v7 =	vadd.f32 v12, v10;
	v10 =	vshll.u32 v8, $0x10;
	v12 =	vld [tilespmem:s13+$0x20]  }
0x1bf: {  	[tilespmem:s21+$0x9D20] =	vst v11;
	v8 =	vand.u32 $0xFFFF0000, v8;
	v11 =	vld [tilespmem:s0+$0x1120];
	v10 =	vadd.f32 v10, v13  }
0x1c0: {  	[tilespmem:s20+$0x9D20] =	vst v7;
	v7 =	vadd.f32 v8, v9;
	v8 =	vld [tilespmem:s2+$0xD20]  }
0x1c1: {  	v6 =	vld [tilespmem:s7+$0xD60];
	[tilespmem:s29+$0xA150] =	vst v10  }
0x1c2: {  	v9 =	vld [tilespmem:s15+$0x30];
	[tilespmem:s9+$0x9D50] =	vst v7  }
0x1c3: {  	v7 =	vld [tilespmem:s10+$0x60];
	v10 =	vshll.u32 v12, $0x10  }
0x1c4: {  	v13 =	vld [tilespmem:s29+$0x1160];
	v12 =	vand.u32 $0xFFFF0000, v12;
	v10 =	vadd.f32 v10, v11  }
0x1c5: {  	v11 =	vld [tilespmem:s9+$0xD60];
	v8 =	vadd.f32 v12, v8  }
0x1c6: {  	v12 =	vld [tilespmem:s21+$0xD30];
	[tilespmem:s0+$0xA120] =	vst v10  }
0x1c7: {  	v14 =	vld [tilespmem:s20+$0xD30];
	[tilespmem:s2+$0x9D20] =	vst v8  }
0x1c8: {  	v10 =	vshll.u32 v7, $0x10;
	v15 =	vld [tilespmem:s13+$0x30]  }
0x1c9: {  	s25 =	smul.u32 $0x1800, s26;
	s23 =	sor.u32 $0x80, s22;
	v10 =	vadd.f32 v10, v13;
	v13 =	vld [tilespmem:s0+$0x1130]  }
0x1ca: {  	s3 =	sadd.s32 s23, s6;
	v16 =	vshll.u32 v9, $0x10;
	v8 =	vld [tilespmem:s2+$0xD30];
	v7 =	vand.u32 $0xFFFF0000, v7  }
0x1cb: {  	s11 =	sadd.s32 $0xC00, s25;
	s26 =	sor.u32 s25, s23;
	v7 =	vadd.f32 v7, v11;
	v11 =	vadd.f32 v16, v12;
	v12 =	vld [tilespmem:s3+$0x0]  }
0x1cc: {  	s1 =	sor.u32 s23, s11;
	v9 =	vand.u32 $0xFFFF0000, v9;
	[tilespmem:s29+$0xA160] =	vst v10;
	v10 =	vld [tilespmem:s26+$0xD00]  }
0x1cd: {  	v9 =	vadd.f32 v9, v14;
	v14 =	vld [tilespmem:s1+$0xD00];
	[tilespmem:s9+$0x9D60] =	vst v7;
	v7 =	vshll.u32 v15, $0x10  }
0x1ce: {  	[tilespmem:s21+$0x9D30] =	vst v11;
	v11 =	vld [tilespmem:s10+$0x70];
	v13 =	vadd.f32 v7, v13  }
0x1cf: {  	[tilespmem:s20+$0x9D30] =	vst v9;
	v9 =	vand.u32 $0xFFFF0000, v15;
	v7 =	vld [tilespmem:s20+$0xD40]  }
0x1d0: {  	v15 =	vadd.f32 v9, v8;
	v8 =	vld [tilespmem:s15+$0x40];
	[tilespmem:s0+$0xA130] =	vst v13;
	v13 =	vshll.u32 v12, $0x10  }
0x1d1: {  	v9 =	vld [tilespmem:s21+$0xD40];
	v12 =	vand.u32 $0xFFFF0000, v12;
	v10 =	vadd.f32 v13, v10  }
0x1d2: {  	[tilespmem:s2+$0x9D30] =	vst v15;
	v15 =	vld [tilespmem:s2+$0xD40];
	v12 =	vadd.f32 v12, v14  }
0x1d3: {  	v14 =	vld [tilespmem:s29+$0x1170];
	[tilespmem:s26+$0x9D00] =	vst v10  }
0x1d4: {  	v10 =	vld [tilespmem:s9+$0xD70];
	[tilespmem:s1+$0x9D00] =	vst v12  }
0x1d5: {  	v12 =	vld [tilespmem:s3+$0x10]  }
0x1d6: {  	v61 =	vld [tilespmem:s26+$0xD10]  }
0x1d7: {  	v17 =	vshll.u32 v11, $0x10;
	v18 =	vld [tilespmem:s1+$0xD10]  }
0x1d8: {  	v13 =	vld [tilespmem:s13+$0x40];
	v11 =	vand.u32 $0xFFFF0000, v11;
	v14 =	vadd.f32 v17, v14  }
0x1d9: {  	s5 =	sor.u32 s22, s11;
	v19 =	vld [tilespmem:s0+$0x1140];
	v10 =	vadd.f32 v11, v10  }
0x1da: {  	s10 =	sadd.s32 $0x7500, s31;
	[tilespmem:s29+$0xA170] =	vst v14;
	s29 =	sor.u32 s22, s25;
	v11 =	vld [tilespmem:s5+$0xD00];
	v14 =	vshll.u32 v12, $0x10  }
0x1db: {  	s31 =	sadd.s32 $0x800, s30;
	s11 =	sadd.s32 s12, s10;
	v20 =	vld [tilespmem:s29+$0xD00];
	[tilespmem:s9+$0x9D70] =	vst v10;
	v12 =	vand.u32 $0xFFFF0000, v12;
	v10 =	vadd.f32 v14, v61  }
0x1dc: {  	s14 =	sor.u32 s12, s31;
	s9 =	sadd.s32 $0x1400, s30;
	v14 =	vld [tilespmem:s11+$0x0];
	v12 =	vadd.f32 v12, v18  }
0x1dd: {  	v63 =	vld [tilespmem:s14+$0xD00];
	s6 =	sor.u32 s12, s9;
	[tilespmem:s26+$0x9D10] =	vst v10  }
0x1de: {  	v24 =	vld [tilespmem:s6+$0xD00];
	v10 =	vshll.u32 v13, $0x10;
	[tilespmem:s1+$0x9D10] =	vst v12  }
0x1df: {  	v10 =	vadd.f32 v10, v19;
	v12 =	vshll.u32 v62, $0x10;
	v25 =	vld [tilespmem:s3+$0x20]  }
0x1e0: {  	v17 =	vand.u32 $0xFFFF0000, v62;
	v12 =	vadd.f32 v12, v20;
	v26 =	vld [tilespmem:s26+$0xD20]  }
0x1e1: {  	v27 =	vld [tilespmem:s1+$0xD20];
	[tilespmem:s0+$0xA140] =	vst v10;
	v10 =	vadd.f32 v17, v11;
	v11 =	vshll.u32 v14, $0x10  }
0x1e2: {  	v14 =	vand.u32 $0xFFFF0000, v14;
	[tilespmem:s29+$0x9D00] =	vst v12;
	v12 =	vld [tilespmem:s2+$0xD50];
	v11 =	vadd.f32 v11, v63  }
0x1e3: {  	v14 =	vadd.f32 v14, v24;
	[tilespmem:s5+$0x9D00] =	vst v10;
	v10 =	vld [tilespmem:s5+$0xD10]  }
0x1e4: {  	v28 =	vld [tilespmem:s17+$0x10];
	[tilespmem:s14+$0x9D00] =	vst v11;
	v11 =	vshll.u32 v25, $0x10  }
0x1e5: {  	v29 =	vld [tilespmem:s29+$0xD10];
	[tilespmem:s6+$0x9D00] =	vst v14;
	v14 =	vand.u32 $0xFFFF0000, v25;
	v11 =	vadd.f32 v11, v26  }
0x1e6: {  	v30 =	vld [tilespmem:s11+$0x10];
	v14 =	vadd.f32 v14, v27  }
0x1e7: {  	v31 =	vld [tilespmem:s14+$0xD10];
	[tilespmem:s26+$0x9D20] =	vst v11  }
0x1e8: {  	v11 =	vand.u32 $0xFFFF0000, v13;
	v13 =	vld [tilespmem:s6+$0xD10];
	[tilespmem:s1+$0x9D20] =	vst v14  }
0x1e9: {  	v11 =	vadd.f32 v11, v15;
	v14 =	vshll.u32 v28, $0x10;
	v15 =	vld [tilespmem:s3+$0x30]  }
0x1ea: {  	v16 =	vand.u32 $0xFFFF0000, v28;
	v14 =	vadd.f32 v14, v29;
	v32 =	vld [tilespmem:s26+$0xD30]  }
0x1eb: {  	v33 =	vld [tilespmem:s1+$0xD30];
	v10 =	vadd.f32 v16, v10;
	[tilespmem:s2+$0x9D40] =	vst v11;
	v11 =	vshll.u32 v30, $0x10  }
0x1ec: {  	v34 =	vld [tilespmem:s13+$0x50];
	[tilespmem:s29+$0x9D10] =	vst v14;
	v11 =	vadd.f32 v11, v31;
	v14 =	vand.u32 $0xFFFF0000, v30  }
0x1ed: {  	[tilespmem:s5+$0x9D10] =	vst v10;
	v10 =	vld [tilespmem:s5+$0xD20];
	v13 =	vadd.f32 v14, v13  }
0x1ee: {  	v14 =	vld [tilespmem:s17+$0x20];
	[tilespmem:s14+$0x9D10] =	vst v11;
	v11 =	vshll.u32 v15, $0x10  }
0x1ef: {  	v35 =	vld [tilespmem:s29+$0xD20];
	[tilespmem:s6+$0x9D10] =	vst v13;
	v13 =	vand.u32 $0xFFFF0000, v15;
	v11 =	vadd.f32 v11, v32  }
0x1f0: {  	v15 =	vld [tilespmem:s11+$0x20];
	v13 =	vadd.f32 v13, v33  }
0x1f1: {  	v36 =	vld [tilespmem:s14+$0xD20];
	[tilespmem:s26+$0x9D30] =	vst v11  }
0x1f2: {  	v11 =	vld [tilespmem:s6+$0xD20];
	[tilespmem:s1+$0x9D30] =	vst v13  }
0x1f3: {  	v13 =	vshll.u32 v14, $0x10;
	v37 =	vld [tilespmem:s3+$0x40]  }
0x1f4: {  	v14 =	vand.u32 $0xFFFF0000, v14;
	v13 =	vadd.f32 v13, v35;
	v38 =	vld [tilespmem:s26+$0xD40]  }
0x1f5: {  	v39 =	vld [tilespmem:s1+$0xD40];
	v10 =	vadd.f32 v14, v10;
	v14 =	vshll.u32 v15, $0x10  }
0x1f6: {  	v15 =	vand.u32 $0xFFFF0000, v15;
	[tilespmem:s29+$0x9D20] =	vst v13;
	v13 =	vadd.f32 v14, v36;
	v14 =	vld [tilespmem:s0+$0x1150]  }
0x1f7: {  	[tilespmem:s5+$0x9D20] =	vst v10;
	v10 =	vld [tilespmem:s5+$0xD30];
	v11 =	vadd.f32 v15, v11  }
0x1f8: {  	v15 =	vld [tilespmem:s17+$0x30];
	[tilespmem:s14+$0x9D20] =	vst v13;
	v13 =	vshll.u32 v37, $0x10  }
0x1f9: {  	[tilespmem:s6+$0x9D20] =	vst v11;
	v11 =	vld [tilespmem:s29+$0xD30];
	v40 =	vand.u32 $0xFFFF0000, v37;
	v13 =	vadd.f32 v13, v38  }
0x1fa: {  	v44 =	vld [tilespmem:s6+$0xD30];
	v16 =	vadd.f32 v40, v39  }
0x1fb: {  	v42 =	vshll.u32 v34, $0x10;
	v41 =	vld [tilespmem:s11+$0x30];
	[tilespmem:s26+$0x9D40] =	vst v13  }
0x1fc: {  	v43 =	vand.u32 $0xFFFF0000, v34;
	v14 =	vadd.f32 v42, v14;
	v13 =	vld [tilespmem:s14+$0xD30];
	[tilespmem:s1+$0x9D40] =	vst v16  }
0x1fd: {  	v12 =	vadd.f32 v43, v12;
	v16 =	vld [tilespmem:s3+$0x50]  }
0x1fe: {  	[tilespmem:s0+$0xA150] =	vst v14;
	v14 =	vshll.u32 v15, $0x10;
	v45 =	vld [tilespmem:s26+$0xD50]  }
0x1ff: {  	[tilespmem:s2+$0x9D50] =	vst v12;
	v12 =	vand.u32 $0xFFFF0000, v15;
	v11 =	vadd.f32 v14, v11;
	v14 =	vld [tilespmem:s1+$0xD50]  }
0x200: {  	v15 =	vld [tilespmem:s13+$0x60];
	v10 =	vadd.f32 v12, v10;
	v12 =	vshll.u32 v41, $0x10  }
0x201: {  	[tilespmem:s29+$0x9D30] =	vst v11;
	v11 =	vadd.f32 v12, v13;
	v12 =	vld [tilespmem:s0+$0x1160];
	v13 =	vand.u32 $0xFFFF0000, v41  }
0x202: {  	[tilespmem:s5+$0x9D30] =	vst v10;
	v10 =	vld [tilespmem:s2+$0xD60];
	v13 =	vadd.f32 v13, v44;
	v46 =	vshll.u32 v16, $0x10  }
0x203: {  	v47 =	vld [tilespmem:s5+$0xD40];
	[tilespmem:s14+$0x9D30] =	vst v11;
	v16 =	vand.u32 $0xFFFF0000, v16;
	v11 =	vadd.f32 v46, v45  }
0x204: {  	v48 =	vld [tilespmem:s17+$0x40];
	[tilespmem:s6+$0x9D30] =	vst v13;
	v13 =	vshll.u32 v4, $0x10;
	v14 =	vadd.f32 v16, v14  }
0x205: {  	v4 =	vand.u32 $0xFFFF0000, v4;
	v5 =	vadd.f32 v13, v5;
	v13 =	vld [tilespmem:s29+$0xD40];
	[tilespmem:s26+$0x9D50] =	vst v11  }
0x206: {  	v4 =	vadd.f32 v4, v6;
	v6 =	vshll.u32 v8, $0x10;
	v11 =	vld [tilespmem:s11+$0x40];
	[tilespmem:s1+$0x9D50] =	vst v14  }
0x207: {  	[tilespmem:s16+$0x9D60] =	vst v5;
	v5 =	vadd.f32 v6, v9;
	v6 =	vshll.u32 v15, $0x10;
	v9 =	vld [tilespmem:s3+$0x60]  }
0x208: {  	v8 =	vand.u32 $0xFFFF0000, v8;
	[tilespmem:s7+$0x9D60] =	vst v4;
	v4 =	vand.u32 $0xFFFF0000, v15;
	v6 =	vadd.f32 v6, v12;
	v12 =	vld [tilespmem:s26+$0xD60]  }
0x209: {  	v7 =	vadd.f32 v8, v7;
	[tilespmem:s21+$0x9D40] =	vst v5;
	v4 =	vadd.f32 v4, v10;
	v5 =	vshll.u32 v48, $0x10;
	v10 =	vld [tilespmem:s1+$0xD60]  }
0x20a: {  	[tilespmem:s0+$0xA160] =	vst v6;
	v6 =	vand.u32 $0xFFFF0000, v48;
	v5 =	vadd.f32 v5, v13;
	v13 =	vld [tilespmem:s14+$0xD40]  }
0x20b: {  	v14 =	vld [tilespmem:s6+$0xD40];
	[tilespmem:s20+$0x9D40] =	vst v7;
	v6 =	vadd.f32 v6, v47  }
0x20c: {  	v57 =	vld [tilespmem:s7+$0xD70];
	[tilespmem:s29+$0x9D40] =	vst v5  }
0x20d: {  	v51 =	vld [tilespmem:s21+$0xD50];
	v5 =	vshll.u32 v9, $0x10;
	[tilespmem:s5+$0x9D40] =	vst v6  }
0x20e: {  	v6 =	vand.u32 $0xFFFF0000, v9;
	v9 =	vshll.u32 v11, $0x10;
	v5 =	vadd.f32 v5, v12;
	v7 =	vld [tilespmem:s17+$0x50]  }
0x20f: {  	[tilespmem:s2+$0x9D60] =	vst v4;
	v11 =	vand.u32 $0xFFFF0000, v11;
	v6 =	vadd.f32 v6, v10;
	v10 =	vld [tilespmem:s29+$0xD50];
	v9 =	vadd.f32 v9, v13  }
0x210: {  	v11 =	vadd.f32 v11, v14;
	[tilespmem:s26+$0x9D60] =	vst v5;
	v5 =	vld [tilespmem:s5+$0xD50]  }
0x211: {  	v8 =	vld [tilespmem:s13+$0x70];
	[tilespmem:s14+$0x9D40] =	vst v9  }
0x212: {  	v13 =	vld [tilespmem:s15+$0x50];
	[tilespmem:s6+$0x9D40] =	vst v11  }
0x213: {  	v11 =	vshll.u32 v7, $0x10;
	v12 =	vld [tilespmem:s11+$0x50]  }
0x214: {  	v7 =	vand.u32 $0xFFFF0000, v7;
	v10 =	vadd.f32 v11, v10;
	v11 =	vld [tilespmem:s14+$0xD50]  }
0x215: {  	[tilespmem:s1+$0x9D60] =	vst v6;
	v5 =	vadd.f32 v7, v5;
	v7 =	vld [tilespmem:s6+$0xD50]  }
0x216: {  	v6 =	vld [tilespmem:s3+$0x70];
	[tilespmem:s29+$0x9D50] =	vst v10  }
0x217: {  	v10 =	vld [tilespmem:s0+$0x1170];
	[tilespmem:s5+$0x9D50] =	vst v5  }
0x218: {  	v5 =	vld [tilespmem:s17+$0x60];
	v14 =	vshll.u32 v12, $0x10  }
0x219: {  	v15 =	vld [tilespmem:s29+$0xD60];
	v12 =	vand.u32 $0xFFFF0000, v12;
	v11 =	vadd.f32 v14, v11  }
0x21a: {  	v14 =	vld [tilespmem:s5+$0xD60];
	v7 =	vadd.f32 v12, v7  }
0x21b: {  	v12 =	vld [tilespmem:s26+$0xD70];
	[tilespmem:s14+$0x9D50] =	vst v11  }
0x21c: {  	v11 =	vld [tilespmem:s1+$0xD70];
	[tilespmem:s6+$0x9D50] =	vst v7  }
0x21d: {  	v7 =	vshll.u32 v5, $0x10;
	v49 =	vld [tilespmem:s11+$0x60]  }
0x21e: {  	v5 =	vand.u32 $0xFFFF0000, v5;
	v7 =	vadd.f32 v7, v15;
	v15 =	vld [tilespmem:s14+$0xD60]  }
0x21f: {  	v50 =	vshll.u32 v8, $0x10;
	v5 =	vadd.f32 v5, v14;
	v14 =	vld [tilespmem:s6+$0xD60]  }
0x220: {  	v9 =	vld [tilespmem:s20+$0xD50];
	v10 =	vadd.f32 v50, v10;
	[tilespmem:s29+$0x9D60] =	vst v7;
	v7 =	vshll.u32 v6, $0x10  }
0x221: {  	v6 =	vand.u32 $0xFFFF0000, v6;
	[tilespmem:s5+$0x9D60] =	vst v5;
	v5 =	vld [tilespmem:s2+$0xD70];
	v7 =	vadd.f32 v7, v12  }
0x222: {  	[tilespmem:s0+$0xA170] =	vst v10;
	v6 =	vadd.f32 v6, v11;
	v10 =	vld [tilespmem:s17+$0x70];
	v11 =	vshll.u32 v49, $0x10  }
0x223: {  	v12 =	vld [tilespmem:s29+$0xD70];
	[tilespmem:s26+$0x9D70] =	vst v7;
	v7 =	vadd.f32 v11, v15;
	v11 =	vand.u32 $0xFFFF0000, v49  }
0x224: {  	s13 =	sadd.s32 $0x7100, s24;
	v52 =	vld [tilespmem:s5+$0xD70];
	v15 =	vshll.u32 v13, $0x10;
	[tilespmem:s1+$0x9D70] =	vst v6;
	v6 =	vadd.f32 v11, v14  }
0x225: {  	v4 =	vld [tilespmem:s4+$0x70];
	s12 =	sadd.s32 s23, s13;
	v11 =	vand.u32 $0xFFFF0000, v13;
	v13 =	vadd.f32 v15, v51;
	[tilespmem:s14+$0x9D60] =	vst v7  }
0x226: {  	v8 =	vand.u32 $0xFFFF0000, v8;
	v14 =	vld [tilespmem:s12+$0x0];
	v7 =	vadd.f32 v11, v9;
	[tilespmem:s6+$0x9D60] =	vst v6  }
0x227: {  	s17 =	sadd.s32 $0x1000, s25;
	v9 =	vld [tilespmem:s26+$0x1100];
	[tilespmem:s21+$0x9D50] =	vst v13;
	v6 =	vadd.f32 v8, v5;
	v8 =	vshll.u32 v10, $0x10  }
0x228: {  	s4 =	sor.u32 s23, s17;
	v5 =	vld [tilespmem:s11+$0x70];
	[tilespmem:s20+$0x9D50] =	vst v7;
	v7 =	vand.u32 $0xFFFF0000, v10;
	v8 =	vadd.f32 v8, v12  }
0x229: {  	s30 =	sadd.s32 s18, s10;
	v10 =	vld [tilespmem:s4+$0xD00];
	[tilespmem:s2+$0x9D70] =	vst v6;
	v7 =	vadd.f32 v7, v52  }
0x22a: {  	s0 =	sor.u32 s18, s31;
	v11 =	vld [tilespmem:s30+$0x0];
	[tilespmem:s29+$0x9D70] =	vst v8  }
0x22b: {  	s2 =	sadd.s32 s22, s13;
	[tilespmem:s5+$0x9D70] =	vst v7;
	v7 =	vld [tilespmem:s0+$0xD00]  }
0x22c: {  	v8 =	vshll.u32 v14, $0x10;
	v12 =	vld [tilespmem:s2+$0x0]  }
0x22d: {  	s31 =	sor.u32 s18, s9;
	v8 =	vadd.f32 v8, v9;
	v9 =	vand.u32 $0xFFFF0000, v14;
	v13 =	vld [tilespmem:s29+$0x1100]  }
0x22e: {  	v9 =	vadd.f32 v9, v10;
	v10 =	vld [tilespmem:s31+$0xD00]  }
0x22f: {  	v6 =	vld [tilespmem:s20+$0xD60];
	[tilespmem:s26+$0xA100] =	vst v8  }
0x230: {  	s13 =	sor.u32 s22, s17;
	v15 =	vld [tilespmem:s15+$0x60];
	[tilespmem:s4+$0x9D00] =	vst v9;
	v9 =	vshll.u32 v11, $0x10  }
0x231: {  	v8 =	vld [tilespmem:s13+$0xD00];
	v7 =	vadd.f32 v9, v7;
	v9 =	vshll.u32 v12, $0x10  }
0x232: {  	v11 =	vand.u32 $0xFFFF0000, v11;
	v9 =	vadd.f32 v9, v13;
	v13 =	vld [tilespmem:s21+$0xD60]  }
0x233: {  	v14 =	vld [tilespmem:s12+$0x10];
	[tilespmem:s0+$0x9D00] =	vst v7;
	v7 =	vadd.f32 v11, v10  }
0x234: {  	v10 =	vld [tilespmem:s26+$0x1110];
	[tilespmem:s29+$0xA100] =	vst v9  }
0x235: {  	v11 =	vand.u32 $0xFFFF0000, v12;
	v9 =	vld [tilespmem:s4+$0xD10];
	[tilespmem:s31+$0x9D00] =	vst v7  }
0x236: {  	v12 =	vshll.u32 v15, $0x10;
	v8 =	vadd.f32 v11, v8;
	v11 =	vld [tilespmem:s30+$0x10]  }
0x237: {  	v53 =	vld [tilespmem:s0+$0xD10];
	v12 =	vadd.f32 v12, v13;
	v13 =	vand.u32 $0xFFFF0000, v15  }
0x238: {  	[tilespmem:s13+$0x9D00] =	vst v8;
	v8 =	vld [tilespmem:s31+$0xD10];
	v15 =	vshll.u32 v14, $0x10;
	v6 =	vadd.f32 v13, v6  }
0x239: {  	v54 =	vld [tilespmem:s2+$0x10];
	v10 =	vadd.f32 v15, v10;
	[tilespmem:s21+$0x9D60] =	vst v12;
	v12 =	vand.u32 $0xFFFF0000, v14  }
0x23a: {  	v9 =	vadd.f32 v12, v9;
	v12 =	vld [tilespmem:s29+$0x1110];
	[tilespmem:s20+$0x9D60] =	vst v6  }
0x23b: {  	v7 =	vld [tilespmem:s13+$0xD10];
	[tilespmem:s26+$0xA110] =	vst v10;
	v6 =	vshll.u32 v11, $0x10  }
0x23c: {  	v13 =	vld [tilespmem:s20+$0xD70];
	v6 =	vadd.f32 v6, v53;
	[tilespmem:s4+$0x9D10] =	vst v9;
	v9 =	vand.u32 $0xFFFF0000, v11  }
0x23d: {  	v11 =	vld [tilespmem:s12+$0x20];
	v8 =	vadd.f32 v9, v8  }
0x23e: {  	v15 =	vshll.u32 v54, $0x10;
	v9 =	vld [tilespmem:s26+$0x1120];
	[tilespmem:s0+$0x9D10] =	vst v6  }
0x23f: {  	v55 =	vld [tilespmem:s4+$0xD20];
	v6 =	vand.u32 $0xFFFF0000, v54;
	v12 =	vadd.f32 v15, v12;
	[tilespmem:s31+$0x9D10] =	vst v8  }
0x240: {  	v6 =	vadd.f32 v6, v7;
	v7 =	vld [tilespmem:s30+$0x20]  }
0x241: {  	v8 =	vld [tilespmem:s0+$0xD20];
	[tilespmem:s29+$0xA110] =	vst v12  }
0x242: {  	v12 =	vld [tilespmem:s31+$0xD20];
	v15 =	vshll.u32 v11, $0x10;
	[tilespmem:s13+$0x9D10] =	vst v6  }
0x243: {  	v6 =	vadd.f32 v15, v9;
	v9 =	vand.u32 $0xFFFF0000, v11;
	v11 =	vld [tilespmem:s2+$0x20]  }
0x244: {  	v15 =	vld [tilespmem:s29+$0x1120];
	v9 =	vadd.f32 v9, v55  }
0x245: {  	v56 =	vld [tilespmem:s13+$0xD20];
	[tilespmem:s26+$0xA120] =	vst v6;
	v6 =	vshll.u32 v7, $0x10  }
0x246: {  	v10 =	vld [tilespmem:s16+$0xD70];
	v7 =	vand.u32 $0xFFFF0000, v7;
	[tilespmem:s4+$0x9D20] =	vst v9;
	v6 =	vadd.f32 v6, v8  }
0x247: {  	v7 =	vadd.f32 v7, v12;
	v8 =	vld [tilespmem:s12+$0x30]  }
0x248: {  	v9 =	vld [tilespmem:s26+$0x1130];
	v12 =	vshll.u32 v11, $0x10;
	[tilespmem:s0+$0x9D20] =	vst v6  }
0x249: {  	v6 =	vand.u32 $0xFFFF0000, v11;
	v11 =	vld [tilespmem:s4+$0xD30];
	v12 =	vadd.f32 v12, v15;
	[tilespmem:s31+$0x9D20] =	vst v7  }
0x24a: {  	v6 =	vadd.f32 v6, v56;
	v7 =	vld [tilespmem:s30+$0x30]  }
0x24b: {  	[tilespmem:s29+$0xA120] =	vst v12;
	v12 =	vld [tilespmem:s0+$0xD30]  }
0x24c: {  	v15 =	vld [tilespmem:s31+$0xD30];
	v58 =	vshll.u32 v8, $0x10;
	[tilespmem:s13+$0x9D20] =	vst v6  }
0x24d: {  	v8 =	vand.u32 $0xFFFF0000, v8;
	v6 =	vadd.f32 v58, v9;
	v9 =	vld [tilespmem:s2+$0x30]  }
0x24e: {  	v8 =	vadd.f32 v8, v11;
	v11 =	vld [tilespmem:s29+$0x1130]  }
0x24f: {  	v59 =	vld [tilespmem:s13+$0xD30];
	[tilespmem:s26+$0xA130] =	vst v6;
	v6 =	vshll.u32 v7, $0x10  }
0x250: {  	v7 =	vand.u32 $0xFFFF0000, v7;
	[tilespmem:s4+$0x9D30] =	vst v8;
	v8 =	vld [tilespmem:s14+$0xD70];
	v6 =	vadd.f32 v6, v12  }
0x251: {  	v7 =	vadd.f32 v7, v15;
	v12 =	vld [tilespmem:s12+$0x40]  }
0x252: {  	v15 =	vld [tilespmem:s26+$0x1140];
	[tilespmem:s0+$0x9D30] =	vst v6;
	v6 =	vshll.u32 v9, $0x10  }
0x253: {  	v9 =	vand.u32 $0xFFFF0000, v9;
	v6 =	vadd.f32 v6, v11;
	v11 =	vld [tilespmem:s4+$0xD40];
	[tilespmem:s31+$0x9D30] =	vst v7  }
0x254: {  	v7 =	vadd.f32 v9, v59;
	v9 =	vld [tilespmem:s30+$0x40]  }
0x255: {  	v60 =	vshll.u32 v4, $0x10;
	[tilespmem:s29+$0xA130] =	vst v6;
	v6 =	vld [tilespmem:s0+$0xD40]  }
0x256: {  	v10 =	vadd.f32 v60, v10;
	v61 =	vld [tilespmem:s31+$0xD40];
	[tilespmem:s13+$0x9D30] =	vst v7;
	v7 =	vshll.u32 v12, $0x10  }
0x257: {  	v4 =	vand.u32 $0xFFFF0000, v4;
	v12 =	vand.u32 $0xFFFF0000, v12;
	v7 =	vadd.f32 v7, v15;
	v15 =	vld [tilespmem:s2+$0x40]  }
0x258: {  	v4 =	vadd.f32 v4, v57;
	[tilespmem:s16+$0x9D70] =	vst v10;
	v10 =	vadd.f32 v12, v11;
	v11 =	vld [tilespmem:s29+$0x1140]  }
0x259: {  	v12 =	vld [tilespmem:s13+$0xD40];
	[tilespmem:s26+$0xA140] =	vst v7;
	v7 =	vshll.u32 v9, $0x10  }
0x25a: {  	v14 =	vld [tilespmem:s15+$0x70];
	[tilespmem:s7+$0x9D70] =	vst v4;
	v4 =	vshll.u32 v5, $0x10;
	v6 =	vadd.f32 v7, v6  }
0x25b: {  	v4 =	vadd.f32 v4, v8;
	v9 =	vand.u32 $0xFFFF0000, v9;
	[tilespmem:s4+$0x9D40] =	vst v10;
	v7 =	vld [tilespmem:s6+$0xD70]  }
0x25c: {  	v9 =	vadd.f32 v9, v61;
	v62 =	vld [tilespmem:s12+$0x50];
	[tilespmem:s0+$0x9D40] =	vst v6;
	v6 =	vshll.u32 v15, $0x10  }
0x25d: {  	[tilespmem:s14+$0x9D70] =	vst v4;
	v63 =	vld [tilespmem:s26+$0x1150];
	v8 =	vand.u32 $0xFFFF0000, v15;
	v6 =	vadd.f32 v6, v11  }
0x25e: {  	v10 =	vld [tilespmem:s4+$0xD50];
	[tilespmem:s31+$0x9D40] =	vst v9;
	v9 =	vadd.f32 v8, v12  }
0x25f: {  	v5 =	vand.u32 $0xFFFF0000, v5;
	v4 =	vld [tilespmem:s31+$0xD50];
	[tilespmem:s29+$0xA140] =	vst v6  }
0x260: {  	s18 =	sor.u32 $0x20, s19;
	v5 =	vadd.f32 v5, v7;
	v7 =	vld [tilespmem:s30+$0x50];
	[tilespmem:s13+$0x9D40] =	vst v9  }
0x261: {  	v11 =	vand.u32 $0xFFFF0000, v14;
	v8 =	vld [tilespmem:s0+$0xD50];
	v6 =	vshll.u32 v14, $0x10;
	v12 =	vshll.u32 v62, $0x10;
	[dreg:$0x11] =	wrdreg s18  }
0x262: {  	s7 =	simm.s32 $0x4;
	[tilespmem:s6+$0x9D70] =	vst v5;
	v5 =	vadd.f32 v11, v13;
	v9 =	vld [tilespmem:s13+$0xD50];
	v11 =	vadd.f32 v12, v63;
	v12 =	vand.u32 $0xFFFF0000, v62  }
.LBB2_6:
0x263: {  	s7 =	sadd.s32 $0x2, s7;
	v13 =	vld [tilespmem:s2+$0x50];
	v10 =	vadd.f32 v12, v10  }
0x264: {  	s5 =	sshrl.u32 s7, $0x3;
	p1 =	slt.u32 s7, $0x1E;
	v12 =	vld [tilespmem:s29+$0x1150];
	[tilespmem:s26+$0xA150] =	vst v11  }
0x265: {  	s1 =	smul.u32 $0x3000, s5;
	[tilespmem:s4+$0x9D50] =	vst v10;
	v10 =	vshll.u32 v7, $0x10;
	v7 =	vand.u32 $0xFFFF0000, v7;
	v11 =	vld [tilespmem:s21+$0xD70]  }
0x266: {  	s28 =	sadd.s32 $0x100, s28;
	v14 =	vld [tilespmem:s12+$0x60];
	v8 =	vadd.f32 v10, v8;
	v4 =	vadd.f32 v7, v4  }
0x267: {  	s3 =	sand.u32 $0x300, s28;
	s1 =	sshra.s32 s1, $0x2;
	v7 =	vld [tilespmem:s26+$0x1160]  }
0x268: {  	s11 =	smul.u32 $0x1800, s5;
	s17 =	sor.u32 $0x80, s3;
	s6 =	sadd.s32 $0x6D00, s1;
	v10 =	vshll.u32 v13, $0x10;
	v13 =	vand.u32 $0xFFFF0000, v13;
	v15 =	vld [tilespmem:s4+$0xD60];
	[tilespmem:s0+$0x9D50] =	vst v8  }
0x269: {  	s16 =	sadd.s32 s3, s6;
	s5 =	sadd.s32 s17, s6;
	v8 =	vadd.f32 v10, v12;
	v9 =	vadd.f32 v13, v9;
	[tilespmem:s31+$0x9D50] =	vst v4;
	v4 =	vld [tilespmem:s31+$0xD60]  }
0x26a: {  	s10 =	sor.u32 s3, s11;
	s9 =	sadd.s32 $0xC00, s11;
	s6 =	sor.u32 s11, s17;
	v10 =	vld [tilespmem:s5+$0x0];
	v6 =	vadd.f32 v6, v11  }
0x26b: {  	s14 =	sor.u32 s3, s9;
	s15 =	sor.u32 s17, s9;
	v11 =	vld [tilespmem:s6+$0xD00];
	[tilespmem:s29+$0xA150] =	vst v8;
	v8 =	vshll.u32 v14, $0x10  }
0x26c: {  	v12 =	vld [tilespmem:s15+$0xD00];
	[tilespmem:s13+$0x9D50] =	vst v9;
	v7 =	vadd.f32 v8, v7;
	v8 =	vand.u32 $0xFFFF0000, v14  }
0x26d: {  	v9 =	vld [tilespmem:s16+$0x0];
	v8 =	vadd.f32 v8, v15;
	[tilespmem:s21+$0x9D70] =	vst v6;
	s21 =	smov.u32 s0  }
0x26e: {  	v6 =	vld [tilespmem:s14+$0xD00];
	[tilespmem:s26+$0xA160] =	vst v7  }
0x26f: {  	v7 =	vld [tilespmem:s10+$0xD00];
	v13 =	vshll.u32 v10, $0x10;
	[tilespmem:s4+$0x9D60] =	vst v8  }
0x270: {  	v10 =	vand.u32 $0xFFFF0000, v10;
	v8 =	vadd.f32 v13, v11;
	v11 =	vld [tilespmem:s12+$0x70];
	[tilespmem:s20+$0x9D70] =	vst v5;
	s20 =	smov.u32 s31  }
0x271: {  	v5 =	vadd.f32 v10, v12;
	v10 =	vld [tilespmem:s26+$0x1170]  }
0x272: {  	v12 =	vshll.u32 v9, $0x10;
	v9 =	vand.u32 $0xFFFF0000, v9;
	[tilespmem:s6+$0x9D00] =	vst v8;
	v8 =	vld [tilespmem:s4+$0xD70]  }
0x273: {  	v6 =	vadd.f32 v9, v6;
	[tilespmem:s15+$0x9D00] =	vst v5;
	v5 =	vld [tilespmem:s2+$0x60]  }
0x274: {  	v7 =	vadd.f32 v12, v7;
	v9 =	vld [tilespmem:s5+$0x10]  }
0x275: {  	v12 =	vld [tilespmem:s6+$0xD10];
	v13 =	vshll.u32 v11, $0x10  }
0x276: {  	v11 =	vand.u32 $0xFFFF0000, v11;
	[tilespmem:s10+$0x9D00] =	vst v7;
	v7 =	vld [tilespmem:s15+$0xD10];
	v10 =	vadd.f32 v13, v10  }
0x277: {  	[tilespmem:s14+$0x9D00] =	vst v6;
	v6 =	vld [tilespmem:s14+$0xD10];
	v8 =	vadd.f32 v11, v8  }
0x278: {  	s0 =	sadd.s32 $0x7500, s24;
	s24 =	smov.u32 s1;
	v11 =	vld [tilespmem:s16+$0x10];
	v13 =	vshll.u32 v5, $0x10;
	v5 =	vand.u32 $0xFFFF0000, v5;
	[tilespmem:s26+$0xA170] =	vst v10;
	s26 =	smov.u32 s6  }
0x279: {  	s1 =	sadd.s32 $0x800, s25;
	s9 =	sadd.s32 s23, s0;
	s6 =	sadd.s32 s22, s0;
	v10 =	vld [tilespmem:s10+$0xD10];
	v14 =	vshll.u32 v9, $0x10;
	[tilespmem:s4+$0x9D70] =	vst v8  }
0x27a: {  	s18 =	sor.u32 s23, s1;
	s0 =	sor.u32 s22, s1;
	v9 =	vand.u32 $0xFFFF0000, v9;
	s4 =	sadd.s32 $0x1400, s25;
	v8 =	vadd.f32 v14, v12;
	v12 =	vld [tilespmem:s9+$0x0]  }
0x27b: {  	s31 =	sor.u32 s22, s4;
	s1 =	sor.u32 s23, s4;
	s22 =	smov.u32 s3;
	v7 =	vadd.f32 v9, v7;
	v9 =	vld [tilespmem:s18+$0xD00]  }
0x27c: {  	s25 =	smov.u32 s11;
	s23 =	smov.u32 s17;
	[tilespmem:s26+$0x9D10] =	vst v8;
	v8 =	vld [tilespmem:s1+$0xD00]  }
0x27d: {  	v14 =	vshll.u32 v11, $0x10;
	v11 =	vand.u32 $0xFFFF0000, v11;
	[tilespmem:s15+$0x9D10] =	vst v7;
	v7 =	vld [tilespmem:s29+$0x1160]  }
0x27e: {  	v10 =	vadd.f32 v14, v10;
	v6 =	vadd.f32 v11, v6;
	v11 =	vld [tilespmem:s5+$0x20]  }
0x27f: {  	v14 =	vld [tilespmem:s26+$0xD20];
	v15 =	vshll.u32 v12, $0x10  }
0x280: {  	v12 =	vand.u32 $0xFFFF0000, v12;
	[tilespmem:s10+$0x9D10] =	vst v10;
	v10 =	vld [tilespmem:s15+$0xD20];
	v9 =	vadd.f32 v15, v9  }
0x281: {  	[tilespmem:s14+$0x9D10] =	vst v6;
	v6 =	vld [tilespmem:s14+$0xD20];
	v8 =	vadd.f32 v12, v8  }
0x282: {  	v12 =	vld [tilespmem:s16+$0x20];
	v7 =	vadd.f32 v13, v7;
	[tilespmem:s18+$0x9D00] =	vst v9  }
0x283: {  	v9 =	vld [tilespmem:s10+$0xD20];
	v13 =	vshll.u32 v11, $0x10;
	[tilespmem:s1+$0x9D00] =	vst v8  }
0x284: {  	v11 =	vand.u32 $0xFFFF0000, v11;
	v8 =	vadd.f32 v13, v14;
	v13 =	vld [tilespmem:s9+$0x10]  }
0x285: {  	v10 =	vadd.f32 v11, v10;
	v11 =	vld [tilespmem:s18+$0xD10]  }
0x286: {  	[tilespmem:s26+$0x9D20] =	vst v8;
	v8 =	vld [tilespmem:s1+$0xD10]  }
0x287: {  	v14 =	vshll.u32 v12, $0x10;
	v12 =	vand.u32 $0xFFFF0000, v12;
	[tilespmem:s15+$0x9D20] =	vst v10;
	v10 =	vld [tilespmem:s13+$0xD60]  }
0x288: {  	v9 =	vadd.f32 v14, v9;
	v6 =	vadd.f32 v12, v6;
	v12 =	vld [tilespmem:s5+$0x30];
	[tilespmem:s29+$0xA160] =	vst v7  }
0x289: {  	v7 =	vld [tilespmem:s26+$0xD30];
	v14 =	vshll.u32 v13, $0x10  }
0x28a: {  	v13 =	vand.u32 $0xFFFF0000, v13;
	[tilespmem:s10+$0x9D20] =	vst v9;
	v9 =	vld [tilespmem:s15+$0xD30];
	v11 =	vadd.f32 v14, v11  }
0x28b: {  	[tilespmem:s14+$0x9D20] =	vst v6;
	v6 =	vld [tilespmem:s14+$0xD30];
	v8 =	vadd.f32 v13, v8  }
0x28c: {  	v13 =	vld [tilespmem:s16+$0x30];
	v5 =	vadd.f32 v5, v10;
	[tilespmem:s18+$0x9D10] =	vst v11  }
0x28d: {  	v10 =	vld [tilespmem:s10+$0xD30];
	v11 =	vshll.u32 v12, $0x10;
	[tilespmem:s1+$0x9D10] =	vst v8  }
0x28e: {  	v8 =	vand.u32 $0xFFFF0000, v12;
	v7 =	vadd.f32 v11, v7;
	[tilespmem:s13+$0x9D60] =	vst v5;
	v5 =	vld [tilespmem:s9+$0x20]  }
0x28f: {  	v8 =	vadd.f32 v8, v9;
	v9 =	vld [tilespmem:s18+$0xD20]  }
0x290: {  	[tilespmem:s26+$0x9D30] =	vst v7;
	v7 =	vld [tilespmem:s1+$0xD20]  }
0x291: {  	v11 =	vshll.u32 v13, $0x10;
	v12 =	vand.u32 $0xFFFF0000, v13;
	[tilespmem:s15+$0x9D30] =	vst v8;
	v8 =	vld [tilespmem:s2+$0x70]  }
0x292: {  	v10 =	vadd.f32 v11, v10;
	v6 =	vadd.f32 v12, v6;
	v11 =	vld [tilespmem:s5+$0x40]  }
0x293: {  	v12 =	vld [tilespmem:s26+$0xD40];
	v13 =	vshll.u32 v5, $0x10  }
0x294: {  	v5 =	vand.u32 $0xFFFF0000, v5;
	[tilespmem:s10+$0x9D30] =	vst v10;
	v10 =	vld [tilespmem:s15+$0xD40];
	v9 =	vadd.f32 v13, v9  }
0x295: {  	[tilespmem:s14+$0x9D30] =	vst v6;
	v6 =	vld [tilespmem:s14+$0xD40];
	v5 =	vadd.f32 v5, v7  }
0x296: {  	v7 =	vld [tilespmem:s16+$0x40];
	v13 =	vshll.u32 v8, $0x10;
	v8 =	vand.u32 $0xFFFF0000, v8;
	[tilespmem:s18+$0x9D20] =	vst v9  }
0x297: {  	v9 =	vld [tilespmem:s10+$0xD40];
	v14 =	vshll.u32 v11, $0x10;
	[tilespmem:s1+$0x9D20] =	vst v5  }
0x298: {  	v11 =	vand.u32 $0xFFFF0000, v11;
	v5 =	vadd.f32 v14, v12;
	v12 =	vld [tilespmem:s9+$0x30]  }
0x299: {  	v10 =	vadd.f32 v11, v10;
	v11 =	vld [tilespmem:s18+$0xD30]  }
0x29a: {  	[tilespmem:s26+$0x9D40] =	vst v5;
	v5 =	vld [tilespmem:s1+$0xD30]  }
0x29b: {  	v14 =	vshll.u32 v7, $0x10;
	v7 =	vand.u32 $0xFFFF0000, v7;
	[tilespmem:s15+$0x9D40] =	vst v10;
	v10 =	vld [tilespmem:s29+$0x1170]  }
0x29c: {  	v9 =	vadd.f32 v14, v9;
	v6 =	vadd.f32 v7, v6;
	v7 =	vld [tilespmem:s5+$0x50]  }
0x29d: {  	v14 =	vld [tilespmem:s26+$0xD50];
	v15 =	vshll.u32 v12, $0x10  }
0x29e: {  	v12 =	vand.u32 $0xFFFF0000, v12;
	[tilespmem:s10+$0x9D40] =	vst v9;
	v9 =	vld [tilespmem:s15+$0xD50];
	v11 =	vadd.f32 v15, v11  }
0x29f: {  	[tilespmem:s14+$0x9D40] =	vst v6;
	v6 =	vld [tilespmem:s14+$0xD50];
	v5 =	vadd.f32 v12, v5  }
0x2a0: {  	v12 =	vld [tilespmem:s16+$0x50];
	v10 =	vadd.f32 v13, v10;
	[tilespmem:s18+$0x9D30] =	vst v11  }
0x2a1: {  	v11 =	vld [tilespmem:s10+$0xD50];
	v13 =	vshll.u32 v7, $0x10;
	[tilespmem:s1+$0x9D30] =	vst v5  }
0x2a2: {  	v7 =	vand.u32 $0xFFFF0000, v7;
	v5 =	vadd.f32 v13, v14;
	v13 =	vld [tilespmem:s9+$0x40]  }
0x2a3: {  	v7 =	vadd.f32 v7, v9;
	v9 =	vld [tilespmem:s18+$0xD40]  }
0x2a4: {  	[tilespmem:s26+$0x9D50] =	vst v5;
	v5 =	vld [tilespmem:s1+$0xD40]  }
0x2a5: {  	v14 =	vshll.u32 v12, $0x10;
	v12 =	vand.u32 $0xFFFF0000, v12;
	[tilespmem:s15+$0x9D50] =	vst v7;
	v7 =	vld [tilespmem:s13+$0xD70]  }
0x2a6: {  	v11 =	vadd.f32 v14, v11;
	v6 =	vadd.f32 v12, v6;
	v12 =	vld [tilespmem:s5+$0x60];
	[tilespmem:s29+$0xA170] =	vst v10;
	s29 =	smov.u32 s10  }
0x2a7: {  	v10 =	vld [tilespmem:s26+$0xD60];
	v14 =	vshll.u32 v13, $0x10  }
0x2a8: {  	v13 =	vand.u32 $0xFFFF0000, v13;
	[tilespmem:s29+$0x9D50] =	vst v11;
	v11 =	vld [tilespmem:s15+$0xD60];
	v9 =	vadd.f32 v14, v9  }
0x2a9: {  	[tilespmem:s14+$0x9D50] =	vst v6;
	v6 =	vld [tilespmem:s14+$0xD60];
	v5 =	vadd.f32 v13, v5  }
0x2aa: {  	v13 =	vld [tilespmem:s16+$0x60];
	v7 =	vadd.f32 v8, v7;
	[tilespmem:s18+$0x9D40] =	vst v9  }
0x2ab: {  	v8 =	vld [tilespmem:s29+$0xD60];
	v9 =	vshll.u32 v12, $0x10;
	[tilespmem:s1+$0x9D40] =	vst v5  }
0x2ac: {  	v5 =	vadd.f32 v9, v10;
	v9 =	vand.u32 $0xFFFF0000, v12;
	[tilespmem:s13+$0x9D70] =	vst v7;
	v7 =	vld [tilespmem:s9+$0x50]  }
0x2ad: {  	v9 =	vadd.f32 v9, v11;
	v10 =	vld [tilespmem:s18+$0xD50]  }
0x2ae: {  	[tilespmem:s26+$0x9D60] =	vst v5;
	v5 =	vld [tilespmem:s1+$0xD50]  }
0x2af: {  	v11 =	vshll.u32 v13, $0x10;
	v12 =	vand.u32 $0xFFFF0000, v13;
	[tilespmem:s15+$0x9D60] =	vst v9;
	v9 =	vld [tilespmem:s6+$0x0]  }
0x2b0: {  	v8 =	vadd.f32 v11, v8;
	v6 =	vadd.f32 v12, v6;
	v11 =	vld [tilespmem:s5+$0x70]  }
0x2b1: {  	v12 =	vld [tilespmem:s26+$0xD70];
	v13 =	vshll.u32 v7, $0x10  }
0x2b2: {  	v7 =	vand.u32 $0xFFFF0000, v7;
	[tilespmem:s29+$0x9D60] =	vst v8;
	v8 =	vld [tilespmem:s15+$0xD70];
	v10 =	vadd.f32 v13, v10  }
0x2b3: {  	[tilespmem:s14+$0x9D60] =	vst v6;
	v6 =	vld [tilespmem:s14+$0xD70];
	v5 =	vadd.f32 v7, v5  }
0x2b4: {  	v7 =	vld [tilespmem:s16+$0x70];
	v13 =	vshll.u32 v9, $0x10;
	v9 =	vand.u32 $0xFFFF0000, v9;
	[tilespmem:s18+$0x9D50] =	vst v10  }
0x2b5: {  	v10 =	vld [tilespmem:s29+$0xD70];
	v14 =	vshll.u32 v11, $0x10;
	[tilespmem:s1+$0x9D50] =	vst v5  }
0x2b6: {  	v11 =	vand.u32 $0xFFFF0000, v11;
	v5 =	vadd.f32 v14, v12;
	v12 =	vld [tilespmem:s9+$0x60]  }
0x2b7: {  	v8 =	vadd.f32 v11, v8;
	v11 =	vld [tilespmem:s18+$0xD60]  }
0x2b8: {  	s3 =	sadd.s32 $0x7100, s24;
	[tilespmem:s26+$0x9D70] =	vst v5;
	v5 =	vld [tilespmem:s1+$0xD60]  }
0x2b9: {  	s12 =	sadd.s32 s23, s3;
	s2 =	sadd.s32 s22, s3;
	v14 =	vshll.u32 v7, $0x10;
	v7 =	vand.u32 $0xFFFF0000, v7;
	[tilespmem:s15+$0x9D70] =	vst v8;
	v8 =	vld [tilespmem:s0+$0xD00]  }
0x2ba: {  	s3 =	sadd.s32 $0x1000, s25;
	v10 =	vadd.f32 v14, v10;
	v6 =	vadd.f32 v7, v6;
	v7 =	vld [tilespmem:s12+$0x0]  }
0x2bb: {  	s4 =	sor.u32 s23, s3;
	s13 =	sor.u32 s22, s3;
	v14 =	vld [tilespmem:s26+$0x1100];
	v15 =	vshll.u32 v12, $0x10  }
0x2bc: {  	v12 =	vand.u32 $0xFFFF0000, v12;
	[tilespmem:s29+$0x9D70] =	vst v10;
	v10 =	vld [tilespmem:s4+$0xD00];
	v11 =	vadd.f32 v15, v11  }
0x2bd: {  	[tilespmem:s14+$0x9D70] =	vst v6;
	v6 =	vld [tilespmem:s31+$0xD00];
	v5 =	vadd.f32 v12, v5  }
0x2be: {  	v12 =	vld [tilespmem:s2+$0x0];
	v8 =	vadd.f32 v13, v8;
	[tilespmem:s18+$0x9D60] =	vst v11  }
0x2bf: {  	v11 =	vld [tilespmem:s29+$0x1100];
	v13 =	vshll.u32 v7, $0x10;
	[tilespmem:s1+$0x9D60] =	vst v5  }
0x2c0: {  	v7 =	vand.u32 $0xFFFF0000, v7;
	v5 =	vadd.f32 v13, v14;
	[tilespmem:s0+$0x9D00] =	vst v8;
	v8 =	vld [tilespmem:s9+$0x70]  }
0x2c1: {  	v7 =	vadd.f32 v7, v10;
	v10 =	vld [tilespmem:s18+$0xD70]  }
0x2c2: {  	[tilespmem:s26+$0xA100] =	vst v5;
	v5 =	vadd.f32 v9, v6;
	v6 =	vld [tilespmem:s1+$0xD70]  }
0x2c3: {  	v9 =	vshll.u32 v12, $0x10;
	v13 =	vld [tilespmem:s13+$0xD00];
	v12 =	vand.u32 $0xFFFF0000, v12;
	[tilespmem:s4+$0x9D00] =	vst v7  }
0x2c4: {  	v7 =	vadd.f32 v9, v11;
	v9 =	vld [tilespmem:s12+$0x10];
	[tilespmem:s31+$0x9D00] =	vst v5  }
0x2c5: {  	v5 =	vld [tilespmem:s26+$0x1110];
	v11 =	vshll.u32 v8, $0x10  }
0x2c6: {  	v8 =	vand.u32 $0xFFFF0000, v8;
	[tilespmem:s29+$0xA100] =	vst v7;
	v7 =	vld [tilespmem:s4+$0xD10];
	v10 =	vadd.f32 v11, v10  }
0x2c7: {  	v11 =	vld [tilespmem:s13+$0xD10];
	v6 =	vadd.f32 v8, v6  }
0x2c8: {  	v8 =	vadd.f32 v12, v13;
	v12 =	vld [tilespmem:s6+$0x10];
	[tilespmem:s18+$0x9D70] =	vst v10  }
0x2c9: {  	v10 =	vshll.u32 v9, $0x10;
	v13 =	vld [tilespmem:s0+$0xD10];
	[tilespmem:s1+$0x9D70] =	vst v6  }
0x2ca: {  	v6 =	vand.u32 $0xFFFF0000, v9;
	[tilespmem:s13+$0x9D00] =	vst v8;
	v5 =	vadd.f32 v10, v5;
	v8 =	vld [tilespmem:s31+$0xD10]  }
0x2cb: {  	v9 =	vld [tilespmem:s2+$0x10];
	v6 =	vadd.f32 v6, v7  }
0x2cc: {  	v7 =	vld [tilespmem:s29+$0x1110];
	[tilespmem:s26+$0xA110] =	vst v5  }
0x2cd: {  	[tilespmem:s4+$0x9D10] =	vst v6;
	v5 =	vshll.u32 v12, $0x10;
	v6 =	vand.u32 $0xFFFF0000, v12;
	v10 =	vld [tilespmem:s30+$0x60]  }
0x2ce: {  	v12 =	vld [tilespmem:s12+$0x20];
	v5 =	vadd.f32 v5, v13  }
0x2cf: {  	v13 =	vld [tilespmem:s26+$0x1120];
	v6 =	vadd.f32 v6, v8  }
0x2d0: {  	v8 =	vshll.u32 v9, $0x10;
	v9 =	vand.u32 $0xFFFF0000, v9;
	v14 =	vld [tilespmem:s4+$0xD20];
	[tilespmem:s0+$0x9D10] =	vst v5  }
0x2d1: {  	v5 =	vadd.f32 v8, v7;
	v7 =	vadd.f32 v9, v11;
	[tilespmem:s31+$0x9D10] =	vst v6;
	v6 =	vld [tilespmem:s31+$0xD20]  }
0x2d2: {  	v8 =	vld [tilespmem:s6+$0x20];
	v9 =	vshll.u32 v10, $0x10;
	v10 =	vand.u32 $0xFFFF0000, v10  }
0x2d3: {  	[tilespmem:s29+$0xA110] =	vst v5;
	v5 =	vshll.u32 v12, $0x10;
	v11 =	vld [tilespmem:s0+$0xD20];
	v4 =	vadd.f32 v10, v4  }
0x2d4: {  	v10 =	vand.u32 $0xFFFF0000, v12;
	[tilespmem:s13+$0x9D10] =	vst v7;
	v7 =	vld [tilespmem:s13+$0xD20];
	v5 =	vadd.f32 v5, v13  }
0x2d5: {  	v12 =	vld [tilespmem:s2+$0x20];
	v10 =	vadd.f32 v10, v14  }
0x2d6: {  	v13 =	vld [tilespmem:s29+$0x1120];
	[tilespmem:s26+$0xA120] =	vst v5  }
0x2d7: {  	[tilespmem:s4+$0x9D20] =	vst v10;
	v5 =	vshll.u32 v8, $0x10;
	v8 =	vand.u32 $0xFFFF0000, v8;
	v10 =	vld [tilespmem:s21+$0xD60]  }
0x2d8: {  	v14 =	vld [tilespmem:s12+$0x30];
	v5 =	vadd.f32 v5, v11;
	v6 =	vadd.f32 v8, v6  }
0x2d9: {  	v8 =	vld [tilespmem:s26+$0x1130]  }
0x2da: {  	v11 =	vshll.u32 v12, $0x10;
	v12 =	vand.u32 $0xFFFF0000, v12;
	v15 =	vld [tilespmem:s4+$0xD30];
	[tilespmem:s0+$0x9D20] =	vst v5  }
0x2db: {  	v5 =	vadd.f32 v11, v13;
	v7 =	vadd.f32 v12, v7;
	[tilespmem:s31+$0x9D20] =	vst v6;
	v6 =	vld [tilespmem:s31+$0xD30]  }
0x2dc: {  	v11 =	vld [tilespmem:s6+$0x30];
	v9 =	vadd.f32 v9, v10  }
0x2dd: {  	[tilespmem:s29+$0xA120] =	vst v5;
	v5 =	vshll.u32 v14, $0x10;
	v10 =	vld [tilespmem:s0+$0xD30]  }
0x2de: {  	[tilespmem:s13+$0x9D20] =	vst v7;
	v7 =	vld [tilespmem:s13+$0xD30];
	v5 =	vadd.f32 v5, v8;
	v8 =	vand.u32 $0xFFFF0000, v14  }
0x2df: {  	v12 =	vld [tilespmem:s2+$0x30];
	v8 =	vadd.f32 v8, v15;
	[tilespmem:s21+$0x9D60] =	vst v9  }
0x2e0: {  	v9 =	vld [tilespmem:s29+$0x1130];
	[tilespmem:s26+$0xA130] =	vst v5  }
0x2e1: {  	[tilespmem:s4+$0x9D30] =	vst v8;
	v5 =	vshll.u32 v11, $0x10;
	v8 =	vand.u32 $0xFFFF0000, v11;
	v11 =	vld [tilespmem:s20+$0xD70]  }
0x2e2: {  	v13 =	vld [tilespmem:s12+$0x40];
	v5 =	vadd.f32 v5, v10;
	v6 =	vadd.f32 v8, v6;
	[tilespmem:s20+$0x9D60] =	vst v4  }
0x2e3: {  	v4 =	vld [tilespmem:s26+$0x1140]  }
0x2e4: {  	v8 =	vshll.u32 v12, $0x10;
	v10 =	vand.u32 $0xFFFF0000, v12;
	v12 =	vld [tilespmem:s4+$0xD40];
	[tilespmem:s0+$0x9D30] =	vst v5  }
0x2e5: {  	v5 =	vadd.f32 v8, v9;
	v7 =	vadd.f32 v10, v7;
	[tilespmem:s31+$0x9D30] =	vst v6;
	v6 =	vld [tilespmem:s31+$0xD40]  }
0x2e6: {  	v8 =	vld [tilespmem:s6+$0x40]  }
0x2e7: {  	[tilespmem:s29+$0xA130] =	vst v5;
	v5 =	vshll.u32 v13, $0x10;
	v9 =	vld [tilespmem:s0+$0xD40]  }
0x2e8: {  	[tilespmem:s13+$0x9D30] =	vst v7;
	v7 =	vld [tilespmem:s13+$0xD40];
	v4 =	vadd.f32 v5, v4;
	v5 =	vand.u32 $0xFFFF0000, v13  }
0x2e9: {  	v10 =	vld [tilespmem:s2+$0x40];
	v5 =	vadd.f32 v5, v12  }
0x2ea: {  	v12 =	vld [tilespmem:s29+$0x1140];
	[tilespmem:s26+$0xA140] =	vst v4  }
0x2eb: {  	[tilespmem:s4+$0x9D40] =	vst v5;
	v4 =	vshll.u32 v8, $0x10;
	v5 =	vand.u32 $0xFFFF0000, v8;
	v8 =	vld [tilespmem:s30+$0x70];
	s30 =	smov.u32 s6  }
0x2ec: {  	v13 =	vld [tilespmem:s12+$0x50];
	v4 =	vadd.f32 v4, v9;
	v5 =	vadd.f32 v5, v6  }
0x2ed: {  	v14 =	vld [tilespmem:s26+$0x1150]  }
.Ltmp1:
0x2ee: {  	v6 =	vshll.u32 v10, $0x10;
	v9 =	vand.u32 $0xFFFF0000, v10;
	v10 =	vld [tilespmem:s4+$0xD50];
	[tilespmem:s0+$0x9D40] =	vst v4;
	(pc) =	sbr.rel @p1 .LBB2_6-.Ltmp1, $4  }
0x2ef: {  	v12 =	vadd.f32 v6, v12;
	v9 =	vadd.f32 v9, v7;
	[tilespmem:s31+$0x9D40] =	vst v5;
	v4 =	vld [tilespmem:s31+$0xD50]  }
0x2f0: {  	v7 =	vld [tilespmem:s30+$0x50];
	v6 =	vshll.u32 v8, $0x10;
	v5 =	vand.u32 $0xFFFF0000, v8  }
0x2f1: {  	[tilespmem:s29+$0xA140] =	vst v12;
	v12 =	vshll.u32 v13, $0x10;
	v8 =	vld [tilespmem:s0+$0xD50];
	v5 =	vadd.f32 v5, v11  }
0x2f2: {  	[tilespmem:s13+$0x9D40] =	vst v9;
	v9 =	vld [tilespmem:s13+$0xD50];
	v11 =	vadd.f32 v12, v14;
	v12 =	vand.u32 $0xFFFF0000, v13  }
0x2f3: {  	v13 =	vld [tilespmem:s2+$0x50]  }
0x2f4: {  	v10 =	vadd.f32 v12, v10;
	v23 =	vld [tilespmem:s29+$0x1150]  }
0x2f5: {  	[tilespmem:s26+$0xA150] =	vst v11  }
0x2f6: {  	[tilespmem:s4+$0x9D50] =	vst v10  }
0x2f7: {  	v10 =	vld [tilespmem:s12+$0x60]  }
0x2f8: {  	v24 =	vld [tilespmem:s26+$0x1160];
	v14 =	vshll.u32 v13, $0x10  }
0x2f9: {  	v15 =	vld [tilespmem:s4+$0xD60];
	v13 =	vand.u32 $0xFFFF0000, v13;
	v12 =	vadd.f32 v14, v23  }
0x2fa: {  	v9 =	vadd.f32 v13, v9  }
0x2fb: {  	[tilespmem:s29+$0xA150] =	vst v12  }
0x2fc: {  	v25 =	vshll.u32 v10, $0x10;
	[tilespmem:s13+$0x9D50] =	vst v9  }
0x2fd: {  	v10 =	vand.u32 $0xFFFF0000, v10;
	v26 =	vadd.f32 v25, v24;
	v27 =	vld [tilespmem:s2+$0x60]  }
0x2fe: {  	v10 =	vadd.f32 v10, v15;
	v28 =	vld [tilespmem:s29+$0x1160]  }
0x2ff: {  	v29 =	vld [tilespmem:s13+$0xD60];
	[tilespmem:s26+$0xA160] =	vst v26  }
0x300: {  	[tilespmem:s4+$0x9D60] =	vst v10  }
0x301: {  	v10 =	vld [tilespmem:s12+$0x70]  }
0x302: {  	v30 =	vld [tilespmem:s26+$0x1170];
	v31 =	vshll.u32 v27, $0x10  }
0x303: {  	v32 =	vld [tilespmem:s4+$0xD70];
	v11 =	vand.u32 $0xFFFF0000, v27;
	v12 =	vadd.f32 v31, v28  }
0x304: {  	v9 =	vadd.f32 v11, v29  }
0x305: {  	[tilespmem:s29+$0xA160] =	vst v12  }
0x306: {  	v33 =	vshll.u32 v10, $0x10;
	[tilespmem:s13+$0x9D60] =	vst v9  }
0x307: {  	v10 =	vand.u32 $0xFFFF0000, v10;
	v34 =	vadd.f32 v33, v30;
	v35 =	vld [tilespmem:s2+$0x70]  }
0x308: {  	v10 =	vadd.f32 v10, v32;
	v36 =	vld [tilespmem:s29+$0x1170]  }
0x309: {  	s1 =	sadd.s32 $0x7500, s24;
	v37 =	vld [tilespmem:s13+$0xD70];
	[tilespmem:s26+$0xA170] =	vst v34  }
0x30a: {  	s7 =	sadd.s32 $0x800, s25;
	s6 =	sadd.s32 s23, s1;
	[tilespmem:s4+$0x9D70] =	vst v10  }
0x30b: {  	s24 =	sadd.s32 $0x1400, s25;
	s3 =	sor.u32 s23, s7;
	v10 =	vld [tilespmem:s6+$0x0]  }
0x30c: {  	s25 =	sor.u32 s23, s24;
	v38 =	vld [tilespmem:s3+$0xD00];
	v39 =	vshll.u32 v35, $0x10  }
0x30d: {  	v40 =	vld [tilespmem:s25+$0xD00];
	v11 =	vand.u32 $0xFFFF0000, v35;
	v12 =	vadd.f32 v39, v36  }
0x30e: {  	v9 =	vadd.f32 v11, v37  }
0x30f: {  	[tilespmem:s29+$0xA170] =	vst v12  }
0x310: {  	s5 =	sadd.s32 s22, s1;
	v41 =	vshll.u32 v10, $0x10;
	[tilespmem:s13+$0x9D70] =	vst v9  }
0x311: {  	s26 =	sor.u32 s22, s7;
	v10 =	vand.u32 $0xFFFF0000, v10;
	v42 =	vadd.f32 v41, v38;
	v43 =	vld [tilespmem:s5+$0x0]  }
0x312: {  	s4 =	sor.u32 s22, s24;
	v10 =	vadd.f32 v10, v40;
	v12 =	vld [tilespmem:s26+$0xD00]  }
0x313: {  	v44 =	vld [tilespmem:s4+$0xD00];
	[tilespmem:s3+$0x9D00] =	vst v42  }
0x314: {  	[tilespmem:s25+$0x9D00] =	vst v10  }
0x315: {  	v10 =	vld [tilespmem:s6+$0x10]  }
0x316: {  	v45 =	vld [tilespmem:s3+$0xD10];
	v46 =	vshll.u32 v43, $0x10  }
0x317: {  	v47 =	vld [tilespmem:s25+$0xD10];
	v11 =	vand.u32 $0xFFFF0000, v43;
	v12 =	vadd.f32 v46, v12  }
0x318: {  	v9 =	vadd.f32 v11, v44  }
0x319: {  	[tilespmem:s26+$0x9D00] =	vst v12  }
0x31a: {  	v48 =	vshll.u32 v10, $0x10;
	[tilespmem:s4+$0x9D00] =	vst v9  }
0x31b: {  	v10 =	vand.u32 $0xFFFF0000, v10;
	v49 =	vadd.f32 v48, v45;
	v50 =	vld [tilespmem:s5+$0x10]  }
0x31c: {  	v10 =	vadd.f32 v10, v47;
	v51 =	vld [tilespmem:s26+$0xD10]  }
0x31d: {  	v52 =	vld [tilespmem:s4+$0xD10];
	[tilespmem:s3+$0x9D10] =	vst v49  }
0x31e: {  	[tilespmem:s25+$0x9D10] =	vst v10  }
0x31f: {  	v10 =	vld [tilespmem:s6+$0x20]  }
0x320: {  	v53 =	vld [tilespmem:s3+$0xD20];
	v54 =	vshll.u32 v50, $0x10  }
0x321: {  	v55 =	vld [tilespmem:s25+$0xD20];
	v11 =	vand.u32 $0xFFFF0000, v50;
	v12 =	vadd.f32 v54, v51  }
0x322: {  	v9 =	vadd.f32 v11, v52  }
0x323: {  	[tilespmem:s26+$0x9D10] =	vst v12  }
0x324: {  	v56 =	vshll.u32 v10, $0x10;
	[tilespmem:s4+$0x9D10] =	vst v9  }
0x325: {  	v10 =	vand.u32 $0xFFFF0000, v10;
	v57 =	vadd.f32 v56, v53;
	v58 =	vld [tilespmem:s5+$0x20]  }
0x326: {  	v10 =	vadd.f32 v10, v55;
	v59 =	vld [tilespmem:s26+$0xD20]  }
0x327: {  	v60 =	vld [tilespmem:s4+$0xD20];
	[tilespmem:s3+$0x9D20] =	vst v57  }
0x328: {  	[tilespmem:s25+$0x9D20] =	vst v10  }
0x329: {  	v10 =	vld [tilespmem:s6+$0x30]  }
0x32a: {  	v61 =	vld [tilespmem:s3+$0xD30];
	v62 =	vshll.u32 v58, $0x10  }
0x32b: {  	v63 =	vld [tilespmem:s25+$0xD30];
	v11 =	vand.u32 $0xFFFF0000, v58;
	v12 =	vadd.f32 v62, v59  }
0x32c: {  	v9 =	vadd.f32 v11, v60  }
0x32d: {  	[tilespmem:s26+$0x9D20] =	vst v12  }
0x32e: {  	v18 =	vshll.u32 v10, $0x10;
	[tilespmem:s4+$0x9D20] =	vst v9  }
0x32f: {  	v10 =	vand.u32 $0xFFFF0000, v10;
	v19 =	vadd.f32 v18, v61;
	v20 =	vld [tilespmem:s5+$0x30]  }
0x330: {  	v10 =	vadd.f32 v10, v63;
	v21 =	vld [tilespmem:s26+$0xD30]  }
0x331: {  	v22 =	vld [tilespmem:s4+$0xD30];
	[tilespmem:s3+$0x9D30] =	vst v19  }
0x332: {  	[tilespmem:s25+$0x9D30] =	vst v10  }
0x333: {  	v10 =	vld [tilespmem:s6+$0x40]  }
0x334: {  	v23 =	vld [tilespmem:s3+$0xD40];
	v24 =	vshll.u32 v20, $0x10  }
0x335: {  	v25 =	vld [tilespmem:s25+$0xD40];
	v11 =	vand.u32 $0xFFFF0000, v20;
	v12 =	vadd.f32 v24, v21  }
0x336: {  	v9 =	vadd.f32 v11, v22  }
0x337: {  	[tilespmem:s26+$0x9D30] =	vst v12  }
0x338: {  	v26 =	vshll.u32 v10, $0x10;
	[tilespmem:s4+$0x9D30] =	vst v9  }
0x339: {  	v10 =	vand.u32 $0xFFFF0000, v10;
	v27 =	vadd.f32 v26, v23;
	v28 =	vld [tilespmem:s5+$0x40]  }
0x33a: {  	v10 =	vadd.f32 v10, v25;
	v29 =	vld [tilespmem:s26+$0xD40]  }
0x33b: {  	v30 =	vld [tilespmem:s4+$0xD40];
	[tilespmem:s3+$0x9D40] =	vst v27  }
0x33c: {  	[tilespmem:s25+$0x9D40] =	vst v10  }
0x33d: {  	v10 =	vld [tilespmem:s6+$0x50]  }
0x33e: {  	v31 =	vld [tilespmem:s3+$0xD50];
	v32 =	vshll.u32 v28, $0x10  }
0x33f: {  	v33 =	vld [tilespmem:s25+$0xD50];
	v11 =	vand.u32 $0xFFFF0000, v28;
	v12 =	vadd.f32 v32, v29  }
0x340: {  	v9 =	vadd.f32 v11, v30  }
0x341: {  	[tilespmem:s26+$0x9D40] =	vst v12  }
0x342: {  	v34 =	vshll.u32 v10, $0x10;
	[tilespmem:s4+$0x9D40] =	vst v9  }
0x343: {  	v10 =	vand.u32 $0xFFFF0000, v10;
	v35 =	vadd.f32 v34, v31;
	v36 =	vld [tilespmem:s5+$0x50]  }
0x344: {  	v10 =	vadd.f32 v10, v33;
	v37 =	vld [tilespmem:s26+$0xD50]  }
0x345: {  	v38 =	vshll.u32 v7, $0x10;
	v39 =	vld [tilespmem:s4+$0xD50];
	[tilespmem:s3+$0x9D50] =	vst v35  }
0x346: {  	v40 =	vand.u32 $0xFFFF0000, v7;
	v8 =	vadd.f32 v38, v8;
	[tilespmem:s25+$0x9D50] =	vst v10  }
0x347: {  	v4 =	vadd.f32 v40, v4;
	v41 =	vld [tilespmem:s6+$0x60]  }
0x348: {  	[tilespmem:s0+$0x9D50] =	vst v8;
	v42 =	vld [tilespmem:s3+$0xD60];
	v43 =	vshll.u32 v36, $0x10  }
0x349: {  	[tilespmem:s31+$0x9D50] =	vst v4;
	v4 =	vld [tilespmem:s25+$0xD60];
	v11 =	vand.u32 $0xFFFF0000, v36;
	v10 =	vadd.f32 v43, v37  }
0x34a: {  	v44 =	vld [tilespmem:s30+$0x60];
	v9 =	vadd.f32 v11, v39  }
0x34b: {  	v45 =	vld [tilespmem:s0+$0xD60];
	[tilespmem:s26+$0x9D50] =	vst v10  }
0x34c: {  	v46 =	vld [tilespmem:s31+$0xD60];
	v47 =	vshll.u32 v41, $0x10;
	[tilespmem:s4+$0x9D50] =	vst v9  }
0x34d: {  	v7 =	vand.u32 $0xFFFF0000, v41;
	v8 =	vadd.f32 v47, v42;
	v9 =	vld [tilespmem:s5+$0x60]  }
0x34e: {  	v4 =	vadd.f32 v7, v4;
	v48 =	vld [tilespmem:s26+$0xD60]  }
0x34f: {  	v49 =	vshll.u32 v44, $0x10;
	v50 =	vld [tilespmem:s4+$0xD60];
	[tilespmem:s3+$0x9D60] =	vst v8  }
0x350: {  	v51 =	vld [tilespmem:s21+$0xD70];
	[tilespmem:s25+$0x9D60] =	vst v4;
	v4 =	vadd.f32 v49, v45  }
0x351: {  	v53 =	vand.u32 $0xFFFF0000, v44;
	v56 =	vld [tilespmem:s25+$0xD70]  }
0x352: {  	v10 =	vadd.f32 v53, v46;
	v52 =	vld [tilespmem:s6+$0x70];
	[tilespmem:s0+$0x9D60] =	vst v4;
	v4 =	vshll.u32 v9, $0x10  }
0x353: {  	v54 =	vld [tilespmem:s3+$0xD70];
	v9 =	vand.u32 $0xFFFF0000, v9;
	v4 =	vadd.f32 v4, v48  }
0x354: {  	v55 =	vld [tilespmem:s31+$0xD70];
	[tilespmem:s31+$0x9D60] =	vst v10;
	v9 =	vadd.f32 v9, v50  }
0x355: {  	v10 =	vld [tilespmem:s30+$0x70];
	[tilespmem:s26+$0x9D60] =	vst v4  }
0x356: {  	v4 =	vld [tilespmem:s0+$0xD70];
	[tilespmem:s4+$0x9D60] =	vst v9  }
0x357: {  	v6 =	vadd.f32 v6, v51;
	v9 =	vld [tilespmem:s5+$0x70]  }
0x358: {  	v57 =	vshll.u32 v52, $0x10;
	v58 =	vld [tilespmem:s26+$0xD70]  }
0x359: {  	[tilespmem:s21+$0x9D70] =	vst v6;
	v8 =	vand.u32 $0xFFFF0000, v52;
	v59 =	vadd.f32 v57, v54;
	v60 =	vld [tilespmem:s4+$0xD70]  }
0x35a: {  	[tilespmem:s20+$0x9D70] =	vst v5;
	v5 =	vadd.f32 v8, v56;
	v61 =	vshll.u32 v10, $0x10  }
0x35b: {  	[tilespmem:s3+$0x9D70] =	vst v59;
	v62 =	vand.u32 $0xFFFF0000, v10;
	v4 =	vadd.f32 v61, v4  }
0x35c: {  	[tilespmem:s25+$0x9D70] =	vst v5;
	v5 =	vadd.f32 v62, v55;
	v63 =	vshll.u32 v9, $0x10  }
0x35d: {  	s2 =	rddreg [dreg:$0xf];
	[tilespmem:s0+$0x9D70] =	vst v4;
	v4 =	vand.u32 $0xFFFF0000, v9;
	v6 =	vadd.f32 v63, v58  }
0x35e: {  	[tilespmem:s31+$0x9D70] =	vst v5;
	v4 =	vadd.f32 v4, v60  }
0x35f: {  	[tilespmem:s26+$0x9D70] =	vst v6  }
0x360: {  	[tilespmem:s4+$0x9D70] =	vst v4  }
0x361: {  	s31 =	rddreg [dreg:$0x10]  }
0x362: {  	s2 =	sadd.s32 s2, s19;
	p1 =	seq.s32 s31, $0x18  }
.Ltmp2:
0x363: {  	s28 =	sshrl.u32 s2, $0x3;
	(pc) =	sbr.rel @p1 .LBB2_9-.Ltmp2, $4  }
0x364: {  	s0 =	smul.u32 $0x300, s28  }
0x365: {  	s29 =	rddreg [dreg:$0x2]  }
0x366: {  	s1 =	simm.s32 $0x0;
	s30 =	simm.s32 $0x9D00;
	s0 =	sadd.s32 s29, s0  }
0x367: {  	[hbm4b:s0+s1] =	stream.linear.scatter [tilespmem:s30], [sflag:$0x3], $0x6000, $0x38;
	[tilespmem:$0x1ED00] =	vst v63  }
0x368: {  	v4 =	vld [tilespmem:s19+$0x40];
	_ =	sdelay $0x4  }
0x369: {  	v5 =	vshrl.u32 v4, $0x3  }
0x36a: {  	v5 =	vmul.u32 $0x30, v5  }
0x36b: {  	v4 =	vand.u32 $0x7, v4  }
0x36c: {  	v4 =	vor.u32 v4, v5  }
0x36d: {  	v5 =	vperm.xlane v4, v1;
	_ =	sdelay $0x1  }
0x36e: {  	v5 =	vadd.s32 v2, v5;
	_ =	sdelay $0x3  }
0x36f: {  	s0 =	rddreg [dreg:$0x0];
	s2 =	simm.s32 $0xD00;
	v4 =	vperm.xlane v4, v3  }
0x370: {  	[tilespmem:s2], [sflag:$0x1] =	stream.indirect_vreg.gather [hbm4b:s0+s1], $0x80, v5, vm0, $0xb8;
	[tilespmem:$0x1ED00] =	vst v63  }
0x371: {  	s9 =	rddreg [dreg:$0x8];
	s3 =	simm.s32 $0x1500;
	v4 =	vadd.s32 v2, v4  }
0x372: {  	[tilespmem:s3], [sflag:$0x1] =	stream.indirect_vreg.gather [hbm4b:s9+s1], $0x80, v5, vm0, $0xb8;
	[tilespmem:$0x1ED00] =	vst v63  }
0x373: {  	s10 =	rddreg [dreg:$0x9];
	s4 =	simm.s32 $0x1D00  }
0x374: {  	[tilespmem:s4], [sflag:$0x1] =	stream.indirect_vreg.gather [hbm4b:s10+s1], $0x80, v5, vm0, $0xb8;
	[tilespmem:$0x1ED00] =	vst v63  }
0x375: {  	s11 =	simm.s32 $0x2500  }
0x376: {  	[tilespmem:s11], [sflag:$0x1] =	stream.indirect_vreg.gather [hbm4b:s0+s1], $0x80, v4, vm0, $0xb8;
	[tilespmem:$0x1ED00] =	vst v63  }
0x377: {  	s12 =	simm.s32 $0x2D00  }
0x378: {  	[tilespmem:s12], [sflag:$0x1] =	stream.indirect_vreg.gather [hbm4b:s9+s1], $0x80, v4, vm0, $0xb8;
	[tilespmem:$0x1ED00] =	vst v63  }
0x379: {  	s13 =	simm.s32 $0x3500  }
0x37a: {  	[tilespmem:s13], [sflag:$0x1] =	stream.indirect_vreg.gather [hbm4b:s10+s1], $0x80, v4, vm0, $0xb8;
	[tilespmem:$0x1ED00] =	vst v63  }
0x37b: {  	v4 =	vld [tilespmem:s19+$0x50];
	_ =	sdelay $0x4  }
0x37c: {  	v5 =	vshrl.u32 v4, $0x3  }
0x37d: {  	v5 =	vmul.u32 $0x30, v5  }
0x37e: {  	v4 =	vand.u32 $0x7, v4  }
0x37f: {  	v4 =	vor.u32 v4, v5  }
0x380: {  	v5 =	vperm.xlane v4, v1;
	_ =	sdelay $0x1  }
0x381: {  	v5 =	vadd.s32 v2, v5;
	_ =	sdelay $0x3  }
0x382: {  	s14 =	simm.s32 $0x3D00;
	v4 =	vperm.xlane v4, v3  }
0x383: {  	[tilespmem:s14], [sflag:$0x1] =	stream.indirect_vreg.gather [hbm4b:s0+s1], $0x80, v5, vm0, $0xb8;
	[tilespmem:$0x1ED00] =	vst v63  }
0x384: {  	s15 =	simm.s32 $0x4500;
	v4 =	vadd.s32 v2, v4  }
0x385: {  	[tilespmem:s15], [sflag:$0x1] =	stream.indirect_vreg.gather [hbm4b:s9+s1], $0x80, v5, vm0, $0xb8;
	[tilespmem:$0x1ED00] =	vst v63  }
0x386: {  	s16 =	simm.s32 $0x4D00  }
0x387: {  	[tilespmem:s16], [sflag:$0x1] =	stream.indirect_vreg.gather [hbm4b:s10+s1], $0x80, v5, vm0, $0xb8;
	[tilespmem:$0x1ED00] =	vst v63  }
0x388: {  	s17 =	simm.s32 $0x5500  }
0x389: {  	[tilespmem:s17], [sflag:$0x1] =	stream.indirect_vreg.gather [hbm4b:s0+s1], $0x80, v4, vm0, $0xb8;
	[tilespmem:$0x1ED00] =	vst v63  }
0x38a: {  	s18 =	simm.s32 $0x5D00  }
0x38b: {  	[tilespmem:s18], [sflag:$0x1] =	stream.indirect_vreg.gather [hbm4b:s9+s1], $0x80, v4, vm0, $0xb8;
	[tilespmem:$0x1ED00] =	vst v63  }
0x38c: {  	s20 =	simm.s32 $0x6500  }
0x38d: {  	[tilespmem:s20], [sflag:$0x1] =	stream.indirect_vreg.gather [hbm4b:s10+s1], $0x80, v4, vm0, $0xb8;
	[tilespmem:$0x1ED00] =	vst v63  }
0x38e: {  	v4 =	vld [tilespmem:s19+$0x6C0];
	_ =	sdelay $0x4  }
0x38f: {  	v5 =	vshrl.u32 v4, $0x3  }
0x390: {  	v5 =	vmul.u32 $0x18, v5  }
0x391: {  	v4 =	vand.u32 $0x7, v4  }
0x392: {  	v4 =	vor.u32 v4, v5  }
0x393: {  	v5 =	vperm.xlane v4, v1;
	_ =	sdelay $0x1  }
0x394: {  	v5 =	vadd.s32 v2, v5;
	_ =	sdelay $0x1  }
0x395: {  	v4 =	vperm.xlane v4, v3;
	_ =	sdelay $0x1  }
0x396: {  	s21 =	rddreg [dreg:$0x4];
	s22 =	simm.s32 $0x6D00;
	v4 =	vadd.s32 v2, v4  }
0x397: {  	[tilespmem:s22], [sflag:$0x2] =	stream.indirect_vreg.gather [hbm4b:s21+s1], $0x80, v5, vm0, $0xb8;
	[tilespmem:$0x1ED00] =	vst v63  }
0x398: {  	s23 =	rddreg [dreg:$0xa];
	s24 =	simm.s32 $0x7500  }
0x399: {  	[tilespmem:s24], [sflag:$0x2] =	stream.indirect_vreg.gather [hbm4b:s23+s1], $0x80, v5, vm1, $0xb8;
	[tilespmem:$0x1ED00] =	vst v63  }
0x39a: {  	s25 =	simm.s32 $0x7900  }
0x39b: {  	[tilespmem:s25], [sflag:$0x2] =	stream.indirect_vreg.gather [hbm4b:s21+s1], $0x80, v4, vm0, $0xb8;
	[tilespmem:$0x1ED00] =	vst v63  }
0x39c: {  	s26 =	simm.s32 $0x8100  }
0x39d: {  	[tilespmem:s26], [sflag:$0x2] =	stream.indirect_vreg.gather [hbm4b:s23+s1], $0x80, v4, vm1, $0xb8;
	[tilespmem:$0x1ED00] =	vst v63  }
0x39e: {  	v4 =	vld [tilespmem:s19+$0x6D0];
	_ =	sdelay $0x4  }
0x39f: {  	v5 =	vshrl.u32 v4, $0x3  }
0x3a0: {  	v5 =	vmul.u32 $0x18, v5  }
0x3a1: {  	v4 =	vand.u32 $0x7, v4  }
0x3a2: {  	v4 =	vor.u32 v4, v5  }
0x3a3: {  	v5 =	vperm.xlane v4, v1;
	_ =	sdelay $0x1  }
0x3a4: {  	v5 =	vadd.s32 v2, v5;
	_ =	sdelay $0x1  }
0x3a5: {  	v4 =	vperm.xlane v4, v3;
	_ =	sdelay $0x1  }
0x3a6: {  	s28 =	simm.s32 $0x8500;
	v4 =	vadd.s32 v2, v4  }
0x3a7: {  	[tilespmem:s28], [sflag:$0x2] =	stream.indirect_vreg.gather [hbm4b:s21+s1], $0x80, v5, vm0, $0xb8;
	[tilespmem:$0x1ED00] =	vst v63  }
0x3a8: {  	s29 =	simm.s32 $0x8D00  }
0x3a9: {  	[tilespmem:s29], [sflag:$0x2] =	stream.indirect_vreg.gather [hbm4b:s23+s1], $0x80, v5, vm1, $0xb8;
	[tilespmem:$0x1ED00] =	vst v63  }
0x3aa: {  	s30 =	simm.s32 $0x9100  }
0x3ab: {  	[tilespmem:s30], [sflag:$0x2] =	stream.indirect_vreg.gather [hbm4b:s21+s1], $0x80, v4, vm0, $0xb8;
	[tilespmem:$0x1ED00] =	vst v63  }
0x3ac: {  	s31 =	simm.s32 $0x9900  }
0x3ad: {  	[tilespmem:s31], [sflag:$0x2] =	stream.indirect_vreg.gather [hbm4b:s23+s1], $0x80, v4, vm1, $0xb8;
	[tilespmem:$0x1ED00] =	vst v63  }
.LBB2_9:
0x3ae: {  	s0 =	simm.s32 $0x4  }
0x3af: {  	_ =	swait.ge [sflag:s0], $0x6000  }
0x3b0: {  	[sflag:s0] =	ssyncset.done $0x0  }
0x3b1: {  	s1 =	simm.s32 $0x5;
	[sflag:s0] =	ssyncadd.s32 $0xFFFFA000  }
0x3b2: {  	s21 =	simm.s32 $0x0;
	_ =	swait.ge [sflag:s1], $0x3000  }
0x3b3: {  	s3 =	simm.s32 $0x0;
	s2 =	smul.u32 $0x3000, s21;
	[sflag:s1] =	ssyncset.done $0x0  }
0x3b4: {  	s4 =	sand.u32 $0x300, s3;
	[sflag:s1] =	ssyncadd.s32 $0xFFFFD000;
	s1 =	simm.s32 @!p0 $0x6  }
0x3b5: {  	s14 =	smul.u32 $0x1800, s21;
	s12 =	sshra.s32 s2, $0x2;
	_ =	swait.ge @!p0 [sflag:s1], $0x6000  }
0x3b6: {  	s7 =	sor.u32 $0x80, s4;
	s22 =	sadd.s32 $0x15D00, s12;
	[sflag:s1] =	ssyncset.done @!p0 $0x0  }
0x3b7: {  	s23 =	sadd.s32 s7, s22;
	[sflag:s1] =	ssyncadd.s32 @!p0 $0xFFFFA000  }
0x3b8: {  	s0 =	sadd.s32 $0xC00, s14;
	s16 =	sor.u32 s14, s7;
	v4 =	vld [tilespmem:s23+$0x0]  }
0x3b9: {  	s24 =	sor.u32 s7, s0;
	v5 =	vld [tilespmem:s16+$0xFD00]  }
0x3ba: {  	v6 =	vld [tilespmem:s24+$0xFD00]  }
0x3bb: {  	s3 =	sadd.s32 s4, s22  }
0x3bc: {  	s13 =	sor.u32 s4, s14;
	v7 =	vld [tilespmem:s3+$0x0]  }
0x3bd: {  	s0 =	sor.u32 s4, s0;
	v8 =	vld [tilespmem:s13+$0xFD00];
	v9 =	vshll.u32 v4, $0x10  }
0x3be: {  	v10 =	vld [tilespmem:s0+$0xFD00];
	v4 =	vand.u32 $0xFFFF0000, v4;
	v5 =	vadd.f32 v9, v5  }
0x3bf: {  	v4 =	vadd.f32 v4, v6  }
0x3c0: {  	[tilespmem:s16+$0x18D00] =	vst v5  }
0x3c1: {  	v5 =	vshll.u32 v7, $0x10;
	[tilespmem:s24+$0x18D00] =	vst v4  }
0x3c2: {  	v4 =	vand.u32 $0xFFFF0000, v7;
	v5 =	vadd.f32 v5, v8;
	v6 =	vld [tilespmem:s23+$0x10]  }
0x3c3: {  	v4 =	vadd.f32 v4, v10;
	v7 =	vld [tilespmem:s16+$0xFD10]  }
0x3c4: {  	[tilespmem:s13+$0x18D00] =	vst v5;
	v5 =	vld [tilespmem:s24+$0xFD10]  }
0x3c5: {  	[tilespmem:s0+$0x18D00] =	vst v4  }
0x3c6: {  	v4 =	vld [tilespmem:s3+$0x10]  }
0x3c7: {  	v8 =	vld [tilespmem:s13+$0xFD10];
	v9 =	vshll.u32 v6, $0x10  }
0x3c8: {  	v10 =	vld [tilespmem:s0+$0xFD10];
	v6 =	vand.u32 $0xFFFF0000, v6;
	v7 =	vadd.f32 v9, v7  }
0x3c9: {  	v5 =	vadd.f32 v6, v5  }
0x3ca: {  	[tilespmem:s16+$0x18D10] =	vst v7  }
0x3cb: {  	v6 =	vshll.u32 v4, $0x10;
	[tilespmem:s24+$0x18D10] =	vst v5  }
0x3cc: {  	v4 =	vand.u32 $0xFFFF0000, v4;
	v5 =	vadd.f32 v6, v8;
	v6 =	vld [tilespmem:s23+$0x20]  }
0x3cd: {  	v4 =	vadd.f32 v4, v10;
	v7 =	vld [tilespmem:s16+$0xFD20]  }
0x3ce: {  	[tilespmem:s13+$0x18D10] =	vst v5;
	v5 =	vld [tilespmem:s24+$0xFD20]  }
0x3cf: {  	[tilespmem:s0+$0x18D10] =	vst v4  }
0x3d0: {  	v4 =	vld [tilespmem:s3+$0x20]  }
0x3d1: {  	v8 =	vld [tilespmem:s13+$0xFD20];
	v9 =	vshll.u32 v6, $0x10  }
0x3d2: {  	v10 =	vld [tilespmem:s0+$0xFD20];
	v6 =	vand.u32 $0xFFFF0000, v6;
	v7 =	vadd.f32 v9, v7  }
0x3d3: {  	v5 =	vadd.f32 v6, v5  }
0x3d4: {  	[tilespmem:s16+$0x18D20] =	vst v7  }
0x3d5: {  	v6 =	vshll.u32 v4, $0x10;
	[tilespmem:s24+$0x18D20] =	vst v5  }
0x3d6: {  	v4 =	vand.u32 $0xFFFF0000, v4;
	v5 =	vadd.f32 v6, v8;
	v6 =	vld [tilespmem:s23+$0x30]  }
0x3d7: {  	v4 =	vadd.f32 v4, v10;
	v7 =	vld [tilespmem:s16+$0xFD30]  }
0x3d8: {  	[tilespmem:s13+$0x18D20] =	vst v5;
	v5 =	vld [tilespmem:s24+$0xFD30]  }
0x3d9: {  	[tilespmem:s0+$0x18D20] =	vst v4  }
0x3da: {  	v4 =	vld [tilespmem:s3+$0x30]  }
0x3db: {  	v8 =	vld [tilespmem:s13+$0xFD30];
	v9 =	vshll.u32 v6, $0x10  }
0x3dc: {  	v10 =	vld [tilespmem:s0+$0xFD30];
	v6 =	vand.u32 $0xFFFF0000, v6;
	v7 =	vadd.f32 v9, v7  }
0x3dd: {  	v5 =	vadd.f32 v6, v5  }
0x3de: {  	[tilespmem:s16+$0x18D30] =	vst v7  }
0x3df: {  	v6 =	vshll.u32 v4, $0x10;
	[tilespmem:s24+$0x18D30] =	vst v5  }
0x3e0: {  	v4 =	vand.u32 $0xFFFF0000, v4;
	v5 =	vadd.f32 v6, v8;
	v6 =	vld [tilespmem:s23+$0x40]  }
0x3e1: {  	v4 =	vadd.f32 v4, v10;
	v7 =	vld [tilespmem:s16+$0xFD40]  }
0x3e2: {  	[tilespmem:s13+$0x18D30] =	vst v5;
	v5 =	vld [tilespmem:s24+$0xFD40]  }
0x3e3: {  	[tilespmem:s0+$0x18D30] =	vst v4  }
0x3e4: {  	v4 =	vld [tilespmem:s3+$0x40]  }
0x3e5: {  	v8 =	vld [tilespmem:s13+$0xFD40];
	v9 =	vshll.u32 v6, $0x10  }
0x3e6: {  	v10 =	vld [tilespmem:s0+$0xFD40];
	v6 =	vand.u32 $0xFFFF0000, v6;
	v7 =	vadd.f32 v9, v7  }
0x3e7: {  	v5 =	vadd.f32 v6, v5  }
0x3e8: {  	[tilespmem:s16+$0x18D40] =	vst v7  }
0x3e9: {  	v6 =	vshll.u32 v4, $0x10;
	[tilespmem:s24+$0x18D40] =	vst v5  }
0x3ea: {  	v4 =	vand.u32 $0xFFFF0000, v4;
	v5 =	vadd.f32 v6, v8;
	v6 =	vld [tilespmem:s23+$0x50]  }
0x3eb: {  	v4 =	vadd.f32 v4, v10;
	v7 =	vld [tilespmem:s16+$0xFD50]  }
0x3ec: {  	[tilespmem:s13+$0x18D40] =	vst v5;
	v5 =	vld [tilespmem:s24+$0xFD50]  }
0x3ed: {  	[tilespmem:s0+$0x18D40] =	vst v4  }
0x3ee: {  	v4 =	vld [tilespmem:s3+$0x50]  }
0x3ef: {  	v8 =	vld [tilespmem:s13+$0xFD50];
	v9 =	vshll.u32 v6, $0x10  }
0x3f0: {  	v10 =	vld [tilespmem:s0+$0xFD50];
	v6 =	vand.u32 $0xFFFF0000, v6;
	v7 =	vadd.f32 v9, v7  }
0x3f1: {  	v5 =	vadd.f32 v6, v5  }
0x3f2: {  	[tilespmem:s16+$0x18D50] =	vst v7  }
0x3f3: {  	v6 =	vshll.u32 v4, $0x10;
	[tilespmem:s24+$0x18D50] =	vst v5  }
0x3f4: {  	v4 =	vand.u32 $0xFFFF0000, v4;
	v5 =	vadd.f32 v6, v8;
	v6 =	vld [tilespmem:s23+$0x60]  }
0x3f5: {  	v4 =	vadd.f32 v4, v10;
	v7 =	vld [tilespmem:s16+$0xFD60]  }
0x3f6: {  	[tilespmem:s13+$0x18D50] =	vst v5;
	v5 =	vld [tilespmem:s24+$0xFD60]  }
0x3f7: {  	[tilespmem:s0+$0x18D50] =	vst v4  }
0x3f8: {  	v4 =	vld [tilespmem:s3+$0x60]  }
0x3f9: {  	v8 =	vld [tilespmem:s13+$0xFD60];
	v9 =	vshll.u32 v6, $0x10  }
0x3fa: {  	v10 =	vld [tilespmem:s0+$0xFD60];
	v6 =	vand.u32 $0xFFFF0000, v6;
	v7 =	vadd.f32 v9, v7  }
0x3fb: {  	v5 =	vadd.f32 v6, v5  }
0x3fc: {  	[tilespmem:s16+$0x18D60] =	vst v7  }
0x3fd: {  	v6 =	vshll.u32 v4, $0x10;
	[tilespmem:s24+$0x18D60] =	vst v5  }
0x3fe: {  	v4 =	vand.u32 $0xFFFF0000, v4;
	v5 =	vadd.f32 v6, v8;
	v6 =	vld [tilespmem:s23+$0x70]  }
0x3ff: {  	v4 =	vadd.f32 v4, v10;
	v7 =	vld [tilespmem:s16+$0xFD70]  }
0x400: {  	[tilespmem:s13+$0x18D60] =	vst v5;
	v5 =	vld [tilespmem:s24+$0xFD70]  }
0x401: {  	[tilespmem:s0+$0x18D60] =	vst v4  }
0x402: {  	v4 =	vld [tilespmem:s3+$0x70]  }
0x403: {  	v8 =	vld [tilespmem:s13+$0xFD70];
	v9 =	vshll.u32 v6, $0x10  }
0x404: {  	v10 =	vld [tilespmem:s0+$0xFD70];
	v6 =	vand.u32 $0xFFFF0000, v6;
	v7 =	vadd.f32 v9, v7  }
0x405: {  	v5 =	vadd.f32 v6, v5  }
0x406: {  	s25 =	sadd.s32 $0x16100, s12;
	[tilespmem:s16+$0x18D70] =	vst v7  }
0x407: {  	s17 =	sadd.s32 s7, s25;
	v6 =	vshll.u32 v4, $0x10;
	[tilespmem:s24+$0x18D70] =	vst v5  }
0x408: {  	s26 =	sadd.s32 $0x1000, s14;
	v4 =	vand.u32 $0xFFFF0000, v4;
	v5 =	vadd.f32 v6, v8;
	v6 =	vld [tilespmem:s17+$0x0]  }
0x409: {  	s10 =	sor.u32 s7, s26;
	v4 =	vadd.f32 v4, v10;
	v7 =	vld [tilespmem:s16+$0x10100]  }
0x40a: {  	[tilespmem:s13+$0x18D70] =	vst v5;
	v5 =	vld [tilespmem:s10+$0xFD00]  }
0x40b: {  	s31 =	sadd.s32 s4, s25;
	[tilespmem:s0+$0x18D70] =	vst v4  }
0x40c: {  	v4 =	vld [tilespmem:s31+$0x0]  }
0x40d: {  	s19 =	sor.u32 s4, s26;
	v8 =	vld [tilespmem:s13+$0x10100];
	v9 =	vshll.u32 v6, $0x10  }
0x40e: {  	v6 =	vand.u32 $0xFFFF0000, v6;
	v7 =	vadd.f32 v9, v7;
	v9 =	vld [tilespmem:s19+$0xFD00]  }
0x40f: {  	v5 =	vadd.f32 v6, v5  }
0x410: {  	[tilespmem:s16+$0x19100] =	vst v7  }
0x411: {  	v6 =	vshll.u32 v4, $0x10;
	[tilespmem:s10+$0x18D00] =	vst v5  }
0x412: {  	v4 =	vand.u32 $0xFFFF0000, v4;
	v5 =	vadd.f32 v6, v8;
	v6 =	vld [tilespmem:s17+$0x10]  }
0x413: {  	v7 =	vld [tilespmem:s16+$0x10110];
	v4 =	vadd.f32 v4, v9  }
0x414: {  	[tilespmem:s13+$0x19100] =	vst v5;
	v5 =	vld [tilespmem:s10+$0xFD10]  }
0x415: {  	[tilespmem:s19+$0x18D00] =	vst v4  }
0x416: {  	v4 =	vld [tilespmem:s31+$0x10]  }
0x417: {  	v9 =	vld [tilespmem:s13+$0x10110];
	v8 =	vshll.u32 v6, $0x10  }
0x418: {  	v10 =	vld [tilespmem:s19+$0xFD10];
	v6 =	vand.u32 $0xFFFF0000, v6;
	v7 =	vadd.f32 v8, v7  }
0x419: {  	v5 =	vadd.f32 v6, v5  }
0x41a: {  	[tilespmem:s16+$0x19110] =	vst v7  }
0x41b: {  	[tilespmem:s10+$0x18D10] =	vst v5;
	v5 =	vshll.u32 v4, $0x10  }
0x41c: {  	v4 =	vand.u32 $0xFFFF0000, v4;
	v5 =	vadd.f32 v5, v9  }
0x41d: {  	v6 =	vld [tilespmem:s17+$0x20];
	v4 =	vadd.f32 v4, v10  }
0x41e: {  	v7 =	vld [tilespmem:s16+$0x10120];
	[tilespmem:s13+$0x19110] =	vst v5  }
0x41f: {  	v8 =	vld [tilespmem:s10+$0xFD20];
	[tilespmem:s19+$0x18D10] =	vst v4  }
0x420: {  	s11 =	simm.s32 $0x0;
	v4 =	vld [tilespmem:s31+$0x20]  }
0x421: {  	s15 =	smul.u32 $0x3000, s11;
	v9 =	vld [tilespmem:s13+$0x10120]  }
0x422: {  	s18 =	simm.s32 $0x100;
	v10 =	vld [tilespmem:s19+$0xFD20];
	v5 =	vshll.u32 v6, $0x10  }
0x423: {  	s15 =	sshra.s32 s15, $0x2;
	s0 =	sand.u32 $0x300, s18;
	v6 =	vand.u32 $0xFFFF0000, v6;
	v5 =	vadd.f32 v5, v7  }
0x424: {  	s2 =	sadd.s32 $0x15D00, s15;
	s29 =	sor.u32 $0x80, s0;
	v6 =	vadd.f32 v6, v8  }
0x425: {  	s9 =	sadd.s32 s29, s2;
	[tilespmem:s16+$0x19120] =	vst v5;
	v5 =	vshll.u32 v4, $0x10  }
0x426: {  	v11 =	vld [tilespmem:s9+$0x0];
	[tilespmem:s10+$0x18D20] =	vst v6;
	v4 =	vand.u32 $0xFFFF0000, v4;
	v5 =	vadd.f32 v5, v9  }
0x427: {  	v6 =	vld [tilespmem:s17+$0x30];
	v4 =	vadd.f32 v4, v10  }
0x428: {  	v7 =	vld [tilespmem:s16+$0x10130];
	[tilespmem:s13+$0x19120] =	vst v5  }
0x429: {  	v8 =	vld [tilespmem:s10+$0xFD30];
	[tilespmem:s19+$0x18D20] =	vst v4  }
0x42a: {  	s30 =	smul.u32 $0x1800, s11;
	v5 =	vld [tilespmem:s31+$0x30]  }
0x42b: {  	v9 =	vld [tilespmem:s13+$0x10130]  }
0x42c: {  	s5 =	sadd.s32 $0xC00, s30;
	s6 =	sor.u32 s30, s29;
	v4 =	vld [tilespmem:s19+$0xFD30];
	v10 =	vshll.u32 v6, $0x10  }
0x42d: {  	s20 =	sor.u32 s29, s5;
	v6 =	vand.u32 $0xFFFF0000, v6;
	v7 =	vadd.f32 v10, v7;
	v10 =	vld [tilespmem:s6+$0xFD00]  }
0x42e: {  	v6 =	vadd.f32 v6, v8;
	v8 =	vld [tilespmem:s20+$0xFD00]  }
0x42f: {  	[tilespmem:s16+$0x19130] =	vst v7;
	v7 =	vshll.u32 v5, $0x10  }
0x430: {  	[tilespmem:s10+$0x18D30] =	vst v6;
	v5 =	vand.u32 $0xFFFF0000, v5;
	v6 =	vadd.f32 v7, v9  }
0x431: {  	v7 =	vld [tilespmem:s17+$0x40];
	v4 =	vadd.f32 v5, v4;
	v5 =	vshll.u32 v11, $0x10  }
0x432: {  	v9 =	vld [tilespmem:s16+$0x10140];
	v5 =	vadd.f32 v5, v10;
	[tilespmem:s13+$0x19130] =	vst v6;
	v6 =	vand.u32 $0xFFFF0000, v11  }
0x433: {  	v10 =	vld [tilespmem:s10+$0xFD40];
	[tilespmem:s19+$0x18D30] =	vst v4;
	v4 =	vadd.f32 v6, v8  }
0x434: {  	[tilespmem:s6+$0x18D00] =	vst v5;
	v6 =	vld [tilespmem:s31+$0x40]  }
0x435: {  	v5 =	vld [tilespmem:s13+$0x10140];
	[tilespmem:s20+$0x18D00] =	vst v4  }
0x436: {  	v4 =	vld [tilespmem:s9+$0x10]  }
0x437: {  	v8 =	vshll.u32 v7, $0x10;
	v11 =	vld [tilespmem:s6+$0xFD10]  }
0x438: {  	v7 =	vand.u32 $0xFFFF0000, v7;
	v8 =	vadd.f32 v8, v9;
	v9 =	vld [tilespmem:s20+$0xFD10]  }
0x439: {  	v7 =	vadd.f32 v7, v10  }
0x43a: {  	[tilespmem:s16+$0x19140] =	vst v8;
	v8 =	vshll.u32 v6, $0x10  }
0x43b: {  	v10 =	vld [tilespmem:s19+$0xFD40];
	[tilespmem:s10+$0x18D40] =	vst v7;
	v5 =	vadd.f32 v8, v5;
	v7 =	vshll.u32 v4, $0x10  }
0x43c: {  	v8 =	vld [tilespmem:s17+$0x50];
	v4 =	vand.u32 $0xFFFF0000, v4;
	v7 =	vadd.f32 v7, v11  }
0x43d: {  	v11 =	vld [tilespmem:s16+$0x10150];
	[tilespmem:s13+$0x19140] =	vst v5;
	v4 =	vadd.f32 v4, v9  }
0x43e: {  	v5 =	vld [tilespmem:s10+$0xFD50];
	[tilespmem:s6+$0x18D10] =	vst v7  }
0x43f: {  	v6 =	vand.u32 $0xFFFF0000, v6;
	v7 =	vld [tilespmem:s19+$0xFD50];
	[tilespmem:s20+$0x18D10] =	vst v4  }
0x440: {  	v4 =	vadd.f32 v6, v10;
	v6 =	vld [tilespmem:s9+$0x20]  }
0x441: {  	v9 =	vld [tilespmem:s6+$0xFD20]  }
0x442: {  	s11 =	sadd.s32 s0, s2;
	v10 =	vshll.u32 v8, $0x10;
	v8 =	vand.u32 $0xFFFF0000, v8;
	[tilespmem:s19+$0x18D40] =	vst v4;
	v4 =	vld [tilespmem:s20+$0xFD20]  }
0x443: {  	v10 =	vadd.f32 v10, v11;
	v5 =	vadd.f32 v8, v5;
	v8 =	vld [tilespmem:s11+$0x0]  }
0x444: {  	s2 =	sor.u32 s0, s30;
	v11 =	vld [tilespmem:s31+$0x50]  }
0x445: {  	s5 =	sor.u32 s0, s5;
	[tilespmem:s16+$0x19150] =	vst v10;
	v10 =	vld [tilespmem:s2+$0xFD00];
	v12 =	vshll.u32 v6, $0x10  }
0x446: {  	[tilespmem:s10+$0x18D50] =	vst v5;
	v5 =	vld [tilespmem:s5+$0xFD00];
	v6 =	vand.u32 $0xFFFF0000, v6;
	v9 =	vadd.f32 v12, v9  }
0x447: {  	v12 =	vld [tilespmem:s17+$0x60];
	v4 =	vadd.f32 v6, v4  }
0x448: {  	v6 =	vld [tilespmem:s16+$0x10160];
	[tilespmem:s6+$0x18D20] =	vst v9  }
0x449: {  	v13 =	vshll.u32 v8, $0x10;
	v9 =	vld [tilespmem:s10+$0xFD60];
	[tilespmem:s20+$0x18D20] =	vst v4  }
0x44a: {  	v4 =	vand.u32 $0xFFFF0000, v8;
	v8 =	vadd.f32 v13, v10;
	v10 =	vld [tilespmem:s9+$0x30]  }
0x44b: {  	v4 =	vadd.f32 v4, v5;
	v5 =	vld [tilespmem:s6+$0xFD30]  }
0x44c: {  	v13 =	vshll.u32 v12, $0x10;
	[tilespmem:s2+$0x18D00] =	vst v8;
	v8 =	vld [tilespmem:s20+$0xFD30]  }
0x44d: {  	v14 =	vld [tilespmem:s13+$0x10150];
	v12 =	vand.u32 $0xFFFF0000, v12;
	v6 =	vadd.f32 v13, v6;
	[tilespmem:s5+$0x18D00] =	vst v4  }
0x44e: {  	v4 =	vadd.f32 v12, v9;
	v9 =	vld [tilespmem:s11+$0x10]  }
0x44f: {  	[tilespmem:s16+$0x19160] =	vst v6;
	v6 =	vld [tilespmem:s2+$0xFD10];
	v12 =	vshll.u32 v10, $0x10  }
0x450: {  	[tilespmem:s10+$0x18D60] =	vst v4;
	v4 =	vld [tilespmem:s5+$0xFD10];
	v10 =	vand.u32 $0xFFFF0000, v10;
	v5 =	vadd.f32 v12, v5  }
0x451: {  	v12 =	vshll.u32 v11, $0x10;
	v13 =	vld [tilespmem:s17+$0x70];
	v8 =	vadd.f32 v10, v8  }
0x452: {  	v10 =	vand.u32 $0xFFFF0000, v11;
	v11 =	vadd.f32 v12, v14;
	v12 =	vld [tilespmem:s16+$0x10170];
	[tilespmem:s6+$0x18D30] =	vst v5  }
0x453: {  	v5 =	vadd.f32 v10, v7;
	v7 =	vld [tilespmem:s10+$0xFD70];
	v10 =	vshll.u32 v9, $0x10;
	[tilespmem:s20+$0x18D30] =	vst v8  }
0x454: {  	[tilespmem:s13+$0x19150] =	vst v11;
	v8 =	vand.u32 $0xFFFF0000, v9;
	v6 =	vadd.f32 v10, v6;
	v9 =	vld [tilespmem:s9+$0x40]  }
0x455: {  	[tilespmem:s19+$0x18D50] =	vst v5;
	v4 =	vadd.f32 v8, v4;
	v5 =	vld [tilespmem:s6+$0xFD40]  }
0x456: {  	v8 =	vshll.u32 v13, $0x10;
	[tilespmem:s2+$0x18D10] =	vst v6;
	v6 =	vld [tilespmem:s20+$0xFD40]  }
0x457: {  	v14 =	vld [tilespmem:s19+$0xFD60];
	v11 =	vand.u32 $0xFFFF0000, v13;
	v8 =	vadd.f32 v8, v12;
	[tilespmem:s5+$0x18D10] =	vst v4  }
0x458: {  	v4 =	vadd.f32 v11, v7;
	v7 =	vld [tilespmem:s11+$0x20]  }
0x459: {  	s18 =	sadd.s32 $0x16500, s12;
	[tilespmem:s16+$0x19170] =	vst v8;
	v8 =	vld [tilespmem:s2+$0xFD20];
	v11 =	vshll.u32 v9, $0x10  }
0x45a: {  	s21 =	sadd.s32 $0x800, s14;
	s12 =	sadd.s32 s7, s18;
	[tilespmem:s10+$0x18D70] =	vst v4;
	v4 =	vld [tilespmem:s5+$0xFD20];
	v9 =	vand.u32 $0xFFFF0000, v9;
	v5 =	vadd.f32 v11, v5  }
0x45b: {  	s14 =	sadd.s32 $0x1400, s14;
	s16 =	sor.u32 s7, s21;
	v11 =	vld [tilespmem:s12+$0x0];
	v6 =	vadd.f32 v9, v6  }
0x45c: {  	s7 =	sor.u32 s7, s14;
	v9 =	vld [tilespmem:s16+$0xFD00];
	[tilespmem:s6+$0x18D40] =	vst v5  }
0x45d: {  	v5 =	vld [tilespmem:s7+$0xFD00];
	v12 =	vshll.u32 v7, $0x10;
	[tilespmem:s20+$0x18D40] =	vst v6  }
0x45e: {  	v6 =	vand.u32 $0xFFFF0000, v7;
	v7 =	vadd.f32 v12, v8;
	v8 =	vld [tilespmem:s9+$0x50]  }
0x45f: {  	v4 =	vadd.f32 v6, v4;
	v6 =	vld [tilespmem:s6+$0xFD50]  }
0x460: {  	v12 =	vshll.u32 v11, $0x10;
	[tilespmem:s2+$0x18D20] =	vst v7;
	v7 =	vld [tilespmem:s20+$0xFD50]  }
0x461: {  	v10 =	vld [tilespmem:s31+$0x60];
	v11 =	vand.u32 $0xFFFF0000, v11;
	v9 =	vadd.f32 v12, v9;
	[tilespmem:s5+$0x18D20] =	vst v4  }
0x462: {  	v4 =	vadd.f32 v11, v5;
	v5 =	vld [tilespmem:s11+$0x30]  }
0x463: {  	[tilespmem:s16+$0x18D00] =	vst v9;
	v9 =	vld [tilespmem:s2+$0xFD30];
	v11 =	vshll.u32 v8, $0x10  }
0x464: {  	[tilespmem:s7+$0x18D00] =	vst v4;
	v4 =	vld [tilespmem:s5+$0xFD30];
	v8 =	vand.u32 $0xFFFF0000, v8;
	v6 =	vadd.f32 v11, v6  }
0x465: {  	v11 =	vld [tilespmem:s12+$0x10];
	v7 =	vadd.f32 v8, v7  }
0x466: {  	v8 =	vld [tilespmem:s16+$0xFD10];
	[tilespmem:s6+$0x18D50] =	vst v6  }
0x467: {  	v6 =	vld [tilespmem:s7+$0xFD10];
	v12 =	vshll.u32 v5, $0x10;
	[tilespmem:s20+$0x18D50] =	vst v7  }
0x468: {  	v5 =	vand.u32 $0xFFFF0000, v5;
	v7 =	vadd.f32 v12, v9;
	v9 =	vld [tilespmem:s9+$0x60]  }
0x469: {  	v4 =	vadd.f32 v5, v4;
	v5 =	vld [tilespmem:s6+$0xFD60]  }
0x46a: {  	v12 =	vshll.u32 v11, $0x10;
	[tilespmem:s2+$0x18D30] =	vst v7;
	v7 =	vld [tilespmem:s20+$0xFD60]  }
0x46b: {  	v13 =	vld [tilespmem:s13+$0x10160];
	v11 =	vand.u32 $0xFFFF0000, v11;
	v8 =	vadd.f32 v12, v8;
	[tilespmem:s5+$0x18D30] =	vst v4  }
0x46c: {  	v4 =	vadd.f32 v11, v6;
	v6 =	vld [tilespmem:s11+$0x40]  }
0x46d: {  	[tilespmem:s16+$0x18D10] =	vst v8;
	v8 =	vld [tilespmem:s2+$0xFD40];
	v11 =	vshll.u32 v9, $0x10  }
0x46e: {  	[tilespmem:s7+$0x18D10] =	vst v4;
	v4 =	vld [tilespmem:s5+$0xFD40];
	v9 =	vand.u32 $0xFFFF0000, v9;
	v5 =	vadd.f32 v11, v5  }
0x46f: {  	v11 =	vshll.u32 v10, $0x10;
	v12 =	vld [tilespmem:s12+$0x20];
	v7 =	vadd.f32 v9, v7  }
0x470: {  	v9 =	vand.u32 $0xFFFF0000, v10;
	v10 =	vadd.f32 v11, v13;
	v11 =	vld [tilespmem:s16+$0xFD20];
	[tilespmem:s6+$0x18D60] =	vst v5  }
0x471: {  	v5 =	vadd.f32 v9, v14;
	v9 =	vld [tilespmem:s7+$0xFD20];
	v13 =	vshll.u32 v6, $0x10;
	[tilespmem:s20+$0x18D60] =	vst v7  }
0x472: {  	v6 =	vand.u32 $0xFFFF0000, v6;
	[tilespmem:s13+$0x19160] =	vst v10;
	v7 =	vadd.f32 v13, v8;
	v8 =	vld [tilespmem:s9+$0x70]  }
0x473: {  	[tilespmem:s19+$0x18D60] =	vst v5;
	v4 =	vadd.f32 v6, v4;
	v5 =	vld [tilespmem:s6+$0xFD70]  }
0x474: {  	v6 =	vshll.u32 v12, $0x10;
	[tilespmem:s2+$0x18D40] =	vst v7;
	v7 =	vld [tilespmem:s20+$0xFD70]  }
0x475: {  	v10 =	vld [tilespmem:s31+$0x70];
	v6 =	vadd.f32 v6, v11;
	v11 =	vand.u32 $0xFFFF0000, v12;
	[tilespmem:s5+$0x18D40] =	vst v4  }
0x476: {  	v4 =	vadd.f32 v11, v9;
	v9 =	vld [tilespmem:s11+$0x50]  }
0x477: {  	[tilespmem:s16+$0x18D20] =	vst v6;
	v6 =	vld [tilespmem:s2+$0xFD50];
	v11 =	vshll.u32 v8, $0x10  }
0x478: {  	[tilespmem:s7+$0x18D20] =	vst v4;
	v4 =	vld [tilespmem:s5+$0xFD50];
	v8 =	vand.u32 $0xFFFF0000, v8;
	v5 =	vadd.f32 v11, v5  }
0x479: {  	v11 =	vld [tilespmem:s12+$0x30];
	v7 =	vadd.f32 v8, v7  }
0x47a: {  	s22 =	sadd.s32 $0x16100, s15;
	v8 =	vld [tilespmem:s16+$0xFD30];
	[tilespmem:s6+$0x18D70] =	vst v5  }
0x47b: {  	s10 =	sadd.s32 s29, s22;
	v5 =	vld [tilespmem:s7+$0xFD30];
	v12 =	vshll.u32 v9, $0x10;
	[tilespmem:s20+$0x18D70] =	vst v7  }
0x47c: {  	s23 =	sadd.s32 $0x1000, s30;
	v7 =	vand.u32 $0xFFFF0000, v9;
	v6 =	vadd.f32 v12, v6;
	v9 =	vld [tilespmem:s10+$0x0]  }
0x47d: {  	s9 =	sor.u32 s29, s23;
	v4 =	vadd.f32 v7, v4;
	v7 =	vld [tilespmem:s6+$0x10100]  }
0x47e: {  	v12 =	vshll.u32 v11, $0x10;
	[tilespmem:s2+$0x18D50] =	vst v6;
	v6 =	vld [tilespmem:s9+$0xFD00]  }
0x47f: {  	v13 =	vld [tilespmem:s13+$0x10170];
	v11 =	vand.u32 $0xFFFF0000, v11;
	v8 =	vadd.f32 v12, v8;
	[tilespmem:s5+$0x18D50] =	vst v4  }
0x480: {  	v4 =	vadd.f32 v11, v5;
	v5 =	vld [tilespmem:s11+$0x60]  }
0x481: {  	[tilespmem:s16+$0x18D30] =	vst v8;
	v8 =	vld [tilespmem:s2+$0xFD60];
	v11 =	vshll.u32 v9, $0x10  }
0x482: {  	[tilespmem:s7+$0x18D30] =	vst v4;
	v4 =	vld [tilespmem:s5+$0xFD60];
	v9 =	vand.u32 $0xFFFF0000, v9;
	v7 =	vadd.f32 v11, v7  }
0x483: {  	v11 =	vld [tilespmem:s12+$0x40];
	v6 =	vadd.f32 v9, v6  }
0x484: {  	v9 =	vld [tilespmem:s16+$0xFD40];
	[tilespmem:s6+$0x19100] =	vst v7  }
0x485: {  	v7 =	vld [tilespmem:s19+$0xFD70];
	v12 =	vshll.u32 v5, $0x10;
	[tilespmem:s9+$0x18D00] =	vst v6  }
0x486: {  	v5 =	vand.u32 $0xFFFF0000, v5;
	v6 =	vadd.f32 v12, v8;
	v8 =	vld [tilespmem:s10+$0x10]  }
0x487: {  	v4 =	vadd.f32 v5, v4;
	v5 =	vld [tilespmem:s6+$0x10110]  }
0x488: {  	v12 =	vshll.u32 v10, $0x10;
	[tilespmem:s2+$0x18D60] =	vst v6;
	v6 =	vld [tilespmem:s9+$0xFD10]  }
0x489: {  	v10 =	vand.u32 $0xFFFF0000, v10;
	v12 =	vadd.f32 v12, v13;
	v13 =	vld [tilespmem:s7+$0xFD40];
	[tilespmem:s5+$0x18D60] =	vst v4  }
0x48a: {  	v4 =	vadd.f32 v10, v7;
	v7 =	vld [tilespmem:s11+$0x70]  }
0x48b: {  	[tilespmem:s13+$0x19170] =	vst v12;
	v10 =	vld [tilespmem:s2+$0xFD70];
	v12 =	vshll.u32 v8, $0x10  }
0x48c: {  	s31 =	sadd.s32 s4, s18;
	[tilespmem:s19+$0x18D70] =	vst v4;
	v4 =	vld [tilespmem:s5+$0xFD70];
	v8 =	vand.u32 $0xFFFF0000, v8;
	v5 =	vadd.f32 v12, v5  }
0x48d: {  	s19 =	sor.u32 s4, s21;
	v12 =	vshll.u32 v11, $0x10;
	v14 =	vld [tilespmem:s31+$0x0];
	v6 =	vadd.f32 v8, v6  }
0x48e: {  	s20 =	sor.u32 s4, s14;
	v8 =	vadd.f32 v12, v9;
	v9 =	vand.u32 $0xFFFF0000, v11;
	v11 =	vld [tilespmem:s19+$0xFD00];
	[tilespmem:s6+$0x19110] =	vst v5  }
0x48f: {  	v12 =	vld [tilespmem:s20+$0xFD00];
	v5 =	vadd.f32 v9, v13;
	v9 =	vshll.u32 v7, $0x10;
	[tilespmem:s9+$0x18D10] =	vst v6  }
0x490: {  	[tilespmem:s16+$0x18D40] =	vst v8;
	v6 =	vand.u32 $0xFFFF0000, v7;
	v7 =	vadd.f32 v9, v10;
	v8 =	vld [tilespmem:s10+$0x20]  }
0x491: {  	[tilespmem:s7+$0x18D40] =	vst v5;
	v4 =	vadd.f32 v6, v4;
	v5 =	vld [tilespmem:s6+$0x10120]  }
0x492: {  	v6 =	vshll.u32 v14, $0x10;
	[tilespmem:s2+$0x18D70] =	vst v7;
	v7 =	vld [tilespmem:s9+$0xFD20]  }
0x493: {  	s4 =	sadd.s32 s0, s22;
	v15 =	vld [tilespmem:s7+$0xFD50];
	v10 =	vand.u32 $0xFFFF0000, v14;
	[tilespmem:s5+$0x18D70] =	vst v4;
	v4 =	vadd.f32 v6, v11  }
0x494: {  	v10 =	vadd.f32 v10, v12;
	v6 =	vld [tilespmem:s4+$0x0]  }
0x495: {  	s13 =	sor.u32 s0, s23;
	v11 =	vld [tilespmem:s2+$0x10100];
	[tilespmem:s19+$0x18D00] =	vst v4;
	v4 =	vshll.u32 v8, $0x10  }
0x496: {  	v12 =	vld [tilespmem:s13+$0xFD00];
	[tilespmem:s20+$0x18D00] =	vst v10;
	v4 =	vadd.f32 v4, v5;
	v5 =	vand.u32 $0xFFFF0000, v8  }
0x497: {  	v8 =	vld [tilespmem:s31+$0x10];
	v5 =	vadd.f32 v5, v7  }
0x498: {  	v7 =	vld [tilespmem:s19+$0xFD10];
	[tilespmem:s6+$0x19120] =	vst v4  }
0x499: {  	v4 =	vld [tilespmem:s20+$0xFD10];
	[tilespmem:s9+$0x18D20] =	vst v5  }
0x49a: {  	v5 =	vshll.u32 v6, $0x10;
	v10 =	vld [tilespmem:s10+$0x30]  }
0x49b: {  	v6 =	vand.u32 $0xFFFF0000, v6;
	v5 =	vadd.f32 v5, v11;
	v11 =	vld [tilespmem:s6+$0x10130]  }
0x49c: {  	v13 =	vld [tilespmem:s9+$0xFD30];
	v6 =	vadd.f32 v6, v12;
	v12 =	vshll.u32 v8, $0x10  }
0x49d: {  	v9 =	vld [tilespmem:s12+$0x50];
	[tilespmem:s2+$0x19100] =	vst v5;
	v5 =	vand.u32 $0xFFFF0000, v8;
	v7 =	vadd.f32 v12, v7  }
0x49e: {  	v8 =	vld [tilespmem:s13+$0xFD10];
	[tilespmem:s13+$0x18D00] =	vst v6;
	v4 =	vadd.f32 v5, v4  }
0x49f: {  	v5 =	vld [tilespmem:s4+$0x10];
	[tilespmem:s19+$0x18D10] =	vst v7;
	v6 =	vshll.u32 v10, $0x10  }
0x4a0: {  	v7 =	vld [tilespmem:s2+$0x10110];
	[tilespmem:s20+$0x18D10] =	vst v4;
	v4 =	vadd.f32 v6, v11;
	v6 =	vand.u32 $0xFFFF0000, v10  }
0x4a1: {  	v10 =	vld [tilespmem:s31+$0x20];
	v6 =	vadd.f32 v6, v13  }
0x4a2: {  	v11 =	vld [tilespmem:s19+$0xFD20];
	[tilespmem:s6+$0x19130] =	vst v4  }
0x4a3: {  	v4 =	vld [tilespmem:s20+$0xFD20];
	[tilespmem:s9+$0x18D30] =	vst v6  }
0x4a4: {  	v6 =	vshll.u32 v5, $0x10;
	v12 =	vld [tilespmem:s10+$0x40]  }
0x4a5: {  	v5 =	vand.u32 $0xFFFF0000, v5;
	v6 =	vadd.f32 v6, v7;
	v7 =	vld [tilespmem:s6+$0x10140]  }
0x4a6: {  	v13 =	vld [tilespmem:s9+$0xFD40];
	v5 =	vadd.f32 v5, v8;
	v8 =	vshll.u32 v10, $0x10  }
0x4a7: {  	v14 =	vld [tilespmem:s16+$0xFD50];
	[tilespmem:s2+$0x19110] =	vst v6;
	v6 =	vand.u32 $0xFFFF0000, v10;
	v8 =	vadd.f32 v8, v11  }
0x4a8: {  	[tilespmem:s13+$0x18D10] =	vst v5;
	v5 =	vld [tilespmem:s13+$0xFD20];
	v4 =	vadd.f32 v6, v4  }
0x4a9: {  	v6 =	vld [tilespmem:s4+$0x20];
	[tilespmem:s19+$0x18D20] =	vst v8;
	v8 =	vshll.u32 v12, $0x10  }
0x4aa: {  	v10 =	vld [tilespmem:s2+$0x10120];
	[tilespmem:s20+$0x18D20] =	vst v4;
	v4 =	vadd.f32 v8, v7;
	v7 =	vand.u32 $0xFFFF0000, v12  }
0x4ab: {  	s24 =	simm.s32 $0x0;
	v8 =	vld [tilespmem:s20+$0xFD30];
	v7 =	vadd.f32 v7, v13  }
0x4ac: {  	s25 =	smul.u32 $0x3000, s24;
	v11 =	vshll.u32 v9, $0x10;
	v12 =	vld [tilespmem:s31+$0x30];
	[tilespmem:s6+$0x19140] =	vst v4  }
0x4ad: {  	v9 =	vand.u32 $0xFFFF0000, v9;
	v4 =	vadd.f32 v11, v14;
	v11 =	vld [tilespmem:s19+$0xFD30];
	[tilespmem:s9+$0x18D40] =	vst v7  }
0x4ae: {  	s28 =	simm.s32 $0x200;
	s23 =	sshra.s32 s25, $0x2;
	v7 =	vadd.f32 v9, v15;
	v9 =	vld [tilespmem:s10+$0x50]  }
0x4af: {  	s24 =	smul.u32 $0x1800, s24;
	s26 =	sadd.s32 $0x15D00, s23;
	s21 =	sand.u32 $0x300, s28;
	[tilespmem:s16+$0x18D50] =	vst v4;
	v4 =	vshll.u32 v6, $0x10;
	v13 =	vld [tilespmem:s6+$0x10150]  }
0x4b0: {  	s22 =	sor.u32 $0x80, s21;
	s17 =	sadd.s32 s21, s26;
	v6 =	vand.u32 $0xFFFF0000, v6;
	[tilespmem:s7+$0x18D50] =	vst v7;
	v7 =	vadd.f32 v4, v10;
	v10 =	vld [tilespmem:s9+$0xFD50]  }
0x4b1: {  	s11 =	sadd.s32 $0xC00, s24;
	s25 =	sor.u32 s24, s22;
	v62 =	vld [tilespmem:s17+$0x0];
	v5 =	vadd.f32 v6, v5  }
0x4b2: {  	s1 =	sor.u32 s22, s11;
	v16 =	vld [tilespmem:s25+$0xFD00];
	v14 =	vshll.u32 v12, $0x10;
	v12 =	vand.u32 $0xFFFF0000, v12;
	[tilespmem:s2+$0x19120] =	vst v7  }
0x4b3: {  	s3 =	sadd.s32 s22, s26;
	s26 =	sor.u32 s21, s24;
	v17 =	vld [tilespmem:s1+$0xFD00];
	v11 =	vadd.f32 v14, v11;
	[tilespmem:s13+$0x18D20] =	vst v5;
	v5 =	vadd.f32 v12, v8;
	v8 =	vshll.u32 v9, $0x10  }
0x4b4: {  	v20 =	vld [tilespmem:s26+$0xFD00];
	v9 =	vand.u32 $0xFFFF0000, v9;
	v8 =	vadd.f32 v8, v13  }
0x4b5: {  	v12 =	vld [tilespmem:s13+$0xFD30];
	[tilespmem:s19+$0x18D30] =	vst v11;
	v9 =	vadd.f32 v9, v10  }
0x4b6: {  	v11 =	vld [tilespmem:s4+$0x30];
	[tilespmem:s6+$0x19150] =	vst v8  }
0x4b7: {  	v10 =	vld [tilespmem:s2+$0x10130];
	[tilespmem:s9+$0x18D50] =	vst v9  }
0x4b8: {  	v9 =	vld [tilespmem:s10+$0x60]  }
0x4b9: {  	v13 =	vld [tilespmem:s6+$0x10160]  }
0x4ba: {  	v14 =	vld [tilespmem:s9+$0xFD60]  }
0x4bb: {  	v15 =	vld [tilespmem:s3+$0x0];
	v8 =	vshll.u32 v11, $0x10  }
0x4bc: {  	v4 =	vld [tilespmem:s12+$0x60];
	v11 =	vand.u32 $0xFFFF0000, v11;
	v10 =	vadd.f32 v8, v10  }
0x4bd: {  	v6 =	vld [tilespmem:s16+$0xFD60];
	[tilespmem:s20+$0x18D30] =	vst v5;
	v11 =	vadd.f32 v11, v12;
	v12 =	vshll.u32 v9, $0x10  }
0x4be: {  	v7 =	vld [tilespmem:s7+$0xFD60];
	[tilespmem:s2+$0x19130] =	vst v10;
	v10 =	vadd.f32 v12, v13;
	v12 =	vand.u32 $0xFFFF0000, v9  }
0x4bf: {  	v5 =	vld [tilespmem:s20+$0xFD40];
	[tilespmem:s13+$0x18D30] =	vst v11;
	v11 =	vadd.f32 v12, v14  }
0x4c0: {  	v8 =	vld [tilespmem:s31+$0x40];
	[tilespmem:s6+$0x19160] =	vst v10;
	v10 =	vshll.u32 v15, $0x10  }
0x4c1: {  	v19 =	vld [tilespmem:s2+$0x10140];
	[tilespmem:s9+$0x18D60] =	vst v11;
	v10 =	vadd.f32 v10, v16;
	v11 =	vand.u32 $0xFFFF0000, v15  }
0x4c2: {  	v14 =	vld [tilespmem:s10+$0x70];
	v11 =	vadd.f32 v11, v17  }
0x4c3: {  	v15 =	vld [tilespmem:s6+$0x10170];
	[tilespmem:s25+$0x18D00] =	vst v10  }
0x4c4: {  	v10 =	vld [tilespmem:s9+$0xFD70];
	[tilespmem:s1+$0x18D00] =	vst v11  }
0x4c5: {  	v11 =	vld [tilespmem:s3+$0x10]  }
0x4c6: {  	v60 =	vld [tilespmem:s25+$0xFD10]  }
0x4c7: {  	v18 =	vld [tilespmem:s1+$0xFD10];
	v61 =	vshll.u32 v14, $0x10  }
0x4c8: {  	v9 =	vld [tilespmem:s19+$0xFD40];
	v14 =	vand.u32 $0xFFFF0000, v14;
	v15 =	vadd.f32 v61, v15  }
0x4c9: {  	v13 =	vld [tilespmem:s4+$0x40];
	v10 =	vadd.f32 v14, v10  }
0x4ca: {  	s5 =	sor.u32 s21, s11;
	v12 =	vld [tilespmem:s13+$0xFD40];
	s10 =	sadd.s32 $0x16500, s15;
	[tilespmem:s6+$0x19170] =	vst v15;
	v15 =	vshll.u32 v11, $0x10  }
0x4cb: {  	s15 =	sadd.s32 $0x800, s30;
	s18 =	sadd.s32 s29, s10;
	v14 =	vld [tilespmem:s5+$0xFD00];
	v11 =	vand.u32 $0xFFFF0000, v11;
	[tilespmem:s9+$0x18D70] =	vst v10;
	v10 =	vadd.f32 v15, v60  }
0x4cc: {  	s14 =	sor.u32 s29, s15;
	s9 =	sadd.s32 $0x1400, s30;
	v11 =	vadd.f32 v11, v18;
	v15 =	vld [tilespmem:s18+$0x0]  }
0x4cd: {  	v63 =	vld [tilespmem:s14+$0xFD00];
	s6 =	sor.u32 s29, s9;
	[tilespmem:s25+$0x18D10] =	vst v10  }
0x4ce: {  	v10 =	vshll.u32 v13, $0x10;
	v24 =	vld [tilespmem:s6+$0xFD00];
	[tilespmem:s1+$0x18D10] =	vst v11  }
0x4cf: {  	v10 =	vadd.f32 v10, v19;
	v11 =	vshll.u32 v62, $0x10;
	v25 =	vld [tilespmem:s3+$0x20]  }
0x4d0: {  	v17 =	vand.u32 $0xFFFF0000, v62;
	v11 =	vadd.f32 v11, v20;
	v26 =	vld [tilespmem:s25+$0xFD20]  }
0x4d1: {  	v27 =	vld [tilespmem:s1+$0xFD20];
	[tilespmem:s2+$0x19140] =	vst v10;
	v10 =	vadd.f32 v17, v14;
	v14 =	vshll.u32 v15, $0x10  }
0x4d2: {  	[tilespmem:s26+$0x18D00] =	vst v11;
	v11 =	vld [tilespmem:s13+$0xFD50];
	v15 =	vand.u32 $0xFFFF0000, v15;
	v14 =	vadd.f32 v14, v63  }
0x4d3: {  	[tilespmem:s5+$0x18D00] =	vst v10;
	v10 =	vld [tilespmem:s5+$0xFD10];
	v15 =	vadd.f32 v15, v24  }
0x4d4: {  	v28 =	vld [tilespmem:s17+$0x10];
	[tilespmem:s14+$0x18D00] =	vst v14;
	v14 =	vshll.u32 v25, $0x10  }
0x4d5: {  	v29 =	vld [tilespmem:s26+$0xFD10];
	[tilespmem:s6+$0x18D00] =	vst v15;
	v14 =	vadd.f32 v14, v26;
	v15 =	vand.u32 $0xFFFF0000, v25  }
0x4d6: {  	v30 =	vld [tilespmem:s18+$0x10];
	v15 =	vadd.f32 v15, v27  }
0x4d7: {  	v31 =	vld [tilespmem:s14+$0xFD10];
	[tilespmem:s25+$0x18D20] =	vst v14  }
0x4d8: {  	v13 =	vand.u32 $0xFFFF0000, v13;
	v14 =	vld [tilespmem:s6+$0xFD10];
	[tilespmem:s1+$0x18D20] =	vst v15  }
0x4d9: {  	v12 =	vadd.f32 v13, v12;
	v13 =	vshll.u32 v28, $0x10;
	v15 =	vld [tilespmem:s3+$0x30]  }
0x4da: {  	v16 =	vand.u32 $0xFFFF0000, v28;
	v13 =	vadd.f32 v13, v29;
	v32 =	vld [tilespmem:s25+$0xFD30]  }
0x4db: {  	[tilespmem:s13+$0x18D40] =	vst v12;
	v33 =	vld [tilespmem:s1+$0xFD30];
	v10 =	vadd.f32 v16, v10;
	v12 =	vshll.u32 v30, $0x10  }
0x4dc: {  	v34 =	vld [tilespmem:s4+$0x50];
	[tilespmem:s26+$0x18D10] =	vst v13;
	v13 =	vand.u32 $0xFFFF0000, v30;
	v12 =	vadd.f32 v12, v31  }
0x4dd: {  	[tilespmem:s5+$0x18D10] =	vst v10;
	v10 =	vld [tilespmem:s5+$0xFD20];
	v13 =	vadd.f32 v13, v14  }
0x4de: {  	v14 =	vld [tilespmem:s17+$0x20];
	[tilespmem:s14+$0x18D10] =	vst v12;
	v12 =	vshll.u32 v15, $0x10  }
0x4df: {  	v35 =	vld [tilespmem:s26+$0xFD20];
	[tilespmem:s6+$0x18D10] =	vst v13;
	v12 =	vadd.f32 v12, v32;
	v13 =	vand.u32 $0xFFFF0000, v15  }
0x4e0: {  	v15 =	vld [tilespmem:s18+$0x20];
	v13 =	vadd.f32 v13, v33  }
0x4e1: {  	v36 =	vld [tilespmem:s14+$0xFD20];
	[tilespmem:s25+$0x18D30] =	vst v12  }
0x4e2: {  	v12 =	vld [tilespmem:s6+$0xFD20];
	[tilespmem:s1+$0x18D30] =	vst v13  }
0x4e3: {  	v13 =	vshll.u32 v14, $0x10;
	v37 =	vld [tilespmem:s3+$0x40]  }
0x4e4: {  	v14 =	vand.u32 $0xFFFF0000, v14;
	v13 =	vadd.f32 v13, v35;
	v38 =	vld [tilespmem:s25+$0xFD40]  }
0x4e5: {  	v39 =	vld [tilespmem:s1+$0xFD40];
	v10 =	vadd.f32 v14, v10;
	v14 =	vshll.u32 v15, $0x10  }
0x4e6: {  	[tilespmem:s26+$0x18D20] =	vst v13;
	v15 =	vand.u32 $0xFFFF0000, v15;
	v13 =	vadd.f32 v14, v36;
	v14 =	vld [tilespmem:s2+$0x10150]  }
0x4e7: {  	[tilespmem:s5+$0x18D20] =	vst v10;
	v10 =	vld [tilespmem:s5+$0xFD30];
	v12 =	vadd.f32 v15, v12  }
0x4e8: {  	v15 =	vld [tilespmem:s17+$0x30];
	[tilespmem:s14+$0x18D20] =	vst v13;
	v13 =	vshll.u32 v37, $0x10  }
0x4e9: {  	v40 =	vand.u32 $0xFFFF0000, v37;
	[tilespmem:s6+$0x18D20] =	vst v12;
	v12 =	vld [tilespmem:s26+$0xFD30];
	v13 =	vadd.f32 v13, v38  }
0x4ea: {  	v16 =	vadd.f32 v40, v39;
	v44 =	vld [tilespmem:s6+$0xFD30]  }
0x4eb: {  	v42 =	vshll.u32 v34, $0x10;
	v41 =	vld [tilespmem:s18+$0x30];
	[tilespmem:s25+$0x18D40] =	vst v13  }
0x4ec: {  	v43 =	vand.u32 $0xFFFF0000, v34;
	v13 =	vld [tilespmem:s14+$0xFD30];
	v14 =	vadd.f32 v42, v14;
	[tilespmem:s1+$0x18D40] =	vst v16  }
0x4ed: {  	v11 =	vadd.f32 v43, v11;
	v16 =	vld [tilespmem:s3+$0x50]  }
0x4ee: {  	[tilespmem:s2+$0x19150] =	vst v14;
	v14 =	vshll.u32 v15, $0x10;
	v45 =	vld [tilespmem:s25+$0xFD50]  }
0x4ef: {  	[tilespmem:s13+$0x18D50] =	vst v11;
	v11 =	vand.u32 $0xFFFF0000, v15;
	v12 =	vadd.f32 v14, v12;
	v14 =	vld [tilespmem:s1+$0xFD50]  }
0x4f0: {  	v15 =	vld [tilespmem:s4+$0x60];
	v10 =	vadd.f32 v11, v10;
	v11 =	vshll.u32 v41, $0x10  }
0x4f1: {  	[tilespmem:s26+$0x18D30] =	vst v12;
	v11 =	vadd.f32 v11, v13;
	v12 =	vld [tilespmem:s2+$0x10160];
	v13 =	vand.u32 $0xFFFF0000, v41  }
0x4f2: {  	[tilespmem:s5+$0x18D30] =	vst v10;
	v10 =	vld [tilespmem:s13+$0xFD60];
	v13 =	vadd.f32 v13, v44;
	v46 =	vshll.u32 v16, $0x10  }
0x4f3: {  	v47 =	vld [tilespmem:s5+$0xFD40];
	[tilespmem:s14+$0x18D30] =	vst v11;
	v16 =	vand.u32 $0xFFFF0000, v16;
	v11 =	vadd.f32 v46, v45  }
0x4f4: {  	v48 =	vld [tilespmem:s17+$0x40];
	[tilespmem:s6+$0x18D30] =	vst v13;
	v13 =	vshll.u32 v4, $0x10;
	v14 =	vadd.f32 v16, v14  }
0x4f5: {  	v4 =	vand.u32 $0xFFFF0000, v4;
	v6 =	vadd.f32 v13, v6;
	v13 =	vld [tilespmem:s26+$0xFD40];
	[tilespmem:s25+$0x18D50] =	vst v11  }
0x4f6: {  	v4 =	vadd.f32 v4, v7;
	v7 =	vshll.u32 v8, $0x10;
	v11 =	vld [tilespmem:s18+$0x40];
	[tilespmem:s1+$0x18D50] =	vst v14  }
0x4f7: {  	[tilespmem:s16+$0x18D60] =	vst v6;
	v6 =	vadd.f32 v7, v9;
	v7 =	vshll.u32 v15, $0x10;
	v14 =	vld [tilespmem:s6+$0xFD40]  }
0x4f8: {  	v8 =	vand.u32 $0xFFFF0000, v8;
	v9 =	vld [tilespmem:s3+$0x60];
	[tilespmem:s7+$0x18D60] =	vst v4;
	v7 =	vadd.f32 v7, v12  }
0x4f9: {  	v5 =	vadd.f32 v8, v5;
	v4 =	vand.u32 $0xFFFF0000, v15;
	v12 =	vld [tilespmem:s25+$0xFD60];
	[tilespmem:s19+$0x18D40] =	vst v6  }
0x4fa: {  	v4 =	vadd.f32 v4, v10;
	v6 =	vshll.u32 v48, $0x10;
	v10 =	vld [tilespmem:s1+$0xFD60];
	[tilespmem:s2+$0x19160] =	vst v7  }
0x4fb: {  	v7 =	vand.u32 $0xFFFF0000, v48;
	v6 =	vadd.f32 v6, v13;
	v13 =	vld [tilespmem:s14+$0xFD40];
	[tilespmem:s20+$0x18D40] =	vst v5  }
0x4fc: {  	v57 =	vld [tilespmem:s7+$0xFD70];
	[tilespmem:s13+$0x18D60] =	vst v4;
	v7 =	vadd.f32 v7, v47  }
0x4fd: {  	v4 =	vld [tilespmem:s12+$0x70];
	[tilespmem:s26+$0x18D40] =	vst v6  }
0x4fe: {  	v51 =	vld [tilespmem:s19+$0xFD50];
	v6 =	vshll.u32 v9, $0x10;
	[tilespmem:s5+$0x18D40] =	vst v7  }
0x4ff: {  	v7 =	vand.u32 $0xFFFF0000, v9;
	v9 =	vshll.u32 v11, $0x10;
	v6 =	vadd.f32 v6, v12;
	v5 =	vld [tilespmem:s17+$0x50]  }
0x500: {  	v11 =	vand.u32 $0xFFFF0000, v11;
	v7 =	vadd.f32 v7, v10;
	v10 =	vld [tilespmem:s26+$0xFD50];
	v9 =	vadd.f32 v9, v13  }
0x501: {  	v11 =	vadd.f32 v11, v14;
	[tilespmem:s25+$0x18D60] =	vst v6;
	v6 =	vld [tilespmem:s5+$0xFD50]  }
0x502: {  	v8 =	vld [tilespmem:s4+$0x70];
	[tilespmem:s14+$0x18D40] =	vst v9  }
0x503: {  	v13 =	vld [tilespmem:s31+$0x50];
	[tilespmem:s6+$0x18D40] =	vst v11  }
0x504: {  	v11 =	vshll.u32 v5, $0x10;
	v12 =	vld [tilespmem:s18+$0x50]  }
0x505: {  	v5 =	vand.u32 $0xFFFF0000, v5;
	v10 =	vadd.f32 v11, v10;
	v11 =	vld [tilespmem:s14+$0xFD50]  }
0x506: {  	[tilespmem:s1+$0x18D60] =	vst v7;
	v5 =	vadd.f32 v5, v6;
	v6 =	vld [tilespmem:s6+$0xFD50]  }
0x507: {  	v7 =	vld [tilespmem:s3+$0x70];
	[tilespmem:s26+$0x18D50] =	vst v10  }
0x508: {  	v10 =	vld [tilespmem:s2+$0x10170];
	[tilespmem:s5+$0x18D50] =	vst v5  }
0x509: {  	v5 =	vld [tilespmem:s17+$0x60];
	v14 =	vshll.u32 v12, $0x10  }
0x50a: {  	v15 =	vld [tilespmem:s26+$0xFD60];
	v12 =	vand.u32 $0xFFFF0000, v12;
	v11 =	vadd.f32 v14, v11  }
0x50b: {  	v14 =	vld [tilespmem:s5+$0xFD60];
	v6 =	vadd.f32 v12, v6  }
0x50c: {  	v12 =	vld [tilespmem:s25+$0xFD70];
	[tilespmem:s14+$0x18D50] =	vst v11  }
0x50d: {  	v11 =	vld [tilespmem:s1+$0xFD70];
	[tilespmem:s6+$0x18D50] =	vst v6  }
0x50e: {  	v6 =	vshll.u32 v5, $0x10;
	v49 =	vld [tilespmem:s18+$0x60]  }
0x50f: {  	v5 =	vand.u32 $0xFFFF0000, v5;
	v6 =	vadd.f32 v6, v15;
	v15 =	vld [tilespmem:s14+$0xFD60]  }
0x510: {  	v50 =	vshll.u32 v8, $0x10;
	v5 =	vadd.f32 v5, v14;
	v14 =	vld [tilespmem:s6+$0xFD60]  }
0x511: {  	v9 =	vld [tilespmem:s20+$0xFD50];
	v10 =	vadd.f32 v50, v10;
	[tilespmem:s26+$0x18D60] =	vst v6;
	v6 =	vshll.u32 v7, $0x10  }
0x512: {  	v7 =	vand.u32 $0xFFFF0000, v7;
	[tilespmem:s5+$0x18D60] =	vst v5;
	v5 =	vld [tilespmem:s13+$0xFD70];
	v6 =	vadd.f32 v6, v12  }
0x513: {  	[tilespmem:s2+$0x19170] =	vst v10;
	v7 =	vadd.f32 v7, v11;
	v10 =	vld [tilespmem:s17+$0x70];
	v11 =	vshll.u32 v49, $0x10  }
0x514: {  	s11 =	sadd.s32 $0x16100, s23;
	v12 =	vld [tilespmem:s26+$0xFD70];
	[tilespmem:s25+$0x18D70] =	vst v6;
	v6 =	vadd.f32 v11, v15;
	v11 =	vand.u32 $0xFFFF0000, v49  }
0x515: {  	s12 =	sadd.s32 s22, s11;
	v52 =	vld [tilespmem:s5+$0xFD70];
	v15 =	vshll.u32 v13, $0x10;
	[tilespmem:s1+$0x18D70] =	vst v7;
	v7 =	vadd.f32 v11, v14  }
0x516: {  	v11 =	vand.u32 $0xFFFF0000, v13;
	v13 =	vadd.f32 v15, v51;
	v14 =	vld [tilespmem:s12+$0x0];
	[tilespmem:s14+$0x18D60] =	vst v6  }
0x517: {  	v8 =	vand.u32 $0xFFFF0000, v8;
	s17 =	sadd.s32 $0x1000, s24;
	v6 =	vadd.f32 v11, v9;
	v9 =	vld [tilespmem:s25+$0x10100];
	[tilespmem:s6+$0x18D60] =	vst v7  }
0x518: {  	s4 =	sor.u32 s22, s17;
	[tilespmem:s19+$0x18D50] =	vst v13;
	v7 =	vadd.f32 v8, v5;
	v8 =	vshll.u32 v10, $0x10;
	v5 =	vld [tilespmem:s18+$0x70]  }
0x519: {  	[tilespmem:s20+$0x18D50] =	vst v6;
	v6 =	vand.u32 $0xFFFF0000, v10;
	v10 =	vld [tilespmem:s4+$0xFD00];
	v8 =	vadd.f32 v8, v12  }
0x51a: {  	s29 =	sadd.s32 s0, s10;
	[tilespmem:s13+$0x18D70] =	vst v7;
	v7 =	vld [tilespmem:s20+$0xFD60];
	v6 =	vadd.f32 v6, v52  }
0x51b: {  	s30 =	sor.u32 s0, s15;
	v11 =	vld [tilespmem:s29+$0x0];
	[tilespmem:s26+$0x18D70] =	vst v8  }
0x51c: {  	s2 =	sadd.s32 s21, s11;
	[tilespmem:s5+$0x18D70] =	vst v6;
	v6 =	vld [tilespmem:s30+$0xFD00]  }
0x51d: {  	v8 =	vshll.u32 v14, $0x10;
	v12 =	vld [tilespmem:s2+$0x0]  }
0x51e: {  	s0 =	sor.u32 s0, s9;
	v8 =	vadd.f32 v8, v9;
	v9 =	vand.u32 $0xFFFF0000, v14;
	v13 =	vld [tilespmem:s26+$0x10100]  }
0x51f: {  	v9 =	vadd.f32 v9, v10;
	v10 =	vld [tilespmem:s0+$0xFD00]  }
0x520: {  	s13 =	sor.u32 s21, s17;
	v15 =	vld [tilespmem:s31+$0x60];
	[tilespmem:s25+$0x19100] =	vst v8  }
0x521: {  	v8 =	vld [tilespmem:s13+$0xFD00];
	[tilespmem:s4+$0x18D00] =	vst v9;
	v9 =	vshll.u32 v11, $0x10  }
0x522: {  	v14 =	vld [tilespmem:s12+$0x10];
	v6 =	vadd.f32 v9, v6;
	v9 =	vshll.u32 v12, $0x10  }
0x523: {  	v11 =	vand.u32 $0xFFFF0000, v11;
	v9 =	vadd.f32 v9, v13;
	v13 =	vld [tilespmem:s19+$0xFD60]  }
0x524: {  	[tilespmem:s30+$0x18D00] =	vst v6;
	v6 =	vadd.f32 v11, v10;
	v10 =	vld [tilespmem:s25+$0x10110]  }
0x525: {  	[tilespmem:s26+$0x19100] =	vst v9;
	v9 =	vld [tilespmem:s4+$0xFD10]  }
0x526: {  	v11 =	vand.u32 $0xFFFF0000, v12;
	[tilespmem:s0+$0x18D00] =	vst v6;
	v6 =	vld [tilespmem:s13+$0xFD10]  }
0x527: {  	v12 =	vshll.u32 v15, $0x10;
	v8 =	vadd.f32 v11, v8;
	v11 =	vld [tilespmem:s29+$0x10]  }
0x528: {  	v53 =	vld [tilespmem:s30+$0xFD10];
	v12 =	vadd.f32 v12, v13;
	v13 =	vand.u32 $0xFFFF0000, v15  }
0x529: {  	[tilespmem:s13+$0x18D00] =	vst v8;
	v8 =	vld [tilespmem:s0+$0xFD10];
	v15 =	vshll.u32 v14, $0x10;
	v7 =	vadd.f32 v13, v7  }
0x52a: {  	v54 =	vld [tilespmem:s2+$0x10];
	v10 =	vadd.f32 v15, v10;
	[tilespmem:s19+$0x18D60] =	vst v12;
	v12 =	vand.u32 $0xFFFF0000, v14  }
0x52b: {  	v9 =	vadd.f32 v12, v9;
	v12 =	vld [tilespmem:s26+$0x10110];
	[tilespmem:s20+$0x18D60] =	vst v7  }
0x52c: {  	v13 =	vld [tilespmem:s20+$0xFD70];
	[tilespmem:s25+$0x19110] =	vst v10;
	v7 =	vshll.u32 v11, $0x10  }
0x52d: {  	v10 =	vld [tilespmem:s16+$0xFD70];
	v7 =	vadd.f32 v7, v53;
	[tilespmem:s4+$0x18D10] =	vst v9;
	v9 =	vand.u32 $0xFFFF0000, v11  }
0x52e: {  	v11 =	vld [tilespmem:s12+$0x20];
	v8 =	vadd.f32 v9, v8  }
0x52f: {  	v15 =	vshll.u32 v54, $0x10;
	v9 =	vld [tilespmem:s25+$0x10120];
	[tilespmem:s30+$0x18D10] =	vst v7  }
0x530: {  	v55 =	vld [tilespmem:s4+$0xFD20];
	v7 =	vand.u32 $0xFFFF0000, v54;
	v12 =	vadd.f32 v15, v12;
	[tilespmem:s0+$0x18D10] =	vst v8  }
0x531: {  	v6 =	vadd.f32 v7, v6;
	v7 =	vld [tilespmem:s29+$0x20]  }
0x532: {  	v8 =	vld [tilespmem:s30+$0xFD20];
	[tilespmem:s26+$0x19110] =	vst v12  }
0x533: {  	v12 =	vld [tilespmem:s0+$0xFD20];
	v15 =	vshll.u32 v11, $0x10;
	[tilespmem:s13+$0x18D10] =	vst v6  }
0x534: {  	v6 =	vadd.f32 v15, v9;
	v9 =	vand.u32 $0xFFFF0000, v11;
	v11 =	vld [tilespmem:s2+$0x20]  }
0x535: {  	v15 =	vld [tilespmem:s26+$0x10120];
	v9 =	vadd.f32 v9, v55  }
0x536: {  	v56 =	vld [tilespmem:s13+$0xFD20];
	[tilespmem:s25+$0x19120] =	vst v6;
	v6 =	vshll.u32 v7, $0x10  }
0x537: {  	v14 =	vld [tilespmem:s31+$0x70];
	v7 =	vand.u32 $0xFFFF0000, v7;
	[tilespmem:s4+$0x18D20] =	vst v9;
	v6 =	vadd.f32 v6, v8  }
0x538: {  	v7 =	vadd.f32 v7, v12;
	v8 =	vld [tilespmem:s12+$0x30]  }
0x539: {  	v9 =	vld [tilespmem:s25+$0x10130];
	v12 =	vshll.u32 v11, $0x10;
	[tilespmem:s30+$0x18D20] =	vst v6  }
0x53a: {  	v6 =	vand.u32 $0xFFFF0000, v11;
	v11 =	vld [tilespmem:s4+$0xFD30];
	v12 =	vadd.f32 v12, v15;
	[tilespmem:s0+$0x18D20] =	vst v7  }
0x53b: {  	v6 =	vadd.f32 v6, v56;
	v7 =	vld [tilespmem:s29+$0x30]  }
0x53c: {  	[tilespmem:s26+$0x19120] =	vst v12;
	v12 =	vld [tilespmem:s30+$0xFD30]  }
0x53d: {  	v15 =	vld [tilespmem:s0+$0xFD30];
	v58 =	vshll.u32 v8, $0x10;
	[tilespmem:s13+$0x18D20] =	vst v6  }
0x53e: {  	v8 =	vand.u32 $0xFFFF0000, v8;
	v6 =	vadd.f32 v58, v9;
	v9 =	vld [tilespmem:s2+$0x30]  }
0x53f: {  	v8 =	vadd.f32 v8, v11;
	v11 =	vld [tilespmem:s26+$0x10130]  }
0x540: {  	v59 =	vld [tilespmem:s13+$0xFD30];
	[tilespmem:s25+$0x19130] =	vst v6;
	v6 =	vshll.u32 v7, $0x10  }
0x541: {  	v7 =	vand.u32 $0xFFFF0000, v7;
	[tilespmem:s4+$0x18D30] =	vst v8;
	v8 =	vld [tilespmem:s14+$0xFD70];
	v6 =	vadd.f32 v6, v12  }
0x542: {  	v7 =	vadd.f32 v7, v15;
	v12 =	vld [tilespmem:s12+$0x40]  }
0x543: {  	v15 =	vld [tilespmem:s25+$0x10140];
	[tilespmem:s30+$0x18D30] =	vst v6;
	v6 =	vshll.u32 v9, $0x10  }
0x544: {  	v9 =	vand.u32 $0xFFFF0000, v9;
	v6 =	vadd.f32 v6, v11;
	v11 =	vld [tilespmem:s4+$0xFD40];
	[tilespmem:s0+$0x18D30] =	vst v7  }
0x545: {  	v60 =	vshll.u32 v4, $0x10;
	v7 =	vadd.f32 v9, v59;
	v9 =	vld [tilespmem:s29+$0x40]  }
0x546: {  	v4 =	vand.u32 $0xFFFF0000, v4;
	v10 =	vadd.f32 v60, v10;
	[tilespmem:s26+$0x19130] =	vst v6;
	v6 =	vld [tilespmem:s30+$0xFD40]  }
0x547: {  	v4 =	vadd.f32 v4, v57;
	v61 =	vld [tilespmem:s0+$0xFD40];
	[tilespmem:s13+$0x18D30] =	vst v7;
	v7 =	vshll.u32 v12, $0x10  }
0x548: {  	[tilespmem:s16+$0x18D70] =	vst v10;
	v12 =	vand.u32 $0xFFFF0000, v12;
	v7 =	vadd.f32 v7, v15;
	v15 =	vld [tilespmem:s2+$0x40]  }
0x549: {  	[tilespmem:s7+$0x18D70] =	vst v4;
	v10 =	vadd.f32 v12, v11;
	v11 =	vld [tilespmem:s26+$0x10140]  }
0x54a: {  	v12 =	vld [tilespmem:s13+$0xFD40];
	[tilespmem:s25+$0x19140] =	vst v7;
	v7 =	vshll.u32 v9, $0x10  }
0x54b: {  	v4 =	vshll.u32 v5, $0x10;
	[tilespmem:s4+$0x18D40] =	vst v10;
	v6 =	vadd.f32 v7, v6;
	v7 =	vld [tilespmem:s6+$0xFD70]  }
0x54c: {  	v4 =	vadd.f32 v4, v8;
	v9 =	vand.u32 $0xFFFF0000, v9;
	v62 =	vld [tilespmem:s12+$0x50]  }
0x54d: {  	v9 =	vadd.f32 v9, v61;
	v63 =	vld [tilespmem:s25+$0x10150];
	[tilespmem:s30+$0x18D40] =	vst v6;
	v6 =	vshll.u32 v15, $0x10  }
0x54e: {  	v10 =	vld [tilespmem:s4+$0xFD50];
	[tilespmem:s14+$0x18D70] =	vst v4;
	v8 =	vand.u32 $0xFFFF0000, v15;
	v6 =	vadd.f32 v6, v11  }
0x54f: {  	v5 =	vand.u32 $0xFFFF0000, v5;
	[tilespmem:s0+$0x18D40] =	vst v9;
	v9 =	vadd.f32 v8, v12;
	v4 =	vld [tilespmem:s0+$0xFD50]  }
0x550: {  	v5 =	vadd.f32 v5, v7;
	v7 =	vld [tilespmem:s29+$0x50];
	[tilespmem:s26+$0x19140] =	vst v6  }
0x551: {  	v11 =	vand.u32 $0xFFFF0000, v14;
	v8 =	vld [tilespmem:s30+$0xFD50];
	v6 =	vshll.u32 v14, $0x10;
	v12 =	vshll.u32 v62, $0x10;
	[tilespmem:s13+$0x18D40] =	vst v9  }
0x552: {  	s7 =	simm.s32 $0x4;
	v9 =	vld [tilespmem:s13+$0xFD50];
	[tilespmem:s6+$0x18D70] =	vst v5;
	v5 =	vadd.f32 v11, v13;
	v11 =	vadd.f32 v12, v63;
	v12 =	vand.u32 $0xFFFF0000, v62  }
.LBB2_10:
0x553: {  	s7 =	sadd.s32 $0x2, s7;
	v13 =	vld [tilespmem:s2+$0x50];
	v10 =	vadd.f32 v12, v10  }
0x554: {  	s5 =	sshrl.u32 s7, $0x3;
	p0 =	slt.u32 s7, $0x1E;
	v12 =	vld [tilespmem:s26+$0x10150];
	[tilespmem:s25+$0x19150] =	vst v11  }
0x555: {  	s1 =	smul.u32 $0x3000, s5;
	[tilespmem:s4+$0x18D50] =	vst v10;
	v10 =	vshll.u32 v7, $0x10;
	v7 =	vand.u32 $0xFFFF0000, v7;
	v11 =	vld [tilespmem:s19+$0xFD70]  }
0x556: {  	s28 =	sadd.s32 $0x100, s28;
	v14 =	vld [tilespmem:s12+$0x60];
	v8 =	vadd.f32 v10, v8;
	v4 =	vadd.f32 v7, v4  }
0x557: {  	s3 =	sand.u32 $0x300, s28;
	s1 =	sshra.s32 s1, $0x2;
	v7 =	vld [tilespmem:s25+$0x10160]  }
0x558: {  	s11 =	smul.u32 $0x1800, s5;
	s17 =	sor.u32 $0x80, s3;
	s6 =	sadd.s32 $0x15D00, s1;
	v10 =	vshll.u32 v13, $0x10;
	v13 =	vand.u32 $0xFFFF0000, v13;
	v15 =	vld [tilespmem:s4+$0xFD60];
	[tilespmem:s30+$0x18D50] =	vst v8  }
0x559: {  	s16 =	sadd.s32 s3, s6;
	s5 =	sadd.s32 s17, s6;
	v8 =	vadd.f32 v10, v12;
	v9 =	vadd.f32 v13, v9;
	[tilespmem:s0+$0x18D50] =	vst v4;
	v4 =	vld [tilespmem:s0+$0xFD60]  }
0x55a: {  	s10 =	sor.u32 s3, s11;
	s9 =	sadd.s32 $0xC00, s11;
	s6 =	sor.u32 s11, s17;
	v10 =	vld [tilespmem:s5+$0x0];
	v6 =	vadd.f32 v6, v11  }
0x55b: {  	s14 =	sor.u32 s3, s9;
	s15 =	sor.u32 s17, s9;
	v11 =	vld [tilespmem:s6+$0xFD00];
	[tilespmem:s26+$0x19150] =	vst v8;
	v8 =	vshll.u32 v14, $0x10  }
0x55c: {  	v12 =	vld [tilespmem:s15+$0xFD00];
	[tilespmem:s13+$0x18D50] =	vst v9;
	v7 =	vadd.f32 v8, v7;
	v8 =	vand.u32 $0xFFFF0000, v14  }
0x55d: {  	v9 =	vld [tilespmem:s16+$0x0];
	v8 =	vadd.f32 v8, v15;
	[tilespmem:s19+$0x18D70] =	vst v6;
	s19 =	smov.u32 s30  }
0x55e: {  	v6 =	vld [tilespmem:s14+$0xFD00];
	[tilespmem:s25+$0x19160] =	vst v7  }
0x55f: {  	v7 =	vld [tilespmem:s10+$0xFD00];
	v13 =	vshll.u32 v10, $0x10;
	[tilespmem:s4+$0x18D60] =	vst v8  }
0x560: {  	v10 =	vand.u32 $0xFFFF0000, v10;
	v8 =	vadd.f32 v13, v11;
	v11 =	vld [tilespmem:s12+$0x70];
	[tilespmem:s20+$0x18D70] =	vst v5;
	s20 =	smov.u32 s0  }
0x561: {  	v5 =	vadd.f32 v10, v12;
	v10 =	vld [tilespmem:s25+$0x10170]  }
0x562: {  	v12 =	vshll.u32 v9, $0x10;
	v9 =	vand.u32 $0xFFFF0000, v9;
	[tilespmem:s6+$0x18D00] =	vst v8;
	v8 =	vld [tilespmem:s4+$0xFD70]  }
0x563: {  	v6 =	vadd.f32 v9, v6;
	[tilespmem:s15+$0x18D00] =	vst v5;
	v5 =	vld [tilespmem:s2+$0x60]  }
0x564: {  	v7 =	vadd.f32 v12, v7;
	v9 =	vld [tilespmem:s5+$0x10]  }
0x565: {  	v12 =	vld [tilespmem:s6+$0xFD10];
	v13 =	vshll.u32 v11, $0x10  }
0x566: {  	v11 =	vand.u32 $0xFFFF0000, v11;
	[tilespmem:s10+$0x18D00] =	vst v7;
	v7 =	vld [tilespmem:s15+$0xFD10];
	v10 =	vadd.f32 v13, v10  }
0x567: {  	[tilespmem:s14+$0x18D00] =	vst v6;
	v6 =	vld [tilespmem:s14+$0xFD10];
	v8 =	vadd.f32 v11, v8  }
0x568: {  	s0 =	sadd.s32 $0x16500, s23;
	s23 =	smov.u32 s1;
	v11 =	vld [tilespmem:s16+$0x10];
	v13 =	vshll.u32 v5, $0x10;
	v5 =	vand.u32 $0xFFFF0000, v5;
	[tilespmem:s25+$0x19170] =	vst v10;
	s25 =	smov.u32 s6  }
0x569: {  	s1 =	sadd.s32 $0x800, s24;
	s9 =	sadd.s32 s22, s0;
	s6 =	sadd.s32 s21, s0;
	v10 =	vld [tilespmem:s10+$0xFD10];
	v14 =	vshll.u32 v9, $0x10;
	[tilespmem:s4+$0x18D70] =	vst v8  }
0x56a: {  	s30 =	sor.u32 s21, s1;
	s18 =	sor.u32 s22, s1;
	v9 =	vand.u32 $0xFFFF0000, v9;
	s4 =	sadd.s32 $0x1400, s24;
	v8 =	vadd.f32 v14, v12;
	v12 =	vld [tilespmem:s9+$0x0]  }
0x56b: {  	s0 =	sor.u32 s21, s4;
	s1 =	sor.u32 s22, s4;
	s21 =	smov.u32 s3;
	v7 =	vadd.f32 v9, v7;
	v9 =	vld [tilespmem:s18+$0xFD00]  }
0x56c: {  	s24 =	smov.u32 s11;
	s22 =	smov.u32 s17;
	[tilespmem:s25+$0x18D10] =	vst v8;
	v8 =	vld [tilespmem:s1+$0xFD00]  }
0x56d: {  	v14 =	vshll.u32 v11, $0x10;
	v11 =	vand.u32 $0xFFFF0000, v11;
	[tilespmem:s15+$0x18D10] =	vst v7;
	v7 =	vld [tilespmem:s26+$0x10160]  }
0x56e: {  	v10 =	vadd.f32 v14, v10;
	v6 =	vadd.f32 v11, v6;
	v11 =	vld [tilespmem:s5+$0x20]  }
0x56f: {  	v14 =	vld [tilespmem:s25+$0xFD20];
	v15 =	vshll.u32 v12, $0x10  }
0x570: {  	v12 =	vand.u32 $0xFFFF0000, v12;
	[tilespmem:s10+$0x18D10] =	vst v10;
	v10 =	vld [tilespmem:s15+$0xFD20];
	v9 =	vadd.f32 v15, v9  }
0x571: {  	[tilespmem:s14+$0x18D10] =	vst v6;
	v6 =	vld [tilespmem:s14+$0xFD20];
	v8 =	vadd.f32 v12, v8  }
0x572: {  	v12 =	vld [tilespmem:s16+$0x20];
	v7 =	vadd.f32 v13, v7;
	[tilespmem:s18+$0x18D00] =	vst v9  }
0x573: {  	v9 =	vld [tilespmem:s10+$0xFD20];
	v13 =	vshll.u32 v11, $0x10;
	[tilespmem:s1+$0x18D00] =	vst v8  }
0x574: {  	v11 =	vand.u32 $0xFFFF0000, v11;
	v8 =	vadd.f32 v13, v14;
	v13 =	vld [tilespmem:s9+$0x10]  }
0x575: {  	v10 =	vadd.f32 v11, v10;
	v11 =	vld [tilespmem:s18+$0xFD10]  }
0x576: {  	[tilespmem:s25+$0x18D20] =	vst v8;
	v8 =	vld [tilespmem:s1+$0xFD10]  }
0x577: {  	v14 =	vshll.u32 v12, $0x10;
	v12 =	vand.u32 $0xFFFF0000, v12;
	[tilespmem:s15+$0x18D20] =	vst v10;
	v10 =	vld [tilespmem:s13+$0xFD60]  }
0x578: {  	v9 =	vadd.f32 v14, v9;
	v6 =	vadd.f32 v12, v6;
	v12 =	vld [tilespmem:s5+$0x30];
	[tilespmem:s26+$0x19160] =	vst v7  }
0x579: {  	v7 =	vld [tilespmem:s25+$0xFD30];
	v14 =	vshll.u32 v13, $0x10  }
0x57a: {  	v13 =	vand.u32 $0xFFFF0000, v13;
	[tilespmem:s10+$0x18D20] =	vst v9;
	v9 =	vld [tilespmem:s15+$0xFD30];
	v11 =	vadd.f32 v14, v11  }
0x57b: {  	[tilespmem:s14+$0x18D20] =	vst v6;
	v6 =	vld [tilespmem:s14+$0xFD30];
	v8 =	vadd.f32 v13, v8  }
0x57c: {  	v13 =	vld [tilespmem:s16+$0x30];
	v5 =	vadd.f32 v5, v10;
	[tilespmem:s18+$0x18D10] =	vst v11  }
0x57d: {  	v10 =	vld [tilespmem:s10+$0xFD30];
	v11 =	vshll.u32 v12, $0x10;
	[tilespmem:s1+$0x18D10] =	vst v8  }
0x57e: {  	v8 =	vand.u32 $0xFFFF0000, v12;
	v7 =	vadd.f32 v11, v7;
	[tilespmem:s13+$0x18D60] =	vst v5;
	v5 =	vld [tilespmem:s9+$0x20]  }
0x57f: {  	v8 =	vadd.f32 v8, v9;
	v9 =	vld [tilespmem:s18+$0xFD20]  }
0x580: {  	[tilespmem:s25+$0x18D30] =	vst v7;
	v7 =	vld [tilespmem:s1+$0xFD20]  }
0x581: {  	v11 =	vshll.u32 v13, $0x10;
	v12 =	vand.u32 $0xFFFF0000, v13;
	[tilespmem:s15+$0x18D30] =	vst v8;
	v8 =	vld [tilespmem:s2+$0x70]  }
0x582: {  	v10 =	vadd.f32 v11, v10;
	v6 =	vadd.f32 v12, v6;
	v11 =	vld [tilespmem:s5+$0x40]  }
0x583: {  	v12 =	vld [tilespmem:s25+$0xFD40];
	v13 =	vshll.u32 v5, $0x10  }
0x584: {  	v5 =	vand.u32 $0xFFFF0000, v5;
	[tilespmem:s10+$0x18D30] =	vst v10;
	v10 =	vld [tilespmem:s15+$0xFD40];
	v9 =	vadd.f32 v13, v9  }
0x585: {  	[tilespmem:s14+$0x18D30] =	vst v6;
	v6 =	vld [tilespmem:s14+$0xFD40];
	v5 =	vadd.f32 v5, v7  }
0x586: {  	v7 =	vld [tilespmem:s16+$0x40];
	v13 =	vshll.u32 v8, $0x10;
	v8 =	vand.u32 $0xFFFF0000, v8;
	[tilespmem:s18+$0x18D20] =	vst v9  }
0x587: {  	v9 =	vld [tilespmem:s10+$0xFD40];
	v14 =	vshll.u32 v11, $0x10;
	[tilespmem:s1+$0x18D20] =	vst v5  }
0x588: {  	v11 =	vand.u32 $0xFFFF0000, v11;
	v5 =	vadd.f32 v14, v12;
	v12 =	vld [tilespmem:s9+$0x30]  }
0x589: {  	v10 =	vadd.f32 v11, v10;
	v11 =	vld [tilespmem:s18+$0xFD30]  }
0x58a: {  	[tilespmem:s25+$0x18D40] =	vst v5;
	v5 =	vld [tilespmem:s1+$0xFD30]  }
0x58b: {  	v14 =	vshll.u32 v7, $0x10;
	v7 =	vand.u32 $0xFFFF0000, v7;
	[tilespmem:s15+$0x18D40] =	vst v10;
	v10 =	vld [tilespmem:s26+$0x10170]  }
0x58c: {  	v9 =	vadd.f32 v14, v9;
	v6 =	vadd.f32 v7, v6;
	v7 =	vld [tilespmem:s5+$0x50]  }
0x58d: {  	v14 =	vld [tilespmem:s25+$0xFD50];
	v15 =	vshll.u32 v12, $0x10  }
0x58e: {  	v12 =	vand.u32 $0xFFFF0000, v12;
	[tilespmem:s10+$0x18D40] =	vst v9;
	v9 =	vld [tilespmem:s15+$0xFD50];
	v11 =	vadd.f32 v15, v11  }
0x58f: {  	[tilespmem:s14+$0x18D40] =	vst v6;
	v6 =	vld [tilespmem:s14+$0xFD50];
	v5 =	vadd.f32 v12, v5  }
0x590: {  	v12 =	vld [tilespmem:s16+$0x50];
	v10 =	vadd.f32 v13, v10;
	[tilespmem:s18+$0x18D30] =	vst v11  }
0x591: {  	v11 =	vld [tilespmem:s10+$0xFD50];
	v13 =	vshll.u32 v7, $0x10;
	[tilespmem:s1+$0x18D30] =	vst v5  }
0x592: {  	v7 =	vand.u32 $0xFFFF0000, v7;
	v5 =	vadd.f32 v13, v14;
	v13 =	vld [tilespmem:s9+$0x40]  }
0x593: {  	v7 =	vadd.f32 v7, v9;
	v9 =	vld [tilespmem:s18+$0xFD40]  }
0x594: {  	[tilespmem:s25+$0x18D50] =	vst v5;
	v5 =	vld [tilespmem:s1+$0xFD40]  }
0x595: {  	v14 =	vshll.u32 v12, $0x10;
	v12 =	vand.u32 $0xFFFF0000, v12;
	[tilespmem:s15+$0x18D50] =	vst v7;
	v7 =	vld [tilespmem:s13+$0xFD70]  }
0x596: {  	v11 =	vadd.f32 v14, v11;
	v6 =	vadd.f32 v12, v6;
	v12 =	vld [tilespmem:s5+$0x60];
	[tilespmem:s26+$0x19170] =	vst v10;
	s26 =	smov.u32 s10  }
0x597: {  	v10 =	vld [tilespmem:s25+$0xFD60];
	v14 =	vshll.u32 v13, $0x10  }
0x598: {  	v13 =	vand.u32 $0xFFFF0000, v13;
	[tilespmem:s26+$0x18D50] =	vst v11;
	v11 =	vld [tilespmem:s15+$0xFD60];
	v9 =	vadd.f32 v14, v9  }
0x599: {  	[tilespmem:s14+$0x18D50] =	vst v6;
	v6 =	vld [tilespmem:s14+$0xFD60];
	v5 =	vadd.f32 v13, v5  }
0x59a: {  	v13 =	vld [tilespmem:s16+$0x60];
	v7 =	vadd.f32 v8, v7;
	[tilespmem:s18+$0x18D40] =	vst v9  }
0x59b: {  	v8 =	vld [tilespmem:s26+$0xFD60];
	v9 =	vshll.u32 v12, $0x10;
	[tilespmem:s1+$0x18D40] =	vst v5  }
0x59c: {  	v5 =	vadd.f32 v9, v10;
	v9 =	vand.u32 $0xFFFF0000, v12;
	[tilespmem:s13+$0x18D70] =	vst v7;
	v7 =	vld [tilespmem:s9+$0x50]  }
0x59d: {  	v9 =	vadd.f32 v9, v11;
	v10 =	vld [tilespmem:s18+$0xFD50]  }
0x59e: {  	[tilespmem:s25+$0x18D60] =	vst v5;
	v5 =	vld [tilespmem:s1+$0xFD50]  }
0x59f: {  	v11 =	vshll.u32 v13, $0x10;
	v12 =	vand.u32 $0xFFFF0000, v13;
	[tilespmem:s15+$0x18D60] =	vst v9;
	v9 =	vld [tilespmem:s6+$0x0]  }
0x5a0: {  	v8 =	vadd.f32 v11, v8;
	v6 =	vadd.f32 v12, v6;
	v11 =	vld [tilespmem:s5+$0x70]  }
0x5a1: {  	v12 =	vld [tilespmem:s25+$0xFD70];
	v13 =	vshll.u32 v7, $0x10  }
0x5a2: {  	v7 =	vand.u32 $0xFFFF0000, v7;
	[tilespmem:s26+$0x18D60] =	vst v8;
	v8 =	vld [tilespmem:s15+$0xFD70];
	v10 =	vadd.f32 v13, v10  }
0x5a3: {  	[tilespmem:s14+$0x18D60] =	vst v6;
	v6 =	vld [tilespmem:s14+$0xFD70];
	v5 =	vadd.f32 v7, v5  }
0x5a4: {  	v7 =	vld [tilespmem:s16+$0x70];
	v13 =	vshll.u32 v9, $0x10;
	v9 =	vand.u32 $0xFFFF0000, v9;
	[tilespmem:s18+$0x18D50] =	vst v10  }
0x5a5: {  	v10 =	vld [tilespmem:s26+$0xFD70];
	v14 =	vshll.u32 v11, $0x10;
	[tilespmem:s1+$0x18D50] =	vst v5  }
0x5a6: {  	v11 =	vand.u32 $0xFFFF0000, v11;
	v5 =	vadd.f32 v14, v12;
	v12 =	vld [tilespmem:s9+$0x60]  }
0x5a7: {  	v8 =	vadd.f32 v11, v8;
	v11 =	vld [tilespmem:s18+$0xFD60]  }
0x5a8: {  	s3 =	sadd.s32 $0x16100, s23;
	[tilespmem:s25+$0x18D70] =	vst v5;
	v5 =	vld [tilespmem:s1+$0xFD60]  }
0x5a9: {  	s12 =	sadd.s32 s22, s3;
	s2 =	sadd.s32 s21, s3;
	v14 =	vshll.u32 v7, $0x10;
	v7 =	vand.u32 $0xFFFF0000, v7;
	[tilespmem:s15+$0x18D70] =	vst v8;
	v8 =	vld [tilespmem:s30+$0xFD00]  }
0x5aa: {  	s3 =	sadd.s32 $0x1000, s24;
	v10 =	vadd.f32 v14, v10;
	v6 =	vadd.f32 v7, v6;
	v7 =	vld [tilespmem:s12+$0x0]  }
0x5ab: {  	s4 =	sor.u32 s22, s3;
	s13 =	sor.u32 s21, s3;
	v14 =	vld [tilespmem:s25+$0x10100];
	v15 =	vshll.u32 v12, $0x10  }
0x5ac: {  	v12 =	vand.u32 $0xFFFF0000, v12;
	[tilespmem:s26+$0x18D70] =	vst v10;
	v10 =	vld [tilespmem:s4+$0xFD00];
	v11 =	vadd.f32 v15, v11  }
0x5ad: {  	[tilespmem:s14+$0x18D70] =	vst v6;
	v6 =	vld [tilespmem:s0+$0xFD00];
	v5 =	vadd.f32 v12, v5  }
0x5ae: {  	v12 =	vld [tilespmem:s2+$0x0];
	v8 =	vadd.f32 v13, v8;
	[tilespmem:s18+$0x18D60] =	vst v11  }
0x5af: {  	v11 =	vld [tilespmem:s26+$0x10100];
	v13 =	vshll.u32 v7, $0x10;
	[tilespmem:s1+$0x18D60] =	vst v5  }
0x5b0: {  	v7 =	vand.u32 $0xFFFF0000, v7;
	v5 =	vadd.f32 v13, v14;
	[tilespmem:s30+$0x18D00] =	vst v8;
	v8 =	vld [tilespmem:s9+$0x70]  }
0x5b1: {  	v7 =	vadd.f32 v7, v10;
	v10 =	vld [tilespmem:s18+$0xFD70]  }
0x5b2: {  	[tilespmem:s25+$0x19100] =	vst v5;
	v5 =	vadd.f32 v9, v6;
	v6 =	vld [tilespmem:s1+$0xFD70]  }
0x5b3: {  	v9 =	vshll.u32 v12, $0x10;
	v13 =	vld [tilespmem:s13+$0xFD00];
	v12 =	vand.u32 $0xFFFF0000, v12;
	[tilespmem:s4+$0x18D00] =	vst v7  }
0x5b4: {  	v7 =	vadd.f32 v9, v11;
	v9 =	vld [tilespmem:s12+$0x10];
	[tilespmem:s0+$0x18D00] =	vst v5  }
0x5b5: {  	v5 =	vld [tilespmem:s25+$0x10110];
	v11 =	vshll.u32 v8, $0x10  }
0x5b6: {  	v8 =	vand.u32 $0xFFFF0000, v8;
	[tilespmem:s26+$0x19100] =	vst v7;
	v7 =	vld [tilespmem:s4+$0xFD10];
	v10 =	vadd.f32 v11, v10  }
0x5b7: {  	v11 =	vld [tilespmem:s13+$0xFD10];
	v6 =	vadd.f32 v8, v6  }
0x5b8: {  	v8 =	vadd.f32 v12, v13;
	v12 =	vld [tilespmem:s6+$0x10];
	[tilespmem:s18+$0x18D70] =	vst v10  }
0x5b9: {  	v10 =	vshll.u32 v9, $0x10;
	v13 =	vld [tilespmem:s30+$0xFD10];
	[tilespmem:s1+$0x18D70] =	vst v6  }
0x5ba: {  	v6 =	vand.u32 $0xFFFF0000, v9;
	[tilespmem:s13+$0x18D00] =	vst v8;
	v5 =	vadd.f32 v10, v5;
	v8 =	vld [tilespmem:s0+$0xFD10]  }
0x5bb: {  	v9 =	vld [tilespmem:s2+$0x10];
	v6 =	vadd.f32 v6, v7  }
0x5bc: {  	v7 =	vld [tilespmem:s26+$0x10110];
	[tilespmem:s25+$0x19110] =	vst v5  }
0x5bd: {  	[tilespmem:s4+$0x18D10] =	vst v6;
	v5 =	vshll.u32 v12, $0x10;
	v6 =	vand.u32 $0xFFFF0000, v12;
	v10 =	vld [tilespmem:s29+$0x60]  }
0x5be: {  	v12 =	vld [tilespmem:s12+$0x20];
	v5 =	vadd.f32 v5, v13  }
0x5bf: {  	v13 =	vld [tilespmem:s25+$0x10120];
	v6 =	vadd.f32 v6, v8  }
0x5c0: {  	v8 =	vshll.u32 v9, $0x10;
	v9 =	vand.u32 $0xFFFF0000, v9;
	v14 =	vld [tilespmem:s4+$0xFD20];
	[tilespmem:s30+$0x18D10] =	vst v5  }
0x5c1: {  	v5 =	vadd.f32 v8, v7;
	v7 =	vadd.f32 v9, v11;
	[tilespmem:s0+$0x18D10] =	vst v6;
	v6 =	vld [tilespmem:s0+$0xFD20]  }
0x5c2: {  	v8 =	vld [tilespmem:s6+$0x20];
	v9 =	vshll.u32 v10, $0x10;
	v10 =	vand.u32 $0xFFFF0000, v10  }
0x5c3: {  	[tilespmem:s26+$0x19110] =	vst v5;
	v5 =	vshll.u32 v12, $0x10;
	v11 =	vld [tilespmem:s30+$0xFD20];
	v4 =	vadd.f32 v10, v4  }
0x5c4: {  	v10 =	vand.u32 $0xFFFF0000, v12;
	[tilespmem:s13+$0x18D10] =	vst v7;
	v7 =	vld [tilespmem:s13+$0xFD20];
	v5 =	vadd.f32 v5, v13  }
0x5c5: {  	v12 =	vld [tilespmem:s2+$0x20];
	v10 =	vadd.f32 v10, v14  }
0x5c6: {  	v13 =	vld [tilespmem:s26+$0x10120];
	[tilespmem:s25+$0x19120] =	vst v5  }
0x5c7: {  	[tilespmem:s4+$0x18D20] =	vst v10;
	v5 =	vshll.u32 v8, $0x10;
	v8 =	vand.u32 $0xFFFF0000, v8;
	v10 =	vld [tilespmem:s19+$0xFD60]  }
0x5c8: {  	v14 =	vld [tilespmem:s12+$0x30];
	v5 =	vadd.f32 v5, v11;
	v6 =	vadd.f32 v8, v6  }
0x5c9: {  	v8 =	vld [tilespmem:s25+$0x10130]  }
0x5ca: {  	v11 =	vshll.u32 v12, $0x10;
	v12 =	vand.u32 $0xFFFF0000, v12;
	v15 =	vld [tilespmem:s4+$0xFD30];
	[tilespmem:s30+$0x18D20] =	vst v5  }
0x5cb: {  	v5 =	vadd.f32 v11, v13;
	v7 =	vadd.f32 v12, v7;
	[tilespmem:s0+$0x18D20] =	vst v6;
	v6 =	vld [tilespmem:s0+$0xFD30]  }
0x5cc: {  	v11 =	vld [tilespmem:s6+$0x30];
	v9 =	vadd.f32 v9, v10  }
0x5cd: {  	[tilespmem:s26+$0x19120] =	vst v5;
	v5 =	vshll.u32 v14, $0x10;
	v10 =	vld [tilespmem:s30+$0xFD30]  }
0x5ce: {  	[tilespmem:s13+$0x18D20] =	vst v7;
	v7 =	vld [tilespmem:s13+$0xFD30];
	v5 =	vadd.f32 v5, v8;
	v8 =	vand.u32 $0xFFFF0000, v14  }
0x5cf: {  	v12 =	vld [tilespmem:s2+$0x30];
	v8 =	vadd.f32 v8, v15;
	[tilespmem:s19+$0x18D60] =	vst v9  }
0x5d0: {  	v9 =	vld [tilespmem:s26+$0x10130];
	[tilespmem:s25+$0x19130] =	vst v5  }
0x5d1: {  	[tilespmem:s4+$0x18D30] =	vst v8;
	v5 =	vshll.u32 v11, $0x10;
	v8 =	vand.u32 $0xFFFF0000, v11;
	v11 =	vld [tilespmem:s20+$0xFD70]  }
0x5d2: {  	v13 =	vld [tilespmem:s12+$0x40];
	v5 =	vadd.f32 v5, v10;
	v6 =	vadd.f32 v8, v6;
	[tilespmem:s20+$0x18D60] =	vst v4  }
0x5d3: {  	v4 =	vld [tilespmem:s25+$0x10140]  }
0x5d4: {  	v8 =	vshll.u32 v12, $0x10;
	v10 =	vand.u32 $0xFFFF0000, v12;
	v12 =	vld [tilespmem:s4+$0xFD40];
	[tilespmem:s30+$0x18D30] =	vst v5  }
0x5d5: {  	v5 =	vadd.f32 v8, v9;
	v7 =	vadd.f32 v10, v7;
	[tilespmem:s0+$0x18D30] =	vst v6;
	v6 =	vld [tilespmem:s0+$0xFD40]  }
0x5d6: {  	v8 =	vld [tilespmem:s6+$0x40]  }
0x5d7: {  	[tilespmem:s26+$0x19130] =	vst v5;
	v5 =	vshll.u32 v13, $0x10;
	v9 =	vld [tilespmem:s30+$0xFD40]  }
0x5d8: {  	[tilespmem:s13+$0x18D30] =	vst v7;
	v7 =	vld [tilespmem:s13+$0xFD40];
	v4 =	vadd.f32 v5, v4;
	v5 =	vand.u32 $0xFFFF0000, v13  }
0x5d9: {  	v10 =	vld [tilespmem:s2+$0x40];
	v5 =	vadd.f32 v5, v12  }
0x5da: {  	v12 =	vld [tilespmem:s26+$0x10140];
	[tilespmem:s25+$0x19140] =	vst v4  }
0x5db: {  	[tilespmem:s4+$0x18D40] =	vst v5;
	v4 =	vshll.u32 v8, $0x10;
	v5 =	vand.u32 $0xFFFF0000, v8;
	v8 =	vld [tilespmem:s29+$0x70];
	s29 =	smov.u32 s6  }
0x5dc: {  	v13 =	vld [tilespmem:s12+$0x50];
	v4 =	vadd.f32 v4, v9;
	v5 =	vadd.f32 v5, v6  }
0x5dd: {  	v14 =	vld [tilespmem:s25+$0x10150]  }
.Ltmp3:
0x5de: {  	v6 =	vshll.u32 v10, $0x10;
	v9 =	vand.u32 $0xFFFF0000, v10;
	v10 =	vld [tilespmem:s4+$0xFD50];
	[tilespmem:s30+$0x18D40] =	vst v4;
	(pc) =	sbr.rel @p0 .LBB2_10-.Ltmp3, $4  }
0x5df: {  	v12 =	vadd.f32 v6, v12;
	v9 =	vadd.f32 v9, v7;
	[tilespmem:s0+$0x18D40] =	vst v5;
	v4 =	vld [tilespmem:s0+$0xFD50]  }
0x5e0: {  	v7 =	vld [tilespmem:s29+$0x50];
	v6 =	vshll.u32 v8, $0x10;
	v5 =	vand.u32 $0xFFFF0000, v8  }
0x5e1: {  	[tilespmem:s26+$0x19140] =	vst v12;
	v12 =	vshll.u32 v13, $0x10;
	v8 =	vld [tilespmem:s30+$0xFD50];
	v5 =	vadd.f32 v5, v11  }
0x5e2: {  	[tilespmem:s13+$0x18D40] =	vst v9;
	v9 =	vld [tilespmem:s13+$0xFD50];
	v11 =	vadd.f32 v12, v14;
	v12 =	vand.u32 $0xFFFF0000, v13  }
0x5e3: {  	v13 =	vld [tilespmem:s2+$0x50]  }
0x5e4: {  	v10 =	vadd.f32 v12, v10;
	v23 =	vld [tilespmem:s26+$0x10150]  }
0x5e5: {  	[tilespmem:s25+$0x19150] =	vst v11  }
0x5e6: {  	[tilespmem:s4+$0x18D50] =	vst v10  }
0x5e7: {  	v10 =	vld [tilespmem:s12+$0x60]  }
0x5e8: {  	v24 =	vld [tilespmem:s25+$0x10160];
	v14 =	vshll.u32 v13, $0x10  }
0x5e9: {  	v15 =	vld [tilespmem:s4+$0xFD60];
	v13 =	vand.u32 $0xFFFF0000, v13;
	v12 =	vadd.f32 v14, v23  }
0x5ea: {  	v9 =	vadd.f32 v13, v9  }
0x5eb: {  	[tilespmem:s26+$0x19150] =	vst v12  }
0x5ec: {  	v25 =	vshll.u32 v10, $0x10;
	[tilespmem:s13+$0x18D50] =	vst v9  }
0x5ed: {  	v10 =	vand.u32 $0xFFFF0000, v10;
	v26 =	vadd.f32 v25, v24;
	v27 =	vld [tilespmem:s2+$0x60]  }
0x5ee: {  	v10 =	vadd.f32 v10, v15;
	v28 =	vld [tilespmem:s26+$0x10160]  }
0x5ef: {  	v29 =	vld [tilespmem:s13+$0xFD60];
	[tilespmem:s25+$0x19160] =	vst v26  }
0x5f0: {  	[tilespmem:s4+$0x18D60] =	vst v10  }
0x5f1: {  	v10 =	vld [tilespmem:s12+$0x70]  }
0x5f2: {  	v30 =	vld [tilespmem:s25+$0x10170];
	v31 =	vshll.u32 v27, $0x10  }
0x5f3: {  	v32 =	vld [tilespmem:s4+$0xFD70];
	v11 =	vand.u32 $0xFFFF0000, v27;
	v12 =	vadd.f32 v31, v28  }
0x5f4: {  	v9 =	vadd.f32 v11, v29  }
0x5f5: {  	[tilespmem:s26+$0x19160] =	vst v12  }
0x5f6: {  	v33 =	vshll.u32 v10, $0x10;
	[tilespmem:s13+$0x18D60] =	vst v9  }
0x5f7: {  	v10 =	vand.u32 $0xFFFF0000, v10;
	v34 =	vadd.f32 v33, v30;
	v35 =	vld [tilespmem:s2+$0x70]  }
0x5f8: {  	v10 =	vadd.f32 v10, v32;
	v36 =	vld [tilespmem:s26+$0x10170]  }
0x5f9: {  	s1 =	sadd.s32 $0x16500, s23;
	v37 =	vld [tilespmem:s13+$0xFD70];
	[tilespmem:s25+$0x19170] =	vst v34  }
0x5fa: {  	s7 =	sadd.s32 $0x800, s24;
	s6 =	sadd.s32 s22, s1;
	[tilespmem:s4+$0x18D70] =	vst v10  }
0x5fb: {  	s24 =	sadd.s32 $0x1400, s24;
	s3 =	sor.u32 s22, s7;
	v10 =	vld [tilespmem:s6+$0x0]  }
0x5fc: {  	s25 =	sor.u32 s22, s24;
	v38 =	vld [tilespmem:s3+$0xFD00];
	v39 =	vshll.u32 v35, $0x10  }
0x5fd: {  	v40 =	vld [tilespmem:s25+$0xFD00];
	v11 =	vand.u32 $0xFFFF0000, v35;
	v12 =	vadd.f32 v39, v36  }
0x5fe: {  	v9 =	vadd.f32 v11, v37  }
0x5ff: {  	[tilespmem:s26+$0x19170] =	vst v12  }
0x600: {  	s5 =	sadd.s32 s21, s1;
	v41 =	vshll.u32 v10, $0x10;
	[tilespmem:s13+$0x18D70] =	vst v9  }
0x601: {  	s28 =	sor.u32 s21, s7;
	v10 =	vand.u32 $0xFFFF0000, v10;
	v42 =	vadd.f32 v41, v38;
	v43 =	vld [tilespmem:s5+$0x0]  }
0x602: {  	s4 =	sor.u32 s21, s24;
	v10 =	vadd.f32 v10, v40;
	v12 =	vld [tilespmem:s28+$0xFD00]  }
0x603: {  	v44 =	vld [tilespmem:s4+$0xFD00];
	[tilespmem:s3+$0x18D00] =	vst v42  }
0x604: {  	[tilespmem:s25+$0x18D00] =	vst v10  }
0x605: {  	v10 =	vld [tilespmem:s6+$0x10]  }
0x606: {  	v45 =	vld [tilespmem:s3+$0xFD10];
	v46 =	vshll.u32 v43, $0x10  }
0x607: {  	v47 =	vld [tilespmem:s25+$0xFD10];
	v11 =	vand.u32 $0xFFFF0000, v43;
	v12 =	vadd.f32 v46, v12  }
0x608: {  	v9 =	vadd.f32 v11, v44  }
0x609: {  	[tilespmem:s28+$0x18D00] =	vst v12  }
0x60a: {  	v48 =	vshll.u32 v10, $0x10;
	[tilespmem:s4+$0x18D00] =	vst v9  }
0x60b: {  	v10 =	vand.u32 $0xFFFF0000, v10;
	v49 =	vadd.f32 v48, v45;
	v50 =	vld [tilespmem:s5+$0x10]  }
0x60c: {  	v10 =	vadd.f32 v10, v47;
	v51 =	vld [tilespmem:s28+$0xFD10]  }
0x60d: {  	v52 =	vld [tilespmem:s4+$0xFD10];
	[tilespmem:s3+$0x18D10] =	vst v49  }
0x60e: {  	[tilespmem:s25+$0x18D10] =	vst v10  }
0x60f: {  	v10 =	vld [tilespmem:s6+$0x20]  }
0x610: {  	v53 =	vld [tilespmem:s3+$0xFD20];
	v54 =	vshll.u32 v50, $0x10  }
0x611: {  	v55 =	vld [tilespmem:s25+$0xFD20];
	v11 =	vand.u32 $0xFFFF0000, v50;
	v12 =	vadd.f32 v54, v51  }
0x612: {  	v9 =	vadd.f32 v11, v52  }
0x613: {  	[tilespmem:s28+$0x18D10] =	vst v12  }
0x614: {  	v56 =	vshll.u32 v10, $0x10;
	[tilespmem:s4+$0x18D10] =	vst v9  }
0x615: {  	v10 =	vand.u32 $0xFFFF0000, v10;
	v57 =	vadd.f32 v56, v53;
	v58 =	vld [tilespmem:s5+$0x20]  }
0x616: {  	v10 =	vadd.f32 v10, v55;
	v59 =	vld [tilespmem:s28+$0xFD20]  }
0x617: {  	v60 =	vld [tilespmem:s4+$0xFD20];
	[tilespmem:s3+$0x18D20] =	vst v57  }
0x618: {  	[tilespmem:s25+$0x18D20] =	vst v10  }
0x619: {  	v10 =	vld [tilespmem:s6+$0x30]  }
0x61a: {  	v61 =	vld [tilespmem:s3+$0xFD30];
	v62 =	vshll.u32 v58, $0x10  }
0x61b: {  	v63 =	vld [tilespmem:s25+$0xFD30];
	v11 =	vand.u32 $0xFFFF0000, v58;
	v12 =	vadd.f32 v62, v59  }
0x61c: {  	v9 =	vadd.f32 v11, v60  }
0x61d: {  	[tilespmem:s28+$0x18D20] =	vst v12  }
0x61e: {  	v18 =	vshll.u32 v10, $0x10;
	[tilespmem:s4+$0x18D20] =	vst v9  }
0x61f: {  	v10 =	vand.u32 $0xFFFF0000, v10;
	v19 =	vadd.f32 v18, v61;
	v20 =	vld [tilespmem:s5+$0x30]  }
0x620: {  	v10 =	vadd.f32 v10, v63;
	v21 =	vld [tilespmem:s28+$0xFD30]  }
0x621: {  	v22 =	vld [tilespmem:s4+$0xFD30];
	[tilespmem:s3+$0x18D30] =	vst v19  }
0x622: {  	[tilespmem:s25+$0x18D30] =	vst v10  }
0x623: {  	v10 =	vld [tilespmem:s6+$0x40]  }
0x624: {  	v23 =	vld [tilespmem:s3+$0xFD40];
	v24 =	vshll.u32 v20, $0x10  }
0x625: {  	v25 =	vld [tilespmem:s25+$0xFD40];
	v11 =	vand.u32 $0xFFFF0000, v20;
	v12 =	vadd.f32 v24, v21  }
0x626: {  	v9 =	vadd.f32 v11, v22  }
0x627: {  	[tilespmem:s28+$0x18D30] =	vst v12  }
0x628: {  	v26 =	vshll.u32 v10, $0x10;
	[tilespmem:s4+$0x18D30] =	vst v9  }
0x629: {  	v10 =	vand.u32 $0xFFFF0000, v10;
	v27 =	vadd.f32 v26, v23;
	v28 =	vld [tilespmem:s5+$0x40]  }
0x62a: {  	v10 =	vadd.f32 v10, v25;
	v29 =	vld [tilespmem:s28+$0xFD40]  }
0x62b: {  	v30 =	vld [tilespmem:s4+$0xFD40];
	[tilespmem:s3+$0x18D40] =	vst v27  }
0x62c: {  	[tilespmem:s25+$0x18D40] =	vst v10  }
0x62d: {  	v10 =	vld [tilespmem:s6+$0x50]  }
0x62e: {  	v31 =	vld [tilespmem:s3+$0xFD50];
	v32 =	vshll.u32 v28, $0x10  }
0x62f: {  	v33 =	vld [tilespmem:s25+$0xFD50];
	v11 =	vand.u32 $0xFFFF0000, v28;
	v12 =	vadd.f32 v32, v29  }
0x630: {  	v9 =	vadd.f32 v11, v30  }
0x631: {  	[tilespmem:s28+$0x18D40] =	vst v12  }
0x632: {  	v34 =	vshll.u32 v10, $0x10;
	[tilespmem:s4+$0x18D40] =	vst v9  }
0x633: {  	v10 =	vand.u32 $0xFFFF0000, v10;
	v35 =	vadd.f32 v34, v31;
	v36 =	vld [tilespmem:s5+$0x50]  }
0x634: {  	v10 =	vadd.f32 v10, v33;
	v37 =	vld [tilespmem:s28+$0xFD50]  }
0x635: {  	v38 =	vshll.u32 v7, $0x10;
	v39 =	vld [tilespmem:s4+$0xFD50];
	[tilespmem:s3+$0x18D50] =	vst v35  }
0x636: {  	v40 =	vand.u32 $0xFFFF0000, v7;
	v8 =	vadd.f32 v38, v8;
	[tilespmem:s25+$0x18D50] =	vst v10  }
0x637: {  	v4 =	vadd.f32 v40, v4;
	v41 =	vld [tilespmem:s6+$0x60]  }
0x638: {  	[tilespmem:s30+$0x18D50] =	vst v8;
	v42 =	vld [tilespmem:s3+$0xFD60];
	v43 =	vshll.u32 v36, $0x10  }
0x639: {  	[tilespmem:s0+$0x18D50] =	vst v4;
	v4 =	vld [tilespmem:s25+$0xFD60];
	v11 =	vand.u32 $0xFFFF0000, v36;
	v10 =	vadd.f32 v43, v37  }
0x63a: {  	v44 =	vld [tilespmem:s29+$0x60];
	v9 =	vadd.f32 v11, v39  }
0x63b: {  	v45 =	vld [tilespmem:s30+$0xFD60];
	[tilespmem:s28+$0x18D50] =	vst v10  }
0x63c: {  	v46 =	vld [tilespmem:s0+$0xFD60];
	v47 =	vshll.u32 v41, $0x10;
	[tilespmem:s4+$0x18D50] =	vst v9  }
0x63d: {  	v7 =	vand.u32 $0xFFFF0000, v41;
	v8 =	vadd.f32 v47, v42;
	v9 =	vld [tilespmem:s5+$0x60]  }
0x63e: {  	v4 =	vadd.f32 v7, v4;
	v48 =	vld [tilespmem:s28+$0xFD60]  }
0x63f: {  	v49 =	vshll.u32 v44, $0x10;
	v50 =	vld [tilespmem:s4+$0xFD60];
	[tilespmem:s3+$0x18D60] =	vst v8  }
0x640: {  	v51 =	vld [tilespmem:s19+$0xFD70];
	[tilespmem:s25+$0x18D60] =	vst v4;
	v4 =	vadd.f32 v49, v45  }
0x641: {  	v53 =	vand.u32 $0xFFFF0000, v44;
	v56 =	vld [tilespmem:s25+$0xFD70]  }
0x642: {  	v10 =	vadd.f32 v53, v46;
	v52 =	vld [tilespmem:s6+$0x70];
	[tilespmem:s30+$0x18D60] =	vst v4;
	v4 =	vshll.u32 v9, $0x10  }
0x643: {  	v54 =	vld [tilespmem:s3+$0xFD70];
	v9 =	vand.u32 $0xFFFF0000, v9;
	v4 =	vadd.f32 v4, v48  }
0x644: {  	v55 =	vld [tilespmem:s0+$0xFD70];
	[tilespmem:s0+$0x18D60] =	vst v10;
	v9 =	vadd.f32 v9, v50  }
0x645: {  	v10 =	vld [tilespmem:s29+$0x70];
	[tilespmem:s28+$0x18D60] =	vst v4  }
0x646: {  	v6 =	vadd.f32 v6, v51;
	v4 =	vld [tilespmem:s30+$0xFD70];
	[tilespmem:s4+$0x18D60] =	vst v9  }
0x647: {  	v57 =	vshll.u32 v52, $0x10;
	v9 =	vld [tilespmem:s5+$0x70]  }
0x648: {  	[tilespmem:s19+$0x18D70] =	vst v6;
	v8 =	vand.u32 $0xFFFF0000, v52;
	v59 =	vadd.f32 v57, v54;
	v58 =	vld [tilespmem:s28+$0xFD70]  }
0x649: {  	[tilespmem:s20+$0x18D70] =	vst v5;
	v60 =	vld [tilespmem:s4+$0xFD70];
	v5 =	vadd.f32 v8, v56  }
0x64a: {  	v61 =	vshll.u32 v10, $0x10;
	[tilespmem:s3+$0x18D70] =	vst v59  }
0x64b: {  	v62 =	vand.u32 $0xFFFF0000, v10;
	[tilespmem:s25+$0x18D70] =	vst v5;
	v4 =	vadd.f32 v61, v4  }
0x64c: {  	v5 =	vadd.f32 v62, v55;
	s2 =	rddreg [dreg:$0xf];
	v63 =	vshll.u32 v9, $0x10  }
0x64d: {  	s3 =	rddreg [dreg:$0x11];
	[tilespmem:s30+$0x18D70] =	vst v4;
	v4 =	vand.u32 $0xFFFF0000, v9;
	v6 =	vadd.f32 v63, v58  }
0x64e: {  	[tilespmem:s0+$0x18D70] =	vst v5;
	v4 =	vadd.f32 v4, v60  }
0x64f: {  	[tilespmem:s28+$0x18D70] =	vst v6  }
0x650: {  	[tilespmem:s4+$0x18D70] =	vst v4  }
0x651: {  	s4 =	rddreg [dreg:$0x10]  }
0x652: {  	s4 =	sadd.s32 $0x1, s4  }
0x653: {  	s2 =	sadd.s32 s2, s3;
	p0 =	sne.s32 s4, $0x19  }
.Ltmp4:
0x654: {  	s2 =	sshrl.u32 s2, $0x3;
	(pc) =	sbr.rel @p0 .LBB2_5-.Ltmp4, $4  }
0x655: {  	s29 =	smul.u32 $0x300, s2  }
0x656: {  	s30 =	rddreg [dreg:$0x2]  }
0x657: {  	s31 =	simm.s32 $0x18D00;
	s7 =	simm.s32 $0x0;
	s0 =	sadd.s32 s30, s29  }
0x658: {  	[hbm4b:s0+s7] =	stream.linear.scatter [tilespmem:s31], [sflag:$0x6], $0x6000, $0x38;
	[tilespmem:$0x1ED00] =	vst v63  }
0x659: {  	s0 =	simm.s32 $0x3  }
0x65a: {  	_ =	swait.ge [sflag:s0], $0x6000  }
0x65b: {  	[sflag:s0] =	ssyncset.done $0x0  }
0x65c: {  	s31 =	simm.s32 $0x6;
	[sflag:s0] =	ssyncadd.s32 $0xFFFFA000  }
0x65d: {  	_ =	swait.ge [sflag:s31], $0x6000  }
0x65e: {  	s1 =	rddreg [dreg:$0xe]  }
0x65f: {  	s1 =	sadd.s32 $0x1, s1  }
0x660: {  	p0 =	sne.s32 s1, $0x4  }
.Ltmp5:
0x661: {  	_ = 	snop;
	(pc) =	sbr.rel @p0 .LBB2_2-.Ltmp5, $3  }
0x662: {  	_ =	sdelay $0x1  }
0x663: {  	[sflag:s31] =	ssyncset.done $0x0  }
0x664: {  	s8 =	sadd.s32 $0x640, s8;
	[sflag:s31] =	ssyncadd.s32 $0xFFFFA000  }
0x665: {  	s1 =	rddreg [dreg:$0xd]  }
0x666: {  	s0 =	rddreg [dreg:$0xb];
	s1 =	sadd.s32 $0x1, s1  }
0x667: {  	p0 =	sne.s32 s1, s0  }
.Ltmp6:
0x668: {  	_ = 	snop;
	(pc) =	sbr.rel @p0 .LBB2_1-.Ltmp6, $1  }
0x669: {  	_ =	sdelay $0x3  }
0x66a: {  	_ =	sfence.sel $0x180000  }
0x66b: {  	[bflag:$0x0] =	sbarrier.arrive $0xFFFF  }
0x66c: {  	_ =	strace $0x90000047  }
0x66d: {  	s0 =	stileid.u32;
	[bflag:$0x2] =	sbarrier.arrive $0xFFFF  }
0x66e: {  	p0 =	sne.s32 s0, $0x0;
	s0 =	rddreg [dreg:$0x3]  }
0x66f: {  	s0 =	sadd.s32 @!p0 $0x100000, s0  }
0x670: {  	[sflag:s0] =	ssyncadd.tile.s32 @!p0 $0x1;
	_ =	shalt  }
.Lfunc_end2:
_tile_overlayer_lowered:
.L_overlay_start_2:
0x671: {  	(tag) =	ssettag $0x2  }
0x672: {  	s0 =	rddreg [dreg:$0x0];
	s2 =	stileid.u32  }
0x673: {  	s1 =	rddreg [dreg:$0x1];
	p0 =	sne.s32 s2, $0x0  }
0x674: {  	s3 =	rddreg [dreg:$0x2];
	[bflag:$0x3] =	sbarrier.arrive $0xFFFF;
	s2 =	simm.s32 @!p0 $0x1C07  }
0x675: {  	[timem:s3], [sflag:s2] =	dma.local @!p0 [hbm:s0], s1  }
0x676: {  	s0 =	simm.s32 @!p0 $0x7  }
0x677: {  	_ =	swait.ge @!p0 [sflag:s0], s1  }
0x678: {  	s1 =	ssub.s32 @!p0 $0x0, s1;
	[sflag:s0] =	ssyncset.done @!p0 $0x0  }
0x679: {  	[sflag:s0] =	ssyncadd.s32 @!p0 s1  }
0x67a: {  	[bflag:$0x3] =	sbarrier.arrive $0xFFFF  }
0x67b: {  	_ =	shalt  }

</sc_bundles>
